<compile_context>
chip_gen: v7x
topology: tpu7x:2x2x1
jax: 0.10.2.dev20260603
libtpu: 0.0.44.dev20260713+nightly
codegen_flags: <defaults>
</compile_context>

<pallas_src>
import functools

import jax
import jax.numpy as jnp
from jax import lax
from jax.experimental import pallas as pl
from jax.experimental.pallas import tpu as pltpu
from jax.experimental.pallas import tpu_sc as plsc

_NC = 2
_NS = 16
_NW = _NC * _NS
_CH = 125
_SCH = 80
_ZCH = 48
_RPT = 624


def _sc_mesh():
    return plsc.VectorSubcoreMesh(core_axis_name="c", subcore_axis_name="s")


def _make_deg_kernel(n, e):
    nch = e // (_NW * _CH)
    zch = _RPT
    tail = n - _NS * zch
    grp = 16

    @functools.partial(
        pl.kernel,
        out_type=jax.ShapeDtypeStruct((_NC * n,), jnp.float32),
        mesh=_sc_mesh(),
        scratch_types=[
            pltpu.VMEM((nch, _CH), jnp.int32),
            pltpu.VMEM((_CH,), jnp.float32),
            pltpu.VMEM((zch,), jnp.float32),
            pltpu.VMEM_SHARED((n,), jnp.float32),
            pltpu.SemaphoreType.DMA,
        ],
    )
    def deg_kernel(col_hbm, ones_hbm, zeros_hbm, out_hbm,
                   colbig, onesbuf, fbuf, hist, sem):
        c = lax.axis_index("c")
        s = lax.axis_index("s")
        w = c * _NS + s

        pltpu.sync_copy(zeros_hbm, fbuf)
        pltpu.sync_copy(fbuf, hist.at[pl.ds(s * zch, zch)])

        @pl.when(s == 0)
        def _():
            pltpu.sync_copy(fbuf.at[pl.ds(0, tail)],
                            hist.at[pl.ds(_NS * zch, tail)])

        pltpu.sync_copy(ones_hbm, onesbuf)
        pltpu.sync_copy(col_hbm.at[w], colbig)
        plsc.subcore_barrier()

        def issue(j):
            pltpu.async_copy(onesbuf, hist.at[colbig.at[j]], sem, add=True)

        def drain(j):
            pltpu.make_async_copy(onesbuf, hist.at[colbig.at[j]], sem).wait()

        for j in range(grp):
            issue(j)

        @pl.loop(0, nch // grp - 1)
        def _(t):
            for k in range(grp):
                issue((t + 1) * grp + k)
            for k in range(grp):
                drain(t * grp + k)

        for j in range(grp):
            drain(nch - grp + j)

        plsc.subcore_barrier()
        pltpu.sync_copy(hist.at[pl.ds(s * zch, zch)], fbuf)
        pltpu.sync_copy(fbuf, out_hbm.at[pl.ds(c * n + s * zch, zch)])

        @pl.when(s == 0)
        def _():
            pltpu.sync_copy(hist.at[pl.ds(_NS * zch, tail)],
                            fbuf.at[pl.ds(0, tail)])
            pltpu.sync_copy(fbuf.at[pl.ds(0, tail)],
                            out_hbm.at[pl.ds(c * n + _NS * zch, tail)])

    return deg_kernel


def _make_scatter_kernel(n, d, e):
    nch = e // (_NW * _SCH)
    tail = n - _NS * _RPT
    nz = _RPT // _ZCH

    @functools.partial(
        pl.kernel,
        out_type=jax.ShapeDtypeStruct((_NC, n, d), jnp.float32),
        mesh=_sc_mesh(),
        scratch_types=[
            [pltpu.VMEM((_SCH,), jnp.int32)] * 8,
            [pltpu.VMEM((_SCH,), jnp.int32)] * 8,
            [pltpu.VMEM((_SCH, d), jnp.float32)] * 4,
            [pltpu.SemaphoreType.DMA] * 8,
            [pltpu.SemaphoreType.DMA] * 4,
            [pltpu.SemaphoreType.DMA] * 4,
            pltpu.VMEM_SHARED((n, d), jnp.float32),
        ],
    )
    def scatter_kernel(row_hbm, col_hbm, y_hbm, zeros_hbm, out_hbm,
                       rowbuf, colbuf, gbuf, isem, gsem, ssem, acc):
        c = lax.axis_index("c")
        s = lax.axis_index("s")
        w = c * _NS + s
        e0 = w * (e // _NW)
        r0 = s * _RPT

        pltpu.sync_copy(zeros_hbm, gbuf[0].at[pl.ds(0, _ZCH)])
        for j in range(nz):
            pltpu.sync_copy(gbuf[0].at[pl.ds(0, _ZCH)],
                            acc.at[pl.ds(r0 + j * _ZCH, _ZCH)])

        @pl.when(s == 0)
        def _():
            pltpu.sync_copy(gbuf[0].at[pl.ds(0, tail)],
                            acc.at[pl.ds(_NS * _RPT, tail)])

        plsc.subcore_barrier()

        def idx_issue(ch, i):
            sl = pl.ds(e0 + ch * _SCH, _SCH)
            pltpu.async_copy(row_hbm.at[sl], rowbuf[i], isem[i])
            pltpu.async_copy(col_hbm.at[sl], colbuf[i], isem[i])

        def idx_wait(ch, i):
            sl = pl.ds(e0 + ch * _SCH, _SCH)
            pltpu.make_async_copy(row_hbm.at[sl], rowbuf[i],
                                  isem[i]).wait()
            pltpu.make_async_copy(col_hbm.at[sl], colbuf[i],
                                  isem[i]).wait()

        def gather(i, b):
            pltpu.async_copy(y_hbm.at[rowbuf[i]], gbuf[b], gsem[b])

        def gather_wait(i, b):
            pltpu.make_async_copy(y_hbm.at[rowbuf[i]], gbuf[b],
                                  gsem[b]).wait()

        def scat(i, b):
            pltpu.async_copy(gbuf[b], acc.at[colbuf[i]], ssem[b], add=True)

        def scat_wait(i, b):
            pltpu.make_async_copy(gbuf[b], acc.at[colbuf[i]],
                                  ssem[b]).wait()

        def a_step(x):
            if x >= 4:
                scat_wait((x - 4) % 8, (x - 4) % 4)
            if x + 4 < nch:
                idx_issue(x + 4, (x + 4) % 8)
            idx_wait(x, x % 8)
            gather(x % 8, x % 4)

        def b_step(x):
            gather_wait(x % 8, x % 4)
            scat(x % 8, x % 4)

        for i in range(4):
            idx_issue(i, i)
        a_step(0)
        a_step(1)
        for cc in range(8):
            a_step(cc + 2)
            b_step(cc)

        t_end = (nch - 14) // 8 + 1

        @pl.loop(1, t_end)
        def _(t):
            for k in range(8):
                ch = 8 * t + k
                scat_wait((k + 6) % 8, (k + 2) % 4)
                idx_issue(ch + 6, (k + 6) % 8)
                idx_wait(ch + 2, (k + 2) % 8)
                gather((k + 2) % 8, (k + 2) % 4)
                gather_wait(k, k % 4)
                scat(k, k % 4)

        for cc in range(8 * t_end, nch - 2):
            a_step(cc + 2)
            b_step(cc)
        b_step(nch - 2)
        b_step(nch - 1)
        for x in range(nch - 4, nch):
            scat_wait(x % 8, x % 4)

        plsc.subcore_barrier()
        for j in range(nz):
            pltpu.sync_copy(acc.at[pl.ds(r0 + j * _ZCH, _ZCH)],
                            gbuf[0].at[pl.ds(0, _ZCH)])
            pltpu.sync_copy(gbuf[0].at[pl.ds(0, _ZCH)],
                            out_hbm.at[c, pl.ds(r0 + j * _ZCH, _ZCH)])

        @pl.when(s == 0)
        def _():
            pltpu.sync_copy(acc.at[pl.ds(_NS * _RPT, tail)],
                            gbuf[1].at[pl.ds(0, tail)])
            pltpu.sync_copy(gbuf[1].at[pl.ds(0, tail)],
                            out_hbm.at[c, pl.ds(_NS * _RPT, tail)])

    return scatter_kernel


def _mm_body(x_ref, w_ref, p_ref, y_ref):
    deg = 1.0 + p_ref[0, :] + p_ref[1, :]
    dinv = lax.rsqrt(deg)
    xw = jnp.dot(x_ref[...], w_ref[...], preferred_element_type=jnp.float32)
    y_ref[...] = xw * dinv[:, None]


def _final_body(s_ref, y_ref, p_ref, gamma_ref, beta_ref, a_ref, o_ref):
    deg = 1.0 + p_ref[0, :] + p_ref[1, :]
    dinv = lax.rsqrt(deg)
    h = (s_ref[0] + s_ref[1] + y_ref[...]) * dinv[:, None]
    mean = jnp.mean(h, axis=0)
    ctr = h - mean[None, :]
    var = jnp.mean(ctr * ctr, axis=0)
    hn = ctr * lax.rsqrt(var + 1e-5) * gamma_ref[...] + beta_ref[...]
    av = a_ref[...]
    o_ref[...] = jnp.where(hn >= 0, hn, av * hn)


def kernel(x, edge_index, W, b, gamma, beta, a):
    n, d = x.shape
    e = edge_index.shape[1]
    col3d = edge_index[1].reshape(_NW, e // (_NW * _CH), _CH)
    row1 = edge_index[0]
    col1 = edge_index[1]

    ones_ch = jnp.ones((_CH,), jnp.float32)
    zeros_z = jnp.zeros((_RPT,), jnp.float32)
    zeros_chd = jnp.zeros((_ZCH, d), jnp.float32)

    p = _make_deg_kernel(n, e)(col3d, ones_ch, zeros_z).reshape(_NC, n)
    y = pl.pallas_call(
        _mm_body,
        out_shape=jax.ShapeDtypeStruct((n, d), jnp.float32),
    )(x, W, p)
    s = _make_scatter_kernel(n, d, e)(row1, col1, y, zeros_chd)
    out = pl.pallas_call(
        _final_body,
        out_shape=jax.ShapeDtypeStruct((n, d), jnp.float32),
    )(s, y, p, gamma, beta, a)
    return out

# --- scband reference (transcript-rebuilt; emitter-appended) ---
"""Pipeline reference for scband-encoder-36936718745737 (READ-ONLY COPY).

The authoritative reference and input builder live on the scoring server;
editing this copy changes nothing except your own understanding.
"""

import jax, jax.numpy as jnp
import numpy as np

N = 10000
D = 128
E = 320000


def gcn_conv(x, edge_index, W, b):
    n = x.shape[0]
    row = edge_index[0]
    col = edge_index[1]
    loop = jnp.arange(n, dtype=edge_index.dtype)
    row = jnp.concatenate([row, loop])
    col = jnp.concatenate([col, loop])
    ew = jnp.ones(row.shape[0], dtype=x.dtype)
    deg = jnp.zeros(n, dtype=x.dtype).at[col].add(ew)
    dinv = jnp.where(deg > 0, deg ** -0.5, 0.0)
    norm = dinv[row] * ew * dinv[col]
    xw = x @ W
    msg = xw[row] * norm[:, None]
    out = jnp.zeros_like(xw).at[col].add(msg)
    return out + b


def batch_norm(x, gamma, beta, eps=1e-5):
    mean = jnp.mean(x, axis=0)
    var = jnp.mean((x - mean) ** 2, axis=0)
    return (x - mean) / jnp.sqrt(var + eps) * gamma + beta


def prelu(x, a):
    return jnp.where(x >= 0, x, a * x)


def setup_inputs(seed: int = 0) -> dict:
    key = jax.random.key(seed)
    k1, k2, k3, k4 = jax.random.split(key, 4)
    x = jax.random.normal(k1, (N, D), dtype=jnp.float32)
    edge_index = jax.random.randint(k2, (2, E), 0, N, dtype=jnp.int32)
    W = jax.random.normal(k3, (D, D), dtype=jnp.float32) * (1.0 / np.sqrt(D))
    b = jax.random.normal(k4, (D,), dtype=jnp.float32) * 0.01
    gamma = jnp.ones((D,), dtype=jnp.float32)
    beta = jnp.zeros((D,), dtype=jnp.float32)
    a = jnp.full((1,), 0.25, dtype=jnp.float32)
    return {"x": x, "edge_index": edge_index, "W": W, "b": b, "gamma": gamma, "beta": beta, "a": a}


def reference(x, edge_index, W, b, gamma, beta, a):
    h = gcn_conv(x, edge_index, W, b)
    h = batch_norm(h, gamma, beta)
    h = prelu(h, a)
    return h

if __name__ == "__main__":
    import jax
    _d = setup_inputs()
    print(jax.jit(kernel)(*tuple(_d.values())))

</pallas_src>

<mosaic_0001>
#map = affine_map<(d0, d1) -> (0)>
#map1 = affine_map<(d0, d1) -> (0, 0)>
#map2 = affine_map<(d0, d1) -> (0, 0, 0)>
module attributes {stable_mosaic.version = 14 : i64} {
  func.func @scatter_kernel(%arg0: i32, %arg1: i32, %arg2: memref<320000xi32, #tpu.memory_space<hbm>>, %arg3: memref<320000xi32, #tpu.memory_space<hbm>>, %arg4: memref<10000x128xf32, #tpu.memory_space<hbm>>, %arg5: memref<48x128xf32, #tpu.memory_space<hbm>>, %arg6: memref<2x10000x128xf32, #tpu.memory_space<hbm>>, %arg7: memref<80xi32, #tpu.memory_space<vmem>>, %arg8: memref<80xi32, #tpu.memory_space<vmem>>, %arg9: memref<80xi32, #tpu.memory_space<vmem>>, %arg10: memref<80xi32, #tpu.memory_space<vmem>>, %arg11: memref<80xi32, #tpu.memory_space<vmem>>, %arg12: memref<80xi32, #tpu.memory_space<vmem>>, %arg13: memref<80xi32, #tpu.memory_space<vmem>>, %arg14: memref<80xi32, #tpu.memory_space<vmem>>, %arg15: memref<80xi32, #tpu.memory_space<vmem>>, %arg16: memref<80xi32, #tpu.memory_space<vmem>>, %arg17: memref<80xi32, #tpu.memory_space<vmem>>, %arg18: memref<80xi32, #tpu.memory_space<vmem>>, %arg19: memref<80xi32, #tpu.memory_space<vmem>>, %arg20: memref<80xi32, #tpu.memory_space<vmem>>, %arg21: memref<80xi32, #tpu.memory_space<vmem>>, %arg22: memref<80xi32, #tpu.memory_space<vmem>>, %arg23: memref<80x128xf32, #tpu.memory_space<vmem>>, %arg24: memref<80x128xf32, #tpu.memory_space<vmem>>, %arg25: memref<80x128xf32, #tpu.memory_space<vmem>>, %arg26: memref<80x128xf32, #tpu.memory_space<vmem>>, %arg27: memref<!tpu.dma_semaphore, #tpu.memory_space<semaphore_mem>>, %arg28: memref<!tpu.dma_semaphore, #tpu.memory_space<semaphore_mem>>, %arg29: memref<!tpu.dma_semaphore, #tpu.memory_space<semaphore_mem>>, %arg30: memref<!tpu.dma_semaphore, #tpu.memory_space<semaphore_mem>>, %arg31: memref<!tpu.dma_semaphore, #tpu.memory_space<semaphore_mem>>, %arg32: memref<!tpu.dma_semaphore, #tpu.memory_space<semaphore_mem>>, %arg33: memref<!tpu.dma_semaphore, #tpu.memory_space<semaphore_mem>>, %arg34: memref<!tpu.dma_semaphore, #tpu.memory_space<semaphore_mem>>, %arg35: memref<!tpu.dma_semaphore, #tpu.memory_space<semaphore_mem>>, %arg36: memref<!tpu.dma_semaphore, #tpu.memory_space<semaphore_mem>>, %arg37: memref<!tpu.dma_semaphore, #tpu.memory_space<semaphore_mem>>, %arg38: memref<!tpu.dma_semaphore, #tpu.memory_space<semaphore_mem>>, %arg39: memref<!tpu.dma_semaphore, #tpu.memory_space<semaphore_mem>>, %arg40: memref<!tpu.dma_semaphore, #tpu.memory_space<semaphore_mem>>, %arg41: memref<!tpu.dma_semaphore, #tpu.memory_space<semaphore_mem>>, %arg42: memref<!tpu.dma_semaphore, #tpu.memory_space<semaphore_mem>>, %arg43: memref<10000x128xf32, #tpu.memory_space<vmem_shared>>) attributes {dimension_semantics = [#tpu.dimension_semantics<core_parallel>, #tpu.dimension_semantics<subcore_parallel>], iteration_bounds = array<i64: 2, 16>, scalar_prefetch = 0 : i64, scratch_operands = 37 : i64, tpu.core_type = #tpu.core_type<sc_vector_subcore>, window_params = [{transform_indices = #map}, {transform_indices = #map}, {transform_indices = #map1}, {transform_indices = #map1}, {transform_indices = #map2}]} {
    %mul3A = arith.constant 16 : i32
    %mul3A_0 = arith.muli %arg0, %mul3A : i32
    %add3A = arith.addi %mul3A_0, %arg1 : i32
    %mul3A_1 = arith.constant 10000 : i32
    %mul3A_2 = arith.muli %add3A, %mul3A_1 : i32
    %mul3A_3 = arith.constant 624 : i32
    %mul3A_4 = arith.muli %arg1, %mul3A_3 : i32
    "tpu.region"() ({
      %run_scoped3A = tpu.sem_alloc : memref<!tpu.dma_semaphore, #tpu.memory_space<semaphore_mem>>
      %dma_start3A_597 = arith.constant 0 : i32
      %dma_start3A_598 = arith.constant 0 : i32
      %dma_start3A_599 = tpu.memref_slice %arg23[%dma_start3A_597, %dma_start3A_598] : memref<80x128xf32, #tpu.memory_space<vmem>> -> memref<48x128xf32, #tpu.memory_space<vmem>>
      %dma_start3A_600 = arith.constant 0 : i32
      %dma_start3A_601 = arith.constant 0 : i32
      %dma_start3A_602 = tpu.memref_slice %arg23[%dma_start3A_600, %dma_start3A_601] : memref<80x128xf32, #tpu.memory_space<vmem>> -> memref<48x128xf32, #tpu.memory_space<vmem>>
      tpu.enqueue_dma source(%arg5 : memref<48x128xf32, #tpu.memory_space<hbm>>) target(%dma_start3A_602 : memref<48x128xf32, #tpu.memory_space<vmem>>) target_semaphore(%run_scoped3A : memref<!tpu.dma_semaphore, #tpu.memory_space<semaphore_mem>>)
      %dma_wait3A_603 = arith.constant 0 : i32
      %dma_wait3A_604 = arith.constant 0 : i32
      %dma_wait3A_605 = tpu.memref_slice %arg23[%dma_wait3A_603, %dma_wait3A_604] : memref<80x128xf32, #tpu.memory_space<vmem>> -> memref<48x128xf32, #tpu.memory_space<vmem>>
      %dma_wait3A_606 = arith.constant 0 : i32
      %dma_wait3A_607 = arith.constant 0 : i32
      %dma_wait3A_608 = tpu.memref_slice %arg23[%dma_wait3A_606, %dma_wait3A_607] : memref<80x128xf32, #tpu.memory_space<vmem>> -> memref<48x128xf32, #tpu.memory_space<vmem>>
      tpu.wait_dma2 semaphore(%run_scoped3A : memref<!tpu.dma_semaphore, #tpu.memory_space<semaphore_mem>>) src(%arg5 : memref<48x128xf32, #tpu.memory_space<hbm>>) dst(%dma_wait3A_608 : memref<48x128xf32, #tpu.memory_space<vmem>>)
      tpu.yield
    }) : () -> ()
    %add3A_5 = arith.constant 0 : i32
    %add3A_6 = arith.addi %mul3A_4, %add3A_5 : i32
    "tpu.region"() ({
      %run_scoped3A = tpu.sem_alloc : memref<!tpu.dma_semaphore, #tpu.memory_space<semaphore_mem>>
      %dma_start3A_597 = arith.constant 0 : i32
      %dma_start3A_598 = arith.constant 0 : i32
      %dma_start3A_599 = tpu.memref_slice %arg23[%dma_start3A_597, %dma_start3A_598] : memref<80x128xf32, #tpu.memory_space<vmem>> -> memref<48x128xf32, #tpu.memory_space<vmem>>
      %dma_start3A_600 = arith.constant 0 : i32
      %dma_start3A_601 = tpu.memref_slice %arg43[%add3A_6, %dma_start3A_600] : memref<10000x128xf32, #tpu.memory_space<vmem_shared>> -> memref<48x128xf32, #tpu.memory_space<vmem_shared>>
      %dma_start3A_602 = arith.constant 0 : i32
      %dma_start3A_603 = tpu.memref_slice %arg43[%add3A_6, %dma_start3A_602] : memref<10000x128xf32, #tpu.memory_space<vmem_shared>> -> memref<48x128xf32, #tpu.memory_space<vmem_shared>>
      %dma_start3A_604 = arith.constant 0 : i32
      %dma_start3A_605 = arith.constant 0 : i32
      %dma_start3A_606 = tpu.memref_slice %arg23[%dma_start3A_604, %dma_start3A_605] : memref<80x128xf32, #tpu.memory_space<vmem>> -> memref<48x128xf32, #tpu.memory_space<vmem>>
      tpu.enqueue_dma source(%dma_start3A_606 : memref<48x128xf32, #tpu.memory_space<vmem>>) target(%dma_start3A_603 : memref<48x128xf32, #tpu.memory_space<vmem_shared>>) target_semaphore(%run_scoped3A : memref<!tpu.dma_semaphore, #tpu.memory_space<semaphore_mem>>)
      %dma_wait3A_607 = arith.constant 0 : i32
      %dma_wait3A_608 = arith.constant 0 : i32
      %dma_wait3A_609 = tpu.memref_slice %arg23[%dma_wait3A_607, %dma_wait3A_608] : memref<80x128xf32, #tpu.memory_space<vmem>> -> memref<48x128xf32, #tpu.memory_space<vmem>>
      %dma_wait3A_610 = arith.constant 0 : i32
      %dma_wait3A_611 = tpu.memref_slice %arg43[%add3A_6, %dma_wait3A_610] : memref<10000x128xf32, #tpu.memory_space<vmem_shared>> -> memref<48x128xf32, #tpu.memory_space<vmem_shared>>
      %dma_wait3A_612 = arith.constant 0 : i32
      %dma_wait3A_613 = tpu.memref_slice %arg43[%add3A_6, %dma_wait3A_612] : memref<10000x128xf32, #tpu.memory_space<vmem_shared>> -> memref<48x128xf32, #tpu.memory_space<vmem_shared>>
      %dma_wait3A_614 = arith.constant 0 : i32
      %dma_wait3A_615 = arith.constant 0 : i32
      %dma_wait3A_616 = tpu.memref_slice %arg23[%dma_wait3A_614, %dma_wait3A_615] : memref<80x128xf32, #tpu.memory_space<vmem>> -> memref<48x128xf32, #tpu.memory_space<vmem>>
      tpu.wait_dma2 semaphore(%run_scoped3A : memref<!tpu.dma_semaphore, #tpu.memory_space<semaphore_mem>>) src(%dma_wait3A_616 : memref<48x128xf32, #tpu.memory_space<vmem>>) dst(%dma_wait3A_613 : memref<48x128xf32, #tpu.memory_space<vmem_shared>>)
      tpu.yield
    }) : () -> ()
    %add3A_7 = arith.constant 48 : i32
    %add3A_8 = arith.addi %mul3A_4, %add3A_7 : i32
    "tpu.region"() ({
      %run_scoped3A = tpu.sem_alloc : memref<!tpu.dma_semaphore, #tpu.memory_space<semaphore_mem>>
      %dma_start3A_597 = arith.constant 0 : i32
      %dma_start3A_598 = arith.constant 0 : i32
      %dma_start3A_599 = tpu.memref_slice %arg23[%dma_start3A_597, %dma_start3A_598] : memref<80x128xf32, #tpu.memory_space<vmem>> -> memref<48x128xf32, #tpu.memory_space<vmem>>
      %dma_start3A_600 = arith.constant 0 : i32
      %dma_start3A_601 = tpu.memref_slice %arg43[%add3A_8, %dma_start3A_600] : memref<10000x128xf32, #tpu.memory_space<vmem_shared>> -> memref<48x128xf32, #tpu.memory_space<vmem_shared>>
      %dma_start3A_602 = arith.constant 0 : i32
      %dma_start3A_603 = tpu.memref_slice %arg43[%add3A_8, %dma_start3A_602] : memref<10000x128xf32, #tpu.memory_space<vmem_shared>> -> memref<48x128xf32, #tpu.memory_space<vmem_shared>>
      %dma_start3A_604 = arith.constant 0 : i32
      %dma_start3A_605 = arith.constant 0 : i32
      %dma_start3A_606 = tpu.memref_slice %arg23[%dma_start3A_604, %dma_start3A_605] : memref<80x128xf32, #tpu.memory_space<vmem>> -> memref<48x128xf32, #tpu.memory_space<vmem>>
      tpu.enqueue_dma source(%dma_start3A_606 : memref<48x128xf32, #tpu.memory_space<vmem>>) target(%dma_start3A_603 : memref<48x128xf32, #tpu.memory_space<vmem_shared>>) target_semaphore(%run_scoped3A : memref<!tpu.dma_semaphore, #tpu.memory_space<semaphore_mem>>)
      %dma_wait3A_607 = arith.constant 0 : i32
      %dma_wait3A_608 = arith.constant 0 : i32
      %dma_wait3A_609 = tpu.memref_slice %arg23[%dma_wait3A_607, %dma_wait3A_608] : memref<80x128xf32, #tpu.memory_space<vmem>> -> memref<48x128xf32, #tpu.memory_space<vmem>>
      %dma_wait3A_610 = arith.constant 0 : i32
      %dma_wait3A_611 = tpu.memref_slice %arg43[%add3A_8, %dma_wait3A_610] : memref<10000x128xf32, #tpu.memory_space<vmem_shared>> -> memref<48x128xf32, #tpu.memory_space<vmem_shared>>
      %dma_wait3A_612 = arith.constant 0 : i32
      %dma_wait3A_613 = tpu.memref_slice %arg43[%add3A_8, %dma_wait3A_612] : memref<10000x128xf32, #tpu.memory_space<vmem_shared>> -> memref<48x128xf32, #tpu.memory_space<vmem_shared>>
      %dma_wait3A_614 = arith.constant 0 : i32
      %dma_wait3A_615 = arith.constant 0 : i32
      %dma_wait3A_616 = tpu.memref_slice %arg23[%dma_wait3A_614, %dma_wait3A_615] : memref<80x128xf32, #tpu.memory_space<vmem>> -> memref<48x128xf32, #tpu.memory_space<vmem>>
      tpu.wait_dma2 semaphore(%run_scoped3A : memref<!tpu.dma_semaphore, #tpu.memory_space<semaphore_mem>>) src(%dma_wait3A_616 : memref<48x128xf32, #tpu.memory_space<vmem>>) dst(%dma_wait3A_613 : memref<48x128xf32, #tpu.memory_space<vmem_shared>>)
      tpu.yield
    }) : () -> ()
    %add3A_9 = arith.constant 96 : i32
    %add3A_10 = arith.addi %mul3A_4, %add3A_9 : i32
    "tpu.region"() ({
      %run_scoped3A = tpu.sem_alloc : memref<!tpu.dma_semaphore, #tpu.memory_space<semaphore_mem>>
      %dma_start3A_597 = arith.constant 0 : i32
      %dma_start3A_598 = arith.constant 0 : i32
      %dma_start3A_599 = tpu.memref_slice %arg23[%dma_start3A_597, %dma_start3A_598] : memref<80x128xf32, #tpu.memory_space<vmem>> -> memref<48x128xf32, #tpu.memory_space<vmem>>
      %dma_start3A_600 = arith.constant 0 : i32
      %dma_start3A_601 = tpu.memref_slice %arg43[%add3A_10, %dma_start3A_600] : memref<10000x128xf32, #tpu.memory_space<vmem_shared>> -> memref<48x128xf32, #tpu.memory_space<vmem_shared>>
      %dma_start3A_602 = arith.constant 0 : i32
      %dma_start3A_603 = tpu.memref_slice %arg43[%add3A_10, %dma_start3A_602] : memref<10000x128xf32, #tpu.memory_space<vmem_shared>> -> memref<48x128xf32, #tpu.memory_space<vmem_shared>>
      %dma_start3A_604 = arith.constant 0 : i32
      %dma_start3A_605 = arith.constant 0 : i32
      %dma_start3A_606 = tpu.memref_slice %arg23[%dma_start3A_604, %dma_start3A_605] : memref<80x128xf32, #tpu.memory_space<vmem>> -> memref<48x128xf32, #tpu.memory_space<vmem>>
      tpu.enqueue_dma source(%dma_start3A_606 : memref<48x128xf32, #tpu.memory_space<vmem>>) target(%dma_start3A_603 : memref<48x128xf32, #tpu.memory_space<vmem_shared>>) target_semaphore(%run_scoped3A : memref<!tpu.dma_semaphore, #tpu.memory_space<semaphore_mem>>)
      %dma_wait3A_607 = arith.constant 0 : i32
      %dma_wait3A_608 = arith.constant 0 : i32
      %dma_wait3A_609 = tpu.memref_slice %arg23[%dma_wait3A_607, %dma_wait3A_608] : memref<80x128xf32, #tpu.memory_space<vmem>> -> memref<48x128xf32, #tpu.memory_space<vmem>>
      %dma_wait3A_610 = arith.constant 0 : i32
      %dma_wait3A_611 = tpu.memref_slice %arg43[%add3A_10, %dma_wait3A_610] : memref<10000x128xf32, #tpu.memory_space<vmem_shared>> -> memref<48x128xf32, #tpu.memory_space<vmem_shared>>
      %dma_wait3A_612 = arith.constant 0 : i32
      %dma_wait3A_613 = tpu.memref_slice %arg43[%add3A_10, %dma_wait3A_612] : memref<10000x128xf32, #tpu.memory_space<vmem_shared>> -> memref<48x128xf32, #tpu.memory_space<vmem_shared>>
      %dma_wait3A_614 = arith.constant 0 : i32
      %dma_wait3A_615 = arith.constant 0 : i32
      %dma_wait3A_616 = tpu.memref_slice %arg23[%dma_wait3A_614, %dma_wait3A_615] : memref<80x128xf32, #tpu.memory_space<vmem>> -> memref<48x128xf32, #tpu.memory_space<vmem>>
      tpu.wait_dma2 semaphore(%run_scoped3A : memref<!tpu.dma_semaphore, #tpu.memory_space<semaphore_mem>>) src(%dma_wait3A_616 : memref<48x128xf32, #tpu.memory_space<vmem>>) dst(%dma_wait3A_613 : memref<48x128xf32, #tpu.memory_space<vmem_shared>>)
      tpu.yield
    }) : () -> ()
    %add3A_11 = arith.constant 144 : i32
    %add3A_12 = arith.addi %mul3A_4, %add3A_11 : i32
    "tpu.region"() ({
      %run_scoped3A = tpu.sem_alloc : memref<!tpu.dma_semaphore, #tpu.memory_space<semaphore_mem>>
      %dma_start3A_597 = arith.constant 0 : i32
      %dma_start3A_598 = arith.constant 0 : i32
      %dma_start3A_599 = tpu.memref_slice %arg23[%dma_start3A_597, %dma_start3A_598] : memref<80x128xf32, #tpu.memory_space<vmem>> -> memref<48x128xf32, #tpu.memory_space<vmem>>
      %dma_start3A_600 = arith.constant 0 : i32
      %dma_start3A_601 = tpu.memref_slice %arg43[%add3A_12, %dma_start3A_600] : memref<10000x128xf32, #tpu.memory_space<vmem_shared>> -> memref<48x128xf32, #tpu.memory_space<vmem_shared>>
      %dma_start3A_602 = arith.constant 0 : i32
      %dma_start3A_603 = tpu.memref_slice %arg43[%add3A_12, %dma_start3A_602] : memref<10000x128xf32, #tpu.memory_space<vmem_shared>> -> memref<48x128xf32, #tpu.memory_space<vmem_shared>>
      %dma_start3A_604 = arith.constant 0 : i32
      %dma_start3A_605 = arith.constant 0 : i32
      %dma_start3A_606 = tpu.memref_slice %arg23[%dma_start3A_604, %dma_start3A_605] : memref<80x128xf32, #tpu.memory_space<vmem>> -> memref<48x128xf32, #tpu.memory_space<vmem>>
      tpu.enqueue_dma source(%dma_start3A_606 : memref<48x128xf32, #tpu.memory_space<vmem>>) target(%dma_start3A_603 : memref<48x128xf32, #tpu.memory_space<vmem_shared>>) target_semaphore(%run_scoped3A : memref<!tpu.dma_semaphore, #tpu.memory_space<semaphore_mem>>)
      %dma_wait3A_607 = arith.constant 0 : i32
      %dma_wait3A_608 = arith.constant 0 : i32
      %dma_wait3A_609 = tpu.memref_slice %arg23[%dma_wait3A_607, %dma_wait3A_608] : memref<80x128xf32, #tpu.memory_space<vmem>> -> memref<48x128xf32, #tpu.memory_space<vmem>>
      %dma_wait3A_610 = arith.constant 0 : i32
      %dma_wait3A_611 = tpu.memref_slice %arg43[%add3A_12, %dma_wait3A_610] : memref<10000x128xf32, #tpu.memory_space<vmem_shared>> -> memref<48x128xf32, #tpu.memory_space<vmem_shared>>
      %dma_wait3A_612 = arith.constant 0 : i32
      %dma_wait3A_613 = tpu.memref_slice %arg43[%add3A_12, %dma_wait3A_612] : memref<10000x128xf32, #tpu.memory_space<vmem_shared>> -> memref<48x128xf32, #tpu.memory_space<vmem_shared>>
      %dma_wait3A_614 = arith.constant 0 : i32
      %dma_wait3A_615 = arith.constant 0 : i32
      %dma_wait3A_616 = tpu.memref_slice %arg23[%dma_wait3A_614, %dma_wait3A_615] : memref<80x128xf32, #tpu.memory_space<vmem>> -> memref<48x128xf32, #tpu.memory_space<vmem>>
      tpu.wait_dma2 semaphore(%run_scoped3A : memref<!tpu.dma_semaphore, #tpu.memory_space<semaphore_mem>>) src(%dma_wait3A_616 : memref<48x128xf32, #tpu.memory_space<vmem>>) dst(%dma_wait3A_613 : memref<48x128xf32, #tpu.memory_space<vmem_shared>>)
      tpu.yield
    }) : () -> ()
    %add3A_13 = arith.constant 192 : i32
    %add3A_14 = arith.addi %mul3A_4, %add3A_13 : i32
    "tpu.region"() ({
      %run_scoped3A = tpu.sem_alloc : memref<!tpu.dma_semaphore, #tpu.memory_space<semaphore_mem>>
      %dma_start3A_597 = arith.constant 0 : i32
      %dma_start3A_598 = arith.constant 0 : i32
      %dma_start3A_599 = tpu.memref_slice %arg23[%dma_start3A_597, %dma_start3A_598] : memref<80x128xf32, #tpu.memory_space<vmem>> -> memref<48x128xf32, #tpu.memory_space<vmem>>
      %dma_start3A_600 = arith.constant 0 : i32
      %dma_start3A_601 = tpu.memref_slice %arg43[%add3A_14, %dma_start3A_600] : memref<10000x128xf32, #tpu.memory_space<vmem_shared>> -> memref<48x128xf32, #tpu.memory_space<vmem_shared>>
      %dma_start3A_602 = arith.constant 0 : i32
      %dma_start3A_603 = tpu.memref_slice %arg43[%add3A_14, %dma_start3A_602] : memref<10000x128xf32, #tpu.memory_space<vmem_shared>> -> memref<48x128xf32, #tpu.memory_space<vmem_shared>>
      %dma_start3A_604 = arith.constant 0 : i32
      %dma_start3A_605 = arith.constant 0 : i32
      %dma_start3A_606 = tpu.memref_slice %arg23[%dma_start3A_604, %dma_start3A_605] : memref<80x128xf32, #tpu.memory_space<vmem>> -> memref<48x128xf32, #tpu.memory_space<vmem>>
      tpu.enqueue_dma source(%dma_start3A_606 : memref<48x128xf32, #tpu.memory_space<vmem>>) target(%dma_start3A_603 : memref<48x128xf32, #tpu.memory_space<vmem_shared>>) target_semaphore(%run_scoped3A : memref<!tpu.dma_semaphore, #tpu.memory_space<semaphore_mem>>)
      %dma_wait3A_607 = arith.constant 0 : i32
      %dma_wait3A_608 = arith.constant 0 : i32
      %dma_wait3A_609 = tpu.memref_slice %arg23[%dma_wait3A_607, %dma_wait3A_608] : memref<80x128xf32, #tpu.memory_space<vmem>> -> memref<48x128xf32, #tpu.memory_space<vmem>>
      %dma_wait3A_610 = arith.constant 0 : i32
      %dma_wait3A_611 = tpu.memref_slice %arg43[%add3A_14, %dma_wait3A_610] : memref<10000x128xf32, #tpu.memory_space<vmem_shared>> -> memref<48x128xf32, #tpu.memory_space<vmem_shared>>
      %dma_wait3A_612 = arith.constant 0 : i32
      %dma_wait3A_613 = tpu.memref_slice %arg43[%add3A_14, %dma_wait3A_612] : memref<10000x128xf32, #tpu.memory_space<vmem_shared>> -> memref<48x128xf32, #tpu.memory_space<vmem_shared>>
      %dma_wait3A_614 = arith.constant 0 : i32
      %dma_wait3A_615 = arith.constant 0 : i32
      %dma_wait3A_616 = tpu.memref_slice %arg23[%dma_wait3A_614, %dma_wait3A_615] : memref<80x128xf32, #tpu.memory_space<vmem>> -> memref<48x128xf32, #tpu.memory_space<vmem>>
      tpu.wait_dma2 semaphore(%run_scoped3A : memref<!tpu.dma_semaphore, #tpu.memory_space<semaphore_mem>>) src(%dma_wait3A_616 : memref<48x128xf32, #tpu.memory_space<vmem>>) dst(%dma_wait3A_613 : memref<48x128xf32, #tpu.memory_space<vmem_shared>>)
      tpu.yield
    }) : () -> ()
    %add3A_15 = arith.constant 240 : i32
    %add3A_16 = arith.addi %mul3A_4, %add3A_15 : i32
    "tpu.region"() ({
      %run_scoped3A = tpu.sem_alloc : memref<!tpu.dma_semaphore, #tpu.memory_space<semaphore_mem>>
      %dma_start3A_597 = arith.constant 0 : i32
      %dma_start3A_598 = arith.constant 0 : i32
      %dma_start3A_599 = tpu.memref_slice %arg23[%dma_start3A_597, %dma_start3A_598] : memref<80x128xf32, #tpu.memory_space<vmem>> -> memref<48x128xf32, #tpu.memory_space<vmem>>
      %dma_start3A_600 = arith.constant 0 : i32
      %dma_start3A_601 = tpu.memref_slice %arg43[%add3A_16, %dma_start3A_600] : memref<10000x128xf32, #tpu.memory_space<vmem_shared>> -> memref<48x128xf32, #tpu.memory_space<vmem_shared>>
      %dma_start3A_602 = arith.constant 0 : i32
      %dma_start3A_603 = tpu.memref_slice %arg43[%add3A_16, %dma_start3A_602] : memref<10000x128xf32, #tpu.memory_space<vmem_shared>> -> memref<48x128xf32, #tpu.memory_space<vmem_shared>>
      %dma_start3A_604 = arith.constant 0 : i32
      %dma_start3A_605 = arith.constant 0 : i32
      %dma_start3A_606 = tpu.memref_slice %arg23[%dma_start3A_604, %dma_start3A_605] : memref<80x128xf32, #tpu.memory_space<vmem>> -> memref<48x128xf32, #tpu.memory_space<vmem>>
      tpu.enqueue_dma source(%dma_start3A_606 : memref<48x128xf32, #tpu.memory_space<vmem>>) target(%dma_start3A_603 : memref<48x128xf32, #tpu.memory_space<vmem_shared>>) target_semaphore(%run_scoped3A : memref<!tpu.dma_semaphore, #tpu.memory_space<semaphore_mem>>)
      %dma_wait3A_607 = arith.constant 0 : i32
      %dma_wait3A_608 = arith.constant 0 : i32
      %dma_wait3A_609 = tpu.memref_slice %arg23[%dma_wait3A_607, %dma_wait3A_608] : memref<80x128xf32, #tpu.memory_space<vmem>> -> memref<48x128xf32, #tpu.memory_space<vmem>>
      %dma_wait3A_610 = arith.constant 0 : i32
      %dma_wait3A_611 = tpu.memref_slice %arg43[%add3A_16, %dma_wait3A_610] : memref<10000x128xf32, #tpu.memory_space<vmem_shared>> -> memref<48x128xf32, #tpu.memory_space<vmem_shared>>
      %dma_wait3A_612 = arith.constant 0 : i32
      %dma_wait3A_613 = tpu.memref_slice %arg43[%add3A_16, %dma_wait3A_612] : memref<10000x128xf32, #tpu.memory_space<vmem_shared>> -> memref<48x128xf32, #tpu.memory_space<vmem_shared>>
      %dma_wait3A_614 = arith.constant 0 : i32
      %dma_wait3A_615 = arith.constant 0 : i32
      %dma_wait3A_616 = tpu.memref_slice %arg23[%dma_wait3A_614, %dma_wait3A_615] : memref<80x128xf32, #tpu.memory_space<vmem>> -> memref<48x128xf32, #tpu.memory_space<vmem>>
      tpu.wait_dma2 semaphore(%run_scoped3A : memref<!tpu.dma_semaphore, #tpu.memory_space<semaphore_mem>>) src(%dma_wait3A_616 : memref<48x128xf32, #tpu.memory_space<vmem>>) dst(%dma_wait3A_613 : memref<48x128xf32, #tpu.memory_space<vmem_shared>>)
      tpu.yield
    }) : () -> ()
    %add3A_17 = arith.constant 288 : i32
    %add3A_18 = arith.addi %mul3A_4, %add3A_17 : i32
    "tpu.region"() ({
      %run_scoped3A = tpu.sem_alloc : memref<!tpu.dma_semaphore, #tpu.memory_space<semaphore_mem>>
      %dma_start3A_597 = arith.constant 0 : i32
      %dma_start3A_598 = arith.constant 0 : i32
      %dma_start3A_599 = tpu.memref_slice %arg23[%dma_start3A_597, %dma_start3A_598] : memref<80x128xf32, #tpu.memory_space<vmem>> -> memref<48x128xf32, #tpu.memory_space<vmem>>
      %dma_start3A_600 = arith.constant 0 : i32
      %dma_start3A_601 = tpu.memref_slice %arg43[%add3A_18, %dma_start3A_600] : memref<10000x128xf32, #tpu.memory_space<vmem_shared>> -> memref<48x128xf32, #tpu.memory_space<vmem_shared>>
      %dma_start3A_602 = arith.constant 0 : i32
      %dma_start3A_603 = tpu.memref_slice %arg43[%add3A_18, %dma_start3A_602] : memref<10000x128xf32, #tpu.memory_space<vmem_shared>> -> memref<48x128xf32, #tpu.memory_space<vmem_shared>>
      %dma_start3A_604 = arith.constant 0 : i32
      %dma_start3A_605 = arith.constant 0 : i32
      %dma_start3A_606 = tpu.memref_slice %arg23[%dma_start3A_604, %dma_start3A_605] : memref<80x128xf32, #tpu.memory_space<vmem>> -> memref<48x128xf32, #tpu.memory_space<vmem>>
      tpu.enqueue_dma source(%dma_start3A_606 : memref<48x128xf32, #tpu.memory_space<vmem>>) target(%dma_start3A_603 : memref<48x128xf32, #tpu.memory_space<vmem_shared>>) target_semaphore(%run_scoped3A : memref<!tpu.dma_semaphore, #tpu.memory_space<semaphore_mem>>)
      %dma_wait3A_607 = arith.constant 0 : i32
      %dma_wait3A_608 = arith.constant 0 : i32
      %dma_wait3A_609 = tpu.memref_slice %arg23[%dma_wait3A_607, %dma_wait3A_608] : memref<80x128xf32, #tpu.memory_space<vmem>> -> memref<48x128xf32, #tpu.memory_space<vmem>>
      %dma_wait3A_610 = arith.constant 0 : i32
      %dma_wait3A_611 = tpu.memref_slice %arg43[%add3A_18, %dma_wait3A_610] : memref<10000x128xf32, #tpu.memory_space<vmem_shared>> -> memref<48x128xf32, #tpu.memory_space<vmem_shared>>
      %dma_wait3A_612 = arith.constant 0 : i32
      %dma_wait3A_613 = tpu.memref_slice %arg43[%add3A_18, %dma_wait3A_612] : memref<10000x128xf32, #tpu.memory_space<vmem_shared>> -> memref<48x128xf32, #tpu.memory_space<vmem_shared>>
      %dma_wait3A_614 = arith.constant 0 : i32
      %dma_wait3A_615 = arith.constant 0 : i32
      %dma_wait3A_616 = tpu.memref_slice %arg23[%dma_wait3A_614, %dma_wait3A_615] : memref<80x128xf32, #tpu.memory_space<vmem>> -> memref<48x128xf32, #tpu.memory_space<vmem>>
      tpu.wait_dma2 semaphore(%run_scoped3A : memref<!tpu.dma_semaphore, #tpu.memory_space<semaphore_mem>>) src(%dma_wait3A_616 : memref<48x128xf32, #tpu.memory_space<vmem>>) dst(%dma_wait3A_613 : memref<48x128xf32, #tpu.memory_space<vmem_shared>>)
      tpu.yield
    }) : () -> ()
    %add3A_19 = arith.constant 336 : i32
    %add3A_20 = arith.addi %mul3A_4, %add3A_19 : i32
    "tpu.region"() ({
      %run_scoped3A = tpu.sem_alloc : memref<!tpu.dma_semaphore, #tpu.memory_space<semaphore_mem>>
      %dma_start3A_597 = arith.constant 0 : i32
      %dma_start3A_598 = arith.constant 0 : i32
      %dma_start3A_599 = tpu.memref_slice %arg23[%dma_start3A_597, %dma_start3A_598] : memref<80x128xf32, #tpu.memory_space<vmem>> -> memref<48x128xf32, #tpu.memory_space<vmem>>
      %dma_start3A_600 = arith.constant 0 : i32
      %dma_start3A_601 = tpu.memref_slice %arg43[%add3A_20, %dma_start3A_600] : memref<10000x128xf32, #tpu.memory_space<vmem_shared>> -> memref<48x128xf32, #tpu.memory_space<vmem_shared>>
      %dma_start3A_602 = arith.constant 0 : i32
      %dma_start3A_603 = tpu.memref_slice %arg43[%add3A_20, %dma_start3A_602] : memref<10000x128xf32, #tpu.memory_space<vmem_shared>> -> memref<48x128xf32, #tpu.memory_space<vmem_shared>>
      %dma_start3A_604 = arith.constant 0 : i32
      %dma_start3A_605 = arith.constant 0 : i32
      %dma_start3A_606 = tpu.memref_slice %arg23[%dma_start3A_604, %dma_start3A_605] : memref<80x128xf32, #tpu.memory_space<vmem>> -> memref<48x128xf32, #tpu.memory_space<vmem>>
      tpu.enqueue_dma source(%dma_start3A_606 : memref<48x128xf32, #tpu.memory_space<vmem>>) target(%dma_start3A_603 : memref<48x128xf32, #tpu.memory_space<vmem_shared>>) target_semaphore(%run_scoped3A : memref<!tpu.dma_semaphore, #tpu.memory_space<semaphore_mem>>)
      %dma_wait3A_607 = arith.constant 0 : i32
      %dma_wait3A_608 = arith.constant 0 : i32
      %dma_wait3A_609 = tpu.memref_slice %arg23[%dma_wait3A_607, %dma_wait3A_608] : memref<80x128xf32, #tpu.memory_space<vmem>> -> memref<48x128xf32, #tpu.memory_space<vmem>>
      %dma_wait3A_610 = arith.constant 0 : i32
      %dma_wait3A_611 = tpu.memref_slice %arg43[%add3A_20, %dma_wait3A_610] : memref<10000x128xf32, #tpu.memory_space<vmem_shared>> -> memref<48x128xf32, #tpu.memory_space<vmem_shared>>
      %dma_wait3A_612 = arith.constant 0 : i32
      %dma_wait3A_613 = tpu.memref_slice %arg43[%add3A_20, %dma_wait3A_612] : memref<10000x128xf32, #tpu.memory_space<vmem_shared>> -> memref<48x128xf32, #tpu.memory_space<vmem_shared>>
      %dma_wait3A_614 = arith.constant 0 : i32
      %dma_wait3A_615 = arith.constant 0 : i32
      %dma_wait3A_616 = tpu.memref_slice %arg23[%dma_wait3A_614, %dma_wait3A_615] : memref<80x128xf32, #tpu.memory_space<vmem>> -> memref<48x128xf32, #tpu.memory_space<vmem>>
      tpu.wait_dma2 semaphore(%run_scoped3A : memref<!tpu.dma_semaphore, #tpu.memory_space<semaphore_mem>>) src(%dma_wait3A_616 : memref<48x128xf32, #tpu.memory_space<vmem>>) dst(%dma_wait3A_613 : memref<48x128xf32, #tpu.memory_space<vmem_shared>>)
      tpu.yield
    }) : () -> ()
    %add3A_21 = arith.constant 384 : i32
    %add3A_22 = arith.addi %mul3A_4, %add3A_21 : i32
    "tpu.region"() ({
      %run_scoped3A = tpu.sem_alloc : memref<!tpu.dma_semaphore, #tpu.memory_space<semaphore_mem>>
      %dma_start3A_597 = arith.constant 0 : i32
      %dma_start3A_598 = arith.constant 0 : i32
      %dma_start3A_599 = tpu.memref_slice %arg23[%dma_start3A_597, %dma_start3A_598] : memref<80x128xf32, #tpu.memory_space<vmem>> -> memref<48x128xf32, #tpu.memory_space<vmem>>
      %dma_start3A_600 = arith.constant 0 : i32
      %dma_start3A_601 = tpu.memref_slice %arg43[%add3A_22, %dma_start3A_600] : memref<10000x128xf32, #tpu.memory_space<vmem_shared>> -> memref<48x128xf32, #tpu.memory_space<vmem_shared>>
      %dma_start3A_602 = arith.constant 0 : i32
      %dma_start3A_603 = tpu.memref_slice %arg43[%add3A_22, %dma_start3A_602] : memref<10000x128xf32, #tpu.memory_space<vmem_shared>> -> memref<48x128xf32, #tpu.memory_space<vmem_shared>>
      %dma_start3A_604 = arith.constant 0 : i32
      %dma_start3A_605 = arith.constant 0 : i32
      %dma_start3A_606 = tpu.memref_slice %arg23[%dma_start3A_604, %dma_start3A_605] : memref<80x128xf32, #tpu.memory_space<vmem>> -> memref<48x128xf32, #tpu.memory_space<vmem>>
      tpu.enqueue_dma source(%dma_start3A_606 : memref<48x128xf32, #tpu.memory_space<vmem>>) target(%dma_start3A_603 : memref<48x128xf32, #tpu.memory_space<vmem_shared>>) target_semaphore(%run_scoped3A : memref<!tpu.dma_semaphore, #tpu.memory_space<semaphore_mem>>)
      %dma_wait3A_607 = arith.constant 0 : i32
      %dma_wait3A_608 = arith.constant 0 : i32
      %dma_wait3A_609 = tpu.memref_slice %arg23[%dma_wait3A_607, %dma_wait3A_608] : memref<80x128xf32, #tpu.memory_space<vmem>> -> memref<48x128xf32, #tpu.memory_space<vmem>>
      %dma_wait3A_610 = arith.constant 0 : i32
      %dma_wait3A_611 = tpu.memref_slice %arg43[%add3A_22, %dma_wait3A_610] : memref<10000x128xf32, #tpu.memory_space<vmem_shared>> -> memref<48x128xf32, #tpu.memory_space<vmem_shared>>
      %dma_wait3A_612 = arith.constant 0 : i32
      %dma_wait3A_613 = tpu.memref_slice %arg43[%add3A_22, %dma_wait3A_612] : memref<10000x128xf32, #tpu.memory_space<vmem_shared>> -> memref<48x128xf32, #tpu.memory_space<vmem_shared>>
      %dma_wait3A_614 = arith.constant 0 : i32
      %dma_wait3A_615 = arith.constant 0 : i32
      %dma_wait3A_616 = tpu.memref_slice %arg23[%dma_wait3A_614, %dma_wait3A_615] : memref<80x128xf32, #tpu.memory_space<vmem>> -> memref<48x128xf32, #tpu.memory_space<vmem>>
      tpu.wait_dma2 semaphore(%run_scoped3A : memref<!tpu.dma_semaphore, #tpu.memory_space<semaphore_mem>>) src(%dma_wait3A_616 : memref<48x128xf32, #tpu.memory_space<vmem>>) dst(%dma_wait3A_613 : memref<48x128xf32, #tpu.memory_space<vmem_shared>>)
      tpu.yield
    }) : () -> ()
    %add3A_23 = arith.constant 432 : i32
    %add3A_24 = arith.addi %mul3A_4, %add3A_23 : i32
    "tpu.region"() ({
      %run_scoped3A = tpu.sem_alloc : memref<!tpu.dma_semaphore, #tpu.memory_space<semaphore_mem>>
      %dma_start3A_597 = arith.constant 0 : i32
      %dma_start3A_598 = arith.constant 0 : i32
      %dma_start3A_599 = tpu.memref_slice %arg23[%dma_start3A_597, %dma_start3A_598] : memref<80x128xf32, #tpu.memory_space<vmem>> -> memref<48x128xf32, #tpu.memory_space<vmem>>
      %dma_start3A_600 = arith.constant 0 : i32
      %dma_start3A_601 = tpu.memref_slice %arg43[%add3A_24, %dma_start3A_600] : memref<10000x128xf32, #tpu.memory_space<vmem_shared>> -> memref<48x128xf32, #tpu.memory_space<vmem_shared>>
      %dma_start3A_602 = arith.constant 0 : i32
      %dma_start3A_603 = tpu.memref_slice %arg43[%add3A_24, %dma_start3A_602] : memref<10000x128xf32, #tpu.memory_space<vmem_shared>> -> memref<48x128xf32, #tpu.memory_space<vmem_shared>>
      %dma_start3A_604 = arith.constant 0 : i32
      %dma_start3A_605 = arith.constant 0 : i32
      %dma_start3A_606 = tpu.memref_slice %arg23[%dma_start3A_604, %dma_start3A_605] : memref<80x128xf32, #tpu.memory_space<vmem>> -> memref<48x128xf32, #tpu.memory_space<vmem>>
      tpu.enqueue_dma source(%dma_start3A_606 : memref<48x128xf32, #tpu.memory_space<vmem>>) target(%dma_start3A_603 : memref<48x128xf32, #tpu.memory_space<vmem_shared>>) target_semaphore(%run_scoped3A : memref<!tpu.dma_semaphore, #tpu.memory_space<semaphore_mem>>)
      %dma_wait3A_607 = arith.constant 0 : i32
      %dma_wait3A_608 = arith.constant 0 : i32
      %dma_wait3A_609 = tpu.memref_slice %arg23[%dma_wait3A_607, %dma_wait3A_608] : memref<80x128xf32, #tpu.memory_space<vmem>> -> memref<48x128xf32, #tpu.memory_space<vmem>>
      %dma_wait3A_610 = arith.constant 0 : i32
      %dma_wait3A_611 = tpu.memref_slice %arg43[%add3A_24, %dma_wait3A_610] : memref<10000x128xf32, #tpu.memory_space<vmem_shared>> -> memref<48x128xf32, #tpu.memory_space<vmem_shared>>
      %dma_wait3A_612 = arith.constant 0 : i32
      %dma_wait3A_613 = tpu.memref_slice %arg43[%add3A_24, %dma_wait3A_612] : memref<10000x128xf32, #tpu.memory_space<vmem_shared>> -> memref<48x128xf32, #tpu.memory_space<vmem_shared>>
      %dma_wait3A_614 = arith.constant 0 : i32
      %dma_wait3A_615 = arith.constant 0 : i32
      %dma_wait3A_616 = tpu.memref_slice %arg23[%dma_wait3A_614, %dma_wait3A_615] : memref<80x128xf32, #tpu.memory_space<vmem>> -> memref<48x128xf32, #tpu.memory_space<vmem>>
      tpu.wait_dma2 semaphore(%run_scoped3A : memref<!tpu.dma_semaphore, #tpu.memory_space<semaphore_mem>>) src(%dma_wait3A_616 : memref<48x128xf32, #tpu.memory_space<vmem>>) dst(%dma_wait3A_613 : memref<48x128xf32, #tpu.memory_space<vmem_shared>>)
      tpu.yield
    }) : () -> ()
    %add3A_25 = arith.constant 480 : i32
    %add3A_26 = arith.addi %mul3A_4, %add3A_25 : i32
    "tpu.region"() ({
      %run_scoped3A = tpu.sem_alloc : memref<!tpu.dma_semaphore, #tpu.memory_space<semaphore_mem>>
      %dma_start3A_597 = arith.constant 0 : i32
      %dma_start3A_598 = arith.constant 0 : i32
      %dma_start3A_599 = tpu.memref_slice %arg23[%dma_start3A_597, %dma_start3A_598] : memref<80x128xf32, #tpu.memory_space<vmem>> -> memref<48x128xf32, #tpu.memory_space<vmem>>
      %dma_start3A_600 = arith.constant 0 : i32
      %dma_start3A_601 = tpu.memref_slice %arg43[%add3A_26, %dma_start3A_600] : memref<10000x128xf32, #tpu.memory_space<vmem_shared>> -> memref<48x128xf32, #tpu.memory_space<vmem_shared>>
      %dma_start3A_602 = arith.constant 0 : i32
      %dma_start3A_603 = tpu.memref_slice %arg43[%add3A_26, %dma_start3A_602] : memref<10000x128xf32, #tpu.memory_space<vmem_shared>> -> memref<48x128xf32, #tpu.memory_space<vmem_shared>>
      %dma_start3A_604 = arith.constant 0 : i32
      %dma_start3A_605 = arith.constant 0 : i32
      %dma_start3A_606 = tpu.memref_slice %arg23[%dma_start3A_604, %dma_start3A_605] : memref<80x128xf32, #tpu.memory_space<vmem>> -> memref<48x128xf32, #tpu.memory_space<vmem>>
      tpu.enqueue_dma source(%dma_start3A_606 : memref<48x128xf32, #tpu.memory_space<vmem>>) target(%dma_start3A_603 : memref<48x128xf32, #tpu.memory_space<vmem_shared>>) target_semaphore(%run_scoped3A : memref<!tpu.dma_semaphore, #tpu.memory_space<semaphore_mem>>)
      %dma_wait3A_607 = arith.constant 0 : i32
      %dma_wait3A_608 = arith.constant 0 : i32
      %dma_wait3A_609 = tpu.memref_slice %arg23[%dma_wait3A_607, %dma_wait3A_608] : memref<80x128xf32, #tpu.memory_space<vmem>> -> memref<48x128xf32, #tpu.memory_space<vmem>>
      %dma_wait3A_610 = arith.constant 0 : i32
      %dma_wait3A_611 = tpu.memref_slice %arg43[%add3A_26, %dma_wait3A_610] : memref<10000x128xf32, #tpu.memory_space<vmem_shared>> -> memref<48x128xf32, #tpu.memory_space<vmem_shared>>
      %dma_wait3A_612 = arith.constant 0 : i32
      %dma_wait3A_613 = tpu.memref_slice %arg43[%add3A_26, %dma_wait3A_612] : memref<10000x128xf32, #tpu.memory_space<vmem_shared>> -> memref<48x128xf32, #tpu.memory_space<vmem_shared>>
      %dma_wait3A_614 = arith.constant 0 : i32
      %dma_wait3A_615 = arith.constant 0 : i32
      %dma_wait3A_616 = tpu.memref_slice %arg23[%dma_wait3A_614, %dma_wait3A_615] : memref<80x128xf32, #tpu.memory_space<vmem>> -> memref<48x128xf32, #tpu.memory_space<vmem>>
      tpu.wait_dma2 semaphore(%run_scoped3A : memref<!tpu.dma_semaphore, #tpu.memory_space<semaphore_mem>>) src(%dma_wait3A_616 : memref<48x128xf32, #tpu.memory_space<vmem>>) dst(%dma_wait3A_613 : memref<48x128xf32, #tpu.memory_space<vmem_shared>>)
      tpu.yield
    }) : () -> ()
    %add3A_27 = arith.constant 528 : i32
    %add3A_28 = arith.addi %mul3A_4, %add3A_27 : i32
    "tpu.region"() ({
      %run_scoped3A = tpu.sem_alloc : memref<!tpu.dma_semaphore, #tpu.memory_space<semaphore_mem>>
      %dma_start3A_597 = arith.constant 0 : i32
      %dma_start3A_598 = arith.constant 0 : i32
      %dma_start3A_599 = tpu.memref_slice %arg23[%dma_start3A_597, %dma_start3A_598] : memref<80x128xf32, #tpu.memory_space<vmem>> -> memref<48x128xf32, #tpu.memory_space<vmem>>
      %dma_start3A_600 = arith.constant 0 : i32
      %dma_start3A_601 = tpu.memref_slice %arg43[%add3A_28, %dma_start3A_600] : memref<10000x128xf32, #tpu.memory_space<vmem_shared>> -> memref<48x128xf32, #tpu.memory_space<vmem_shared>>
      %dma_start3A_602 = arith.constant 0 : i32
      %dma_start3A_603 = tpu.memref_slice %arg43[%add3A_28, %dma_start3A_602] : memref<10000x128xf32, #tpu.memory_space<vmem_shared>> -> memref<48x128xf32, #tpu.memory_space<vmem_shared>>
      %dma_start3A_604 = arith.constant 0 : i32
      %dma_start3A_605 = arith.constant 0 : i32
      %dma_start3A_606 = tpu.memref_slice %arg23[%dma_start3A_604, %dma_start3A_605] : memref<80x128xf32, #tpu.memory_space<vmem>> -> memref<48x128xf32, #tpu.memory_space<vmem>>
      tpu.enqueue_dma source(%dma_start3A_606 : memref<48x128xf32, #tpu.memory_space<vmem>>) target(%dma_start3A_603 : memref<48x128xf32, #tpu.memory_space<vmem_shared>>) target_semaphore(%run_scoped3A : memref<!tpu.dma_semaphore, #tpu.memory_space<semaphore_mem>>)
      %dma_wait3A_607 = arith.constant 0 : i32
      %dma_wait3A_608 = arith.constant 0 : i32
      %dma_wait3A_609 = tpu.memref_slice %arg23[%dma_wait3A_607, %dma_wait3A_608] : memref<80x128xf32, #tpu.memory_space<vmem>> -> memref<48x128xf32, #tpu.memory_space<vmem>>
      %dma_wait3A_610 = arith.constant 0 : i32
      %dma_wait3A_611 = tpu.memref_slice %arg43[%add3A_28, %dma_wait3A_610] : memref<10000x128xf32, #tpu.memory_space<vmem_shared>> -> memref<48x128xf32, #tpu.memory_space<vmem_shared>>
      %dma_wait3A_612 = arith.constant 0 : i32
      %dma_wait3A_613 = tpu.memref_slice %arg43[%add3A_28, %dma_wait3A_612] : memref<10000x128xf32, #tpu.memory_space<vmem_shared>> -> memref<48x128xf32, #tpu.memory_space<vmem_shared>>
      %dma_wait3A_614 = arith.constant 0 : i32
      %dma_wait3A_615 = arith.constant 0 : i32
      %dma_wait3A_616 = tpu.memref_slice %arg23[%dma_wait3A_614, %dma_wait3A_615] : memref<80x128xf32, #tpu.memory_space<vmem>> -> memref<48x128xf32, #tpu.memory_space<vmem>>
      tpu.wait_dma2 semaphore(%run_scoped3A : memref<!tpu.dma_semaphore, #tpu.memory_space<semaphore_mem>>) src(%dma_wait3A_616 : memref<48x128xf32, #tpu.memory_space<vmem>>) dst(%dma_wait3A_613 : memref<48x128xf32, #tpu.memory_space<vmem_shared>>)
      tpu.yield
    }) : () -> ()
    %add3A_29 = arith.constant 576 : i32
    %add3A_30 = arith.addi %mul3A_4, %add3A_29 : i32
    "tpu.region"() ({
      %run_scoped3A = tpu.sem_alloc : memref<!tpu.dma_semaphore, #tpu.memory_space<semaphore_mem>>
      %dma_start3A_597 = arith.constant 0 : i32
      %dma_start3A_598 = arith.constant 0 : i32
      %dma_start3A_599 = tpu.memref_slice %arg23[%dma_start3A_597, %dma_start3A_598] : memref<80x128xf32, #tpu.memory_space<vmem>> -> memref<48x128xf32, #tpu.memory_space<vmem>>
      %dma_start3A_600 = arith.constant 0 : i32
      %dma_start3A_601 = tpu.memref_slice %arg43[%add3A_30, %dma_start3A_600] : memref<10000x128xf32, #tpu.memory_space<vmem_shared>> -> memref<48x128xf32, #tpu.memory_space<vmem_shared>>
      %dma_start3A_602 = arith.constant 0 : i32
      %dma_start3A_603 = tpu.memref_slice %arg43[%add3A_30, %dma_start3A_602] : memref<10000x128xf32, #tpu.memory_space<vmem_shared>> -> memref<48x128xf32, #tpu.memory_space<vmem_shared>>
      %dma_start3A_604 = arith.constant 0 : i32
      %dma_start3A_605 = arith.constant 0 : i32
      %dma_start3A_606 = tpu.memref_slice %arg23[%dma_start3A_604, %dma_start3A_605] : memref<80x128xf32, #tpu.memory_space<vmem>> -> memref<48x128xf32, #tpu.memory_space<vmem>>
      tpu.enqueue_dma source(%dma_start3A_606 : memref<48x128xf32, #tpu.memory_space<vmem>>) target(%dma_start3A_603 : memref<48x128xf32, #tpu.memory_space<vmem_shared>>) target_semaphore(%run_scoped3A : memref<!tpu.dma_semaphore, #tpu.memory_space<semaphore_mem>>)
      %dma_wait3A_607 = arith.constant 0 : i32
      %dma_wait3A_608 = arith.constant 0 : i32
      %dma_wait3A_609 = tpu.memref_slice %arg23[%dma_wait3A_607, %dma_wait3A_608] : memref<80x128xf32, #tpu.memory_space<vmem>> -> memref<48x128xf32, #tpu.memory_space<vmem>>
      %dma_wait3A_610 = arith.constant 0 : i32
      %dma_wait3A_611 = tpu.memref_slice %arg43[%add3A_30, %dma_wait3A_610] : memref<10000x128xf32, #tpu.memory_space<vmem_shared>> -> memref<48x128xf32, #tpu.memory_space<vmem_shared>>
      %dma_wait3A_612 = arith.constant 0 : i32
      %dma_wait3A_613 = tpu.memref_slice %arg43[%add3A_30, %dma_wait3A_612] : memref<10000x128xf32, #tpu.memory_space<vmem_shared>> -> memref<48x128xf32, #tpu.memory_space<vmem_shared>>
      %dma_wait3A_614 = arith.constant 0 : i32
      %dma_wait3A_615 = arith.constant 0 : i32
      %dma_wait3A_616 = tpu.memref_slice %arg23[%dma_wait3A_614, %dma_wait3A_615] : memref<80x128xf32, #tpu.memory_space<vmem>> -> memref<48x128xf32, #tpu.memory_space<vmem>>
      tpu.wait_dma2 semaphore(%run_scoped3A : memref<!tpu.dma_semaphore, #tpu.memory_space<semaphore_mem>>) src(%dma_wait3A_616 : memref<48x128xf32, #tpu.memory_space<vmem>>) dst(%dma_wait3A_613 : memref<48x128xf32, #tpu.memory_space<vmem_shared>>)
      tpu.yield
    }) : () -> ()
    %eq3A = arith.constant 0 : i32
    %eq3A_31 = arith.cmpi eq, %arg1, %eq3A : i32
    %convert_element_type3A = arith.extui %eq3A_31 : i1 to i32
    %cond3A = arith.constant 0 : i32
    %cond3A_32 = arith.cmpi ne, %convert_element_type3A, %cond3A : i32
    scf.if %cond3A_32 {
      "tpu.region"() ({
        %run_scoped3A = tpu.sem_alloc : memref<!tpu.dma_semaphore, #tpu.memory_space<semaphore_mem>>
        %dma_start3A_597 = arith.constant 0 : i32
        %dma_start3A_598 = arith.constant 0 : i32
        %dma_start3A_599 = tpu.memref_slice %arg23[%dma_start3A_597, %dma_start3A_598] : memref<80x128xf32, #tpu.memory_space<vmem>> -> memref<16x128xf32, #tpu.memory_space<vmem>>
        %dma_start3A_600 = arith.constant 9984 : i32
        %dma_start3A_601 = arith.constant 0 : i32
        %dma_start3A_602 = tpu.memref_slice %arg43[%dma_start3A_600, %dma_start3A_601] : memref<10000x128xf32, #tpu.memory_space<vmem_shared>> -> memref<16x128xf32, #tpu.memory_space<vmem_shared>>
        %dma_start3A_603 = arith.constant 9984 : i32
        %dma_start3A_604 = arith.constant 0 : i32
        %dma_start3A_605 = tpu.memref_slice %arg43[%dma_start3A_603, %dma_start3A_604] : memref<10000x128xf32, #tpu.memory_space<vmem_shared>> -> memref<16x128xf32, #tpu.memory_space<vmem_shared>>
        %dma_start3A_606 = arith.constant 0 : i32
        %dma_start3A_607 = arith.constant 0 : i32
        %dma_start3A_608 = tpu.memref_slice %arg23[%dma_start3A_606, %dma_start3A_607] : memref<80x128xf32, #tpu.memory_space<vmem>> -> memref<16x128xf32, #tpu.memory_space<vmem>>
        tpu.enqueue_dma source(%dma_start3A_608 : memref<16x128xf32, #tpu.memory_space<vmem>>) target(%dma_start3A_605 : memref<16x128xf32, #tpu.memory_space<vmem_shared>>) target_semaphore(%run_scoped3A : memref<!tpu.dma_semaphore, #tpu.memory_space<semaphore_mem>>)
        %dma_wait3A_609 = arith.constant 0 : i32
        %dma_wait3A_610 = arith.constant 0 : i32
        %dma_wait3A_611 = tpu.memref_slice %arg23[%dma_wait3A_609, %dma_wait3A_610] : memref<80x128xf32, #tpu.memory_space<vmem>> -> memref<16x128xf32, #tpu.memory_space<vmem>>
        %dma_wait3A_612 = arith.constant 9984 : i32
        %dma_wait3A_613 = arith.constant 0 : i32
        %dma_wait3A_614 = tpu.memref_slice %arg43[%dma_wait3A_612, %dma_wait3A_613] : memref<10000x128xf32, #tpu.memory_space<vmem_shared>> -> memref<16x128xf32, #tpu.memory_space<vmem_shared>>
        %dma_wait3A_615 = arith.constant 9984 : i32
        %dma_wait3A_616 = arith.constant 0 : i32
        %dma_wait3A_617 = tpu.memref_slice %arg43[%dma_wait3A_615, %dma_wait3A_616] : memref<10000x128xf32, #tpu.memory_space<vmem_shared>> -> memref<16x128xf32, #tpu.memory_space<vmem_shared>>
        %dma_wait3A_618 = arith.constant 0 : i32
        %dma_wait3A_619 = arith.constant 0 : i32
        %dma_wait3A_620 = tpu.memref_slice %arg23[%dma_wait3A_618, %dma_wait3A_619] : memref<80x128xf32, #tpu.memory_space<vmem>> -> memref<16x128xf32, #tpu.memory_space<vmem>>
        tpu.wait_dma2 semaphore(%run_scoped3A : memref<!tpu.dma_semaphore, #tpu.memory_space<semaphore_mem>>) src(%dma_wait3A_620 : memref<16x128xf32, #tpu.memory_space<vmem>>) dst(%dma_wait3A_617 : memref<16x128xf32, #tpu.memory_space<vmem_shared>>)
        tpu.yield
      }) : () -> ()
    } else {
    }
    %barrier3A = arith.constant 0 : index
    tpu.barrier barrier_id(%barrier3A)
    %add3A_33 = arith.constant 0 : i32
    %add3A_34 = arith.addi %mul3A_2, %add3A_33 : i32
    %dma_start3A = tpu.memref_slice %arg2[%add3A_34] : memref<320000xi32, #tpu.memory_space<hbm>> -> memref<80xi32, #tpu.memory_space<hbm>>
    %dma_start3A_35 = tpu.memref_slice %arg2[%add3A_34] : memref<320000xi32, #tpu.memory_space<hbm>> -> memref<80xi32, #tpu.memory_space<hbm>>
    tpu.enqueue_dma source(%dma_start3A_35 : memref<80xi32, #tpu.memory_space<hbm>>) target(%arg7 : memref<80xi32, #tpu.memory_space<vmem>>) target_semaphore(%arg27 : memref<!tpu.dma_semaphore, #tpu.memory_space<semaphore_mem>>)
    %dma_start3A_36 = tpu.memref_slice %arg3[%add3A_34] : memref<320000xi32, #tpu.memory_space<hbm>> -> memref<80xi32, #tpu.memory_space<hbm>>
    %dma_start3A_37 = tpu.memref_slice %arg3[%add3A_34] : memref<320000xi32, #tpu.memory_space<hbm>> -> memref<80xi32, #tpu.memory_space<hbm>>
    tpu.enqueue_dma source(%dma_start3A_37 : memref<80xi32, #tpu.memory_space<hbm>>) target(%arg15 : memref<80xi32, #tpu.memory_space<vmem>>) target_semaphore(%arg27 : memref<!tpu.dma_semaphore, #tpu.memory_space<semaphore_mem>>)
    %add3A_38 = arith.constant 80 : i32
    %add3A_39 = arith.addi %mul3A_2, %add3A_38 : i32
    %dma_start3A_40 = tpu.memref_slice %arg2[%add3A_39] : memref<320000xi32, #tpu.memory_space<hbm>> -> memref<80xi32, #tpu.memory_space<hbm>>
    %dma_start3A_41 = tpu.memref_slice %arg2[%add3A_39] : memref<320000xi32, #tpu.memory_space<hbm>> -> memref<80xi32, #tpu.memory_space<hbm>>
    tpu.enqueue_dma source(%dma_start3A_41 : memref<80xi32, #tpu.memory_space<hbm>>) target(%arg8 : memref<80xi32, #tpu.memory_space<vmem>>) target_semaphore(%arg28 : memref<!tpu.dma_semaphore, #tpu.memory_space<semaphore_mem>>)
    %dma_start3A_42 = tpu.memref_slice %arg3[%add3A_39] : memref<320000xi32, #tpu.memory_space<hbm>> -> memref<80xi32, #tpu.memory_space<hbm>>
    %dma_start3A_43 = tpu.memref_slice %arg3[%add3A_39] : memref<320000xi32, #tpu.memory_space<hbm>> -> memref<80xi32, #tpu.memory_space<hbm>>
    tpu.enqueue_dma source(%dma_start3A_43 : memref<80xi32, #tpu.memory_space<hbm>>) target(%arg16 : memref<80xi32, #tpu.memory_space<vmem>>) target_semaphore(%arg28 : memref<!tpu.dma_semaphore, #tpu.memory_space<semaphore_mem>>)
    %add3A_44 = arith.constant 160 : i32
    %add3A_45 = arith.addi %mul3A_2, %add3A_44 : i32
    %dma_start3A_46 = tpu.memref_slice %arg2[%add3A_45] : memref<320000xi32, #tpu.memory_space<hbm>> -> memref<80xi32, #tpu.memory_space<hbm>>
    %dma_start3A_47 = tpu.memref_slice %arg2[%add3A_45] : memref<320000xi32, #tpu.memory_space<hbm>> -> memref<80xi32, #tpu.memory_space<hbm>>
    tpu.enqueue_dma source(%dma_start3A_47 : memref<80xi32, #tpu.memory_space<hbm>>) target(%arg9 : memref<80xi32, #tpu.memory_space<vmem>>) target_semaphore(%arg29 : memref<!tpu.dma_semaphore, #tpu.memory_space<semaphore_mem>>)
    %dma_start3A_48 = tpu.memref_slice %arg3[%add3A_45] : memref<320000xi32, #tpu.memory_space<hbm>> -> memref<80xi32, #tpu.memory_space<hbm>>
    %dma_start3A_49 = tpu.memref_slice %arg3[%add3A_45] : memref<320000xi32, #tpu.memory_space<hbm>> -> memref<80xi32, #tpu.memory_space<hbm>>
    tpu.enqueue_dma source(%dma_start3A_49 : memref<80xi32, #tpu.memory_space<hbm>>) target(%arg17 : memref<80xi32, #tpu.memory_space<vmem>>) target_semaphore(%arg29 : memref<!tpu.dma_semaphore, #tpu.memory_space<semaphore_mem>>)
    %add3A_50 = arith.constant 240 : i32
    %add3A_51 = arith.addi %mul3A_2, %add3A_50 : i32
    %dma_start3A_52 = tpu.memref_slice %arg2[%add3A_51] : memref<320000xi32, #tpu.memory_space<hbm>> -> memref<80xi32, #tpu.memory_space<hbm>>
    %dma_start3A_53 = tpu.memref_slice %arg2[%add3A_51] : memref<320000xi32, #tpu.memory_space<hbm>> -> memref<80xi32, #tpu.memory_space<hbm>>
    tpu.enqueue_dma source(%dma_start3A_53 : memref<80xi32, #tpu.memory_space<hbm>>) target(%arg10 : memref<80xi32, #tpu.memory_space<vmem>>) target_semaphore(%arg30 : memref<!tpu.dma_semaphore, #tpu.memory_space<semaphore_mem>>)
    %dma_start3A_54 = tpu.memref_slice %arg3[%add3A_51] : memref<320000xi32, #tpu.memory_space<hbm>> -> memref<80xi32, #tpu.memory_space<hbm>>
    %dma_start3A_55 = tpu.memref_slice %arg3[%add3A_51] : memref<320000xi32, #tpu.memory_space<hbm>> -> memref<80xi32, #tpu.memory_space<hbm>>
    tpu.enqueue_dma source(%dma_start3A_55 : memref<80xi32, #tpu.memory_space<hbm>>) target(%arg18 : memref<80xi32, #tpu.memory_space<vmem>>) target_semaphore(%arg30 : memref<!tpu.dma_semaphore, #tpu.memory_space<semaphore_mem>>)
    %add3A_56 = arith.constant 320 : i32
    %add3A_57 = arith.addi %mul3A_2, %add3A_56 : i32
    %dma_start3A_58 = tpu.memref_slice %arg2[%add3A_57] : memref<320000xi32, #tpu.memory_space<hbm>> -> memref<80xi32, #tpu.memory_space<hbm>>
    %dma_start3A_59 = tpu.memref_slice %arg2[%add3A_57] : memref<320000xi32, #tpu.memory_space<hbm>> -> memref<80xi32, #tpu.memory_space<hbm>>
    tpu.enqueue_dma source(%dma_start3A_59 : memref<80xi32, #tpu.memory_space<hbm>>) target(%arg11 : memref<80xi32, #tpu.memory_space<vmem>>) target_semaphore(%arg31 : memref<!tpu.dma_semaphore, #tpu.memory_space<semaphore_mem>>)
    %dma_start3A_60 = tpu.memref_slice %arg3[%add3A_57] : memref<320000xi32, #tpu.memory_space<hbm>> -> memref<80xi32, #tpu.memory_space<hbm>>
    %dma_start3A_61 = tpu.memref_slice %arg3[%add3A_57] : memref<320000xi32, #tpu.memory_space<hbm>> -> memref<80xi32, #tpu.memory_space<hbm>>
    tpu.enqueue_dma source(%dma_start3A_61 : memref<80xi32, #tpu.memory_space<hbm>>) target(%arg19 : memref<80xi32, #tpu.memory_space<vmem>>) target_semaphore(%arg31 : memref<!tpu.dma_semaphore, #tpu.memory_space<semaphore_mem>>)
    %add3A_62 = arith.constant 0 : i32
    %add3A_63 = arith.addi %mul3A_2, %add3A_62 : i32
    %dma_wait3A = tpu.memref_slice %arg2[%add3A_63] : memref<320000xi32, #tpu.memory_space<hbm>> -> memref<80xi32, #tpu.memory_space<hbm>>
    %dma_wait3A_64 = tpu.memref_slice %arg2[%add3A_63] : memref<320000xi32, #tpu.memory_space<hbm>> -> memref<80xi32, #tpu.memory_space<hbm>>
    tpu.wait_dma2 semaphore(%arg27 : memref<!tpu.dma_semaphore, #tpu.memory_space<semaphore_mem>>) src(%dma_wait3A_64 : memref<80xi32, #tpu.memory_space<hbm>>) dst(%arg7 : memref<80xi32, #tpu.memory_space<vmem>>)
    %dma_wait3A_65 = tpu.memref_slice %arg3[%add3A_63] : memref<320000xi32, #tpu.memory_space<hbm>> -> memref<80xi32, #tpu.memory_space<hbm>>
    %dma_wait3A_66 = tpu.memref_slice %arg3[%add3A_63] : memref<320000xi32, #tpu.memory_space<hbm>> -> memref<80xi32, #tpu.memory_space<hbm>>
    tpu.wait_dma2 semaphore(%arg27 : memref<!tpu.dma_semaphore, #tpu.memory_space<semaphore_mem>>) src(%dma_wait3A_66 : memref<80xi32, #tpu.memory_space<hbm>>) dst(%arg15 : memref<80xi32, #tpu.memory_space<vmem>>)
    %dma_start3A_67 = arith.constant 0 : i32
    %dma_start3A_68 = arith.constant 0 : i32
    %dma_start3A_69 = tpu.memref_slice %arg4[%dma_start3A_67, %dma_start3A_68] : memref<10000x128xf32, #tpu.memory_space<hbm>> -> memref<10000x128xf32, #tpu.memory_space<hbm>>
    tpu.enqueue_indirect_dma source(%dma_start3A_69 : memref<10000x128xf32, #tpu.memory_space<hbm>>) target(%arg23 : memref<80x128xf32, #tpu.memory_space<vmem>>) offsets(%arg7 : memref<80xi32, #tpu.memory_space<vmem>>) semaphore(%arg35 : memref<!tpu.dma_semaphore, #tpu.memory_space<semaphore_mem>>)
    %add3A_70 = arith.constant 400 : i32
    %add3A_71 = arith.addi %mul3A_2, %add3A_70 : i32
    %dma_start3A_72 = tpu.memref_slice %arg2[%add3A_71] : memref<320000xi32, #tpu.memory_space<hbm>> -> memref<80xi32, #tpu.memory_space<hbm>>
    %dma_start3A_73 = tpu.memref_slice %arg2[%add3A_71] : memref<320000xi32, #tpu.memory_space<hbm>> -> memref<80xi32, #tpu.memory_space<hbm>>
    tpu.enqueue_dma source(%dma_start3A_73 : memref<80xi32, #tpu.memory_space<hbm>>) target(%arg12 : memref<80xi32, #tpu.memory_space<vmem>>) target_semaphore(%arg32 : memref<!tpu.dma_semaphore, #tpu.memory_space<semaphore_mem>>)
    %dma_start3A_74 = tpu.memref_slice %arg3[%add3A_71] : memref<320000xi32, #tpu.memory_space<hbm>> -> memref<80xi32, #tpu.memory_space<hbm>>
    %dma_start3A_75 = tpu.memref_slice %arg3[%add3A_71] : memref<320000xi32, #tpu.memory_space<hbm>> -> memref<80xi32, #tpu.memory_space<hbm>>
    tpu.enqueue_dma source(%dma_start3A_75 : memref<80xi32, #tpu.memory_space<hbm>>) target(%arg20 : memref<80xi32, #tpu.memory_space<vmem>>) target_semaphore(%arg32 : memref<!tpu.dma_semaphore, #tpu.memory_space<semaphore_mem>>)
    %add3A_76 = arith.constant 80 : i32
    %add3A_77 = arith.addi %mul3A_2, %add3A_76 : i32
    %dma_wait3A_78 = tpu.memref_slice %arg2[%add3A_77] : memref<320000xi32, #tpu.memory_space<hbm>> -> memref<80xi32, #tpu.memory_space<hbm>>
    %dma_wait3A_79 = tpu.memref_slice %arg2[%add3A_77] : memref<320000xi32, #tpu.memory_space<hbm>> -> memref<80xi32, #tpu.memory_space<hbm>>
    tpu.wait_dma2 semaphore(%arg28 : memref<!tpu.dma_semaphore, #tpu.memory_space<semaphore_mem>>) src(%dma_wait3A_79 : memref<80xi32, #tpu.memory_space<hbm>>) dst(%arg8 : memref<80xi32, #tpu.memory_space<vmem>>)
    %dma_wait3A_80 = tpu.memref_slice %arg3[%add3A_77] : memref<320000xi32, #tpu.memory_space<hbm>> -> memref<80xi32, #tpu.memory_space<hbm>>
    %dma_wait3A_81 = tpu.memref_slice %arg3[%add3A_77] : memref<320000xi32, #tpu.memory_space<hbm>> -> memref<80xi32, #tpu.memory_space<hbm>>
    tpu.wait_dma2 semaphore(%arg28 : memref<!tpu.dma_semaphore, #tpu.memory_space<semaphore_mem>>) src(%dma_wait3A_81 : memref<80xi32, #tpu.memory_space<hbm>>) dst(%arg16 : memref<80xi32, #tpu.memory_space<vmem>>)
    %dma_start3A_82 = arith.constant 0 : i32
    %dma_start3A_83 = arith.constant 0 : i32
    %dma_start3A_84 = tpu.memref_slice %arg4[%dma_start3A_82, %dma_start3A_83] : memref<10000x128xf32, #tpu.memory_space<hbm>> -> memref<10000x128xf32, #tpu.memory_space<hbm>>
    tpu.enqueue_indirect_dma source(%dma_start3A_84 : memref<10000x128xf32, #tpu.memory_space<hbm>>) target(%arg24 : memref<80x128xf32, #tpu.memory_space<vmem>>) offsets(%arg8 : memref<80xi32, #tpu.memory_space<vmem>>) semaphore(%arg36 : memref<!tpu.dma_semaphore, #tpu.memory_space<semaphore_mem>>)
    %add3A_85 = arith.constant 480 : i32
    %add3A_86 = arith.addi %mul3A_2, %add3A_85 : i32
    %dma_start3A_87 = tpu.memref_slice %arg2[%add3A_86] : memref<320000xi32, #tpu.memory_space<hbm>> -> memref<80xi32, #tpu.memory_space<hbm>>
    %dma_start3A_88 = tpu.memref_slice %arg2[%add3A_86] : memref<320000xi32, #tpu.memory_space<hbm>> -> memref<80xi32, #tpu.memory_space<hbm>>
    tpu.enqueue_dma source(%dma_start3A_88 : memref<80xi32, #tpu.memory_space<hbm>>) target(%arg13 : memref<80xi32, #tpu.memory_space<vmem>>) target_semaphore(%arg33 : memref<!tpu.dma_semaphore, #tpu.memory_space<semaphore_mem>>)
    %dma_start3A_89 = tpu.memref_slice %arg3[%add3A_86] : memref<320000xi32, #tpu.memory_space<hbm>> -> memref<80xi32, #tpu.memory_space<hbm>>
    %dma_start3A_90 = tpu.memref_slice %arg3[%add3A_86] : memref<320000xi32, #tpu.memory_space<hbm>> -> memref<80xi32, #tpu.memory_space<hbm>>
    tpu.enqueue_dma source(%dma_start3A_90 : memref<80xi32, #tpu.memory_space<hbm>>) target(%arg21 : memref<80xi32, #tpu.memory_space<vmem>>) target_semaphore(%arg33 : memref<!tpu.dma_semaphore, #tpu.memory_space<semaphore_mem>>)
    %add3A_91 = arith.constant 160 : i32
    %add3A_92 = arith.addi %mul3A_2, %add3A_91 : i32
    %dma_wait3A_93 = tpu.memref_slice %arg2[%add3A_92] : memref<320000xi32, #tpu.memory_space<hbm>> -> memref<80xi32, #tpu.memory_space<hbm>>
    %dma_wait3A_94 = tpu.memref_slice %arg2[%add3A_92] : memref<320000xi32, #tpu.memory_space<hbm>> -> memref<80xi32, #tpu.memory_space<hbm>>
    tpu.wait_dma2 semaphore(%arg29 : memref<!tpu.dma_semaphore, #tpu.memory_space<semaphore_mem>>) src(%dma_wait3A_94 : memref<80xi32, #tpu.memory_space<hbm>>) dst(%arg9 : memref<80xi32, #tpu.memory_space<vmem>>)
    %dma_wait3A_95 = tpu.memref_slice %arg3[%add3A_92] : memref<320000xi32, #tpu.memory_space<hbm>> -> memref<80xi32, #tpu.memory_space<hbm>>
    %dma_wait3A_96 = tpu.memref_slice %arg3[%add3A_92] : memref<320000xi32, #tpu.memory_space<hbm>> -> memref<80xi32, #tpu.memory_space<hbm>>
    tpu.wait_dma2 semaphore(%arg29 : memref<!tpu.dma_semaphore, #tpu.memory_space<semaphore_mem>>) src(%dma_wait3A_96 : memref<80xi32, #tpu.memory_space<hbm>>) dst(%arg17 : memref<80xi32, #tpu.memory_space<vmem>>)
    %dma_start3A_97 = arith.constant 0 : i32
    %dma_start3A_98 = arith.constant 0 : i32
    %dma_start3A_99 = tpu.memref_slice %arg4[%dma_start3A_97, %dma_start3A_98] : memref<10000x128xf32, #tpu.memory_space<hbm>> -> memref<10000x128xf32, #tpu.memory_space<hbm>>
    tpu.enqueue_indirect_dma source(%dma_start3A_99 : memref<10000x128xf32, #tpu.memory_space<hbm>>) target(%arg25 : memref<80x128xf32, #tpu.memory_space<vmem>>) offsets(%arg9 : memref<80xi32, #tpu.memory_space<vmem>>) semaphore(%arg37 : memref<!tpu.dma_semaphore, #tpu.memory_space<semaphore_mem>>)
    %dma_wait3A_100 = arith.constant 0 : i32
    %dma_wait3A_101 = arith.constant 0 : i32
    %dma_wait3A_102 = tpu.memref_slice %arg4[%dma_wait3A_100, %dma_wait3A_101] : memref<10000x128xf32, #tpu.memory_space<hbm>> -> memref<10000x128xf32, #tpu.memory_space<hbm>>
    tpu.wait_indirect_dma semaphore(%arg35 : memref<!tpu.dma_semaphore, #tpu.memory_space<semaphore_mem>>) src(%dma_wait3A_102 : memref<10000x128xf32, #tpu.memory_space<hbm>>) dst(%arg23 : memref<80x128xf32, #tpu.memory_space<vmem>>)
    %dma_start3A_103 = arith.constant 0 : i32
    %dma_start3A_104 = arith.constant 0 : i32
    %dma_start3A_105 = tpu.memref_slice %arg43[%dma_start3A_103, %dma_start3A_104] : memref<10000x128xf32, #tpu.memory_space<vmem_shared>> -> memref<10000x128xf32, #tpu.memory_space<vmem_shared>>
    tpu.enqueue_indirect_dma source(%arg23 : memref<80x128xf32, #tpu.memory_space<vmem>>) target(%dma_start3A_105 : memref<10000x128xf32, #tpu.memory_space<vmem_shared>>) offsets(%arg15 : memref<80xi32, #tpu.memory_space<vmem>>) semaphore(%arg39 : memref<!tpu.dma_semaphore, #tpu.memory_space<semaphore_mem>>) {add = true}
    %add3A_106 = arith.constant 560 : i32
    %add3A_107 = arith.addi %mul3A_2, %add3A_106 : i32
    %dma_start3A_108 = tpu.memref_slice %arg2[%add3A_107] : memref<320000xi32, #tpu.memory_space<hbm>> -> memref<80xi32, #tpu.memory_space<hbm>>
    %dma_start3A_109 = tpu.memref_slice %arg2[%add3A_107] : memref<320000xi32, #tpu.memory_space<hbm>> -> memref<80xi32, #tpu.memory_space<hbm>>
    tpu.enqueue_dma source(%dma_start3A_109 : memref<80xi32, #tpu.memory_space<hbm>>) target(%arg14 : memref<80xi32, #tpu.memory_space<vmem>>) target_semaphore(%arg34 : memref<!tpu.dma_semaphore, #tpu.memory_space<semaphore_mem>>)
    %dma_start3A_110 = tpu.memref_slice %arg3[%add3A_107] : memref<320000xi32, #tpu.memory_space<hbm>> -> memref<80xi32, #tpu.memory_space<hbm>>
    %dma_start3A_111 = tpu.memref_slice %arg3[%add3A_107] : memref<320000xi32, #tpu.memory_space<hbm>> -> memref<80xi32, #tpu.memory_space<hbm>>
    tpu.enqueue_dma source(%dma_start3A_111 : memref<80xi32, #tpu.memory_space<hbm>>) target(%arg22 : memref<80xi32, #tpu.memory_space<vmem>>) target_semaphore(%arg34 : memref<!tpu.dma_semaphore, #tpu.memory_space<semaphore_mem>>)
    %add3A_112 = arith.constant 240 : i32
    %add3A_113 = arith.addi %mul3A_2, %add3A_112 : i32
    %dma_wait3A_114 = tpu.memref_slice %arg2[%add3A_113] : memref<320000xi32, #tpu.memory_space<hbm>> -> memref<80xi32, #tpu.memory_space<hbm>>
    %dma_wait3A_115 = tpu.memref_slice %arg2[%add3A_113] : memref<320000xi32, #tpu.memory_space<hbm>> -> memref<80xi32, #tpu.memory_space<hbm>>
    tpu.wait_dma2 semaphore(%arg30 : memref<!tpu.dma_semaphore, #tpu.memory_space<semaphore_mem>>) src(%dma_wait3A_115 : memref<80xi32, #tpu.memory_space<hbm>>) dst(%arg10 : memref<80xi32, #tpu.memory_space<vmem>>)
    %dma_wait3A_116 = tpu.memref_slice %arg3[%add3A_113] : memref<320000xi32, #tpu.memory_space<hbm>> -> memref<80xi32, #tpu.memory_space<hbm>>
    %dma_wait3A_117 = tpu.memref_slice %arg3[%add3A_113] : memref<320000xi32, #tpu.memory_space<hbm>> -> memref<80xi32, #tpu.memory_space<hbm>>
    tpu.wait_dma2 semaphore(%arg30 : memref<!tpu.dma_semaphore, #tpu.memory_space<semaphore_mem>>) src(%dma_wait3A_117 : memref<80xi32, #tpu.memory_space<hbm>>) dst(%arg18 : memref<80xi32, #tpu.memory_space<vmem>>)
    %dma_start3A_118 = arith.constant 0 : i32
    %dma_start3A_119 = arith.constant 0 : i32
    %dma_start3A_120 = tpu.memref_slice %arg4[%dma_start3A_118, %dma_start3A_119] : memref<10000x128xf32, #tpu.memory_space<hbm>> -> memref<10000x128xf32, #tpu.memory_space<hbm>>
    tpu.enqueue_indirect_dma source(%dma_start3A_120 : memref<10000x128xf32, #tpu.memory_space<hbm>>) target(%arg26 : memref<80x128xf32, #tpu.memory_space<vmem>>) offsets(%arg10 : memref<80xi32, #tpu.memory_space<vmem>>) semaphore(%arg38 : memref<!tpu.dma_semaphore, #tpu.memory_space<semaphore_mem>>)
    %dma_wait3A_121 = arith.constant 0 : i32
    %dma_wait3A_122 = arith.constant 0 : i32
    %dma_wait3A_123 = tpu.memref_slice %arg4[%dma_wait3A_121, %dma_wait3A_122] : memref<10000x128xf32, #tpu.memory_space<hbm>> -> memref<10000x128xf32, #tpu.memory_space<hbm>>
    tpu.wait_indirect_dma semaphore(%arg36 : memref<!tpu.dma_semaphore, #tpu.memory_space<semaphore_mem>>) src(%dma_wait3A_123 : memref<10000x128xf32, #tpu.memory_space<hbm>>) dst(%arg24 : memref<80x128xf32, #tpu.memory_space<vmem>>)
    %dma_start3A_124 = arith.constant 0 : i32
    %dma_start3A_125 = arith.constant 0 : i32
    %dma_start3A_126 = tpu.memref_slice %arg43[%dma_start3A_124, %dma_start3A_125] : memref<10000x128xf32, #tpu.memory_space<vmem_shared>> -> memref<10000x128xf32, #tpu.memory_space<vmem_shared>>
    tpu.enqueue_indirect_dma source(%arg24 : memref<80x128xf32, #tpu.memory_space<vmem>>) target(%dma_start3A_126 : memref<10000x128xf32, #tpu.memory_space<vmem_shared>>) offsets(%arg16 : memref<80xi32, #tpu.memory_space<vmem>>) semaphore(%arg40 : memref<!tpu.dma_semaphore, #tpu.memory_space<semaphore_mem>>) {add = true}
    %dma_wait3A_127 = arith.constant 0 : i32
    %dma_wait3A_128 = arith.constant 0 : i32
    %dma_wait3A_129 = tpu.memref_slice %arg43[%dma_wait3A_127, %dma_wait3A_128] : memref<10000x128xf32, #tpu.memory_space<vmem_shared>> -> memref<10000x128xf32, #tpu.memory_space<vmem_shared>>
    tpu.wait_indirect_dma semaphore(%arg39 : memref<!tpu.dma_semaphore, #tpu.memory_space<semaphore_mem>>) src(%arg23 : memref<80x128xf32, #tpu.memory_space<vmem>>) dst(%dma_wait3A_129 : memref<10000x128xf32, #tpu.memory_space<vmem_shared>>)
    %add3A_130 = arith.constant 640 : i32
    %add3A_131 = arith.addi %mul3A_2, %add3A_130 : i32
    %dma_start3A_132 = tpu.memref_slice %arg2[%add3A_131] : memref<320000xi32, #tpu.memory_space<hbm>> -> memref<80xi32, #tpu.memory_space<hbm>>
    %dma_start3A_133 = tpu.memref_slice %arg2[%add3A_131] : memref<320000xi32, #tpu.memory_space<hbm>> -> memref<80xi32, #tpu.memory_space<hbm>>
    tpu.enqueue_dma source(%dma_start3A_133 : memref<80xi32, #tpu.memory_space<hbm>>) target(%arg7 : memref<80xi32, #tpu.memory_space<vmem>>) target_semaphore(%arg27 : memref<!tpu.dma_semaphore, #tpu.memory_space<semaphore_mem>>)
    %dma_start3A_134 = tpu.memref_slice %arg3[%add3A_131] : memref<320000xi32, #tpu.memory_space<hbm>> -> memref<80xi32, #tpu.memory_space<hbm>>
    %dma_start3A_135 = tpu.memref_slice %arg3[%add3A_131] : memref<320000xi32, #tpu.memory_space<hbm>> -> memref<80xi32, #tpu.memory_space<hbm>>
    tpu.enqueue_dma source(%dma_start3A_135 : memref<80xi32, #tpu.memory_space<hbm>>) target(%arg15 : memref<80xi32, #tpu.memory_space<vmem>>) target_semaphore(%arg27 : memref<!tpu.dma_semaphore, #tpu.memory_space<semaphore_mem>>)
    %add3A_136 = arith.constant 320 : i32
    %add3A_137 = arith.addi %mul3A_2, %add3A_136 : i32
    %dma_wait3A_138 = tpu.memref_slice %arg2[%add3A_137] : memref<320000xi32, #tpu.memory_space<hbm>> -> memref<80xi32, #tpu.memory_space<hbm>>
    %dma_wait3A_139 = tpu.memref_slice %arg2[%add3A_137] : memref<320000xi32, #tpu.memory_space<hbm>> -> memref<80xi32, #tpu.memory_space<hbm>>
    tpu.wait_dma2 semaphore(%arg31 : memref<!tpu.dma_semaphore, #tpu.memory_space<semaphore_mem>>) src(%dma_wait3A_139 : memref<80xi32, #tpu.memory_space<hbm>>) dst(%arg11 : memref<80xi32, #tpu.memory_space<vmem>>)
    %dma_wait3A_140 = tpu.memref_slice %arg3[%add3A_137] : memref<320000xi32, #tpu.memory_space<hbm>> -> memref<80xi32, #tpu.memory_space<hbm>>
    %dma_wait3A_141 = tpu.memref_slice %arg3[%add3A_137] : memref<320000xi32, #tpu.memory_space<hbm>> -> memref<80xi32, #tpu.memory_space<hbm>>
    tpu.wait_dma2 semaphore(%arg31 : memref<!tpu.dma_semaphore, #tpu.memory_space<semaphore_mem>>) src(%dma_wait3A_141 : memref<80xi32, #tpu.memory_space<hbm>>) dst(%arg19 : memref<80xi32, #tpu.memory_space<vmem>>)
    %dma_start3A_142 = arith.constant 0 : i32
    %dma_start3A_143 = arith.constant 0 : i32
    %dma_start3A_144 = tpu.memref_slice %arg4[%dma_start3A_142, %dma_start3A_143] : memref<10000x128xf32, #tpu.memory_space<hbm>> -> memref<10000x128xf32, #tpu.memory_space<hbm>>
    tpu.enqueue_indirect_dma source(%dma_start3A_144 : memref<10000x128xf32, #tpu.memory_space<hbm>>) target(%arg23 : memref<80x128xf32, #tpu.memory_space<vmem>>) offsets(%arg11 : memref<80xi32, #tpu.memory_space<vmem>>) semaphore(%arg35 : memref<!tpu.dma_semaphore, #tpu.memory_space<semaphore_mem>>)
    %dma_wait3A_145 = arith.constant 0 : i32
    %dma_wait3A_146 = arith.constant 0 : i32
    %dma_wait3A_147 = tpu.memref_slice %arg4[%dma_wait3A_145, %dma_wait3A_146] : memref<10000x128xf32, #tpu.memory_space<hbm>> -> memref<10000x128xf32, #tpu.memory_space<hbm>>
    tpu.wait_indirect_dma semaphore(%arg37 : memref<!tpu.dma_semaphore, #tpu.memory_space<semaphore_mem>>) src(%dma_wait3A_147 : memref<10000x128xf32, #tpu.memory_space<hbm>>) dst(%arg25 : memref<80x128xf32, #tpu.memory_space<vmem>>)
    %dma_start3A_148 = arith.constant 0 : i32
    %dma_start3A_149 = arith.constant 0 : i32
    %dma_start3A_150 = tpu.memref_slice %arg43[%dma_start3A_148, %dma_start3A_149] : memref<10000x128xf32, #tpu.memory_space<vmem_shared>> -> memref<10000x128xf32, #tpu.memory_space<vmem_shared>>
    tpu.enqueue_indirect_dma source(%arg25 : memref<80x128xf32, #tpu.memory_space<vmem>>) target(%dma_start3A_150 : memref<10000x128xf32, #tpu.memory_space<vmem_shared>>) offsets(%arg17 : memref<80xi32, #tpu.memory_space<vmem>>) semaphore(%arg41 : memref<!tpu.dma_semaphore, #tpu.memory_space<semaphore_mem>>) {add = true}
    %dma_wait3A_151 = arith.constant 0 : i32
    %dma_wait3A_152 = arith.constant 0 : i32
    %dma_wait3A_153 = tpu.memref_slice %arg43[%dma_wait3A_151, %dma_wait3A_152] : memref<10000x128xf32, #tpu.memory_space<vmem_shared>> -> memref<10000x128xf32, #tpu.memory_space<vmem_shared>>
    tpu.wait_indirect_dma semaphore(%arg40 : memref<!tpu.dma_semaphore, #tpu.memory_space<semaphore_mem>>) src(%arg24 : memref<80x128xf32, #tpu.memory_space<vmem>>) dst(%dma_wait3A_153 : memref<10000x128xf32, #tpu.memory_space<vmem_shared>>)
    %add3A_154 = arith.constant 720 : i32
    %add3A_155 = arith.addi %mul3A_2, %add3A_154 : i32
    %dma_start3A_156 = tpu.memref_slice %arg2[%add3A_155] : memref<320000xi32, #tpu.memory_space<hbm>> -> memref<80xi32, #tpu.memory_space<hbm>>
    %dma_start3A_157 = tpu.memref_slice %arg2[%add3A_155] : memref<320000xi32, #tpu.memory_space<hbm>> -> memref<80xi32, #tpu.memory_space<hbm>>
    tpu.enqueue_dma source(%dma_start3A_157 : memref<80xi32, #tpu.memory_space<hbm>>) target(%arg8 : memref<80xi32, #tpu.memory_space<vmem>>) target_semaphore(%arg28 : memref<!tpu.dma_semaphore, #tpu.memory_space<semaphore_mem>>)
    %dma_start3A_158 = tpu.memref_slice %arg3[%add3A_155] : memref<320000xi32, #tpu.memory_space<hbm>> -> memref<80xi32, #tpu.memory_space<hbm>>
    %dma_start3A_159 = tpu.memref_slice %arg3[%add3A_155] : memref<320000xi32, #tpu.memory_space<hbm>> -> memref<80xi32, #tpu.memory_space<hbm>>
    tpu.enqueue_dma source(%dma_start3A_159 : memref<80xi32, #tpu.memory_space<hbm>>) target(%arg16 : memref<80xi32, #tpu.memory_space<vmem>>) target_semaphore(%arg28 : memref<!tpu.dma_semaphore, #tpu.memory_space<semaphore_mem>>)
    %add3A_160 = arith.constant 400 : i32
    %add3A_161 = arith.addi %mul3A_2, %add3A_160 : i32
    %dma_wait3A_162 = tpu.memref_slice %arg2[%add3A_161] : memref<320000xi32, #tpu.memory_space<hbm>> -> memref<80xi32, #tpu.memory_space<hbm>>
    %dma_wait3A_163 = tpu.memref_slice %arg2[%add3A_161] : memref<320000xi32, #tpu.memory_space<hbm>> -> memref<80xi32, #tpu.memory_space<hbm>>
    tpu.wait_dma2 semaphore(%arg32 : memref<!tpu.dma_semaphore, #tpu.memory_space<semaphore_mem>>) src(%dma_wait3A_163 : memref<80xi32, #tpu.memory_space<hbm>>) dst(%arg12 : memref<80xi32, #tpu.memory_space<vmem>>)
    %dma_wait3A_164 = tpu.memref_slice %arg3[%add3A_161] : memref<320000xi32, #tpu.memory_space<hbm>> -> memref<80xi32, #tpu.memory_space<hbm>>
    %dma_wait3A_165 = tpu.memref_slice %arg3[%add3A_161] : memref<320000xi32, #tpu.memory_space<hbm>> -> memref<80xi32, #tpu.memory_space<hbm>>
    tpu.wait_dma2 semaphore(%arg32 : memref<!tpu.dma_semaphore, #tpu.memory_space<semaphore_mem>>) src(%dma_wait3A_165 : memref<80xi32, #tpu.memory_space<hbm>>) dst(%arg20 : memref<80xi32, #tpu.memory_space<vmem>>)
    %dma_start3A_166 = arith.constant 0 : i32
    %dma_start3A_167 = arith.constant 0 : i32
    %dma_start3A_168 = tpu.memref_slice %arg4[%dma_start3A_166, %dma_start3A_167] : memref<10000x128xf32, #tpu.memory_space<hbm>> -> memref<10000x128xf32, #tpu.memory_space<hbm>>
    tpu.enqueue_indirect_dma source(%dma_start3A_168 : memref<10000x128xf32, #tpu.memory_space<hbm>>) target(%arg24 : memref<80x128xf32, #tpu.memory_space<vmem>>) offsets(%arg12 : memref<80xi32, #tpu.memory_space<vmem>>) semaphore(%arg36 : memref<!tpu.dma_semaphore, #tpu.memory_space<semaphore_mem>>)
    %dma_wait3A_169 = arith.constant 0 : i32
    %dma_wait3A_170 = arith.constant 0 : i32
    %dma_wait3A_171 = tpu.memref_slice %arg4[%dma_wait3A_169, %dma_wait3A_170] : memref<10000x128xf32, #tpu.memory_space<hbm>> -> memref<10000x128xf32, #tpu.memory_space<hbm>>
    tpu.wait_indirect_dma semaphore(%arg38 : memref<!tpu.dma_semaphore, #tpu.memory_space<semaphore_mem>>) src(%dma_wait3A_171 : memref<10000x128xf32, #tpu.memory_space<hbm>>) dst(%arg26 : memref<80x128xf32, #tpu.memory_space<vmem>>)
    %dma_start3A_172 = arith.constant 0 : i32
    %dma_start3A_173 = arith.constant 0 : i32
    %dma_start3A_174 = tpu.memref_slice %arg43[%dma_start3A_172, %dma_start3A_173] : memref<10000x128xf32, #tpu.memory_space<vmem_shared>> -> memref<10000x128xf32, #tpu.memory_space<vmem_shared>>
    tpu.enqueue_indirect_dma source(%arg26 : memref<80x128xf32, #tpu.memory_space<vmem>>) target(%dma_start3A_174 : memref<10000x128xf32, #tpu.memory_space<vmem_shared>>) offsets(%arg18 : memref<80xi32, #tpu.memory_space<vmem>>) semaphore(%arg42 : memref<!tpu.dma_semaphore, #tpu.memory_space<semaphore_mem>>) {add = true}
    %dma_wait3A_175 = arith.constant 0 : i32
    %dma_wait3A_176 = arith.constant 0 : i32
    %dma_wait3A_177 = tpu.memref_slice %arg43[%dma_wait3A_175, %dma_wait3A_176] : memref<10000x128xf32, #tpu.memory_space<vmem_shared>> -> memref<10000x128xf32, #tpu.memory_space<vmem_shared>>
    tpu.wait_indirect_dma semaphore(%arg41 : memref<!tpu.dma_semaphore, #tpu.memory_space<semaphore_mem>>) src(%arg25 : memref<80x128xf32, #tpu.memory_space<vmem>>) dst(%dma_wait3A_177 : memref<10000x128xf32, #tpu.memory_space<vmem_shared>>)
    %add3A_178 = arith.constant 800 : i32
    %add3A_179 = arith.addi %mul3A_2, %add3A_178 : i32
    %dma_start3A_180 = tpu.memref_slice %arg2[%add3A_179] : memref<320000xi32, #tpu.memory_space<hbm>> -> memref<80xi32, #tpu.memory_space<hbm>>
    %dma_start3A_181 = tpu.memref_slice %arg2[%add3A_179] : memref<320000xi32, #tpu.memory_space<hbm>> -> memref<80xi32, #tpu.memory_space<hbm>>
    tpu.enqueue_dma source(%dma_start3A_181 : memref<80xi32, #tpu.memory_space<hbm>>) target(%arg9 : memref<80xi32, #tpu.memory_space<vmem>>) target_semaphore(%arg29 : memref<!tpu.dma_semaphore, #tpu.memory_space<semaphore_mem>>)
    %dma_start3A_182 = tpu.memref_slice %arg3[%add3A_179] : memref<320000xi32, #tpu.memory_space<hbm>> -> memref<80xi32, #tpu.memory_space<hbm>>
    %dma_start3A_183 = tpu.memref_slice %arg3[%add3A_179] : memref<320000xi32, #tpu.memory_space<hbm>> -> memref<80xi32, #tpu.memory_space<hbm>>
    tpu.enqueue_dma source(%dma_start3A_183 : memref<80xi32, #tpu.memory_space<hbm>>) target(%arg17 : memref<80xi32, #tpu.memory_space<vmem>>) target_semaphore(%arg29 : memref<!tpu.dma_semaphore, #tpu.memory_space<semaphore_mem>>)
    %add3A_184 = arith.constant 480 : i32
    %add3A_185 = arith.addi %mul3A_2, %add3A_184 : i32
    %dma_wait3A_186 = tpu.memref_slice %arg2[%add3A_185] : memref<320000xi32, #tpu.memory_space<hbm>> -> memref<80xi32, #tpu.memory_space<hbm>>
    %dma_wait3A_187 = tpu.memref_slice %arg2[%add3A_185] : memref<320000xi32, #tpu.memory_space<hbm>> -> memref<80xi32, #tpu.memory_space<hbm>>
    tpu.wait_dma2 semaphore(%arg33 : memref<!tpu.dma_semaphore, #tpu.memory_space<semaphore_mem>>) src(%dma_wait3A_187 : memref<80xi32, #tpu.memory_space<hbm>>) dst(%arg13 : memref<80xi32, #tpu.memory_space<vmem>>)
    %dma_wait3A_188 = tpu.memref_slice %arg3[%add3A_185] : memref<320000xi32, #tpu.memory_space<hbm>> -> memref<80xi32, #tpu.memory_space<hbm>>
    %dma_wait3A_189 = tpu.memref_slice %arg3[%add3A_185] : memref<320000xi32, #tpu.memory_space<hbm>> -> memref<80xi32, #tpu.memory_space<hbm>>
    tpu.wait_dma2 semaphore(%arg33 : memref<!tpu.dma_semaphore, #tpu.memory_space<semaphore_mem>>) src(%dma_wait3A_189 : memref<80xi32, #tpu.memory_space<hbm>>) dst(%arg21 : memref<80xi32, #tpu.memory_space<vmem>>)
    %dma_start3A_190 = arith.constant 0 : i32
    %dma_start3A_191 = arith.constant 0 : i32
    %dma_start3A_192 = tpu.memref_slice %arg4[%dma_start3A_190, %dma_start3A_191] : memref<10000x128xf32, #tpu.memory_space<hbm>> -> memref<10000x128xf32, #tpu.memory_space<hbm>>
    tpu.enqueue_indirect_dma source(%dma_start3A_192 : memref<10000x128xf32, #tpu.memory_space<hbm>>) target(%arg25 : memref<80x128xf32, #tpu.memory_space<vmem>>) offsets(%arg13 : memref<80xi32, #tpu.memory_space<vmem>>) semaphore(%arg37 : memref<!tpu.dma_semaphore, #tpu.memory_space<semaphore_mem>>)
    %dma_wait3A_193 = arith.constant 0 : i32
    %dma_wait3A_194 = arith.constant 0 : i32
    %dma_wait3A_195 = tpu.memref_slice %arg4[%dma_wait3A_193, %dma_wait3A_194] : memref<10000x128xf32, #tpu.memory_space<hbm>> -> memref<10000x128xf32, #tpu.memory_space<hbm>>
    tpu.wait_indirect_dma semaphore(%arg35 : memref<!tpu.dma_semaphore, #tpu.memory_space<semaphore_mem>>) src(%dma_wait3A_195 : memref<10000x128xf32, #tpu.memory_space<hbm>>) dst(%arg23 : memref<80x128xf32, #tpu.memory_space<vmem>>)
    %dma_start3A_196 = arith.constant 0 : i32
    %dma_start3A_197 = arith.constant 0 : i32
    %dma_start3A_198 = tpu.memref_slice %arg43[%dma_start3A_196, %dma_start3A_197] : memref<10000x128xf32, #tpu.memory_space<vmem_shared>> -> memref<10000x128xf32, #tpu.memory_space<vmem_shared>>
    tpu.enqueue_indirect_dma source(%arg23 : memref<80x128xf32, #tpu.memory_space<vmem>>) target(%dma_start3A_198 : memref<10000x128xf32, #tpu.memory_space<vmem_shared>>) offsets(%arg19 : memref<80xi32, #tpu.memory_space<vmem>>) semaphore(%arg39 : memref<!tpu.dma_semaphore, #tpu.memory_space<semaphore_mem>>) {add = true}
    %dma_wait3A_199 = arith.constant 0 : i32
    %dma_wait3A_200 = arith.constant 0 : i32
    %dma_wait3A_201 = tpu.memref_slice %arg43[%dma_wait3A_199, %dma_wait3A_200] : memref<10000x128xf32, #tpu.memory_space<vmem_shared>> -> memref<10000x128xf32, #tpu.memory_space<vmem_shared>>
    tpu.wait_indirect_dma semaphore(%arg42 : memref<!tpu.dma_semaphore, #tpu.memory_space<semaphore_mem>>) src(%arg26 : memref<80x128xf32, #tpu.memory_space<vmem>>) dst(%dma_wait3A_201 : memref<10000x128xf32, #tpu.memory_space<vmem_shared>>)
    %add3A_202 = arith.constant 880 : i32
    %add3A_203 = arith.addi %mul3A_2, %add3A_202 : i32
    %dma_start3A_204 = tpu.memref_slice %arg2[%add3A_203] : memref<320000xi32, #tpu.memory_space<hbm>> -> memref<80xi32, #tpu.memory_space<hbm>>
    %dma_start3A_205 = tpu.memref_slice %arg2[%add3A_203] : memref<320000xi32, #tpu.memory_space<hbm>> -> memref<80xi32, #tpu.memory_space<hbm>>
    tpu.enqueue_dma source(%dma_start3A_205 : memref<80xi32, #tpu.memory_space<hbm>>) target(%arg10 : memref<80xi32, #tpu.memory_space<vmem>>) target_semaphore(%arg30 : memref<!tpu.dma_semaphore, #tpu.memory_space<semaphore_mem>>)
    %dma_start3A_206 = tpu.memref_slice %arg3[%add3A_203] : memref<320000xi32, #tpu.memory_space<hbm>> -> memref<80xi32, #tpu.memory_space<hbm>>
    %dma_start3A_207 = tpu.memref_slice %arg3[%add3A_203] : memref<320000xi32, #tpu.memory_space<hbm>> -> memref<80xi32, #tpu.memory_space<hbm>>
    tpu.enqueue_dma source(%dma_start3A_207 : memref<80xi32, #tpu.memory_space<hbm>>) target(%arg18 : memref<80xi32, #tpu.memory_space<vmem>>) target_semaphore(%arg30 : memref<!tpu.dma_semaphore, #tpu.memory_space<semaphore_mem>>)
    %add3A_208 = arith.constant 560 : i32
    %add3A_209 = arith.addi %mul3A_2, %add3A_208 : i32
    %dma_wait3A_210 = tpu.memref_slice %arg2[%add3A_209] : memref<320000xi32, #tpu.memory_space<hbm>> -> memref<80xi32, #tpu.memory_space<hbm>>
    %dma_wait3A_211 = tpu.memref_slice %arg2[%add3A_209] : memref<320000xi32, #tpu.memory_space<hbm>> -> memref<80xi32, #tpu.memory_space<hbm>>
    tpu.wait_dma2 semaphore(%arg34 : memref<!tpu.dma_semaphore, #tpu.memory_space<semaphore_mem>>) src(%dma_wait3A_211 : memref<80xi32, #tpu.memory_space<hbm>>) dst(%arg14 : memref<80xi32, #tpu.memory_space<vmem>>)
    %dma_wait3A_212 = tpu.memref_slice %arg3[%add3A_209] : memref<320000xi32, #tpu.memory_space<hbm>> -> memref<80xi32, #tpu.memory_space<hbm>>
    %dma_wait3A_213 = tpu.memref_slice %arg3[%add3A_209] : memref<320000xi32, #tpu.memory_space<hbm>> -> memref<80xi32, #tpu.memory_space<hbm>>
    tpu.wait_dma2 semaphore(%arg34 : memref<!tpu.dma_semaphore, #tpu.memory_space<semaphore_mem>>) src(%dma_wait3A_213 : memref<80xi32, #tpu.memory_space<hbm>>) dst(%arg22 : memref<80xi32, #tpu.memory_space<vmem>>)
    %dma_start3A_214 = arith.constant 0 : i32
    %dma_start3A_215 = arith.constant 0 : i32
    %dma_start3A_216 = tpu.memref_slice %arg4[%dma_start3A_214, %dma_start3A_215] : memref<10000x128xf32, #tpu.memory_space<hbm>> -> memref<10000x128xf32, #tpu.memory_space<hbm>>
    tpu.enqueue_indirect_dma source(%dma_start3A_216 : memref<10000x128xf32, #tpu.memory_space<hbm>>) target(%arg26 : memref<80x128xf32, #tpu.memory_space<vmem>>) offsets(%arg14 : memref<80xi32, #tpu.memory_space<vmem>>) semaphore(%arg38 : memref<!tpu.dma_semaphore, #tpu.memory_space<semaphore_mem>>)
    %dma_wait3A_217 = arith.constant 0 : i32
    %dma_wait3A_218 = arith.constant 0 : i32
    %dma_wait3A_219 = tpu.memref_slice %arg4[%dma_wait3A_217, %dma_wait3A_218] : memref<10000x128xf32, #tpu.memory_space<hbm>> -> memref<10000x128xf32, #tpu.memory_space<hbm>>
    tpu.wait_indirect_dma semaphore(%arg36 : memref<!tpu.dma_semaphore, #tpu.memory_space<semaphore_mem>>) src(%dma_wait3A_219 : memref<10000x128xf32, #tpu.memory_space<hbm>>) dst(%arg24 : memref<80x128xf32, #tpu.memory_space<vmem>>)
    %dma_start3A_220 = arith.constant 0 : i32
    %dma_start3A_221 = arith.constant 0 : i32
    %dma_start3A_222 = tpu.memref_slice %arg43[%dma_start3A_220, %dma_start3A_221] : memref<10000x128xf32, #tpu.memory_space<vmem_shared>> -> memref<10000x128xf32, #tpu.memory_space<vmem_shared>>
    tpu.enqueue_indirect_dma source(%arg24 : memref<80x128xf32, #tpu.memory_space<vmem>>) target(%dma_start3A_222 : memref<10000x128xf32, #tpu.memory_space<vmem_shared>>) offsets(%arg20 : memref<80xi32, #tpu.memory_space<vmem>>) semaphore(%arg40 : memref<!tpu.dma_semaphore, #tpu.memory_space<semaphore_mem>>) {add = true}
    %dma_wait3A_223 = arith.constant 0 : i32
    %dma_wait3A_224 = arith.constant 0 : i32
    %dma_wait3A_225 = tpu.memref_slice %arg43[%dma_wait3A_223, %dma_wait3A_224] : memref<10000x128xf32, #tpu.memory_space<vmem_shared>> -> memref<10000x128xf32, #tpu.memory_space<vmem_shared>>
    tpu.wait_indirect_dma semaphore(%arg39 : memref<!tpu.dma_semaphore, #tpu.memory_space<semaphore_mem>>) src(%arg23 : memref<80x128xf32, #tpu.memory_space<vmem>>) dst(%dma_wait3A_225 : memref<10000x128xf32, #tpu.memory_space<vmem_shared>>)
    %add3A_226 = arith.constant 960 : i32
    %add3A_227 = arith.addi %mul3A_2, %add3A_226 : i32
    %dma_start3A_228 = tpu.memref_slice %arg2[%add3A_227] : memref<320000xi32, #tpu.memory_space<hbm>> -> memref<80xi32, #tpu.memory_space<hbm>>
    %dma_start3A_229 = tpu.memref_slice %arg2[%add3A_227] : memref<320000xi32, #tpu.memory_space<hbm>> -> memref<80xi32, #tpu.memory_space<hbm>>
    tpu.enqueue_dma source(%dma_start3A_229 : memref<80xi32, #tpu.memory_space<hbm>>) target(%arg11 : memref<80xi32, #tpu.memory_space<vmem>>) target_semaphore(%arg31 : memref<!tpu.dma_semaphore, #tpu.memory_space<semaphore_mem>>)
    %dma_start3A_230 = tpu.memref_slice %arg3[%add3A_227] : memref<320000xi32, #tpu.memory_space<hbm>> -> memref<80xi32, #tpu.memory_space<hbm>>
    %dma_start3A_231 = tpu.memref_slice %arg3[%add3A_227] : memref<320000xi32, #tpu.memory_space<hbm>> -> memref<80xi32, #tpu.memory_space<hbm>>
    tpu.enqueue_dma source(%dma_start3A_231 : memref<80xi32, #tpu.memory_space<hbm>>) target(%arg19 : memref<80xi32, #tpu.memory_space<vmem>>) target_semaphore(%arg31 : memref<!tpu.dma_semaphore, #tpu.memory_space<semaphore_mem>>)
    %add3A_232 = arith.constant 640 : i32
    %add3A_233 = arith.addi %mul3A_2, %add3A_232 : i32
    %dma_wait3A_234 = tpu.memref_slice %arg2[%add3A_233] : memref<320000xi32, #tpu.memory_space<hbm>> -> memref<80xi32, #tpu.memory_space<hbm>>
    %dma_wait3A_235 = tpu.memref_slice %arg2[%add3A_233] : memref<320000xi32, #tpu.memory_space<hbm>> -> memref<80xi32, #tpu.memory_space<hbm>>
    tpu.wait_dma2 semaphore(%arg27 : memref<!tpu.dma_semaphore, #tpu.memory_space<semaphore_mem>>) src(%dma_wait3A_235 : memref<80xi32, #tpu.memory_space<hbm>>) dst(%arg7 : memref<80xi32, #tpu.memory_space<vmem>>)
    %dma_wait3A_236 = tpu.memref_slice %arg3[%add3A_233] : memref<320000xi32, #tpu.memory_space<hbm>> -> memref<80xi32, #tpu.memory_space<hbm>>
    %dma_wait3A_237 = tpu.memref_slice %arg3[%add3A_233] : memref<320000xi32, #tpu.memory_space<hbm>> -> memref<80xi32, #tpu.memory_space<hbm>>
    tpu.wait_dma2 semaphore(%arg27 : memref<!tpu.dma_semaphore, #tpu.memory_space<semaphore_mem>>) src(%dma_wait3A_237 : memref<80xi32, #tpu.memory_space<hbm>>) dst(%arg15 : memref<80xi32, #tpu.memory_space<vmem>>)
    %dma_start3A_238 = arith.constant 0 : i32
    %dma_start3A_239 = arith.constant 0 : i32
    %dma_start3A_240 = tpu.memref_slice %arg4[%dma_start3A_238, %dma_start3A_239] : memref<10000x128xf32, #tpu.memory_space<hbm>> -> memref<10000x128xf32, #tpu.memory_space<hbm>>
    tpu.enqueue_indirect_dma source(%dma_start3A_240 : memref<10000x128xf32, #tpu.memory_space<hbm>>) target(%arg23 : memref<80x128xf32, #tpu.memory_space<vmem>>) offsets(%arg7 : memref<80xi32, #tpu.memory_space<vmem>>) semaphore(%arg35 : memref<!tpu.dma_semaphore, #tpu.memory_space<semaphore_mem>>)
    %dma_wait3A_241 = arith.constant 0 : i32
    %dma_wait3A_242 = arith.constant 0 : i32
    %dma_wait3A_243 = tpu.memref_slice %arg4[%dma_wait3A_241, %dma_wait3A_242] : memref<10000x128xf32, #tpu.memory_space<hbm>> -> memref<10000x128xf32, #tpu.memory_space<hbm>>
    tpu.wait_indirect_dma semaphore(%arg37 : memref<!tpu.dma_semaphore, #tpu.memory_space<semaphore_mem>>) src(%dma_wait3A_243 : memref<10000x128xf32, #tpu.memory_space<hbm>>) dst(%arg25 : memref<80x128xf32, #tpu.memory_space<vmem>>)
    %dma_start3A_244 = arith.constant 0 : i32
    %dma_start3A_245 = arith.constant 0 : i32
    %dma_start3A_246 = tpu.memref_slice %arg43[%dma_start3A_244, %dma_start3A_245] : memref<10000x128xf32, #tpu.memory_space<vmem_shared>> -> memref<10000x128xf32, #tpu.memory_space<vmem_shared>>
    tpu.enqueue_indirect_dma source(%arg25 : memref<80x128xf32, #tpu.memory_space<vmem>>) target(%dma_start3A_246 : memref<10000x128xf32, #tpu.memory_space<vmem_shared>>) offsets(%arg21 : memref<80xi32, #tpu.memory_space<vmem>>) semaphore(%arg41 : memref<!tpu.dma_semaphore, #tpu.memory_space<semaphore_mem>>) {add = true}
    %dma_wait3A_247 = arith.constant 0 : i32
    %dma_wait3A_248 = arith.constant 0 : i32
    %dma_wait3A_249 = tpu.memref_slice %arg43[%dma_wait3A_247, %dma_wait3A_248] : memref<10000x128xf32, #tpu.memory_space<vmem_shared>> -> memref<10000x128xf32, #tpu.memory_space<vmem_shared>>
    tpu.wait_indirect_dma semaphore(%arg40 : memref<!tpu.dma_semaphore, #tpu.memory_space<semaphore_mem>>) src(%arg24 : memref<80x128xf32, #tpu.memory_space<vmem>>) dst(%dma_wait3A_249 : memref<10000x128xf32, #tpu.memory_space<vmem_shared>>)
    %add3A_250 = arith.constant 1040 : i32
    %add3A_251 = arith.addi %mul3A_2, %add3A_250 : i32
    %dma_start3A_252 = tpu.memref_slice %arg2[%add3A_251] : memref<320000xi32, #tpu.memory_space<hbm>> -> memref<80xi32, #tpu.memory_space<hbm>>
    %dma_start3A_253 = tpu.memref_slice %arg2[%add3A_251] : memref<320000xi32, #tpu.memory_space<hbm>> -> memref<80xi32, #tpu.memory_space<hbm>>
    tpu.enqueue_dma source(%dma_start3A_253 : memref<80xi32, #tpu.memory_space<hbm>>) target(%arg12 : memref<80xi32, #tpu.memory_space<vmem>>) target_semaphore(%arg32 : memref<!tpu.dma_semaphore, #tpu.memory_space<semaphore_mem>>)
    %dma_start3A_254 = tpu.memref_slice %arg3[%add3A_251] : memref<320000xi32, #tpu.memory_space<hbm>> -> memref<80xi32, #tpu.memory_space<hbm>>
    %dma_start3A_255 = tpu.memref_slice %arg3[%add3A_251] : memref<320000xi32, #tpu.memory_space<hbm>> -> memref<80xi32, #tpu.memory_space<hbm>>
    tpu.enqueue_dma source(%dma_start3A_255 : memref<80xi32, #tpu.memory_space<hbm>>) target(%arg20 : memref<80xi32, #tpu.memory_space<vmem>>) target_semaphore(%arg32 : memref<!tpu.dma_semaphore, #tpu.memory_space<semaphore_mem>>)
    %add3A_256 = arith.constant 720 : i32
    %add3A_257 = arith.addi %mul3A_2, %add3A_256 : i32
    %dma_wait3A_258 = tpu.memref_slice %arg2[%add3A_257] : memref<320000xi32, #tpu.memory_space<hbm>> -> memref<80xi32, #tpu.memory_space<hbm>>
    %dma_wait3A_259 = tpu.memref_slice %arg2[%add3A_257] : memref<320000xi32, #tpu.memory_space<hbm>> -> memref<80xi32, #tpu.memory_space<hbm>>
    tpu.wait_dma2 semaphore(%arg28 : memref<!tpu.dma_semaphore, #tpu.memory_space<semaphore_mem>>) src(%dma_wait3A_259 : memref<80xi32, #tpu.memory_space<hbm>>) dst(%arg8 : memref<80xi32, #tpu.memory_space<vmem>>)
    %dma_wait3A_260 = tpu.memref_slice %arg3[%add3A_257] : memref<320000xi32, #tpu.memory_space<hbm>> -> memref<80xi32, #tpu.memory_space<hbm>>
    %dma_wait3A_261 = tpu.memref_slice %arg3[%add3A_257] : memref<320000xi32, #tpu.memory_space<hbm>> -> memref<80xi32, #tpu.memory_space<hbm>>
    tpu.wait_dma2 semaphore(%arg28 : memref<!tpu.dma_semaphore, #tpu.memory_space<semaphore_mem>>) src(%dma_wait3A_261 : memref<80xi32, #tpu.memory_space<hbm>>) dst(%arg16 : memref<80xi32, #tpu.memory_space<vmem>>)
    %dma_start3A_262 = arith.constant 0 : i32
    %dma_start3A_263 = arith.constant 0 : i32
    %dma_start3A_264 = tpu.memref_slice %arg4[%dma_start3A_262, %dma_start3A_263] : memref<10000x128xf32, #tpu.memory_space<hbm>> -> memref<10000x128xf32, #tpu.memory_space<hbm>>
    tpu.enqueue_indirect_dma source(%dma_start3A_264 : memref<10000x128xf32, #tpu.memory_space<hbm>>) target(%arg24 : memref<80x128xf32, #tpu.memory_space<vmem>>) offsets(%arg8 : memref<80xi32, #tpu.memory_space<vmem>>) semaphore(%arg36 : memref<!tpu.dma_semaphore, #tpu.memory_space<semaphore_mem>>)
    %dma_wait3A_265 = arith.constant 0 : i32
    %dma_wait3A_266 = arith.constant 0 : i32
    %dma_wait3A_267 = tpu.memref_slice %arg4[%dma_wait3A_265, %dma_wait3A_266] : memref<10000x128xf32, #tpu.memory_space<hbm>> -> memref<10000x128xf32, #tpu.memory_space<hbm>>
    tpu.wait_indirect_dma semaphore(%arg38 : memref<!tpu.dma_semaphore, #tpu.memory_space<semaphore_mem>>) src(%dma_wait3A_267 : memref<10000x128xf32, #tpu.memory_space<hbm>>) dst(%arg26 : memref<80x128xf32, #tpu.memory_space<vmem>>)
    %dma_start3A_268 = arith.constant 0 : i32
    %dma_start3A_269 = arith.constant 0 : i32
    %dma_start3A_270 = tpu.memref_slice %arg43[%dma_start3A_268, %dma_start3A_269] : memref<10000x128xf32, #tpu.memory_space<vmem_shared>> -> memref<10000x128xf32, #tpu.memory_space<vmem_shared>>
    tpu.enqueue_indirect_dma source(%arg26 : memref<80x128xf32, #tpu.memory_space<vmem>>) target(%dma_start3A_270 : memref<10000x128xf32, #tpu.memory_space<vmem_shared>>) offsets(%arg22 : memref<80xi32, #tpu.memory_space<vmem>>) semaphore(%arg42 : memref<!tpu.dma_semaphore, #tpu.memory_space<semaphore_mem>>) {add = true}
    %scan3A = arith.constant 0 : i32
    %scan3A_271 = arith.constant 13 : i32
    %scan3A_272 = arith.addi %scan3A, %scan3A_271 : i32
    %scan3A_273 = arith.constant 1 : i32
    scf.for %scan3A_597 = %scan3A to %scan3A_272 step %scan3A_273  : i32 {
      %mul3A_598 = arith.constant 1 : i32
      %mul3A_599 = arith.muli %scan3A_597, %mul3A_598 : i32
      %add3A_600 = arith.constant 1 : i32
      %add3A_601 = arith.addi %add3A_600, %mul3A_599 : i32
      %mul3A_602 = arith.constant 8 : i32
      %mul3A_603 = arith.muli %mul3A_602, %add3A_601 : i32
      %add3A_604 = arith.constant 0 : i32
      %add3A_605 = arith.addi %mul3A_603, %add3A_604 : i32
      %dma_wait3A_606 = arith.constant 0 : i32
      %dma_wait3A_607 = arith.constant 0 : i32
      %dma_wait3A_608 = tpu.memref_slice %arg43[%dma_wait3A_606, %dma_wait3A_607] : memref<10000x128xf32, #tpu.memory_space<vmem_shared>> -> memref<10000x128xf32, #tpu.memory_space<vmem_shared>>
      tpu.wait_indirect_dma semaphore(%arg41 : memref<!tpu.dma_semaphore, #tpu.memory_space<semaphore_mem>>) src(%arg25 : memref<80x128xf32, #tpu.memory_space<vmem>>) dst(%dma_wait3A_608 : memref<10000x128xf32, #tpu.memory_space<vmem_shared>>)
      %add3A_609 = arith.constant 6 : i32
      %add3A_610 = arith.addi %add3A_605, %add3A_609 : i32
      %mul3A_611 = arith.constant 80 : i32
      %mul3A_612 = arith.muli %add3A_610, %mul3A_611 : i32
      %add3A_613 = arith.addi %mul3A_2, %mul3A_612 : i32
      %dma_start3A_614 = tpu.memref_slice %arg2[%add3A_613] : memref<320000xi32, #tpu.memory_space<hbm>> -> memref<80xi32, #tpu.memory_space<hbm>>
      %dma_start3A_615 = tpu.memref_slice %arg2[%add3A_613] : memref<320000xi32, #tpu.memory_space<hbm>> -> memref<80xi32, #tpu.memory_space<hbm>>
      tpu.enqueue_dma source(%dma_start3A_615 : memref<80xi32, #tpu.memory_space<hbm>>) target(%arg13 : memref<80xi32, #tpu.memory_space<vmem>>) target_semaphore(%arg33 : memref<!tpu.dma_semaphore, #tpu.memory_space<semaphore_mem>>)
      %dma_start3A_616 = tpu.memref_slice %arg3[%add3A_613] : memref<320000xi32, #tpu.memory_space<hbm>> -> memref<80xi32, #tpu.memory_space<hbm>>
      %dma_start3A_617 = tpu.memref_slice %arg3[%add3A_613] : memref<320000xi32, #tpu.memory_space<hbm>> -> memref<80xi32, #tpu.memory_space<hbm>>
      tpu.enqueue_dma source(%dma_start3A_617 : memref<80xi32, #tpu.memory_space<hbm>>) target(%arg21 : memref<80xi32, #tpu.memory_space<vmem>>) target_semaphore(%arg33 : memref<!tpu.dma_semaphore, #tpu.memory_space<semaphore_mem>>)
      %add3A_618 = arith.constant 2 : i32
      %add3A_619 = arith.addi %add3A_605, %add3A_618 : i32
      %mul3A_620 = arith.constant 80 : i32
      %mul3A_621 = arith.muli %add3A_619, %mul3A_620 : i32
      %add3A_622 = arith.addi %mul3A_2, %mul3A_621 : i32
      %dma_wait3A_623 = tpu.memref_slice %arg2[%add3A_622] : memref<320000xi32, #tpu.memory_space<hbm>> -> memref<80xi32, #tpu.memory_space<hbm>>
      %dma_wait3A_624 = tpu.memref_slice %arg2[%add3A_622] : memref<320000xi32, #tpu.memory_space<hbm>> -> memref<80xi32, #tpu.memory_space<hbm>>
      tpu.wait_dma2 semaphore(%arg29 : memref<!tpu.dma_semaphore, #tpu.memory_space<semaphore_mem>>) src(%dma_wait3A_624 : memref<80xi32, #tpu.memory_space<hbm>>) dst(%arg9 : memref<80xi32, #tpu.memory_space<vmem>>)
      %dma_wait3A_625 = tpu.memref_slice %arg3[%add3A_622] : memref<320000xi32, #tpu.memory_space<hbm>> -> memref<80xi32, #tpu.memory_space<hbm>>
      %dma_wait3A_626 = tpu.memref_slice %arg3[%add3A_622] : memref<320000xi32, #tpu.memory_space<hbm>> -> memref<80xi32, #tpu.memory_space<hbm>>
      tpu.wait_dma2 semaphore(%arg29 : memref<!tpu.dma_semaphore, #tpu.memory_space<semaphore_mem>>) src(%dma_wait3A_626 : memref<80xi32, #tpu.memory_space<hbm>>) dst(%arg17 : memref<80xi32, #tpu.memory_space<vmem>>)
      %dma_start3A_627 = arith.constant 0 : i32
      %dma_start3A_628 = arith.constant 0 : i32
      %dma_start3A_629 = tpu.memref_slice %arg4[%dma_start3A_627, %dma_start3A_628] : memref<10000x128xf32, #tpu.memory_space<hbm>> -> memref<10000x128xf32, #tpu.memory_space<hbm>>
      tpu.enqueue_indirect_dma source(%dma_start3A_629 : memref<10000x128xf32, #tpu.memory_space<hbm>>) target(%arg25 : memref<80x128xf32, #tpu.memory_space<vmem>>) offsets(%arg9 : memref<80xi32, #tpu.memory_space<vmem>>) semaphore(%arg37 : memref<!tpu.dma_semaphore, #tpu.memory_space<semaphore_mem>>)
      %dma_wait3A_630 = arith.constant 0 : i32
      %dma_wait3A_631 = arith.constant 0 : i32
      %dma_wait3A_632 = tpu.memref_slice %arg4[%dma_wait3A_630, %dma_wait3A_631] : memref<10000x128xf32, #tpu.memory_space<hbm>> -> memref<10000x128xf32, #tpu.memory_space<hbm>>
      tpu.wait_indirect_dma semaphore(%arg35 : memref<!tpu.dma_semaphore, #tpu.memory_space<semaphore_mem>>) src(%dma_wait3A_632 : memref<10000x128xf32, #tpu.memory_space<hbm>>) dst(%arg23 : memref<80x128xf32, #tpu.memory_space<vmem>>)
      %dma_start3A_633 = arith.constant 0 : i32
      %dma_start3A_634 = arith.constant 0 : i32
      %dma_start3A_635 = tpu.memref_slice %arg43[%dma_start3A_633, %dma_start3A_634] : memref<10000x128xf32, #tpu.memory_space<vmem_shared>> -> memref<10000x128xf32, #tpu.memory_space<vmem_shared>>
      tpu.enqueue_indirect_dma source(%arg23 : memref<80x128xf32, #tpu.memory_space<vmem>>) target(%dma_start3A_635 : memref<10000x128xf32, #tpu.memory_space<vmem_shared>>) offsets(%arg15 : memref<80xi32, #tpu.memory_space<vmem>>) semaphore(%arg39 : memref<!tpu.dma_semaphore, #tpu.memory_space<semaphore_mem>>) {add = true}
      %mul3A_636 = arith.constant 8 : i32
      %mul3A_637 = arith.muli %mul3A_636, %add3A_601 : i32
      %add3A_638 = arith.constant 1 : i32
      %add3A_639 = arith.addi %mul3A_637, %add3A_638 : i32
      %dma_wait3A_640 = arith.constant 0 : i32
      %dma_wait3A_641 = arith.constant 0 : i32
      %dma_wait3A_642 = tpu.memref_slice %arg43[%dma_wait3A_640, %dma_wait3A_641] : memref<10000x128xf32, #tpu.memory_space<vmem_shared>> -> memref<10000x128xf32, #tpu.memory_space<vmem_shared>>
      tpu.wait_indirect_dma semaphore(%arg42 : memref<!tpu.dma_semaphore, #tpu.memory_space<semaphore_mem>>) src(%arg26 : memref<80x128xf32, #tpu.memory_space<vmem>>) dst(%dma_wait3A_642 : memref<10000x128xf32, #tpu.memory_space<vmem_shared>>)
      %add3A_643 = arith.constant 6 : i32
      %add3A_644 = arith.addi %add3A_639, %add3A_643 : i32
      %mul3A_645 = arith.constant 80 : i32
      %mul3A_646 = arith.muli %add3A_644, %mul3A_645 : i32
      %add3A_647 = arith.addi %mul3A_2, %mul3A_646 : i32
      %dma_start3A_648 = tpu.memref_slice %arg2[%add3A_647] : memref<320000xi32, #tpu.memory_space<hbm>> -> memref<80xi32, #tpu.memory_space<hbm>>
      %dma_start3A_649 = tpu.memref_slice %arg2[%add3A_647] : memref<320000xi32, #tpu.memory_space<hbm>> -> memref<80xi32, #tpu.memory_space<hbm>>
      tpu.enqueue_dma source(%dma_start3A_649 : memref<80xi32, #tpu.memory_space<hbm>>) target(%arg14 : memref<80xi32, #tpu.memory_space<vmem>>) target_semaphore(%arg34 : memref<!tpu.dma_semaphore, #tpu.memory_space<semaphore_mem>>)
      %dma_start3A_650 = tpu.memref_slice %arg3[%add3A_647] : memref<320000xi32, #tpu.memory_space<hbm>> -> memref<80xi32, #tpu.memory_space<hbm>>
      %dma_start3A_651 = tpu.memref_slice %arg3[%add3A_647] : memref<320000xi32, #tpu.memory_space<hbm>> -> memref<80xi32, #tpu.memory_space<hbm>>
      tpu.enqueue_dma source(%dma_start3A_651 : memref<80xi32, #tpu.memory_space<hbm>>) target(%arg22 : memref<80xi32, #tpu.memory_space<vmem>>) target_semaphore(%arg34 : memref<!tpu.dma_semaphore, #tpu.memory_space<semaphore_mem>>)
      %add3A_652 = arith.constant 2 : i32
      %add3A_653 = arith.addi %add3A_639, %add3A_652 : i32
      %mul3A_654 = arith.constant 80 : i32
      %mul3A_655 = arith.muli %add3A_653, %mul3A_654 : i32
      %add3A_656 = arith.addi %mul3A_2, %mul3A_655 : i32
      %dma_wait3A_657 = tpu.memref_slice %arg2[%add3A_656] : memref<320000xi32, #tpu.memory_space<hbm>> -> memref<80xi32, #tpu.memory_space<hbm>>
      %dma_wait3A_658 = tpu.memref_slice %arg2[%add3A_656] : memref<320000xi32, #tpu.memory_space<hbm>> -> memref<80xi32, #tpu.memory_space<hbm>>
      tpu.wait_dma2 semaphore(%arg30 : memref<!tpu.dma_semaphore, #tpu.memory_space<semaphore_mem>>) src(%dma_wait3A_658 : memref<80xi32, #tpu.memory_space<hbm>>) dst(%arg10 : memref<80xi32, #tpu.memory_space<vmem>>)
      %dma_wait3A_659 = tpu.memref_slice %arg3[%add3A_656] : memref<320000xi32, #tpu.memory_space<hbm>> -> memref<80xi32, #tpu.memory_space<hbm>>
      %dma_wait3A_660 = tpu.memref_slice %arg3[%add3A_656] : memref<320000xi32, #tpu.memory_space<hbm>> -> memref<80xi32, #tpu.memory_space<hbm>>
      tpu.wait_dma2 semaphore(%arg30 : memref<!tpu.dma_semaphore, #tpu.memory_space<semaphore_mem>>) src(%dma_wait3A_660 : memref<80xi32, #tpu.memory_space<hbm>>) dst(%arg18 : memref<80xi32, #tpu.memory_space<vmem>>)
      %dma_start3A_661 = arith.constant 0 : i32
      %dma_start3A_662 = arith.constant 0 : i32
      %dma_start3A_663 = tpu.memref_slice %arg4[%dma_start3A_661, %dma_start3A_662] : memref<10000x128xf32, #tpu.memory_space<hbm>> -> memref<10000x128xf32, #tpu.memory_space<hbm>>
      tpu.enqueue_indirect_dma source(%dma_start3A_663 : memref<10000x128xf32, #tpu.memory_space<hbm>>) target(%arg26 : memref<80x128xf32, #tpu.memory_space<vmem>>) offsets(%arg10 : memref<80xi32, #tpu.memory_space<vmem>>) semaphore(%arg38 : memref<!tpu.dma_semaphore, #tpu.memory_space<semaphore_mem>>)
      %dma_wait3A_664 = arith.constant 0 : i32
      %dma_wait3A_665 = arith.constant 0 : i32
      %dma_wait3A_666 = tpu.memref_slice %arg4[%dma_wait3A_664, %dma_wait3A_665] : memref<10000x128xf32, #tpu.memory_space<hbm>> -> memref<10000x128xf32, #tpu.memory_space<hbm>>
      tpu.wait_indirect_dma semaphore(%arg36 : memref<!tpu.dma_semaphore, #tpu.memory_space<semaphore_mem>>) src(%dma_wait3A_666 : memref<10000x128xf32, #tpu.memory_space<hbm>>) dst(%arg24 : memref<80x128xf32, #tpu.memory_space<vmem>>)
      %dma_start3A_667 = arith.constant 0 : i32
      %dma_start3A_668 = arith.constant 0 : i32
      %dma_start3A_669 = tpu.memref_slice %arg43[%dma_start3A_667, %dma_start3A_668] : memref<10000x128xf32, #tpu.memory_space<vmem_shared>> -> memref<10000x128xf32, #tpu.memory_space<vmem_shared>>
      tpu.enqueue_indirect_dma source(%arg24 : memref<80x128xf32, #tpu.memory_space<vmem>>) target(%dma_start3A_669 : memref<10000x128xf32, #tpu.memory_space<vmem_shared>>) offsets(%arg16 : memref<80xi32, #tpu.memory_space<vmem>>) semaphore(%arg40 : memref<!tpu.dma_semaphore, #tpu.memory_space<semaphore_mem>>) {add = true}
      %mul3A_670 = arith.constant 8 : i32
      %mul3A_671 = arith.muli %mul3A_670, %add3A_601 : i32
      %add3A_672 = arith.constant 2 : i32
      %add3A_673 = arith.addi %mul3A_671, %add3A_672 : i32
      %dma_wait3A_674 = arith.constant 0 : i32
      %dma_wait3A_675 = arith.constant 0 : i32
      %dma_wait3A_676 = tpu.memref_slice %arg43[%dma_wait3A_674, %dma_wait3A_675] : memref<10000x128xf32, #tpu.memory_space<vmem_shared>> -> memref<10000x128xf32, #tpu.memory_space<vmem_shared>>
      tpu.wait_indirect_dma semaphore(%arg39 : memref<!tpu.dma_semaphore, #tpu.memory_space<semaphore_mem>>) src(%arg23 : memref<80x128xf32, #tpu.memory_space<vmem>>) dst(%dma_wait3A_676 : memref<10000x128xf32, #tpu.memory_space<vmem_shared>>)
      %add3A_677 = arith.constant 6 : i32
      %add3A_678 = arith.addi %add3A_673, %add3A_677 : i32
      %mul3A_679 = arith.constant 80 : i32
      %mul3A_680 = arith.muli %add3A_678, %mul3A_679 : i32
      %add3A_681 = arith.addi %mul3A_2, %mul3A_680 : i32
      %dma_start3A_682 = tpu.memref_slice %arg2[%add3A_681] : memref<320000xi32, #tpu.memory_space<hbm>> -> memref<80xi32, #tpu.memory_space<hbm>>
      %dma_start3A_683 = tpu.memref_slice %arg2[%add3A_681] : memref<320000xi32, #tpu.memory_space<hbm>> -> memref<80xi32, #tpu.memory_space<hbm>>
      tpu.enqueue_dma source(%dma_start3A_683 : memref<80xi32, #tpu.memory_space<hbm>>) target(%arg7 : memref<80xi32, #tpu.memory_space<vmem>>) target_semaphore(%arg27 : memref<!tpu.dma_semaphore, #tpu.memory_space<semaphore_mem>>)
      %dma_start3A_684 = tpu.memref_slice %arg3[%add3A_681] : memref<320000xi32, #tpu.memory_space<hbm>> -> memref<80xi32, #tpu.memory_space<hbm>>
      %dma_start3A_685 = tpu.memref_slice %arg3[%add3A_681] : memref<320000xi32, #tpu.memory_space<hbm>> -> memref<80xi32, #tpu.memory_space<hbm>>
      tpu.enqueue_dma source(%dma_start3A_685 : memref<80xi32, #tpu.memory_space<hbm>>) target(%arg15 : memref<80xi32, #tpu.memory_space<vmem>>) target_semaphore(%arg27 : memref<!tpu.dma_semaphore, #tpu.memory_space<semaphore_mem>>)
      %add3A_686 = arith.constant 2 : i32
      %add3A_687 = arith.addi %add3A_673, %add3A_686 : i32
      %mul3A_688 = arith.constant 80 : i32
      %mul3A_689 = arith.muli %add3A_687, %mul3A_688 : i32
      %add3A_690 = arith.addi %mul3A_2, %mul3A_689 : i32
      %dma_wait3A_691 = tpu.memref_slice %arg2[%add3A_690] : memref<320000xi32, #tpu.memory_space<hbm>> -> memref<80xi32, #tpu.memory_space<hbm>>
      %dma_wait3A_692 = tpu.memref_slice %arg2[%add3A_690] : memref<320000xi32, #tpu.memory_space<hbm>> -> memref<80xi32, #tpu.memory_space<hbm>>
      tpu.wait_dma2 semaphore(%arg31 : memref<!tpu.dma_semaphore, #tpu.memory_space<semaphore_mem>>) src(%dma_wait3A_692 : memref<80xi32, #tpu.memory_space<hbm>>) dst(%arg11 : memref<80xi32, #tpu.memory_space<vmem>>)
      %dma_wait3A_693 = tpu.memref_slice %arg3[%add3A_690] : memref<320000xi32, #tpu.memory_space<hbm>> -> memref<80xi32, #tpu.memory_space<hbm>>
      %dma_wait3A_694 = tpu.memref_slice %arg3[%add3A_690] : memref<320000xi32, #tpu.memory_space<hbm>> -> memref<80xi32, #tpu.memory_space<hbm>>
      tpu.wait_dma2 semaphore(%arg31 : memref<!tpu.dma_semaphore, #tpu.memory_space<semaphore_mem>>) src(%dma_wait3A_694 : memref<80xi32, #tpu.memory_space<hbm>>) dst(%arg19 : memref<80xi32, #tpu.memory_space<vmem>>)
      %dma_start3A_695 = arith.constant 0 : i32
      %dma_start3A_696 = arith.constant 0 : i32
      %dma_start3A_697 = tpu.memref_slice %arg4[%dma_start3A_695, %dma_start3A_696] : memref<10000x128xf32, #tpu.memory_space<hbm>> -> memref<10000x128xf32, #tpu.memory_space<hbm>>
      tpu.enqueue_indirect_dma source(%dma_start3A_697 : memref<10000x128xf32, #tpu.memory_space<hbm>>) target(%arg23 : memref<80x128xf32, #tpu.memory_space<vmem>>) offsets(%arg11 : memref<80xi32, #tpu.memory_space<vmem>>) semaphore(%arg35 : memref<!tpu.dma_semaphore, #tpu.memory_space<semaphore_mem>>)
      %dma_wait3A_698 = arith.constant 0 : i32
      %dma_wait3A_699 = arith.constant 0 : i32
      %dma_wait3A_700 = tpu.memref_slice %arg4[%dma_wait3A_698, %dma_wait3A_699] : memref<10000x128xf32, #tpu.memory_space<hbm>> -> memref<10000x128xf32, #tpu.memory_space<hbm>>
      tpu.wait_indirect_dma semaphore(%arg37 : memref<!tpu.dma_semaphore, #tpu.memory_space<semaphore_mem>>) src(%dma_wait3A_700 : memref<10000x128xf32, #tpu.memory_space<hbm>>) dst(%arg25 : memref<80x128xf32, #tpu.memory_space<vmem>>)
      %dma_start3A_701 = arith.constant 0 : i32
      %dma_start3A_702 = arith.constant 0 : i32
      %dma_start3A_703 = tpu.memref_slice %arg43[%dma_start3A_701, %dma_start3A_702] : memref<10000x128xf32, #tpu.memory_space<vmem_shared>> -> memref<10000x128xf32, #tpu.memory_space<vmem_shared>>
      tpu.enqueue_indirect_dma source(%arg25 : memref<80x128xf32, #tpu.memory_space<vmem>>) target(%dma_start3A_703 : memref<10000x128xf32, #tpu.memory_space<vmem_shared>>) offsets(%arg17 : memref<80xi32, #tpu.memory_space<vmem>>) semaphore(%arg41 : memref<!tpu.dma_semaphore, #tpu.memory_space<semaphore_mem>>) {add = true}
      %mul3A_704 = arith.constant 8 : i32
      %mul3A_705 = arith.muli %mul3A_704, %add3A_601 : i32
      %add3A_706 = arith.constant 3 : i32
      %add3A_707 = arith.addi %mul3A_705, %add3A_706 : i32
      %dma_wait3A_708 = arith.constant 0 : i32
      %dma_wait3A_709 = arith.constant 0 : i32
      %dma_wait3A_710 = tpu.memref_slice %arg43[%dma_wait3A_708, %dma_wait3A_709] : memref<10000x128xf32, #tpu.memory_space<vmem_shared>> -> memref<10000x128xf32, #tpu.memory_space<vmem_shared>>
      tpu.wait_indirect_dma semaphore(%arg40 : memref<!tpu.dma_semaphore, #tpu.memory_space<semaphore_mem>>) src(%arg24 : memref<80x128xf32, #tpu.memory_space<vmem>>) dst(%dma_wait3A_710 : memref<10000x128xf32, #tpu.memory_space<vmem_shared>>)
      %add3A_711 = arith.constant 6 : i32
      %add3A_712 = arith.addi %add3A_707, %add3A_711 : i32
      %mul3A_713 = arith.constant 80 : i32
      %mul3A_714 = arith.muli %add3A_712, %mul3A_713 : i32
      %add3A_715 = arith.addi %mul3A_2, %mul3A_714 : i32
      %dma_start3A_716 = tpu.memref_slice %arg2[%add3A_715] : memref<320000xi32, #tpu.memory_space<hbm>> -> memref<80xi32, #tpu.memory_space<hbm>>
      %dma_start3A_717 = tpu.memref_slice %arg2[%add3A_715] : memref<320000xi32, #tpu.memory_space<hbm>> -> memref<80xi32, #tpu.memory_space<hbm>>
      tpu.enqueue_dma source(%dma_start3A_717 : memref<80xi32, #tpu.memory_space<hbm>>) target(%arg8 : memref<80xi32, #tpu.memory_space<vmem>>) target_semaphore(%arg28 : memref<!tpu.dma_semaphore, #tpu.memory_space<semaphore_mem>>)
      %dma_start3A_718 = tpu.memref_slice %arg3[%add3A_715] : memref<320000xi32, #tpu.memory_space<hbm>> -> memref<80xi32, #tpu.memory_space<hbm>>
      %dma_start3A_719 = tpu.memref_slice %arg3[%add3A_715] : memref<320000xi32, #tpu.memory_space<hbm>> -> memref<80xi32, #tpu.memory_space<hbm>>
      tpu.enqueue_dma source(%dma_start3A_719 : memref<80xi32, #tpu.memory_space<hbm>>) target(%arg16 : memref<80xi32, #tpu.memory_space<vmem>>) target_semaphore(%arg28 : memref<!tpu.dma_semaphore, #tpu.memory_space<semaphore_mem>>)
      %add3A_720 = arith.constant 2 : i32
      %add3A_721 = arith.addi %add3A_707, %add3A_720 : i32
      %mul3A_722 = arith.constant 80 : i32
      %mul3A_723 = arith.muli %add3A_721, %mul3A_722 : i32
      %add3A_724 = arith.addi %mul3A_2, %mul3A_723 : i32
      %dma_wait3A_725 = tpu.memref_slice %arg2[%add3A_724] : memref<320000xi32, #tpu.memory_space<hbm>> -> memref<80xi32, #tpu.memory_space<hbm>>
      %dma_wait3A_726 = tpu.memref_slice %arg2[%add3A_724] : memref<320000xi32, #tpu.memory_space<hbm>> -> memref<80xi32, #tpu.memory_space<hbm>>
      tpu.wait_dma2 semaphore(%arg32 : memref<!tpu.dma_semaphore, #tpu.memory_space<semaphore_mem>>) src(%dma_wait3A_726 : memref<80xi32, #tpu.memory_space<hbm>>) dst(%arg12 : memref<80xi32, #tpu.memory_space<vmem>>)
      %dma_wait3A_727 = tpu.memref_slice %arg3[%add3A_724] : memref<320000xi32, #tpu.memory_space<hbm>> -> memref<80xi32, #tpu.memory_space<hbm>>
      %dma_wait3A_728 = tpu.memref_slice %arg3[%add3A_724] : memref<320000xi32, #tpu.memory_space<hbm>> -> memref<80xi32, #tpu.memory_space<hbm>>
      tpu.wait_dma2 semaphore(%arg32 : memref<!tpu.dma_semaphore, #tpu.memory_space<semaphore_mem>>) src(%dma_wait3A_728 : memref<80xi32, #tpu.memory_space<hbm>>) dst(%arg20 : memref<80xi32, #tpu.memory_space<vmem>>)
      %dma_start3A_729 = arith.constant 0 : i32
      %dma_start3A_730 = arith.constant 0 : i32
      %dma_start3A_731 = tpu.memref_slice %arg4[%dma_start3A_729, %dma_start3A_730] : memref<10000x128xf32, #tpu.memory_space<hbm>> -> memref<10000x128xf32, #tpu.memory_space<hbm>>
      tpu.enqueue_indirect_dma source(%dma_start3A_731 : memref<10000x128xf32, #tpu.memory_space<hbm>>) target(%arg24 : memref<80x128xf32, #tpu.memory_space<vmem>>) offsets(%arg12 : memref<80xi32, #tpu.memory_space<vmem>>) semaphore(%arg36 : memref<!tpu.dma_semaphore, #tpu.memory_space<semaphore_mem>>)
      %dma_wait3A_732 = arith.constant 0 : i32
      %dma_wait3A_733 = arith.constant 0 : i32
      %dma_wait3A_734 = tpu.memref_slice %arg4[%dma_wait3A_732, %dma_wait3A_733] : memref<10000x128xf32, #tpu.memory_space<hbm>> -> memref<10000x128xf32, #tpu.memory_space<hbm>>
      tpu.wait_indirect_dma semaphore(%arg38 : memref<!tpu.dma_semaphore, #tpu.memory_space<semaphore_mem>>) src(%dma_wait3A_734 : memref<10000x128xf32, #tpu.memory_space<hbm>>) dst(%arg26 : memref<80x128xf32, #tpu.memory_space<vmem>>)
      %dma_start3A_735 = arith.constant 0 : i32
      %dma_start3A_736 = arith.constant 0 : i32
      %dma_start3A_737 = tpu.memref_slice %arg43[%dma_start3A_735, %dma_start3A_736] : memref<10000x128xf32, #tpu.memory_space<vmem_shared>> -> memref<10000x128xf32, #tpu.memory_space<vmem_shared>>
      tpu.enqueue_indirect_dma source(%arg26 : memref<80x128xf32, #tpu.memory_space<vmem>>) target(%dma_start3A_737 : memref<10000x128xf32, #tpu.memory_space<vmem_shared>>) offsets(%arg18 : memref<80xi32, #tpu.memory_space<vmem>>) semaphore(%arg42 : memref<!tpu.dma_semaphore, #tpu.memory_space<semaphore_mem>>) {add = true}
      %mul3A_738 = arith.constant 8 : i32
      %mul3A_739 = arith.muli %mul3A_738, %add3A_601 : i32
      %add3A_740 = arith.constant 4 : i32
      %add3A_741 = arith.addi %mul3A_739, %add3A_740 : i32
      %dma_wait3A_742 = arith.constant 0 : i32
      %dma_wait3A_743 = arith.constant 0 : i32
      %dma_wait3A_744 = tpu.memref_slice %arg43[%dma_wait3A_742, %dma_wait3A_743] : memref<10000x128xf32, #tpu.memory_space<vmem_shared>> -> memref<10000x128xf32, #tpu.memory_space<vmem_shared>>
      tpu.wait_indirect_dma semaphore(%arg41 : memref<!tpu.dma_semaphore, #tpu.memory_space<semaphore_mem>>) src(%arg25 : memref<80x128xf32, #tpu.memory_space<vmem>>) dst(%dma_wait3A_744 : memref<10000x128xf32, #tpu.memory_space<vmem_shared>>)
      %add3A_745 = arith.constant 6 : i32
      %add3A_746 = arith.addi %add3A_741, %add3A_745 : i32
      %mul3A_747 = arith.constant 80 : i32
      %mul3A_748 = arith.muli %add3A_746, %mul3A_747 : i32
      %add3A_749 = arith.addi %mul3A_2, %mul3A_748 : i32
      %dma_start3A_750 = tpu.memref_slice %arg2[%add3A_749] : memref<320000xi32, #tpu.memory_space<hbm>> -> memref<80xi32, #tpu.memory_space<hbm>>
      %dma_start3A_751 = tpu.memref_slice %arg2[%add3A_749] : memref<320000xi32, #tpu.memory_space<hbm>> -> memref<80xi32, #tpu.memory_space<hbm>>
      tpu.enqueue_dma source(%dma_start3A_751 : memref<80xi32, #tpu.memory_space<hbm>>) target(%arg9 : memref<80xi32, #tpu.memory_space<vmem>>) target_semaphore(%arg29 : memref<!tpu.dma_semaphore, #tpu.memory_space<semaphore_mem>>)
      %dma_start3A_752 = tpu.memref_slice %arg3[%add3A_749] : memref<320000xi32, #tpu.memory_space<hbm>> -> memref<80xi32, #tpu.memory_space<hbm>>
      %dma_start3A_753 = tpu.memref_slice %arg3[%add3A_749] : memref<320000xi32, #tpu.memory_space<hbm>> -> memref<80xi32, #tpu.memory_space<hbm>>
      tpu.enqueue_dma source(%dma_start3A_753 : memref<80xi32, #tpu.memory_space<hbm>>) target(%arg17 : memref<80xi32, #tpu.memory_space<vmem>>) target_semaphore(%arg29 : memref<!tpu.dma_semaphore, #tpu.memory_space<semaphore_mem>>)
      %add3A_754 = arith.constant 2 : i32
      %add3A_755 = arith.addi %add3A_741, %add3A_754 : i32
      %mul3A_756 = arith.constant 80 : i32
      %mul3A_757 = arith.muli %add3A_755, %mul3A_756 : i32
      %add3A_758 = arith.addi %mul3A_2, %mul3A_757 : i32
      %dma_wait3A_759 = tpu.memref_slice %arg2[%add3A_758] : memref<320000xi32, #tpu.memory_space<hbm>> -> memref<80xi32, #tpu.memory_space<hbm>>
      %dma_wait3A_760 = tpu.memref_slice %arg2[%add3A_758] : memref<320000xi32, #tpu.memory_space<hbm>> -> memref<80xi32, #tpu.memory_space<hbm>>
      tpu.wait_dma2 semaphore(%arg33 : memref<!tpu.dma_semaphore, #tpu.memory_space<semaphore_mem>>) src(%dma_wait3A_760 : memref<80xi32, #tpu.memory_space<hbm>>) dst(%arg13 : memref<80xi32, #tpu.memory_space<vmem>>)
      %dma_wait3A_761 = tpu.memref_slice %arg3[%add3A_758] : memref<320000xi32, #tpu.memory_space<hbm>> -> memref<80xi32, #tpu.memory_space<hbm>>
      %dma_wait3A_762 = tpu.memref_slice %arg3[%add3A_758] : memref<320000xi32, #tpu.memory_space<hbm>> -> memref<80xi32, #tpu.memory_space<hbm>>
      tpu.wait_dma2 semaphore(%arg33 : memref<!tpu.dma_semaphore, #tpu.memory_space<semaphore_mem>>) src(%dma_wait3A_762 : memref<80xi32, #tpu.memory_space<hbm>>) dst(%arg21 : memref<80xi32, #tpu.memory_space<vmem>>)
      %dma_start3A_763 = arith.constant 0 : i32
      %dma_start3A_764 = arith.constant 0 : i32
      %dma_start3A_765 = tpu.memref_slice %arg4[%dma_start3A_763, %dma_start3A_764] : memref<10000x128xf32, #tpu.memory_space<hbm>> -> memref<10000x128xf32, #tpu.memory_space<hbm>>
      tpu.enqueue_indirect_dma source(%dma_start3A_765 : memref<10000x128xf32, #tpu.memory_space<hbm>>) target(%arg25 : memref<80x128xf32, #tpu.memory_space<vmem>>) offsets(%arg13 : memref<80xi32, #tpu.memory_space<vmem>>) semaphore(%arg37 : memref<!tpu.dma_semaphore, #tpu.memory_space<semaphore_mem>>)
      %dma_wait3A_766 = arith.constant 0 : i32
      %dma_wait3A_767 = arith.constant 0 : i32
      %dma_wait3A_768 = tpu.memref_slice %arg4[%dma_wait3A_766, %dma_wait3A_767] : memref<10000x128xf32, #tpu.memory_space<hbm>> -> memref<10000x128xf32, #tpu.memory_space<hbm>>
      tpu.wait_indirect_dma semaphore(%arg35 : memref<!tpu.dma_semaphore, #tpu.memory_space<semaphore_mem>>) src(%dma_wait3A_768 : memref<10000x128xf32, #tpu.memory_space<hbm>>) dst(%arg23 : memref<80x128xf32, #tpu.memory_space<vmem>>)
      %dma_start3A_769 = arith.constant 0 : i32
      %dma_start3A_770 = arith.constant 0 : i32
      %dma_start3A_771 = tpu.memref_slice %arg43[%dma_start3A_769, %dma_start3A_770] : memref<10000x128xf32, #tpu.memory_space<vmem_shared>> -> memref<10000x128xf32, #tpu.memory_space<vmem_shared>>
      tpu.enqueue_indirect_dma source(%arg23 : memref<80x128xf32, #tpu.memory_space<vmem>>) target(%dma_start3A_771 : memref<10000x128xf32, #tpu.memory_space<vmem_shared>>) offsets(%arg19 : memref<80xi32, #tpu.memory_space<vmem>>) semaphore(%arg39 : memref<!tpu.dma_semaphore, #tpu.memory_space<semaphore_mem>>) {add = true}
      %mul3A_772 = arith.constant 8 : i32
      %mul3A_773 = arith.muli %mul3A_772, %add3A_601 : i32
      %add3A_774 = arith.constant 5 : i32
      %add3A_775 = arith.addi %mul3A_773, %add3A_774 : i32
      %dma_wait3A_776 = arith.constant 0 : i32
      %dma_wait3A_777 = arith.constant 0 : i32
      %dma_wait3A_778 = tpu.memref_slice %arg43[%dma_wait3A_776, %dma_wait3A_777] : memref<10000x128xf32, #tpu.memory_space<vmem_shared>> -> memref<10000x128xf32, #tpu.memory_space<vmem_shared>>
      tpu.wait_indirect_dma semaphore(%arg42 : memref<!tpu.dma_semaphore, #tpu.memory_space<semaphore_mem>>) src(%arg26 : memref<80x128xf32, #tpu.memory_space<vmem>>) dst(%dma_wait3A_778 : memref<10000x128xf32, #tpu.memory_space<vmem_shared>>)
      %add3A_779 = arith.constant 6 : i32
      %add3A_780 = arith.addi %add3A_775, %add3A_779 : i32
      %mul3A_781 = arith.constant 80 : i32
      %mul3A_782 = arith.muli %add3A_780, %mul3A_781 : i32
      %add3A_783 = arith.addi %mul3A_2, %mul3A_782 : i32
      %dma_start3A_784 = tpu.memref_slice %arg2[%add3A_783] : memref<320000xi32, #tpu.memory_space<hbm>> -> memref<80xi32, #tpu.memory_space<hbm>>
      %dma_start3A_785 = tpu.memref_slice %arg2[%add3A_783] : memref<320000xi32, #tpu.memory_space<hbm>> -> memref<80xi32, #tpu.memory_space<hbm>>
      tpu.enqueue_dma source(%dma_start3A_785 : memref<80xi32, #tpu.memory_space<hbm>>) target(%arg10 : memref<80xi32, #tpu.memory_space<vmem>>) target_semaphore(%arg30 : memref<!tpu.dma_semaphore, #tpu.memory_space<semaphore_mem>>)
      %dma_start3A_786 = tpu.memref_slice %arg3[%add3A_783] : memref<320000xi32, #tpu.memory_space<hbm>> -> memref<80xi32, #tpu.memory_space<hbm>>
      %dma_start3A_787 = tpu.memref_slice %arg3[%add3A_783] : memref<320000xi32, #tpu.memory_space<hbm>> -> memref<80xi32, #tpu.memory_space<hbm>>
      tpu.enqueue_dma source(%dma_start3A_787 : memref<80xi32, #tpu.memory_space<hbm>>) target(%arg18 : memref<80xi32, #tpu.memory_space<vmem>>) target_semaphore(%arg30 : memref<!tpu.dma_semaphore, #tpu.memory_space<semaphore_mem>>)
      %add3A_788 = arith.constant 2 : i32
      %add3A_789 = arith.addi %add3A_775, %add3A_788 : i32
      %mul3A_790 = arith.constant 80 : i32
      %mul3A_791 = arith.muli %add3A_789, %mul3A_790 : i32
      %add3A_792 = arith.addi %mul3A_2, %mul3A_791 : i32
      %dma_wait3A_793 = tpu.memref_slice %arg2[%add3A_792] : memref<320000xi32, #tpu.memory_space<hbm>> -> memref<80xi32, #tpu.memory_space<hbm>>
      %dma_wait3A_794 = tpu.memref_slice %arg2[%add3A_792] : memref<320000xi32, #tpu.memory_space<hbm>> -> memref<80xi32, #tpu.memory_space<hbm>>
      tpu.wait_dma2 semaphore(%arg34 : memref<!tpu.dma_semaphore, #tpu.memory_space<semaphore_mem>>) src(%dma_wait3A_794 : memref<80xi32, #tpu.memory_space<hbm>>) dst(%arg14 : memref<80xi32, #tpu.memory_space<vmem>>)
      %dma_wait3A_795 = tpu.memref_slice %arg3[%add3A_792] : memref<320000xi32, #tpu.memory_space<hbm>> -> memref<80xi32, #tpu.memory_space<hbm>>
      %dma_wait3A_796 = tpu.memref_slice %arg3[%add3A_792] : memref<320000xi32, #tpu.memory_space<hbm>> -> memref<80xi32, #tpu.memory_space<hbm>>
      tpu.wait_dma2 semaphore(%arg34 : memref<!tpu.dma_semaphore, #tpu.memory_space<semaphore_mem>>) src(%dma_wait3A_796 : memref<80xi32, #tpu.memory_space<hbm>>) dst(%arg22 : memref<80xi32, #tpu.memory_space<vmem>>)
      %dma_start3A_797 = arith.constant 0 : i32
      %dma_start3A_798 = arith.constant 0 : i32
      %dma_start3A_799 = tpu.memref_slice %arg4[%dma_start3A_797, %dma_start3A_798] : memref<10000x128xf32, #tpu.memory_space<hbm>> -> memref<10000x128xf32, #tpu.memory_space<hbm>>
      tpu.enqueue_indirect_dma source(%dma_start3A_799 : memref<10000x128xf32, #tpu.memory_space<hbm>>) target(%arg26 : memref<80x128xf32, #tpu.memory_space<vmem>>) offsets(%arg14 : memref<80xi32, #tpu.memory_space<vmem>>) semaphore(%arg38 : memref<!tpu.dma_semaphore, #tpu.memory_space<semaphore_mem>>)
      %dma_wait3A_800 = arith.constant 0 : i32
      %dma_wait3A_801 = arith.constant 0 : i32
      %dma_wait3A_802 = tpu.memref_slice %arg4[%dma_wait3A_800, %dma_wait3A_801] : memref<10000x128xf32, #tpu.memory_space<hbm>> -> memref<10000x128xf32, #tpu.memory_space<hbm>>
      tpu.wait_indirect_dma semaphore(%arg36 : memref<!tpu.dma_semaphore, #tpu.memory_space<semaphore_mem>>) src(%dma_wait3A_802 : memref<10000x128xf32, #tpu.memory_space<hbm>>) dst(%arg24 : memref<80x128xf32, #tpu.memory_space<vmem>>)
      %dma_start3A_803 = arith.constant 0 : i32
      %dma_start3A_804 = arith.constant 0 : i32
      %dma_start3A_805 = tpu.memref_slice %arg43[%dma_start3A_803, %dma_start3A_804] : memref<10000x128xf32, #tpu.memory_space<vmem_shared>> -> memref<10000x128xf32, #tpu.memory_space<vmem_shared>>
      tpu.enqueue_indirect_dma source(%arg24 : memref<80x128xf32, #tpu.memory_space<vmem>>) target(%dma_start3A_805 : memref<10000x128xf32, #tpu.memory_space<vmem_shared>>) offsets(%arg20 : memref<80xi32, #tpu.memory_space<vmem>>) semaphore(%arg40 : memref<!tpu.dma_semaphore, #tpu.memory_space<semaphore_mem>>) {add = true}
      %mul3A_806 = arith.constant 8 : i32
      %mul3A_807 = arith.muli %mul3A_806, %add3A_601 : i32
      %add3A_808 = arith.constant 6 : i32
      %add3A_809 = arith.addi %mul3A_807, %add3A_808 : i32
      %dma_wait3A_810 = arith.constant 0 : i32
      %dma_wait3A_811 = arith.constant 0 : i32
      %dma_wait3A_812 = tpu.memref_slice %arg43[%dma_wait3A_810, %dma_wait3A_811] : memref<10000x128xf32, #tpu.memory_space<vmem_shared>> -> memref<10000x128xf32, #tpu.memory_space<vmem_shared>>
      tpu.wait_indirect_dma semaphore(%arg39 : memref<!tpu.dma_semaphore, #tpu.memory_space<semaphore_mem>>) src(%arg23 : memref<80x128xf32, #tpu.memory_space<vmem>>) dst(%dma_wait3A_812 : memref<10000x128xf32, #tpu.memory_space<vmem_shared>>)
      %add3A_813 = arith.constant 6 : i32
      %add3A_814 = arith.addi %add3A_809, %add3A_813 : i32
      %mul3A_815 = arith.constant 80 : i32
      %mul3A_816 = arith.muli %add3A_814, %mul3A_815 : i32
      %add3A_817 = arith.addi %mul3A_2, %mul3A_816 : i32
      %dma_start3A_818 = tpu.memref_slice %arg2[%add3A_817] : memref<320000xi32, #tpu.memory_space<hbm>> -> memref<80xi32, #tpu.memory_space<hbm>>
      %dma_start3A_819 = tpu.memref_slice %arg2[%add3A_817] : memref<320000xi32, #tpu.memory_space<hbm>> -> memref<80xi32, #tpu.memory_space<hbm>>
      tpu.enqueue_dma source(%dma_start3A_819 : memref<80xi32, #tpu.memory_space<hbm>>) target(%arg11 : memref<80xi32, #tpu.memory_space<vmem>>) target_semaphore(%arg31 : memref<!tpu.dma_semaphore, #tpu.memory_space<semaphore_mem>>)
      %dma_start3A_820 = tpu.memref_slice %arg3[%add3A_817] : memref<320000xi32, #tpu.memory_space<hbm>> -> memref<80xi32, #tpu.memory_space<hbm>>
      %dma_start3A_821 = tpu.memref_slice %arg3[%add3A_817] : memref<320000xi32, #tpu.memory_space<hbm>> -> memref<80xi32, #tpu.memory_space<hbm>>
      tpu.enqueue_dma source(%dma_start3A_821 : memref<80xi32, #tpu.memory_space<hbm>>) target(%arg19 : memref<80xi32, #tpu.memory_space<vmem>>) target_semaphore(%arg31 : memref<!tpu.dma_semaphore, #tpu.memory_space<semaphore_mem>>)
      %add3A_822 = arith.constant 2 : i32
      %add3A_823 = arith.addi %add3A_809, %add3A_822 : i32
      %mul3A_824 = arith.constant 80 : i32
      %mul3A_825 = arith.muli %add3A_823, %mul3A_824 : i32
      %add3A_826 = arith.addi %mul3A_2, %mul3A_825 : i32
      %dma_wait3A_827 = tpu.memref_slice %arg2[%add3A_826] : memref<320000xi32, #tpu.memory_space<hbm>> -> memref<80xi32, #tpu.memory_space<hbm>>
      %dma_wait3A_828 = tpu.memref_slice %arg2[%add3A_826] : memref<320000xi32, #tpu.memory_space<hbm>> -> memref<80xi32, #tpu.memory_space<hbm>>
      tpu.wait_dma2 semaphore(%arg27 : memref<!tpu.dma_semaphore, #tpu.memory_space<semaphore_mem>>) src(%dma_wait3A_828 : memref<80xi32, #tpu.memory_space<hbm>>) dst(%arg7 : memref<80xi32, #tpu.memory_space<vmem>>)
      %dma_wait3A_829 = tpu.memref_slice %arg3[%add3A_826] : memref<320000xi32, #tpu.memory_space<hbm>> -> memref<80xi32, #tpu.memory_space<hbm>>
      %dma_wait3A_830 = tpu.memref_slice %arg3[%add3A_826] : memref<320000xi32, #tpu.memory_space<hbm>> -> memref<80xi32, #tpu.memory_space<hbm>>
      tpu.wait_dma2 semaphore(%arg27 : memref<!tpu.dma_semaphore, #tpu.memory_space<semaphore_mem>>) src(%dma_wait3A_830 : memref<80xi32, #tpu.memory_space<hbm>>) dst(%arg15 : memref<80xi32, #tpu.memory_space<vmem>>)
      %dma_start3A_831 = arith.constant 0 : i32
      %dma_start3A_832 = arith.constant 0 : i32
      %dma_start3A_833 = tpu.memref_slice %arg4[%dma_start3A_831, %dma_start3A_832] : memref<10000x128xf32, #tpu.memory_space<hbm>> -> memref<10000x128xf32, #tpu.memory_space<hbm>>
      tpu.enqueue_indirect_dma source(%dma_start3A_833 : memref<10000x128xf32, #tpu.memory_space<hbm>>) target(%arg23 : memref<80x128xf32, #tpu.memory_space<vmem>>) offsets(%arg7 : memref<80xi32, #tpu.memory_space<vmem>>) semaphore(%arg35 : memref<!tpu.dma_semaphore, #tpu.memory_space<semaphore_mem>>)
      %dma_wait3A_834 = arith.constant 0 : i32
      %dma_wait3A_835 = arith.constant 0 : i32
      %dma_wait3A_836 = tpu.memref_slice %arg4[%dma_wait3A_834, %dma_wait3A_835] : memref<10000x128xf32, #tpu.memory_space<hbm>> -> memref<10000x128xf32, #tpu.memory_space<hbm>>
      tpu.wait_indirect_dma semaphore(%arg37 : memref<!tpu.dma_semaphore, #tpu.memory_space<semaphore_mem>>) src(%dma_wait3A_836 : memref<10000x128xf32, #tpu.memory_space<hbm>>) dst(%arg25 : memref<80x128xf32, #tpu.memory_space<vmem>>)
      %dma_start3A_837 = arith.constant 0 : i32
      %dma_start3A_838 = arith.constant 0 : i32
      %dma_start3A_839 = tpu.memref_slice %arg43[%dma_start3A_837, %dma_start3A_838] : memref<10000x128xf32, #tpu.memory_space<vmem_shared>> -> memref<10000x128xf32, #tpu.memory_space<vmem_shared>>
      tpu.enqueue_indirect_dma source(%arg25 : memref<80x128xf32, #tpu.memory_space<vmem>>) target(%dma_start3A_839 : memref<10000x128xf32, #tpu.memory_space<vmem_shared>>) offsets(%arg21 : memref<80xi32, #tpu.memory_space<vmem>>) semaphore(%arg41 : memref<!tpu.dma_semaphore, #tpu.memory_space<semaphore_mem>>) {add = true}
      %mul3A_840 = arith.constant 8 : i32
      %mul3A_841 = arith.muli %mul3A_840, %add3A_601 : i32
      %add3A_842 = arith.constant 7 : i32
      %add3A_843 = arith.addi %mul3A_841, %add3A_842 : i32
      %dma_wait3A_844 = arith.constant 0 : i32
      %dma_wait3A_845 = arith.constant 0 : i32
      %dma_wait3A_846 = tpu.memref_slice %arg43[%dma_wait3A_844, %dma_wait3A_845] : memref<10000x128xf32, #tpu.memory_space<vmem_shared>> -> memref<10000x128xf32, #tpu.memory_space<vmem_shared>>
      tpu.wait_indirect_dma semaphore(%arg40 : memref<!tpu.dma_semaphore, #tpu.memory_space<semaphore_mem>>) src(%arg24 : memref<80x128xf32, #tpu.memory_space<vmem>>) dst(%dma_wait3A_846 : memref<10000x128xf32, #tpu.memory_space<vmem_shared>>)
      %add3A_847 = arith.constant 6 : i32
      %add3A_848 = arith.addi %add3A_843, %add3A_847 : i32
      %mul3A_849 = arith.constant 80 : i32
      %mul3A_850 = arith.muli %add3A_848, %mul3A_849 : i32
      %add3A_851 = arith.addi %mul3A_2, %mul3A_850 : i32
      %dma_start3A_852 = tpu.memref_slice %arg2[%add3A_851] : memref<320000xi32, #tpu.memory_space<hbm>> -> memref<80xi32, #tpu.memory_space<hbm>>
      %dma_start3A_853 = tpu.memref_slice %arg2[%add3A_851] : memref<320000xi32, #tpu.memory_space<hbm>> -> memref<80xi32, #tpu.memory_space<hbm>>
      tpu.enqueue_dma source(%dma_start3A_853 : memref<80xi32, #tpu.memory_space<hbm>>) target(%arg12 : memref<80xi32, #tpu.memory_space<vmem>>) target_semaphore(%arg32 : memref<!tpu.dma_semaphore, #tpu.memory_space<semaphore_mem>>)
      %dma_start3A_854 = tpu.memref_slice %arg3[%add3A_851] : memref<320000xi32, #tpu.memory_space<hbm>> -> memref<80xi32, #tpu.memory_space<hbm>>
      %dma_start3A_855 = tpu.memref_slice %arg3[%add3A_851] : memref<320000xi32, #tpu.memory_space<hbm>> -> memref<80xi32, #tpu.memory_space<hbm>>
      tpu.enqueue_dma source(%dma_start3A_855 : memref<80xi32, #tpu.memory_space<hbm>>) target(%arg20 : memref<80xi32, #tpu.memory_space<vmem>>) target_semaphore(%arg32 : memref<!tpu.dma_semaphore, #tpu.memory_space<semaphore_mem>>)
      %add3A_856 = arith.constant 2 : i32
      %add3A_857 = arith.addi %add3A_843, %add3A_856 : i32
      %mul3A_858 = arith.constant 80 : i32
      %mul3A_859 = arith.muli %add3A_857, %mul3A_858 : i32
      %add3A_860 = arith.addi %mul3A_2, %mul3A_859 : i32
      %dma_wait3A_861 = tpu.memref_slice %arg2[%add3A_860] : memref<320000xi32, #tpu.memory_space<hbm>> -> memref<80xi32, #tpu.memory_space<hbm>>
      %dma_wait3A_862 = tpu.memref_slice %arg2[%add3A_860] : memref<320000xi32, #tpu.memory_space<hbm>> -> memref<80xi32, #tpu.memory_space<hbm>>
      tpu.wait_dma2 semaphore(%arg28 : memref<!tpu.dma_semaphore, #tpu.memory_space<semaphore_mem>>) src(%dma_wait3A_862 : memref<80xi32, #tpu.memory_space<hbm>>) dst(%arg8 : memref<80xi32, #tpu.memory_space<vmem>>)
      %dma_wait3A_863 = tpu.memref_slice %arg3[%add3A_860] : memref<320000xi32, #tpu.memory_space<hbm>> -> memref<80xi32, #tpu.memory_space<hbm>>
      %dma_wait3A_864 = tpu.memref_slice %arg3[%add3A_860] : memref<320000xi32, #tpu.memory_space<hbm>> -> memref<80xi32, #tpu.memory_space<hbm>>
      tpu.wait_dma2 semaphore(%arg28 : memref<!tpu.dma_semaphore, #tpu.memory_space<semaphore_mem>>) src(%dma_wait3A_864 : memref<80xi32, #tpu.memory_space<hbm>>) dst(%arg16 : memref<80xi32, #tpu.memory_space<vmem>>)
      %dma_start3A_865 = arith.constant 0 : i32
      %dma_start3A_866 = arith.constant 0 : i32
      %dma_start3A_867 = tpu.memref_slice %arg4[%dma_start3A_865, %dma_start3A_866] : memref<10000x128xf32, #tpu.memory_space<hbm>> -> memref<10000x128xf32, #tpu.memory_space<hbm>>
      tpu.enqueue_indirect_dma source(%dma_start3A_867 : memref<10000x128xf32, #tpu.memory_space<hbm>>) target(%arg24 : memref<80x128xf32, #tpu.memory_space<vmem>>) offsets(%arg8 : memref<80xi32, #tpu.memory_space<vmem>>) semaphore(%arg36 : memref<!tpu.dma_semaphore, #tpu.memory_space<semaphore_mem>>)
      %dma_wait3A_868 = arith.constant 0 : i32
      %dma_wait3A_869 = arith.constant 0 : i32
      %dma_wait3A_870 = tpu.memref_slice %arg4[%dma_wait3A_868, %dma_wait3A_869] : memref<10000x128xf32, #tpu.memory_space<hbm>> -> memref<10000x128xf32, #tpu.memory_space<hbm>>
      tpu.wait_indirect_dma semaphore(%arg38 : memref<!tpu.dma_semaphore, #tpu.memory_space<semaphore_mem>>) src(%dma_wait3A_870 : memref<10000x128xf32, #tpu.memory_space<hbm>>) dst(%arg26 : memref<80x128xf32, #tpu.memory_space<vmem>>)
      %dma_start3A_871 = arith.constant 0 : i32
      %dma_start3A_872 = arith.constant 0 : i32
      %dma_start3A_873 = tpu.memref_slice %arg43[%dma_start3A_871, %dma_start3A_872] : memref<10000x128xf32, #tpu.memory_space<vmem_shared>> -> memref<10000x128xf32, #tpu.memory_space<vmem_shared>>
      tpu.enqueue_indirect_dma source(%arg26 : memref<80x128xf32, #tpu.memory_space<vmem>>) target(%dma_start3A_873 : memref<10000x128xf32, #tpu.memory_space<vmem_shared>>) offsets(%arg22 : memref<80xi32, #tpu.memory_space<vmem>>) semaphore(%arg42 : memref<!tpu.dma_semaphore, #tpu.memory_space<semaphore_mem>>) {add = true}
    }
    %scan3A_274 = arith.constant 13 : i32
    %dma_wait3A_275 = arith.constant 0 : i32
    %dma_wait3A_276 = arith.constant 0 : i32
    %dma_wait3A_277 = tpu.memref_slice %arg43[%dma_wait3A_275, %dma_wait3A_276] : memref<10000x128xf32, #tpu.memory_space<vmem_shared>> -> memref<10000x128xf32, #tpu.memory_space<vmem_shared>>
    tpu.wait_indirect_dma semaphore(%arg41 : memref<!tpu.dma_semaphore, #tpu.memory_space<semaphore_mem>>) src(%arg25 : memref<80x128xf32, #tpu.memory_space<vmem>>) dst(%dma_wait3A_277 : memref<10000x128xf32, #tpu.memory_space<vmem_shared>>)
    %add3A_278 = arith.constant 9440 : i32
    %add3A_279 = arith.addi %mul3A_2, %add3A_278 : i32
    %dma_start3A_280 = tpu.memref_slice %arg2[%add3A_279] : memref<320000xi32, #tpu.memory_space<hbm>> -> memref<80xi32, #tpu.memory_space<hbm>>
    %dma_start3A_281 = tpu.memref_slice %arg2[%add3A_279] : memref<320000xi32, #tpu.memory_space<hbm>> -> memref<80xi32, #tpu.memory_space<hbm>>
    tpu.enqueue_dma source(%dma_start3A_281 : memref<80xi32, #tpu.memory_space<hbm>>) target(%arg13 : memref<80xi32, #tpu.memory_space<vmem>>) target_semaphore(%arg33 : memref<!tpu.dma_semaphore, #tpu.memory_space<semaphore_mem>>)
    %dma_start3A_282 = tpu.memref_slice %arg3[%add3A_279] : memref<320000xi32, #tpu.memory_space<hbm>> -> memref<80xi32, #tpu.memory_space<hbm>>
    %dma_start3A_283 = tpu.memref_slice %arg3[%add3A_279] : memref<320000xi32, #tpu.memory_space<hbm>> -> memref<80xi32, #tpu.memory_space<hbm>>
    tpu.enqueue_dma source(%dma_start3A_283 : memref<80xi32, #tpu.memory_space<hbm>>) target(%arg21 : memref<80xi32, #tpu.memory_space<vmem>>) target_semaphore(%arg33 : memref<!tpu.dma_semaphore, #tpu.memory_space<semaphore_mem>>)
    %add3A_284 = arith.constant 9120 : i32
    %add3A_285 = arith.addi %mul3A_2, %add3A_284 : i32
    %dma_wait3A_286 = tpu.memref_slice %arg2[%add3A_285] : memref<320000xi32, #tpu.memory_space<hbm>> -> memref<80xi32, #tpu.memory_space<hbm>>
    %dma_wait3A_287 = tpu.memref_slice %arg2[%add3A_285] : memref<320000xi32, #tpu.memory_space<hbm>> -> memref<80xi32, #tpu.memory_space<hbm>>
    tpu.wait_dma2 semaphore(%arg29 : memref<!tpu.dma_semaphore, #tpu.memory_space<semaphore_mem>>) src(%dma_wait3A_287 : memref<80xi32, #tpu.memory_space<hbm>>) dst(%arg9 : memref<80xi32, #tpu.memory_space<vmem>>)
    %dma_wait3A_288 = tpu.memref_slice %arg3[%add3A_285] : memref<320000xi32, #tpu.memory_space<hbm>> -> memref<80xi32, #tpu.memory_space<hbm>>
    %dma_wait3A_289 = tpu.memref_slice %arg3[%add3A_285] : memref<320000xi32, #tpu.memory_space<hbm>> -> memref<80xi32, #tpu.memory_space<hbm>>
    tpu.wait_dma2 semaphore(%arg29 : memref<!tpu.dma_semaphore, #tpu.memory_space<semaphore_mem>>) src(%dma_wait3A_289 : memref<80xi32, #tpu.memory_space<hbm>>) dst(%arg17 : memref<80xi32, #tpu.memory_space<vmem>>)
    %dma_start3A_290 = arith.constant 0 : i32
    %dma_start3A_291 = arith.constant 0 : i32
    %dma_start3A_292 = tpu.memref_slice %arg4[%dma_start3A_290, %dma_start3A_291] : memref<10000x128xf32, #tpu.memory_space<hbm>> -> memref<10000x128xf32, #tpu.memory_space<hbm>>
    tpu.enqueue_indirect_dma source(%dma_start3A_292 : memref<10000x128xf32, #tpu.memory_space<hbm>>) target(%arg25 : memref<80x128xf32, #tpu.memory_space<vmem>>) offsets(%arg9 : memref<80xi32, #tpu.memory_space<vmem>>) semaphore(%arg37 : memref<!tpu.dma_semaphore, #tpu.memory_space<semaphore_mem>>)
    %dma_wait3A_293 = arith.constant 0 : i32
    %dma_wait3A_294 = arith.constant 0 : i32
    %dma_wait3A_295 = tpu.memref_slice %arg4[%dma_wait3A_293, %dma_wait3A_294] : memref<10000x128xf32, #tpu.memory_space<hbm>> -> memref<10000x128xf32, #tpu.memory_space<hbm>>
    tpu.wait_indirect_dma semaphore(%arg35 : memref<!tpu.dma_semaphore, #tpu.memory_space<semaphore_mem>>) src(%dma_wait3A_295 : memref<10000x128xf32, #tpu.memory_space<hbm>>) dst(%arg23 : memref<80x128xf32, #tpu.memory_space<vmem>>)
    %dma_start3A_296 = arith.constant 0 : i32
    %dma_start3A_297 = arith.constant 0 : i32
    %dma_start3A_298 = tpu.memref_slice %arg43[%dma_start3A_296, %dma_start3A_297] : memref<10000x128xf32, #tpu.memory_space<vmem_shared>> -> memref<10000x128xf32, #tpu.memory_space<vmem_shared>>
    tpu.enqueue_indirect_dma source(%arg23 : memref<80x128xf32, #tpu.memory_space<vmem>>) target(%dma_start3A_298 : memref<10000x128xf32, #tpu.memory_space<vmem_shared>>) offsets(%arg15 : memref<80xi32, #tpu.memory_space<vmem>>) semaphore(%arg39 : memref<!tpu.dma_semaphore, #tpu.memory_space<semaphore_mem>>) {add = true}
    %dma_wait3A_299 = arith.constant 0 : i32
    %dma_wait3A_300 = arith.constant 0 : i32
    %dma_wait3A_301 = tpu.memref_slice %arg43[%dma_wait3A_299, %dma_wait3A_300] : memref<10000x128xf32, #tpu.memory_space<vmem_shared>> -> memref<10000x128xf32, #tpu.memory_space<vmem_shared>>
    tpu.wait_indirect_dma semaphore(%arg42 : memref<!tpu.dma_semaphore, #tpu.memory_space<semaphore_mem>>) src(%arg26 : memref<80x128xf32, #tpu.memory_space<vmem>>) dst(%dma_wait3A_301 : memref<10000x128xf32, #tpu.memory_space<vmem_shared>>)
    %add3A_302 = arith.constant 9520 : i32
    %add3A_303 = arith.addi %mul3A_2, %add3A_302 : i32
    %dma_start3A_304 = tpu.memref_slice %arg2[%add3A_303] : memref<320000xi32, #tpu.memory_space<hbm>> -> memref<80xi32, #tpu.memory_space<hbm>>
    %dma_start3A_305 = tpu.memref_slice %arg2[%add3A_303] : memref<320000xi32, #tpu.memory_space<hbm>> -> memref<80xi32, #tpu.memory_space<hbm>>
    tpu.enqueue_dma source(%dma_start3A_305 : memref<80xi32, #tpu.memory_space<hbm>>) target(%arg14 : memref<80xi32, #tpu.memory_space<vmem>>) target_semaphore(%arg34 : memref<!tpu.dma_semaphore, #tpu.memory_space<semaphore_mem>>)
    %dma_start3A_306 = tpu.memref_slice %arg3[%add3A_303] : memref<320000xi32, #tpu.memory_space<hbm>> -> memref<80xi32, #tpu.memory_space<hbm>>
    %dma_start3A_307 = tpu.memref_slice %arg3[%add3A_303] : memref<320000xi32, #tpu.memory_space<hbm>> -> memref<80xi32, #tpu.memory_space<hbm>>
    tpu.enqueue_dma source(%dma_start3A_307 : memref<80xi32, #tpu.memory_space<hbm>>) target(%arg22 : memref<80xi32, #tpu.memory_space<vmem>>) target_semaphore(%arg34 : memref<!tpu.dma_semaphore, #tpu.memory_space<semaphore_mem>>)
    %add3A_308 = arith.constant 9200 : i32
    %add3A_309 = arith.addi %mul3A_2, %add3A_308 : i32
    %dma_wait3A_310 = tpu.memref_slice %arg2[%add3A_309] : memref<320000xi32, #tpu.memory_space<hbm>> -> memref<80xi32, #tpu.memory_space<hbm>>
    %dma_wait3A_311 = tpu.memref_slice %arg2[%add3A_309] : memref<320000xi32, #tpu.memory_space<hbm>> -> memref<80xi32, #tpu.memory_space<hbm>>
    tpu.wait_dma2 semaphore(%arg30 : memref<!tpu.dma_semaphore, #tpu.memory_space<semaphore_mem>>) src(%dma_wait3A_311 : memref<80xi32, #tpu.memory_space<hbm>>) dst(%arg10 : memref<80xi32, #tpu.memory_space<vmem>>)
    %dma_wait3A_312 = tpu.memref_slice %arg3[%add3A_309] : memref<320000xi32, #tpu.memory_space<hbm>> -> memref<80xi32, #tpu.memory_space<hbm>>
    %dma_wait3A_313 = tpu.memref_slice %arg3[%add3A_309] : memref<320000xi32, #tpu.memory_space<hbm>> -> memref<80xi32, #tpu.memory_space<hbm>>
    tpu.wait_dma2 semaphore(%arg30 : memref<!tpu.dma_semaphore, #tpu.memory_space<semaphore_mem>>) src(%dma_wait3A_313 : memref<80xi32, #tpu.memory_space<hbm>>) dst(%arg18 : memref<80xi32, #tpu.memory_space<vmem>>)
    %dma_start3A_314 = arith.constant 0 : i32
    %dma_start3A_315 = arith.constant 0 : i32
    %dma_start3A_316 = tpu.memref_slice %arg4[%dma_start3A_314, %dma_start3A_315] : memref<10000x128xf32, #tpu.memory_space<hbm>> -> memref<10000x128xf32, #tpu.memory_space<hbm>>
    tpu.enqueue_indirect_dma source(%dma_start3A_316 : memref<10000x128xf32, #tpu.memory_space<hbm>>) target(%arg26 : memref<80x128xf32, #tpu.memory_space<vmem>>) offsets(%arg10 : memref<80xi32, #tpu.memory_space<vmem>>) semaphore(%arg38 : memref<!tpu.dma_semaphore, #tpu.memory_space<semaphore_mem>>)
    %dma_wait3A_317 = arith.constant 0 : i32
    %dma_wait3A_318 = arith.constant 0 : i32
    %dma_wait3A_319 = tpu.memref_slice %arg4[%dma_wait3A_317, %dma_wait3A_318] : memref<10000x128xf32, #tpu.memory_space<hbm>> -> memref<10000x128xf32, #tpu.memory_space<hbm>>
    tpu.wait_indirect_dma semaphore(%arg36 : memref<!tpu.dma_semaphore, #tpu.memory_space<semaphore_mem>>) src(%dma_wait3A_319 : memref<10000x128xf32, #tpu.memory_space<hbm>>) dst(%arg24 : memref<80x128xf32, #tpu.memory_space<vmem>>)
    %dma_start3A_320 = arith.constant 0 : i32
    %dma_start3A_321 = arith.constant 0 : i32
    %dma_start3A_322 = tpu.memref_slice %arg43[%dma_start3A_320, %dma_start3A_321] : memref<10000x128xf32, #tpu.memory_space<vmem_shared>> -> memref<10000x128xf32, #tpu.memory_space<vmem_shared>>
    tpu.enqueue_indirect_dma source(%arg24 : memref<80x128xf32, #tpu.memory_space<vmem>>) target(%dma_start3A_322 : memref<10000x128xf32, #tpu.memory_space<vmem_shared>>) offsets(%arg16 : memref<80xi32, #tpu.memory_space<vmem>>) semaphore(%arg40 : memref<!tpu.dma_semaphore, #tpu.memory_space<semaphore_mem>>) {add = true}
    %dma_wait3A_323 = arith.constant 0 : i32
    %dma_wait3A_324 = arith.constant 0 : i32
    %dma_wait3A_325 = tpu.memref_slice %arg43[%dma_wait3A_323, %dma_wait3A_324] : memref<10000x128xf32, #tpu.memory_space<vmem_shared>> -> memref<10000x128xf32, #tpu.memory_space<vmem_shared>>
    tpu.wait_indirect_dma semaphore(%arg39 : memref<!tpu.dma_semaphore, #tpu.memory_space<semaphore_mem>>) src(%arg23 : memref<80x128xf32, #tpu.memory_space<vmem>>) dst(%dma_wait3A_325 : memref<10000x128xf32, #tpu.memory_space<vmem_shared>>)
    %add3A_326 = arith.constant 9600 : i32
    %add3A_327 = arith.addi %mul3A_2, %add3A_326 : i32
    %dma_start3A_328 = tpu.memref_slice %arg2[%add3A_327] : memref<320000xi32, #tpu.memory_space<hbm>> -> memref<80xi32, #tpu.memory_space<hbm>>
    %dma_start3A_329 = tpu.memref_slice %arg2[%add3A_327] : memref<320000xi32, #tpu.memory_space<hbm>> -> memref<80xi32, #tpu.memory_space<hbm>>
    tpu.enqueue_dma source(%dma_start3A_329 : memref<80xi32, #tpu.memory_space<hbm>>) target(%arg7 : memref<80xi32, #tpu.memory_space<vmem>>) target_semaphore(%arg27 : memref<!tpu.dma_semaphore, #tpu.memory_space<semaphore_mem>>)
    %dma_start3A_330 = tpu.memref_slice %arg3[%add3A_327] : memref<320000xi32, #tpu.memory_space<hbm>> -> memref<80xi32, #tpu.memory_space<hbm>>
    %dma_start3A_331 = tpu.memref_slice %arg3[%add3A_327] : memref<320000xi32, #tpu.memory_space<hbm>> -> memref<80xi32, #tpu.memory_space<hbm>>
    tpu.enqueue_dma source(%dma_start3A_331 : memref<80xi32, #tpu.memory_space<hbm>>) target(%arg15 : memref<80xi32, #tpu.memory_space<vmem>>) target_semaphore(%arg27 : memref<!tpu.dma_semaphore, #tpu.memory_space<semaphore_mem>>)
    %add3A_332 = arith.constant 9280 : i32
    %add3A_333 = arith.addi %mul3A_2, %add3A_332 : i32
    %dma_wait3A_334 = tpu.memref_slice %arg2[%add3A_333] : memref<320000xi32, #tpu.memory_space<hbm>> -> memref<80xi32, #tpu.memory_space<hbm>>
    %dma_wait3A_335 = tpu.memref_slice %arg2[%add3A_333] : memref<320000xi32, #tpu.memory_space<hbm>> -> memref<80xi32, #tpu.memory_space<hbm>>
    tpu.wait_dma2 semaphore(%arg31 : memref<!tpu.dma_semaphore, #tpu.memory_space<semaphore_mem>>) src(%dma_wait3A_335 : memref<80xi32, #tpu.memory_space<hbm>>) dst(%arg11 : memref<80xi32, #tpu.memory_space<vmem>>)
    %dma_wait3A_336 = tpu.memref_slice %arg3[%add3A_333] : memref<320000xi32, #tpu.memory_space<hbm>> -> memref<80xi32, #tpu.memory_space<hbm>>
    %dma_wait3A_337 = tpu.memref_slice %arg3[%add3A_333] : memref<320000xi32, #tpu.memory_space<hbm>> -> memref<80xi32, #tpu.memory_space<hbm>>
    tpu.wait_dma2 semaphore(%arg31 : memref<!tpu.dma_semaphore, #tpu.memory_space<semaphore_mem>>) src(%dma_wait3A_337 : memref<80xi32, #tpu.memory_space<hbm>>) dst(%arg19 : memref<80xi32, #tpu.memory_space<vmem>>)
    %dma_start3A_338 = arith.constant 0 : i32
    %dma_start3A_339 = arith.constant 0 : i32
    %dma_start3A_340 = tpu.memref_slice %arg4[%dma_start3A_338, %dma_start3A_339] : memref<10000x128xf32, #tpu.memory_space<hbm>> -> memref<10000x128xf32, #tpu.memory_space<hbm>>
    tpu.enqueue_indirect_dma source(%dma_start3A_340 : memref<10000x128xf32, #tpu.memory_space<hbm>>) target(%arg23 : memref<80x128xf32, #tpu.memory_space<vmem>>) offsets(%arg11 : memref<80xi32, #tpu.memory_space<vmem>>) semaphore(%arg35 : memref<!tpu.dma_semaphore, #tpu.memory_space<semaphore_mem>>)
    %dma_wait3A_341 = arith.constant 0 : i32
    %dma_wait3A_342 = arith.constant 0 : i32
    %dma_wait3A_343 = tpu.memref_slice %arg4[%dma_wait3A_341, %dma_wait3A_342] : memref<10000x128xf32, #tpu.memory_space<hbm>> -> memref<10000x128xf32, #tpu.memory_space<hbm>>
    tpu.wait_indirect_dma semaphore(%arg37 : memref<!tpu.dma_semaphore, #tpu.memory_space<semaphore_mem>>) src(%dma_wait3A_343 : memref<10000x128xf32, #tpu.memory_space<hbm>>) dst(%arg25 : memref<80x128xf32, #tpu.memory_space<vmem>>)
    %dma_start3A_344 = arith.constant 0 : i32
    %dma_start3A_345 = arith.constant 0 : i32
    %dma_start3A_346 = tpu.memref_slice %arg43[%dma_start3A_344, %dma_start3A_345] : memref<10000x128xf32, #tpu.memory_space<vmem_shared>> -> memref<10000x128xf32, #tpu.memory_space<vmem_shared>>
    tpu.enqueue_indirect_dma source(%arg25 : memref<80x128xf32, #tpu.memory_space<vmem>>) target(%dma_start3A_346 : memref<10000x128xf32, #tpu.memory_space<vmem_shared>>) offsets(%arg17 : memref<80xi32, #tpu.memory_space<vmem>>) semaphore(%arg41 : memref<!tpu.dma_semaphore, #tpu.memory_space<semaphore_mem>>) {add = true}
    %dma_wait3A_347 = arith.constant 0 : i32
    %dma_wait3A_348 = arith.constant 0 : i32
    %dma_wait3A_349 = tpu.memref_slice %arg43[%dma_wait3A_347, %dma_wait3A_348] : memref<10000x128xf32, #tpu.memory_space<vmem_shared>> -> memref<10000x128xf32, #tpu.memory_space<vmem_shared>>
    tpu.wait_indirect_dma semaphore(%arg40 : memref<!tpu.dma_semaphore, #tpu.memory_space<semaphore_mem>>) src(%arg24 : memref<80x128xf32, #tpu.memory_space<vmem>>) dst(%dma_wait3A_349 : memref<10000x128xf32, #tpu.memory_space<vmem_shared>>)
    %add3A_350 = arith.constant 9680 : i32
    %add3A_351 = arith.addi %mul3A_2, %add3A_350 : i32
    %dma_start3A_352 = tpu.memref_slice %arg2[%add3A_351] : memref<320000xi32, #tpu.memory_space<hbm>> -> memref<80xi32, #tpu.memory_space<hbm>>
    %dma_start3A_353 = tpu.memref_slice %arg2[%add3A_351] : memref<320000xi32, #tpu.memory_space<hbm>> -> memref<80xi32, #tpu.memory_space<hbm>>
    tpu.enqueue_dma source(%dma_start3A_353 : memref<80xi32, #tpu.memory_space<hbm>>) target(%arg8 : memref<80xi32, #tpu.memory_space<vmem>>) target_semaphore(%arg28 : memref<!tpu.dma_semaphore, #tpu.memory_space<semaphore_mem>>)
    %dma_start3A_354 = tpu.memref_slice %arg3[%add3A_351] : memref<320000xi32, #tpu.memory_space<hbm>> -> memref<80xi32, #tpu.memory_space<hbm>>
    %dma_start3A_355 = tpu.memref_slice %arg3[%add3A_351] : memref<320000xi32, #tpu.memory_space<hbm>> -> memref<80xi32, #tpu.memory_space<hbm>>
    tpu.enqueue_dma source(%dma_start3A_355 : memref<80xi32, #tpu.memory_space<hbm>>) target(%arg16 : memref<80xi32, #tpu.memory_space<vmem>>) target_semaphore(%arg28 : memref<!tpu.dma_semaphore, #tpu.memory_space<semaphore_mem>>)
    %add3A_356 = arith.constant 9360 : i32
    %add3A_357 = arith.addi %mul3A_2, %add3A_356 : i32
    %dma_wait3A_358 = tpu.memref_slice %arg2[%add3A_357] : memref<320000xi32, #tpu.memory_space<hbm>> -> memref<80xi32, #tpu.memory_space<hbm>>
    %dma_wait3A_359 = tpu.memref_slice %arg2[%add3A_357] : memref<320000xi32, #tpu.memory_space<hbm>> -> memref<80xi32, #tpu.memory_space<hbm>>
    tpu.wait_dma2 semaphore(%arg32 : memref<!tpu.dma_semaphore, #tpu.memory_space<semaphore_mem>>) src(%dma_wait3A_359 : memref<80xi32, #tpu.memory_space<hbm>>) dst(%arg12 : memref<80xi32, #tpu.memory_space<vmem>>)
    %dma_wait3A_360 = tpu.memref_slice %arg3[%add3A_357] : memref<320000xi32, #tpu.memory_space<hbm>> -> memref<80xi32, #tpu.memory_space<hbm>>
    %dma_wait3A_361 = tpu.memref_slice %arg3[%add3A_357] : memref<320000xi32, #tpu.memory_space<hbm>> -> memref<80xi32, #tpu.memory_space<hbm>>
    tpu.wait_dma2 semaphore(%arg32 : memref<!tpu.dma_semaphore, #tpu.memory_space<semaphore_mem>>) src(%dma_wait3A_361 : memref<80xi32, #tpu.memory_space<hbm>>) dst(%arg20 : memref<80xi32, #tpu.memory_space<vmem>>)
    %dma_start3A_362 = arith.constant 0 : i32
    %dma_start3A_363 = arith.constant 0 : i32
    %dma_start3A_364 = tpu.memref_slice %arg4[%dma_start3A_362, %dma_start3A_363] : memref<10000x128xf32, #tpu.memory_space<hbm>> -> memref<10000x128xf32, #tpu.memory_space<hbm>>
    tpu.enqueue_indirect_dma source(%dma_start3A_364 : memref<10000x128xf32, #tpu.memory_space<hbm>>) target(%arg24 : memref<80x128xf32, #tpu.memory_space<vmem>>) offsets(%arg12 : memref<80xi32, #tpu.memory_space<vmem>>) semaphore(%arg36 : memref<!tpu.dma_semaphore, #tpu.memory_space<semaphore_mem>>)
    %dma_wait3A_365 = arith.constant 0 : i32
    %dma_wait3A_366 = arith.constant 0 : i32
    %dma_wait3A_367 = tpu.memref_slice %arg4[%dma_wait3A_365, %dma_wait3A_366] : memref<10000x128xf32, #tpu.memory_space<hbm>> -> memref<10000x128xf32, #tpu.memory_space<hbm>>
    tpu.wait_indirect_dma semaphore(%arg38 : memref<!tpu.dma_semaphore, #tpu.memory_space<semaphore_mem>>) src(%dma_wait3A_367 : memref<10000x128xf32, #tpu.memory_space<hbm>>) dst(%arg26 : memref<80x128xf32, #tpu.memory_space<vmem>>)
    %dma_start3A_368 = arith.constant 0 : i32
    %dma_start3A_369 = arith.constant 0 : i32
    %dma_start3A_370 = tpu.memref_slice %arg43[%dma_start3A_368, %dma_start3A_369] : memref<10000x128xf32, #tpu.memory_space<vmem_shared>> -> memref<10000x128xf32, #tpu.memory_space<vmem_shared>>
    tpu.enqueue_indirect_dma source(%arg26 : memref<80x128xf32, #tpu.memory_space<vmem>>) target(%dma_start3A_370 : memref<10000x128xf32, #tpu.memory_space<vmem_shared>>) offsets(%arg18 : memref<80xi32, #tpu.memory_space<vmem>>) semaphore(%arg42 : memref<!tpu.dma_semaphore, #tpu.memory_space<semaphore_mem>>) {add = true}
    %dma_wait3A_371 = arith.constant 0 : i32
    %dma_wait3A_372 = arith.constant 0 : i32
    %dma_wait3A_373 = tpu.memref_slice %arg43[%dma_wait3A_371, %dma_wait3A_372] : memref<10000x128xf32, #tpu.memory_space<vmem_shared>> -> memref<10000x128xf32, #tpu.memory_space<vmem_shared>>
    tpu.wait_indirect_dma semaphore(%arg41 : memref<!tpu.dma_semaphore, #tpu.memory_space<semaphore_mem>>) src(%arg25 : memref<80x128xf32, #tpu.memory_space<vmem>>) dst(%dma_wait3A_373 : memref<10000x128xf32, #tpu.memory_space<vmem_shared>>)
    %add3A_374 = arith.constant 9760 : i32
    %add3A_375 = arith.addi %mul3A_2, %add3A_374 : i32
    %dma_start3A_376 = tpu.memref_slice %arg2[%add3A_375] : memref<320000xi32, #tpu.memory_space<hbm>> -> memref<80xi32, #tpu.memory_space<hbm>>
    %dma_start3A_377 = tpu.memref_slice %arg2[%add3A_375] : memref<320000xi32, #tpu.memory_space<hbm>> -> memref<80xi32, #tpu.memory_space<hbm>>
    tpu.enqueue_dma source(%dma_start3A_377 : memref<80xi32, #tpu.memory_space<hbm>>) target(%arg9 : memref<80xi32, #tpu.memory_space<vmem>>) target_semaphore(%arg29 : memref<!tpu.dma_semaphore, #tpu.memory_space<semaphore_mem>>)
    %dma_start3A_378 = tpu.memref_slice %arg3[%add3A_375] : memref<320000xi32, #tpu.memory_space<hbm>> -> memref<80xi32, #tpu.memory_space<hbm>>
    %dma_start3A_379 = tpu.memref_slice %arg3[%add3A_375] : memref<320000xi32, #tpu.memory_space<hbm>> -> memref<80xi32, #tpu.memory_space<hbm>>
    tpu.enqueue_dma source(%dma_start3A_379 : memref<80xi32, #tpu.memory_space<hbm>>) target(%arg17 : memref<80xi32, #tpu.memory_space<vmem>>) target_semaphore(%arg29 : memref<!tpu.dma_semaphore, #tpu.memory_space<semaphore_mem>>)
    %add3A_380 = arith.constant 9440 : i32
    %add3A_381 = arith.addi %mul3A_2, %add3A_380 : i32
    %dma_wait3A_382 = tpu.memref_slice %arg2[%add3A_381] : memref<320000xi32, #tpu.memory_space<hbm>> -> memref<80xi32, #tpu.memory_space<hbm>>
    %dma_wait3A_383 = tpu.memref_slice %arg2[%add3A_381] : memref<320000xi32, #tpu.memory_space<hbm>> -> memref<80xi32, #tpu.memory_space<hbm>>
    tpu.wait_dma2 semaphore(%arg33 : memref<!tpu.dma_semaphore, #tpu.memory_space<semaphore_mem>>) src(%dma_wait3A_383 : memref<80xi32, #tpu.memory_space<hbm>>) dst(%arg13 : memref<80xi32, #tpu.memory_space<vmem>>)
    %dma_wait3A_384 = tpu.memref_slice %arg3[%add3A_381] : memref<320000xi32, #tpu.memory_space<hbm>> -> memref<80xi32, #tpu.memory_space<hbm>>
    %dma_wait3A_385 = tpu.memref_slice %arg3[%add3A_381] : memref<320000xi32, #tpu.memory_space<hbm>> -> memref<80xi32, #tpu.memory_space<hbm>>
    tpu.wait_dma2 semaphore(%arg33 : memref<!tpu.dma_semaphore, #tpu.memory_space<semaphore_mem>>) src(%dma_wait3A_385 : memref<80xi32, #tpu.memory_space<hbm>>) dst(%arg21 : memref<80xi32, #tpu.memory_space<vmem>>)
    %dma_start3A_386 = arith.constant 0 : i32
    %dma_start3A_387 = arith.constant 0 : i32
    %dma_start3A_388 = tpu.memref_slice %arg4[%dma_start3A_386, %dma_start3A_387] : memref<10000x128xf32, #tpu.memory_space<hbm>> -> memref<10000x128xf32, #tpu.memory_space<hbm>>
    tpu.enqueue_indirect_dma source(%dma_start3A_388 : memref<10000x128xf32, #tpu.memory_space<hbm>>) target(%arg25 : memref<80x128xf32, #tpu.memory_space<vmem>>) offsets(%arg13 : memref<80xi32, #tpu.memory_space<vmem>>) semaphore(%arg37 : memref<!tpu.dma_semaphore, #tpu.memory_space<semaphore_mem>>)
    %dma_wait3A_389 = arith.constant 0 : i32
    %dma_wait3A_390 = arith.constant 0 : i32
    %dma_wait3A_391 = tpu.memref_slice %arg4[%dma_wait3A_389, %dma_wait3A_390] : memref<10000x128xf32, #tpu.memory_space<hbm>> -> memref<10000x128xf32, #tpu.memory_space<hbm>>
    tpu.wait_indirect_dma semaphore(%arg35 : memref<!tpu.dma_semaphore, #tpu.memory_space<semaphore_mem>>) src(%dma_wait3A_391 : memref<10000x128xf32, #tpu.memory_space<hbm>>) dst(%arg23 : memref<80x128xf32, #tpu.memory_space<vmem>>)
    %dma_start3A_392 = arith.constant 0 : i32
    %dma_start3A_393 = arith.constant 0 : i32
    %dma_start3A_394 = tpu.memref_slice %arg43[%dma_start3A_392, %dma_start3A_393] : memref<10000x128xf32, #tpu.memory_space<vmem_shared>> -> memref<10000x128xf32, #tpu.memory_space<vmem_shared>>
    tpu.enqueue_indirect_dma source(%arg23 : memref<80x128xf32, #tpu.memory_space<vmem>>) target(%dma_start3A_394 : memref<10000x128xf32, #tpu.memory_space<vmem_shared>>) offsets(%arg19 : memref<80xi32, #tpu.memory_space<vmem>>) semaphore(%arg39 : memref<!tpu.dma_semaphore, #tpu.memory_space<semaphore_mem>>) {add = true}
    %dma_wait3A_395 = arith.constant 0 : i32
    %dma_wait3A_396 = arith.constant 0 : i32
    %dma_wait3A_397 = tpu.memref_slice %arg43[%dma_wait3A_395, %dma_wait3A_396] : memref<10000x128xf32, #tpu.memory_space<vmem_shared>> -> memref<10000x128xf32, #tpu.memory_space<vmem_shared>>
    tpu.wait_indirect_dma semaphore(%arg42 : memref<!tpu.dma_semaphore, #tpu.memory_space<semaphore_mem>>) src(%arg26 : memref<80x128xf32, #tpu.memory_space<vmem>>) dst(%dma_wait3A_397 : memref<10000x128xf32, #tpu.memory_space<vmem_shared>>)
    %add3A_398 = arith.constant 9840 : i32
    %add3A_399 = arith.addi %mul3A_2, %add3A_398 : i32
    %dma_start3A_400 = tpu.memref_slice %arg2[%add3A_399] : memref<320000xi32, #tpu.memory_space<hbm>> -> memref<80xi32, #tpu.memory_space<hbm>>
    %dma_start3A_401 = tpu.memref_slice %arg2[%add3A_399] : memref<320000xi32, #tpu.memory_space<hbm>> -> memref<80xi32, #tpu.memory_space<hbm>>
    tpu.enqueue_dma source(%dma_start3A_401 : memref<80xi32, #tpu.memory_space<hbm>>) target(%arg10 : memref<80xi32, #tpu.memory_space<vmem>>) target_semaphore(%arg30 : memref<!tpu.dma_semaphore, #tpu.memory_space<semaphore_mem>>)
    %dma_start3A_402 = tpu.memref_slice %arg3[%add3A_399] : memref<320000xi32, #tpu.memory_space<hbm>> -> memref<80xi32, #tpu.memory_space<hbm>>
    %dma_start3A_403 = tpu.memref_slice %arg3[%add3A_399] : memref<320000xi32, #tpu.memory_space<hbm>> -> memref<80xi32, #tpu.memory_space<hbm>>
    tpu.enqueue_dma source(%dma_start3A_403 : memref<80xi32, #tpu.memory_space<hbm>>) target(%arg18 : memref<80xi32, #tpu.memory_space<vmem>>) target_semaphore(%arg30 : memref<!tpu.dma_semaphore, #tpu.memory_space<semaphore_mem>>)
    %add3A_404 = arith.constant 9520 : i32
    %add3A_405 = arith.addi %mul3A_2, %add3A_404 : i32
    %dma_wait3A_406 = tpu.memref_slice %arg2[%add3A_405] : memref<320000xi32, #tpu.memory_space<hbm>> -> memref<80xi32, #tpu.memory_space<hbm>>
    %dma_wait3A_407 = tpu.memref_slice %arg2[%add3A_405] : memref<320000xi32, #tpu.memory_space<hbm>> -> memref<80xi32, #tpu.memory_space<hbm>>
    tpu.wait_dma2 semaphore(%arg34 : memref<!tpu.dma_semaphore, #tpu.memory_space<semaphore_mem>>) src(%dma_wait3A_407 : memref<80xi32, #tpu.memory_space<hbm>>) dst(%arg14 : memref<80xi32, #tpu.memory_space<vmem>>)
    %dma_wait3A_408 = tpu.memref_slice %arg3[%add3A_405] : memref<320000xi32, #tpu.memory_space<hbm>> -> memref<80xi32, #tpu.memory_space<hbm>>
    %dma_wait3A_409 = tpu.memref_slice %arg3[%add3A_405] : memref<320000xi32, #tpu.memory_space<hbm>> -> memref<80xi32, #tpu.memory_space<hbm>>
    tpu.wait_dma2 semaphore(%arg34 : memref<!tpu.dma_semaphore, #tpu.memory_space<semaphore_mem>>) src(%dma_wait3A_409 : memref<80xi32, #tpu.memory_space<hbm>>) dst(%arg22 : memref<80xi32, #tpu.memory_space<vmem>>)
    %dma_start3A_410 = arith.constant 0 : i32
    %dma_start3A_411 = arith.constant 0 : i32
    %dma_start3A_412 = tpu.memref_slice %arg4[%dma_start3A_410, %dma_start3A_411] : memref<10000x128xf32, #tpu.memory_space<hbm>> -> memref<10000x128xf32, #tpu.memory_space<hbm>>
    tpu.enqueue_indirect_dma source(%dma_start3A_412 : memref<10000x128xf32, #tpu.memory_space<hbm>>) target(%arg26 : memref<80x128xf32, #tpu.memory_space<vmem>>) offsets(%arg14 : memref<80xi32, #tpu.memory_space<vmem>>) semaphore(%arg38 : memref<!tpu.dma_semaphore, #tpu.memory_space<semaphore_mem>>)
    %dma_wait3A_413 = arith.constant 0 : i32
    %dma_wait3A_414 = arith.constant 0 : i32
    %dma_wait3A_415 = tpu.memref_slice %arg4[%dma_wait3A_413, %dma_wait3A_414] : memref<10000x128xf32, #tpu.memory_space<hbm>> -> memref<10000x128xf32, #tpu.memory_space<hbm>>
    tpu.wait_indirect_dma semaphore(%arg36 : memref<!tpu.dma_semaphore, #tpu.memory_space<semaphore_mem>>) src(%dma_wait3A_415 : memref<10000x128xf32, #tpu.memory_space<hbm>>) dst(%arg24 : memref<80x128xf32, #tpu.memory_space<vmem>>)
    %dma_start3A_416 = arith.constant 0 : i32
    %dma_start3A_417 = arith.constant 0 : i32
    %dma_start3A_418 = tpu.memref_slice %arg43[%dma_start3A_416, %dma_start3A_417] : memref<10000x128xf32, #tpu.memory_space<vmem_shared>> -> memref<10000x128xf32, #tpu.memory_space<vmem_shared>>
    tpu.enqueue_indirect_dma source(%arg24 : memref<80x128xf32, #tpu.memory_space<vmem>>) target(%dma_start3A_418 : memref<10000x128xf32, #tpu.memory_space<vmem_shared>>) offsets(%arg20 : memref<80xi32, #tpu.memory_space<vmem>>) semaphore(%arg40 : memref<!tpu.dma_semaphore, #tpu.memory_space<semaphore_mem>>) {add = true}
    %dma_wait3A_419 = arith.constant 0 : i32
    %dma_wait3A_420 = arith.constant 0 : i32
    %dma_wait3A_421 = tpu.memref_slice %arg43[%dma_wait3A_419, %dma_wait3A_420] : memref<10000x128xf32, #tpu.memory_space<vmem_shared>> -> memref<10000x128xf32, #tpu.memory_space<vmem_shared>>
    tpu.wait_indirect_dma semaphore(%arg39 : memref<!tpu.dma_semaphore, #tpu.memory_space<semaphore_mem>>) src(%arg23 : memref<80x128xf32, #tpu.memory_space<vmem>>) dst(%dma_wait3A_421 : memref<10000x128xf32, #tpu.memory_space<vmem_shared>>)
    %add3A_422 = arith.constant 9920 : i32
    %add3A_423 = arith.addi %mul3A_2, %add3A_422 : i32
    %dma_start3A_424 = tpu.memref_slice %arg2[%add3A_423] : memref<320000xi32, #tpu.memory_space<hbm>> -> memref<80xi32, #tpu.memory_space<hbm>>
    %dma_start3A_425 = tpu.memref_slice %arg2[%add3A_423] : memref<320000xi32, #tpu.memory_space<hbm>> -> memref<80xi32, #tpu.memory_space<hbm>>
    tpu.enqueue_dma source(%dma_start3A_425 : memref<80xi32, #tpu.memory_space<hbm>>) target(%arg11 : memref<80xi32, #tpu.memory_space<vmem>>) target_semaphore(%arg31 : memref<!tpu.dma_semaphore, #tpu.memory_space<semaphore_mem>>)
    %dma_start3A_426 = tpu.memref_slice %arg3[%add3A_423] : memref<320000xi32, #tpu.memory_space<hbm>> -> memref<80xi32, #tpu.memory_space<hbm>>
    %dma_start3A_427 = tpu.memref_slice %arg3[%add3A_423] : memref<320000xi32, #tpu.memory_space<hbm>> -> memref<80xi32, #tpu.memory_space<hbm>>
    tpu.enqueue_dma source(%dma_start3A_427 : memref<80xi32, #tpu.memory_space<hbm>>) target(%arg19 : memref<80xi32, #tpu.memory_space<vmem>>) target_semaphore(%arg31 : memref<!tpu.dma_semaphore, #tpu.memory_space<semaphore_mem>>)
    %add3A_428 = arith.constant 9600 : i32
    %add3A_429 = arith.addi %mul3A_2, %add3A_428 : i32
    %dma_wait3A_430 = tpu.memref_slice %arg2[%add3A_429] : memref<320000xi32, #tpu.memory_space<hbm>> -> memref<80xi32, #tpu.memory_space<hbm>>
    %dma_wait3A_431 = tpu.memref_slice %arg2[%add3A_429] : memref<320000xi32, #tpu.memory_space<hbm>> -> memref<80xi32, #tpu.memory_space<hbm>>
    tpu.wait_dma2 semaphore(%arg27 : memref<!tpu.dma_semaphore, #tpu.memory_space<semaphore_mem>>) src(%dma_wait3A_431 : memref<80xi32, #tpu.memory_space<hbm>>) dst(%arg7 : memref<80xi32, #tpu.memory_space<vmem>>)
    %dma_wait3A_432 = tpu.memref_slice %arg3[%add3A_429] : memref<320000xi32, #tpu.memory_space<hbm>> -> memref<80xi32, #tpu.memory_space<hbm>>
    %dma_wait3A_433 = tpu.memref_slice %arg3[%add3A_429] : memref<320000xi32, #tpu.memory_space<hbm>> -> memref<80xi32, #tpu.memory_space<hbm>>
    tpu.wait_dma2 semaphore(%arg27 : memref<!tpu.dma_semaphore, #tpu.memory_space<semaphore_mem>>) src(%dma_wait3A_433 : memref<80xi32, #tpu.memory_space<hbm>>) dst(%arg15 : memref<80xi32, #tpu.memory_space<vmem>>)
    %dma_start3A_434 = arith.constant 0 : i32
    %dma_start3A_435 = arith.constant 0 : i32
    %dma_start3A_436 = tpu.memref_slice %arg4[%dma_start3A_434, %dma_start3A_435] : memref<10000x128xf32, #tpu.memory_space<hbm>> -> memref<10000x128xf32, #tpu.memory_space<hbm>>
    tpu.enqueue_indirect_dma source(%dma_start3A_436 : memref<10000x128xf32, #tpu.memory_space<hbm>>) target(%arg23 : memref<80x128xf32, #tpu.memory_space<vmem>>) offsets(%arg7 : memref<80xi32, #tpu.memory_space<vmem>>) semaphore(%arg35 : memref<!tpu.dma_semaphore, #tpu.memory_space<semaphore_mem>>)
    %dma_wait3A_437 = arith.constant 0 : i32
    %dma_wait3A_438 = arith.constant 0 : i32
    %dma_wait3A_439 = tpu.memref_slice %arg4[%dma_wait3A_437, %dma_wait3A_438] : memref<10000x128xf32, #tpu.memory_space<hbm>> -> memref<10000x128xf32, #tpu.memory_space<hbm>>
    tpu.wait_indirect_dma semaphore(%arg37 : memref<!tpu.dma_semaphore, #tpu.memory_space<semaphore_mem>>) src(%dma_wait3A_439 : memref<10000x128xf32, #tpu.memory_space<hbm>>) dst(%arg25 : memref<80x128xf32, #tpu.memory_space<vmem>>)
    %dma_start3A_440 = arith.constant 0 : i32
    %dma_start3A_441 = arith.constant 0 : i32
    %dma_start3A_442 = tpu.memref_slice %arg43[%dma_start3A_440, %dma_start3A_441] : memref<10000x128xf32, #tpu.memory_space<vmem_shared>> -> memref<10000x128xf32, #tpu.memory_space<vmem_shared>>
    tpu.enqueue_indirect_dma source(%arg25 : memref<80x128xf32, #tpu.memory_space<vmem>>) target(%dma_start3A_442 : memref<10000x128xf32, #tpu.memory_space<vmem_shared>>) offsets(%arg21 : memref<80xi32, #tpu.memory_space<vmem>>) semaphore(%arg41 : memref<!tpu.dma_semaphore, #tpu.memory_space<semaphore_mem>>) {add = true}
    %dma_wait3A_443 = arith.constant 0 : i32
    %dma_wait3A_444 = arith.constant 0 : i32
    %dma_wait3A_445 = tpu.memref_slice %arg43[%dma_wait3A_443, %dma_wait3A_444] : memref<10000x128xf32, #tpu.memory_space<vmem_shared>> -> memref<10000x128xf32, #tpu.memory_space<vmem_shared>>
    tpu.wait_indirect_dma semaphore(%arg40 : memref<!tpu.dma_semaphore, #tpu.memory_space<semaphore_mem>>) src(%arg24 : memref<80x128xf32, #tpu.memory_space<vmem>>) dst(%dma_wait3A_445 : memref<10000x128xf32, #tpu.memory_space<vmem_shared>>)
    %add3A_446 = arith.constant 9680 : i32
    %add3A_447 = arith.addi %mul3A_2, %add3A_446 : i32
    %dma_wait3A_448 = tpu.memref_slice %arg2[%add3A_447] : memref<320000xi32, #tpu.memory_space<hbm>> -> memref<80xi32, #tpu.memory_space<hbm>>
    %dma_wait3A_449 = tpu.memref_slice %arg2[%add3A_447] : memref<320000xi32, #tpu.memory_space<hbm>> -> memref<80xi32, #tpu.memory_space<hbm>>
    tpu.wait_dma2 semaphore(%arg28 : memref<!tpu.dma_semaphore, #tpu.memory_space<semaphore_mem>>) src(%dma_wait3A_449 : memref<80xi32, #tpu.memory_space<hbm>>) dst(%arg8 : memref<80xi32, #tpu.memory_space<vmem>>)
    %dma_wait3A_450 = tpu.memref_slice %arg3[%add3A_447] : memref<320000xi32, #tpu.memory_space<hbm>> -> memref<80xi32, #tpu.memory_space<hbm>>
    %dma_wait3A_451 = tpu.memref_slice %arg3[%add3A_447] : memref<320000xi32, #tpu.memory_space<hbm>> -> memref<80xi32, #tpu.memory_space<hbm>>
    tpu.wait_dma2 semaphore(%arg28 : memref<!tpu.dma_semaphore, #tpu.memory_space<semaphore_mem>>) src(%dma_wait3A_451 : memref<80xi32, #tpu.memory_space<hbm>>) dst(%arg16 : memref<80xi32, #tpu.memory_space<vmem>>)
    %dma_start3A_452 = arith.constant 0 : i32
    %dma_start3A_453 = arith.constant 0 : i32
    %dma_start3A_454 = tpu.memref_slice %arg4[%dma_start3A_452, %dma_start3A_453] : memref<10000x128xf32, #tpu.memory_space<hbm>> -> memref<10000x128xf32, #tpu.memory_space<hbm>>
    tpu.enqueue_indirect_dma source(%dma_start3A_454 : memref<10000x128xf32, #tpu.memory_space<hbm>>) target(%arg24 : memref<80x128xf32, #tpu.memory_space<vmem>>) offsets(%arg8 : memref<80xi32, #tpu.memory_space<vmem>>) semaphore(%arg36 : memref<!tpu.dma_semaphore, #tpu.memory_space<semaphore_mem>>)
    %dma_wait3A_455 = arith.constant 0 : i32
    %dma_wait3A_456 = arith.constant 0 : i32
    %dma_wait3A_457 = tpu.memref_slice %arg4[%dma_wait3A_455, %dma_wait3A_456] : memref<10000x128xf32, #tpu.memory_space<hbm>> -> memref<10000x128xf32, #tpu.memory_space<hbm>>
    tpu.wait_indirect_dma semaphore(%arg38 : memref<!tpu.dma_semaphore, #tpu.memory_space<semaphore_mem>>) src(%dma_wait3A_457 : memref<10000x128xf32, #tpu.memory_space<hbm>>) dst(%arg26 : memref<80x128xf32, #tpu.memory_space<vmem>>)
    %dma_start3A_458 = arith.constant 0 : i32
    %dma_start3A_459 = arith.constant 0 : i32
    %dma_start3A_460 = tpu.memref_slice %arg43[%dma_start3A_458, %dma_start3A_459] : memref<10000x128xf32, #tpu.memory_space<vmem_shared>> -> memref<10000x128xf32, #tpu.memory_space<vmem_shared>>
    tpu.enqueue_indirect_dma source(%arg26 : memref<80x128xf32, #tpu.memory_space<vmem>>) target(%dma_start3A_460 : memref<10000x128xf32, #tpu.memory_space<vmem_shared>>) offsets(%arg22 : memref<80xi32, #tpu.memory_space<vmem>>) semaphore(%arg42 : memref<!tpu.dma_semaphore, #tpu.memory_space<semaphore_mem>>) {add = true}
    %dma_wait3A_461 = arith.constant 0 : i32
    %dma_wait3A_462 = arith.constant 0 : i32
    %dma_wait3A_463 = tpu.memref_slice %arg43[%dma_wait3A_461, %dma_wait3A_462] : memref<10000x128xf32, #tpu.memory_space<vmem_shared>> -> memref<10000x128xf32, #tpu.memory_space<vmem_shared>>
    tpu.wait_indirect_dma semaphore(%arg41 : memref<!tpu.dma_semaphore, #tpu.memory_space<semaphore_mem>>) src(%arg25 : memref<80x128xf32, #tpu.memory_space<vmem>>) dst(%dma_wait3A_463 : memref<10000x128xf32, #tpu.memory_space<vmem_shared>>)
    %add3A_464 = arith.constant 9760 : i32
    %add3A_465 = arith.addi %mul3A_2, %add3A_464 : i32
    %dma_wait3A_466 = tpu.memref_slice %arg2[%add3A_465] : memref<320000xi32, #tpu.memory_space<hbm>> -> memref<80xi32, #tpu.memory_space<hbm>>
    %dma_wait3A_467 = tpu.memref_slice %arg2[%add3A_465] : memref<320000xi32, #tpu.memory_space<hbm>> -> memref<80xi32, #tpu.memory_space<hbm>>
    tpu.wait_dma2 semaphore(%arg29 : memref<!tpu.dma_semaphore, #tpu.memory_space<semaphore_mem>>) src(%dma_wait3A_467 : memref<80xi32, #tpu.memory_space<hbm>>) dst(%arg9 : memref<80xi32, #tpu.memory_space<vmem>>)
    %dma_wait3A_468 = tpu.memref_slice %arg3[%add3A_465] : memref<320000xi32, #tpu.memory_space<hbm>> -> memref<80xi32, #tpu.memory_space<hbm>>
    %dma_wait3A_469 = tpu.memref_slice %arg3[%add3A_465] : memref<320000xi32, #tpu.memory_space<hbm>> -> memref<80xi32, #tpu.memory_space<hbm>>
    tpu.wait_dma2 semaphore(%arg29 : memref<!tpu.dma_semaphore, #tpu.memory_space<semaphore_mem>>) src(%dma_wait3A_469 : memref<80xi32, #tpu.memory_space<hbm>>) dst(%arg17 : memref<80xi32, #tpu.memory_space<vmem>>)
    %dma_start3A_470 = arith.constant 0 : i32
    %dma_start3A_471 = arith.constant 0 : i32
    %dma_start3A_472 = tpu.memref_slice %arg4[%dma_start3A_470, %dma_start3A_471] : memref<10000x128xf32, #tpu.memory_space<hbm>> -> memref<10000x128xf32, #tpu.memory_space<hbm>>
    tpu.enqueue_indirect_dma source(%dma_start3A_472 : memref<10000x128xf32, #tpu.memory_space<hbm>>) target(%arg25 : memref<80x128xf32, #tpu.memory_space<vmem>>) offsets(%arg9 : memref<80xi32, #tpu.memory_space<vmem>>) semaphore(%arg37 : memref<!tpu.dma_semaphore, #tpu.memory_space<semaphore_mem>>)
    %dma_wait3A_473 = arith.constant 0 : i32
    %dma_wait3A_474 = arith.constant 0 : i32
    %dma_wait3A_475 = tpu.memref_slice %arg4[%dma_wait3A_473, %dma_wait3A_474] : memref<10000x128xf32, #tpu.memory_space<hbm>> -> memref<10000x128xf32, #tpu.memory_space<hbm>>
    tpu.wait_indirect_dma semaphore(%arg35 : memref<!tpu.dma_semaphore, #tpu.memory_space<semaphore_mem>>) src(%dma_wait3A_475 : memref<10000x128xf32, #tpu.memory_space<hbm>>) dst(%arg23 : memref<80x128xf32, #tpu.memory_space<vmem>>)
    %dma_start3A_476 = arith.constant 0 : i32
    %dma_start3A_477 = arith.constant 0 : i32
    %dma_start3A_478 = tpu.memref_slice %arg43[%dma_start3A_476, %dma_start3A_477] : memref<10000x128xf32, #tpu.memory_space<vmem_shared>> -> memref<10000x128xf32, #tpu.memory_space<vmem_shared>>
    tpu.enqueue_indirect_dma source(%arg23 : memref<80x128xf32, #tpu.memory_space<vmem>>) target(%dma_start3A_478 : memref<10000x128xf32, #tpu.memory_space<vmem_shared>>) offsets(%arg15 : memref<80xi32, #tpu.memory_space<vmem>>) semaphore(%arg39 : memref<!tpu.dma_semaphore, #tpu.memory_space<semaphore_mem>>) {add = true}
    %dma_wait3A_479 = arith.constant 0 : i32
    %dma_wait3A_480 = arith.constant 0 : i32
    %dma_wait3A_481 = tpu.memref_slice %arg43[%dma_wait3A_479, %dma_wait3A_480] : memref<10000x128xf32, #tpu.memory_space<vmem_shared>> -> memref<10000x128xf32, #tpu.memory_space<vmem_shared>>
    tpu.wait_indirect_dma semaphore(%arg42 : memref<!tpu.dma_semaphore, #tpu.memory_space<semaphore_mem>>) src(%arg26 : memref<80x128xf32, #tpu.memory_space<vmem>>) dst(%dma_wait3A_481 : memref<10000x128xf32, #tpu.memory_space<vmem_shared>>)
    %add3A_482 = arith.constant 9840 : i32
    %add3A_483 = arith.addi %mul3A_2, %add3A_482 : i32
    %dma_wait3A_484 = tpu.memref_slice %arg2[%add3A_483] : memref<320000xi32, #tpu.memory_space<hbm>> -> memref<80xi32, #tpu.memory_space<hbm>>
    %dma_wait3A_485 = tpu.memref_slice %arg2[%add3A_483] : memref<320000xi32, #tpu.memory_space<hbm>> -> memref<80xi32, #tpu.memory_space<hbm>>
    tpu.wait_dma2 semaphore(%arg30 : memref<!tpu.dma_semaphore, #tpu.memory_space<semaphore_mem>>) src(%dma_wait3A_485 : memref<80xi32, #tpu.memory_space<hbm>>) dst(%arg10 : memref<80xi32, #tpu.memory_space<vmem>>)
    %dma_wait3A_486 = tpu.memref_slice %arg3[%add3A_483] : memref<320000xi32, #tpu.memory_space<hbm>> -> memref<80xi32, #tpu.memory_space<hbm>>
    %dma_wait3A_487 = tpu.memref_slice %arg3[%add3A_483] : memref<320000xi32, #tpu.memory_space<hbm>> -> memref<80xi32, #tpu.memory_space<hbm>>
    tpu.wait_dma2 semaphore(%arg30 : memref<!tpu.dma_semaphore, #tpu.memory_space<semaphore_mem>>) src(%dma_wait3A_487 : memref<80xi32, #tpu.memory_space<hbm>>) dst(%arg18 : memref<80xi32, #tpu.memory_space<vmem>>)
    %dma_start3A_488 = arith.constant 0 : i32
    %dma_start3A_489 = arith.constant 0 : i32
    %dma_start3A_490 = tpu.memref_slice %arg4[%dma_start3A_488, %dma_start3A_489] : memref<10000x128xf32, #tpu.memory_space<hbm>> -> memref<10000x128xf32, #tpu.memory_space<hbm>>
    tpu.enqueue_indirect_dma source(%dma_start3A_490 : memref<10000x128xf32, #tpu.memory_space<hbm>>) target(%arg26 : memref<80x128xf32, #tpu.memory_space<vmem>>) offsets(%arg10 : memref<80xi32, #tpu.memory_space<vmem>>) semaphore(%arg38 : memref<!tpu.dma_semaphore, #tpu.memory_space<semaphore_mem>>)
    %dma_wait3A_491 = arith.constant 0 : i32
    %dma_wait3A_492 = arith.constant 0 : i32
    %dma_wait3A_493 = tpu.memref_slice %arg4[%dma_wait3A_491, %dma_wait3A_492] : memref<10000x128xf32, #tpu.memory_space<hbm>> -> memref<10000x128xf32, #tpu.memory_space<hbm>>
    tpu.wait_indirect_dma semaphore(%arg36 : memref<!tpu.dma_semaphore, #tpu.memory_space<semaphore_mem>>) src(%dma_wait3A_493 : memref<10000x128xf32, #tpu.memory_space<hbm>>) dst(%arg24 : memref<80x128xf32, #tpu.memory_space<vmem>>)
    %dma_start3A_494 = arith.constant 0 : i32
    %dma_start3A_495 = arith.constant 0 : i32
    %dma_start3A_496 = tpu.memref_slice %arg43[%dma_start3A_494, %dma_start3A_495] : memref<10000x128xf32, #tpu.memory_space<vmem_shared>> -> memref<10000x128xf32, #tpu.memory_space<vmem_shared>>
    tpu.enqueue_indirect_dma source(%arg24 : memref<80x128xf32, #tpu.memory_space<vmem>>) target(%dma_start3A_496 : memref<10000x128xf32, #tpu.memory_space<vmem_shared>>) offsets(%arg16 : memref<80xi32, #tpu.memory_space<vmem>>) semaphore(%arg40 : memref<!tpu.dma_semaphore, #tpu.memory_space<semaphore_mem>>) {add = true}
    %dma_wait3A_497 = arith.constant 0 : i32
    %dma_wait3A_498 = arith.constant 0 : i32
    %dma_wait3A_499 = tpu.memref_slice %arg43[%dma_wait3A_497, %dma_wait3A_498] : memref<10000x128xf32, #tpu.memory_space<vmem_shared>> -> memref<10000x128xf32, #tpu.memory_space<vmem_shared>>
    tpu.wait_indirect_dma semaphore(%arg39 : memref<!tpu.dma_semaphore, #tpu.memory_space<semaphore_mem>>) src(%arg23 : memref<80x128xf32, #tpu.memory_space<vmem>>) dst(%dma_wait3A_499 : memref<10000x128xf32, #tpu.memory_space<vmem_shared>>)
    %add3A_500 = arith.constant 9920 : i32
    %add3A_501 = arith.addi %mul3A_2, %add3A_500 : i32
    %dma_wait3A_502 = tpu.memref_slice %arg2[%add3A_501] : memref<320000xi32, #tpu.memory_space<hbm>> -> memref<80xi32, #tpu.memory_space<hbm>>
    %dma_wait3A_503 = tpu.memref_slice %arg2[%add3A_501] : memref<320000xi32, #tpu.memory_space<hbm>> -> memref<80xi32, #tpu.memory_space<hbm>>
    tpu.wait_dma2 semaphore(%arg31 : memref<!tpu.dma_semaphore, #tpu.memory_space<semaphore_mem>>) src(%dma_wait3A_503 : memref<80xi32, #tpu.memory_space<hbm>>) dst(%arg11 : memref<80xi32, #tpu.memory_space<vmem>>)
    %dma_wait3A_504 = tpu.memref_slice %arg3[%add3A_501] : memref<320000xi32, #tpu.memory_space<hbm>> -> memref<80xi32, #tpu.memory_space<hbm>>
    %dma_wait3A_505 = tpu.memref_slice %arg3[%add3A_501] : memref<320000xi32, #tpu.memory_space<hbm>> -> memref<80xi32, #tpu.memory_space<hbm>>
    tpu.wait_dma2 semaphore(%arg31 : memref<!tpu.dma_semaphore, #tpu.memory_space<semaphore_mem>>) src(%dma_wait3A_505 : memref<80xi32, #tpu.memory_space<hbm>>) dst(%arg19 : memref<80xi32, #tpu.memory_space<vmem>>)
    %dma_start3A_506 = arith.constant 0 : i32
    %dma_start3A_507 = arith.constant 0 : i32
    %dma_start3A_508 = tpu.memref_slice %arg4[%dma_start3A_506, %dma_start3A_507] : memref<10000x128xf32, #tpu.memory_space<hbm>> -> memref<10000x128xf32, #tpu.memory_space<hbm>>
    tpu.enqueue_indirect_dma source(%dma_start3A_508 : memref<10000x128xf32, #tpu.memory_space<hbm>>) target(%arg23 : memref<80x128xf32, #tpu.memory_space<vmem>>) offsets(%arg11 : memref<80xi32, #tpu.memory_space<vmem>>) semaphore(%arg35 : memref<!tpu.dma_semaphore, #tpu.memory_space<semaphore_mem>>)
    %dma_wait3A_509 = arith.constant 0 : i32
    %dma_wait3A_510 = arith.constant 0 : i32
    %dma_wait3A_511 = tpu.memref_slice %arg4[%dma_wait3A_509, %dma_wait3A_510] : memref<10000x128xf32, #tpu.memory_space<hbm>> -> memref<10000x128xf32, #tpu.memory_space<hbm>>
    tpu.wait_indirect_dma semaphore(%arg37 : memref<!tpu.dma_semaphore, #tpu.memory_space<semaphore_mem>>) src(%dma_wait3A_511 : memref<10000x128xf32, #tpu.memory_space<hbm>>) dst(%arg25 : memref<80x128xf32, #tpu.memory_space<vmem>>)
    %dma_start3A_512 = arith.constant 0 : i32
    %dma_start3A_513 = arith.constant 0 : i32
    %dma_start3A_514 = tpu.memref_slice %arg43[%dma_start3A_512, %dma_start3A_513] : memref<10000x128xf32, #tpu.memory_space<vmem_shared>> -> memref<10000x128xf32, #tpu.memory_space<vmem_shared>>
    tpu.enqueue_indirect_dma source(%arg25 : memref<80x128xf32, #tpu.memory_space<vmem>>) target(%dma_start3A_514 : memref<10000x128xf32, #tpu.memory_space<vmem_shared>>) offsets(%arg17 : memref<80xi32, #tpu.memory_space<vmem>>) semaphore(%arg41 : memref<!tpu.dma_semaphore, #tpu.memory_space<semaphore_mem>>) {add = true}
    %dma_wait3A_515 = arith.constant 0 : i32
    %dma_wait3A_516 = arith.constant 0 : i32
    %dma_wait3A_517 = tpu.memref_slice %arg4[%dma_wait3A_515, %dma_wait3A_516] : memref<10000x128xf32, #tpu.memory_space<hbm>> -> memref<10000x128xf32, #tpu.memory_space<hbm>>
    tpu.wait_indirect_dma semaphore(%arg38 : memref<!tpu.dma_semaphore, #tpu.memory_space<semaphore_mem>>) src(%dma_wait3A_517 : memref<10000x128xf32, #tpu.memory_space<hbm>>) dst(%arg26 : memref<80x128xf32, #tpu.memory_space<vmem>>)
    %dma_start3A_518 = arith.constant 0 : i32
    %dma_start3A_519 = arith.constant 0 : i32
    %dma_start3A_520 = tpu.memref_slice %arg43[%dma_start3A_518, %dma_start3A_519] : memref<10000x128xf32, #tpu.memory_space<vmem_shared>> -> memref<10000x128xf32, #tpu.memory_space<vmem_shared>>
    tpu.enqueue_indirect_dma source(%arg26 : memref<80x128xf32, #tpu.memory_space<vmem>>) target(%dma_start3A_520 : memref<10000x128xf32, #tpu.memory_space<vmem_shared>>) offsets(%arg18 : memref<80xi32, #tpu.memory_space<vmem>>) semaphore(%arg42 : memref<!tpu.dma_semaphore, #tpu.memory_space<semaphore_mem>>) {add = true}
    %dma_wait3A_521 = arith.constant 0 : i32
    %dma_wait3A_522 = arith.constant 0 : i32
    %dma_wait3A_523 = tpu.memref_slice %arg4[%dma_wait3A_521, %dma_wait3A_522] : memref<10000x128xf32, #tpu.memory_space<hbm>> -> memref<10000x128xf32, #tpu.memory_space<hbm>>
    tpu.wait_indirect_dma semaphore(%arg35 : memref<!tpu.dma_semaphore, #tpu.memory_space<semaphore_mem>>) src(%dma_wait3A_523 : memref<10000x128xf32, #tpu.memory_space<hbm>>) dst(%arg23 : memref<80x128xf32, #tpu.memory_space<vmem>>)
    %dma_start3A_524 = arith.constant 0 : i32
    %dma_start3A_525 = arith.constant 0 : i32
    %dma_start3A_526 = tpu.memref_slice %arg43[%dma_start3A_524, %dma_start3A_525] : memref<10000x128xf32, #tpu.memory_space<vmem_shared>> -> memref<10000x128xf32, #tpu.memory_space<vmem_shared>>
    tpu.enqueue_indirect_dma source(%arg23 : memref<80x128xf32, #tpu.memory_space<vmem>>) target(%dma_start3A_526 : memref<10000x128xf32, #tpu.memory_space<vmem_shared>>) offsets(%arg19 : memref<80xi32, #tpu.memory_space<vmem>>) semaphore(%arg39 : memref<!tpu.dma_semaphore, #tpu.memory_space<semaphore_mem>>) {add = true}
    %dma_wait3A_527 = arith.constant 0 : i32
    %dma_wait3A_528 = arith.constant 0 : i32
    %dma_wait3A_529 = tpu.memref_slice %arg43[%dma_wait3A_527, %dma_wait3A_528] : memref<10000x128xf32, #tpu.memory_space<vmem_shared>> -> memref<10000x128xf32, #tpu.memory_space<vmem_shared>>
    tpu.wait_indirect_dma semaphore(%arg40 : memref<!tpu.dma_semaphore, #tpu.memory_space<semaphore_mem>>) src(%arg24 : memref<80x128xf32, #tpu.memory_space<vmem>>) dst(%dma_wait3A_529 : memref<10000x128xf32, #tpu.memory_space<vmem_shared>>)
    %dma_wait3A_530 = arith.constant 0 : i32
    %dma_wait3A_531 = arith.constant 0 : i32
    %dma_wait3A_532 = tpu.memref_slice %arg43[%dma_wait3A_530, %dma_wait3A_531] : memref<10000x128xf32, #tpu.memory_space<vmem_shared>> -> memref<10000x128xf32, #tpu.memory_space<vmem_shared>>
    tpu.wait_indirect_dma semaphore(%arg41 : memref<!tpu.dma_semaphore, #tpu.memory_space<semaphore_mem>>) src(%arg25 : memref<80x128xf32, #tpu.memory_space<vmem>>) dst(%dma_wait3A_532 : memref<10000x128xf32, #tpu.memory_space<vmem_shared>>)
    %dma_wait3A_533 = arith.constant 0 : i32
    %dma_wait3A_534 = arith.constant 0 : i32
    %dma_wait3A_535 = tpu.memref_slice %arg43[%dma_wait3A_533, %dma_wait3A_534] : memref<10000x128xf32, #tpu.memory_space<vmem_shared>> -> memref<10000x128xf32, #tpu.memory_space<vmem_shared>>
    tpu.wait_indirect_dma semaphore(%arg42 : memref<!tpu.dma_semaphore, #tpu.memory_space<semaphore_mem>>) src(%arg26 : memref<80x128xf32, #tpu.memory_space<vmem>>) dst(%dma_wait3A_535 : memref<10000x128xf32, #tpu.memory_space<vmem_shared>>)
    %dma_wait3A_536 = arith.constant 0 : i32
    %dma_wait3A_537 = arith.constant 0 : i32
    %dma_wait3A_538 = tpu.memref_slice %arg43[%dma_wait3A_536, %dma_wait3A_537] : memref<10000x128xf32, #tpu.memory_space<vmem_shared>> -> memref<10000x128xf32, #tpu.memory_space<vmem_shared>>
    tpu.wait_indirect_dma semaphore(%arg39 : memref<!tpu.dma_semaphore, #tpu.memory_space<semaphore_mem>>) src(%arg23 : memref<80x128xf32, #tpu.memory_space<vmem>>) dst(%dma_wait3A_538 : memref<10000x128xf32, #tpu.memory_space<vmem_shared>>)
    %barrier3A_539 = arith.constant 0 : index
    tpu.barrier barrier_id(%barrier3A_539)
    %add3A_540 = arith.constant 0 : i32
    %add3A_541 = arith.addi %mul3A_4, %add3A_540 : i32
    "tpu.region"() ({
      %run_scoped3A = tpu.sem_alloc : memref<!tpu.dma_semaphore, #tpu.memory_space<semaphore_mem>>
      %dma_start3A_597 = arith.constant 0 : i32
      %dma_start3A_598 = arith.constant 0 : i32
      %dma_start3A_599 = tpu.memref_slice %arg23[%dma_start3A_597, %dma_start3A_598] : memref<80x128xf32, #tpu.memory_space<vmem>> -> memref<48x128xf32, #tpu.memory_space<vmem>>
      %dma_start3A_600 = arith.constant 0 : i32
      %dma_start3A_601 = tpu.memref_slice %arg43[%add3A_541, %dma_start3A_600] : memref<10000x128xf32, #tpu.memory_space<vmem_shared>> -> memref<48x128xf32, #tpu.memory_space<vmem_shared>>
      %dma_start3A_602 = arith.constant 0 : i32
      %dma_start3A_603 = arith.constant 0 : i32
      %dma_start3A_604 = tpu.memref_slice %arg23[%dma_start3A_602, %dma_start3A_603] : memref<80x128xf32, #tpu.memory_space<vmem>> -> memref<48x128xf32, #tpu.memory_space<vmem>>
      %dma_start3A_605 = arith.constant 0 : i32
      %dma_start3A_606 = tpu.memref_slice %arg43[%add3A_541, %dma_start3A_605] : memref<10000x128xf32, #tpu.memory_space<vmem_shared>> -> memref<48x128xf32, #tpu.memory_space<vmem_shared>>
      tpu.enqueue_dma source(%dma_start3A_606 : memref<48x128xf32, #tpu.memory_space<vmem_shared>>) target(%dma_start3A_604 : memref<48x128xf32, #tpu.memory_space<vmem>>) target_semaphore(%run_scoped3A : memref<!tpu.dma_semaphore, #tpu.memory_space<semaphore_mem>>)
      %dma_wait3A_607 = arith.constant 0 : i32
      %dma_wait3A_608 = arith.constant 0 : i32
      %dma_wait3A_609 = tpu.memref_slice %arg23[%dma_wait3A_607, %dma_wait3A_608] : memref<80x128xf32, #tpu.memory_space<vmem>> -> memref<48x128xf32, #tpu.memory_space<vmem>>
      %dma_wait3A_610 = arith.constant 0 : i32
      %dma_wait3A_611 = tpu.memref_slice %arg43[%add3A_541, %dma_wait3A_610] : memref<10000x128xf32, #tpu.memory_space<vmem_shared>> -> memref<48x128xf32, #tpu.memory_space<vmem_shared>>
      %dma_wait3A_612 = arith.constant 0 : i32
      %dma_wait3A_613 = arith.constant 0 : i32
      %dma_wait3A_614 = tpu.memref_slice %arg23[%dma_wait3A_612, %dma_wait3A_613] : memref<80x128xf32, #tpu.memory_space<vmem>> -> memref<48x128xf32, #tpu.memory_space<vmem>>
      %dma_wait3A_615 = arith.constant 0 : i32
      %dma_wait3A_616 = tpu.memref_slice %arg43[%add3A_541, %dma_wait3A_615] : memref<10000x128xf32, #tpu.memory_space<vmem_shared>> -> memref<48x128xf32, #tpu.memory_space<vmem_shared>>
      tpu.wait_dma2 semaphore(%run_scoped3A : memref<!tpu.dma_semaphore, #tpu.memory_space<semaphore_mem>>) src(%dma_wait3A_616 : memref<48x128xf32, #tpu.memory_space<vmem_shared>>) dst(%dma_wait3A_614 : memref<48x128xf32, #tpu.memory_space<vmem>>)
      tpu.yield
    }) : () -> ()
    %add3A_542 = arith.constant 0 : i32
    %add3A_543 = arith.addi %mul3A_4, %add3A_542 : i32
    "tpu.region"() ({
      %run_scoped3A = tpu.sem_alloc : memref<!tpu.dma_semaphore, #tpu.memory_space<semaphore_mem>>
      %dma_start3A_597 = arith.constant 0 : i32
      %dma_start3A_598 = arith.constant 0 : i32
      %dma_start3A_599 = tpu.memref_slice %arg23[%dma_start3A_597, %dma_start3A_598] : memref<80x128xf32, #tpu.memory_space<vmem>> -> memref<48x128xf32, #tpu.memory_space<vmem>>
      %dma_start3A_600 = arith.constant 0 : i32
      %dma_start3A_601 = tpu.memref_slice %arg6[%arg0, %add3A_543, %dma_start3A_600] : memref<2x10000x128xf32, #tpu.memory_space<hbm>> -> memref<1x48x128xf32, #tpu.memory_space<hbm>>
      %dma_start3A_602 = tpu.memref_squeeze %dma_start3A_601 : memref<1x48x128xf32, #tpu.memory_space<hbm>> -> memref<48x128xf32, #tpu.memory_space<hbm>>
      %dma_start3A_603 = arith.constant 0 : i32
      %dma_start3A_604 = tpu.memref_slice %arg6[%arg0, %add3A_543, %dma_start3A_603] : memref<2x10000x128xf32, #tpu.memory_space<hbm>> -> memref<1x48x128xf32, #tpu.memory_space<hbm>>
      %dma_start3A_605 = tpu.memref_squeeze %dma_start3A_604 : memref<1x48x128xf32, #tpu.memory_space<hbm>> -> memref<48x128xf32, #tpu.memory_space<hbm>>
      %dma_start3A_606 = arith.constant 0 : i32
      %dma_start3A_607 = arith.constant 0 : i32
      %dma_start3A_608 = tpu.memref_slice %arg23[%dma_start3A_606, %dma_start3A_607] : memref<80x128xf32, #tpu.memory_space<vmem>> -> memref<48x128xf32, #tpu.memory_space<vmem>>
      tpu.enqueue_dma source(%dma_start3A_608 : memref<48x128xf32, #tpu.memory_space<vmem>>) target(%dma_start3A_605 : memref<48x128xf32, #tpu.memory_space<hbm>>) target_semaphore(%run_scoped3A : memref<!tpu.dma_semaphore, #tpu.memory_space<semaphore_mem>>)
      %dma_wait3A_609 = arith.constant 0 : i32
      %dma_wait3A_610 = arith.constant 0 : i32
      %dma_wait3A_611 = tpu.memref_slice %arg23[%dma_wait3A_609, %dma_wait3A_610] : memref<80x128xf32, #tpu.memory_space<vmem>> -> memref<48x128xf32, #tpu.memory_space<vmem>>
      %dma_wait3A_612 = arith.constant 0 : i32
      %dma_wait3A_613 = tpu.memref_slice %arg6[%arg0, %add3A_543, %dma_wait3A_612] : memref<2x10000x128xf32, #tpu.memory_space<hbm>> -> memref<1x48x128xf32, #tpu.memory_space<hbm>>
      %dma_wait3A_614 = tpu.memref_squeeze %dma_wait3A_613 : memref<1x48x128xf32, #tpu.memory_space<hbm>> -> memref<48x128xf32, #tpu.memory_space<hbm>>
      %dma_wait3A_615 = arith.constant 0 : i32
      %dma_wait3A_616 = tpu.memref_slice %arg6[%arg0, %add3A_543, %dma_wait3A_615] : memref<2x10000x128xf32, #tpu.memory_space<hbm>> -> memref<1x48x128xf32, #tpu.memory_space<hbm>>
      %dma_wait3A_617 = tpu.memref_squeeze %dma_wait3A_616 : memref<1x48x128xf32, #tpu.memory_space<hbm>> -> memref<48x128xf32, #tpu.memory_space<hbm>>
      %dma_wait3A_618 = arith.constant 0 : i32
      %dma_wait3A_619 = arith.constant 0 : i32
      %dma_wait3A_620 = tpu.memref_slice %arg23[%dma_wait3A_618, %dma_wait3A_619] : memref<80x128xf32, #tpu.memory_space<vmem>> -> memref<48x128xf32, #tpu.memory_space<vmem>>
      tpu.wait_dma2 semaphore(%run_scoped3A : memref<!tpu.dma_semaphore, #tpu.memory_space<semaphore_mem>>) src(%dma_wait3A_620 : memref<48x128xf32, #tpu.memory_space<vmem>>) dst(%dma_wait3A_617 : memref<48x128xf32, #tpu.memory_space<hbm>>)
      tpu.yield
    }) : () -> ()
    %add3A_544 = arith.constant 48 : i32
    %add3A_545 = arith.addi %mul3A_4, %add3A_544 : i32
    "tpu.region"() ({
      %run_scoped3A = tpu.sem_alloc : memref<!tpu.dma_semaphore, #tpu.memory_space<semaphore_mem>>
      %dma_start3A_597 = arith.constant 0 : i32
      %dma_start3A_598 = arith.constant 0 : i32
      %dma_start3A_599 = tpu.memref_slice %arg23[%dma_start3A_597, %dma_start3A_598] : memref<80x128xf32, #tpu.memory_space<vmem>> -> memref<48x128xf32, #tpu.memory_space<vmem>>
      %dma_start3A_600 = arith.constant 0 : i32
      %dma_start3A_601 = tpu.memref_slice %arg43[%add3A_545, %dma_start3A_600] : memref<10000x128xf32, #tpu.memory_space<vmem_shared>> -> memref<48x128xf32, #tpu.memory_space<vmem_shared>>
      %dma_start3A_602 = arith.constant 0 : i32
      %dma_start3A_603 = arith.constant 0 : i32
      %dma_start3A_604 = tpu.memref_slice %arg23[%dma_start3A_602, %dma_start3A_603] : memref<80x128xf32, #tpu.memory_space<vmem>> -> memref<48x128xf32, #tpu.memory_space<vmem>>
      %dma_start3A_605 = arith.constant 0 : i32
      %dma_start3A_606 = tpu.memref_slice %arg43[%add3A_545, %dma_start3A_605] : memref<10000x128xf32, #tpu.memory_space<vmem_shared>> -> memref<48x128xf32, #tpu.memory_space<vmem_shared>>
      tpu.enqueue_dma source(%dma_start3A_606 : memref<48x128xf32, #tpu.memory_space<vmem_shared>>) target(%dma_start3A_604 : memref<48x128xf32, #tpu.memory_space<vmem>>) target_semaphore(%run_scoped3A : memref<!tpu.dma_semaphore, #tpu.memory_space<semaphore_mem>>)
      %dma_wait3A_607 = arith.constant 0 : i32
      %dma_wait3A_608 = arith.constant 0 : i32
      %dma_wait3A_609 = tpu.memref_slice %arg23[%dma_wait3A_607, %dma_wait3A_608] : memref<80x128xf32, #tpu.memory_space<vmem>> -> memref<48x128xf32, #tpu.memory_space<vmem>>
      %dma_wait3A_610 = arith.constant 0 : i32
      %dma_wait3A_611 = tpu.memref_slice %arg43[%add3A_545, %dma_wait3A_610] : memref<10000x128xf32, #tpu.memory_space<vmem_shared>> -> memref<48x128xf32, #tpu.memory_space<vmem_shared>>
      %dma_wait3A_612 = arith.constant 0 : i32
      %dma_wait3A_613 = arith.constant 0 : i32
      %dma_wait3A_614 = tpu.memref_slice %arg23[%dma_wait3A_612, %dma_wait3A_613] : memref<80x128xf32, #tpu.memory_space<vmem>> -> memref<48x128xf32, #tpu.memory_space<vmem>>
      %dma_wait3A_615 = arith.constant 0 : i32
      %dma_wait3A_616 = tpu.memref_slice %arg43[%add3A_545, %dma_wait3A_615] : memref<10000x128xf32, #tpu.memory_space<vmem_shared>> -> memref<48x128xf32, #tpu.memory_space<vmem_shared>>
      tpu.wait_dma2 semaphore(%run_scoped3A : memref<!tpu.dma_semaphore, #tpu.memory_space<semaphore_mem>>) src(%dma_wait3A_616 : memref<48x128xf32, #tpu.memory_space<vmem_shared>>) dst(%dma_wait3A_614 : memref<48x128xf32, #tpu.memory_space<vmem>>)
      tpu.yield
    }) : () -> ()
    %add3A_546 = arith.constant 48 : i32
    %add3A_547 = arith.addi %mul3A_4, %add3A_546 : i32
    "tpu.region"() ({
      %run_scoped3A = tpu.sem_alloc : memref<!tpu.dma_semaphore, #tpu.memory_space<semaphore_mem>>
      %dma_start3A_597 = arith.constant 0 : i32
      %dma_start3A_598 = arith.constant 0 : i32
      %dma_start3A_599 = tpu.memref_slice %arg23[%dma_start3A_597, %dma_start3A_598] : memref<80x128xf32, #tpu.memory_space<vmem>> -> memref<48x128xf32, #tpu.memory_space<vmem>>
      %dma_start3A_600 = arith.constant 0 : i32
      %dma_start3A_601 = tpu.memref_slice %arg6[%arg0, %add3A_547, %dma_start3A_600] : memref<2x10000x128xf32, #tpu.memory_space<hbm>> -> memref<1x48x128xf32, #tpu.memory_space<hbm>>
      %dma_start3A_602 = tpu.memref_squeeze %dma_start3A_601 : memref<1x48x128xf32, #tpu.memory_space<hbm>> -> memref<48x128xf32, #tpu.memory_space<hbm>>
      %dma_start3A_603 = arith.constant 0 : i32
      %dma_start3A_604 = tpu.memref_slice %arg6[%arg0, %add3A_547, %dma_start3A_603] : memref<2x10000x128xf32, #tpu.memory_space<hbm>> -> memref<1x48x128xf32, #tpu.memory_space<hbm>>
      %dma_start3A_605 = tpu.memref_squeeze %dma_start3A_604 : memref<1x48x128xf32, #tpu.memory_space<hbm>> -> memref<48x128xf32, #tpu.memory_space<hbm>>
      %dma_start3A_606 = arith.constant 0 : i32
      %dma_start3A_607 = arith.constant 0 : i32
      %dma_start3A_608 = tpu.memref_slice %arg23[%dma_start3A_606, %dma_start3A_607] : memref<80x128xf32, #tpu.memory_space<vmem>> -> memref<48x128xf32, #tpu.memory_space<vmem>>
      tpu.enqueue_dma source(%dma_start3A_608 : memref<48x128xf32, #tpu.memory_space<vmem>>) target(%dma_start3A_605 : memref<48x128xf32, #tpu.memory_space<hbm>>) target_semaphore(%run_scoped3A : memref<!tpu.dma_semaphore, #tpu.memory_space<semaphore_mem>>)
      %dma_wait3A_609 = arith.constant 0 : i32
      %dma_wait3A_610 = arith.constant 0 : i32
      %dma_wait3A_611 = tpu.memref_slice %arg23[%dma_wait3A_609, %dma_wait3A_610] : memref<80x128xf32, #tpu.memory_space<vmem>> -> memref<48x128xf32, #tpu.memory_space<vmem>>
      %dma_wait3A_612 = arith.constant 0 : i32
      %dma_wait3A_613 = tpu.memref_slice %arg6[%arg0, %add3A_547, %dma_wait3A_612] : memref<2x10000x128xf32, #tpu.memory_space<hbm>> -> memref<1x48x128xf32, #tpu.memory_space<hbm>>
      %dma_wait3A_614 = tpu.memref_squeeze %dma_wait3A_613 : memref<1x48x128xf32, #tpu.memory_space<hbm>> -> memref<48x128xf32, #tpu.memory_space<hbm>>
      %dma_wait3A_615 = arith.constant 0 : i32
      %dma_wait3A_616 = tpu.memref_slice %arg6[%arg0, %add3A_547, %dma_wait3A_615] : memref<2x10000x128xf32, #tpu.memory_space<hbm>> -> memref<1x48x128xf32, #tpu.memory_space<hbm>>
      %dma_wait3A_617 = tpu.memref_squeeze %dma_wait3A_616 : memref<1x48x128xf32, #tpu.memory_space<hbm>> -> memref<48x128xf32, #tpu.memory_space<hbm>>
      %dma_wait3A_618 = arith.constant 0 : i32
      %dma_wait3A_619 = arith.constant 0 : i32
      %dma_wait3A_620 = tpu.memref_slice %arg23[%dma_wait3A_618, %dma_wait3A_619] : memref<80x128xf32, #tpu.memory_space<vmem>> -> memref<48x128xf32, #tpu.memory_space<vmem>>
      tpu.wait_dma2 semaphore(%run_scoped3A : memref<!tpu.dma_semaphore, #tpu.memory_space<semaphore_mem>>) src(%dma_wait3A_620 : memref<48x128xf32, #tpu.memory_space<vmem>>) dst(%dma_wait3A_617 : memref<48x128xf32, #tpu.memory_space<hbm>>)
      tpu.yield
    }) : () -> ()
    %add3A_548 = arith.constant 96 : i32
    %add3A_549 = arith.addi %mul3A_4, %add3A_548 : i32
    "tpu.region"() ({
      %run_scoped3A = tpu.sem_alloc : memref<!tpu.dma_semaphore, #tpu.memory_space<semaphore_mem>>
      %dma_start3A_597 = arith.constant 0 : i32
      %dma_start3A_598 = arith.constant 0 : i32
      %dma_start3A_599 = tpu.memref_slice %arg23[%dma_start3A_597, %dma_start3A_598] : memref<80x128xf32, #tpu.memory_space<vmem>> -> memref<48x128xf32, #tpu.memory_space<vmem>>
      %dma_start3A_600 = arith.constant 0 : i32
      %dma_start3A_601 = tpu.memref_slice %arg43[%add3A_549, %dma_start3A_600] : memref<10000x128xf32, #tpu.memory_space<vmem_shared>> -> memref<48x128xf32, #tpu.memory_space<vmem_shared>>
      %dma_start3A_602 = arith.constant 0 : i32
      %dma_start3A_603 = arith.constant 0 : i32
      %dma_start3A_604 = tpu.memref_slice %arg23[%dma_start3A_602, %dma_start3A_603] : memref<80x128xf32, #tpu.memory_space<vmem>> -> memref<48x128xf32, #tpu.memory_space<vmem>>
      %dma_start3A_605 = arith.constant 0 : i32
      %dma_start3A_606 = tpu.memref_slice %arg43[%add3A_549, %dma_start3A_605] : memref<10000x128xf32, #tpu.memory_space<vmem_shared>> -> memref<48x128xf32, #tpu.memory_space<vmem_shared>>
      tpu.enqueue_dma source(%dma_start3A_606 : memref<48x128xf32, #tpu.memory_space<vmem_shared>>) target(%dma_start3A_604 : memref<48x128xf32, #tpu.memory_space<vmem>>) target_semaphore(%run_scoped3A : memref<!tpu.dma_semaphore, #tpu.memory_space<semaphore_mem>>)
      %dma_wait3A_607 = arith.constant 0 : i32
      %dma_wait3A_608 = arith.constant 0 : i32
      %dma_wait3A_609 = tpu.memref_slice %arg23[%dma_wait3A_607, %dma_wait3A_608] : memref<80x128xf32, #tpu.memory_space<vmem>> -> memref<48x128xf32, #tpu.memory_space<vmem>>
      %dma_wait3A_610 = arith.constant 0 : i32
      %dma_wait3A_611 = tpu.memref_slice %arg43[%add3A_549, %dma_wait3A_610] : memref<10000x128xf32, #tpu.memory_space<vmem_shared>> -> memref<48x128xf32, #tpu.memory_space<vmem_shared>>
      %dma_wait3A_612 = arith.constant 0 : i32
      %dma_wait3A_613 = arith.constant 0 : i32
      %dma_wait3A_614 = tpu.memref_slice %arg23[%dma_wait3A_612, %dma_wait3A_613] : memref<80x128xf32, #tpu.memory_space<vmem>> -> memref<48x128xf32, #tpu.memory_space<vmem>>
      %dma_wait3A_615 = arith.constant 0 : i32
      %dma_wait3A_616 = tpu.memref_slice %arg43[%add3A_549, %dma_wait3A_615] : memref<10000x128xf32, #tpu.memory_space<vmem_shared>> -> memref<48x128xf32, #tpu.memory_space<vmem_shared>>
      tpu.wait_dma2 semaphore(%run_scoped3A : memref<!tpu.dma_semaphore, #tpu.memory_space<semaphore_mem>>) src(%dma_wait3A_616 : memref<48x128xf32, #tpu.memory_space<vmem_shared>>) dst(%dma_wait3A_614 : memref<48x128xf32, #tpu.memory_space<vmem>>)
      tpu.yield
    }) : () -> ()
    %add3A_550 = arith.constant 96 : i32
    %add3A_551 = arith.addi %mul3A_4, %add3A_550 : i32
    "tpu.region"() ({
      %run_scoped3A = tpu.sem_alloc : memref<!tpu.dma_semaphore, #tpu.memory_space<semaphore_mem>>
      %dma_start3A_597 = arith.constant 0 : i32
      %dma_start3A_598 = arith.constant 0 : i32
      %dma_start3A_599 = tpu.memref_slice %arg23[%dma_start3A_597, %dma_start3A_598] : memref<80x128xf32, #tpu.memory_space<vmem>> -> memref<48x128xf32, #tpu.memory_space<vmem>>
      %dma_start3A_600 = arith.constant 0 : i32
      %dma_start3A_601 = tpu.memref_slice %arg6[%arg0, %add3A_551, %dma_start3A_600] : memref<2x10000x128xf32, #tpu.memory_space<hbm>> -> memref<1x48x128xf32, #tpu.memory_space<hbm>>
      %dma_start3A_602 = tpu.memref_squeeze %dma_start3A_601 : memref<1x48x128xf32, #tpu.memory_space<hbm>> -> memref<48x128xf32, #tpu.memory_space<hbm>>
      %dma_start3A_603 = arith.constant 0 : i32
      %dma_start3A_604 = tpu.memref_slice %arg6[%arg0, %add3A_551, %dma_start3A_603] : memref<2x10000x128xf32, #tpu.memory_space<hbm>> -> memref<1x48x128xf32, #tpu.memory_space<hbm>>
      %dma_start3A_605 = tpu.memref_squeeze %dma_start3A_604 : memref<1x48x128xf32, #tpu.memory_space<hbm>> -> memref<48x128xf32, #tpu.memory_space<hbm>>
      %dma_start3A_606 = arith.constant 0 : i32
      %dma_start3A_607 = arith.constant 0 : i32
      %dma_start3A_608 = tpu.memref_slice %arg23[%dma_start3A_606, %dma_start3A_607] : memref<80x128xf32, #tpu.memory_space<vmem>> -> memref<48x128xf32, #tpu.memory_space<vmem>>
      tpu.enqueue_dma source(%dma_start3A_608 : memref<48x128xf32, #tpu.memory_space<vmem>>) target(%dma_start3A_605 : memref<48x128xf32, #tpu.memory_space<hbm>>) target_semaphore(%run_scoped3A : memref<!tpu.dma_semaphore, #tpu.memory_space<semaphore_mem>>)
      %dma_wait3A_609 = arith.constant 0 : i32
      %dma_wait3A_610 = arith.constant 0 : i32
      %dma_wait3A_611 = tpu.memref_slice %arg23[%dma_wait3A_609, %dma_wait3A_610] : memref<80x128xf32, #tpu.memory_space<vmem>> -> memref<48x128xf32, #tpu.memory_space<vmem>>
      %dma_wait3A_612 = arith.constant 0 : i32
      %dma_wait3A_613 = tpu.memref_slice %arg6[%arg0, %add3A_551, %dma_wait3A_612] : memref<2x10000x128xf32, #tpu.memory_space<hbm>> -> memref<1x48x128xf32, #tpu.memory_space<hbm>>
      %dma_wait3A_614 = tpu.memref_squeeze %dma_wait3A_613 : memref<1x48x128xf32, #tpu.memory_space<hbm>> -> memref<48x128xf32, #tpu.memory_space<hbm>>
      %dma_wait3A_615 = arith.constant 0 : i32
      %dma_wait3A_616 = tpu.memref_slice %arg6[%arg0, %add3A_551, %dma_wait3A_615] : memref<2x10000x128xf32, #tpu.memory_space<hbm>> -> memref<1x48x128xf32, #tpu.memory_space<hbm>>
      %dma_wait3A_617 = tpu.memref_squeeze %dma_wait3A_616 : memref<1x48x128xf32, #tpu.memory_space<hbm>> -> memref<48x128xf32, #tpu.memory_space<hbm>>
      %dma_wait3A_618 = arith.constant 0 : i32
      %dma_wait3A_619 = arith.constant 0 : i32
      %dma_wait3A_620 = tpu.memref_slice %arg23[%dma_wait3A_618, %dma_wait3A_619] : memref<80x128xf32, #tpu.memory_space<vmem>> -> memref<48x128xf32, #tpu.memory_space<vmem>>
      tpu.wait_dma2 semaphore(%run_scoped3A : memref<!tpu.dma_semaphore, #tpu.memory_space<semaphore_mem>>) src(%dma_wait3A_620 : memref<48x128xf32, #tpu.memory_space<vmem>>) dst(%dma_wait3A_617 : memref<48x128xf32, #tpu.memory_space<hbm>>)
      tpu.yield
    }) : () -> ()
    %add3A_552 = arith.constant 144 : i32
    %add3A_553 = arith.addi %mul3A_4, %add3A_552 : i32
    "tpu.region"() ({
      %run_scoped3A = tpu.sem_alloc : memref<!tpu.dma_semaphore, #tpu.memory_space<semaphore_mem>>
      %dma_start3A_597 = arith.constant 0 : i32
      %dma_start3A_598 = arith.constant 0 : i32
      %dma_start3A_599 = tpu.memref_slice %arg23[%dma_start3A_597, %dma_start3A_598] : memref<80x128xf32, #tpu.memory_space<vmem>> -> memref<48x128xf32, #tpu.memory_space<vmem>>
      %dma_start3A_600 = arith.constant 0 : i32
      %dma_start3A_601 = tpu.memref_slice %arg43[%add3A_553, %dma_start3A_600] : memref<10000x128xf32, #tpu.memory_space<vmem_shared>> -> memref<48x128xf32, #tpu.memory_space<vmem_shared>>
      %dma_start3A_602 = arith.constant 0 : i32
      %dma_start3A_603 = arith.constant 0 : i32
      %dma_start3A_604 = tpu.memref_slice %arg23[%dma_start3A_602, %dma_start3A_603] : memref<80x128xf32, #tpu.memory_space<vmem>> -> memref<48x128xf32, #tpu.memory_space<vmem>>
      %dma_start3A_605 = arith.constant 0 : i32
      %dma_start3A_606 = tpu.memref_slice %arg43[%add3A_553, %dma_start3A_605] : memref<10000x128xf32, #tpu.memory_space<vmem_shared>> -> memref<48x128xf32, #tpu.memory_space<vmem_shared>>
      tpu.enqueue_dma source(%dma_start3A_606 : memref<48x128xf32, #tpu.memory_space<vmem_shared>>) target(%dma_start3A_604 : memref<48x128xf32, #tpu.memory_space<vmem>>) target_semaphore(%run_scoped3A : memref<!tpu.dma_semaphore, #tpu.memory_space<semaphore_mem>>)
      %dma_wait3A_607 = arith.constant 0 : i32
      %dma_wait3A_608 = arith.constant 0 : i32
      %dma_wait3A_609 = tpu.memref_slice %arg23[%dma_wait3A_607, %dma_wait3A_608] : memref<80x128xf32, #tpu.memory_space<vmem>> -> memref<48x128xf32, #tpu.memory_space<vmem>>
      %dma_wait3A_610 = arith.constant 0 : i32
      %dma_wait3A_611 = tpu.memref_slice %arg43[%add3A_553, %dma_wait3A_610] : memref<10000x128xf32, #tpu.memory_space<vmem_shared>> -> memref<48x128xf32, #tpu.memory_space<vmem_shared>>
      %dma_wait3A_612 = arith.constant 0 : i32
      %dma_wait3A_613 = arith.constant 0 : i32
      %dma_wait3A_614 = tpu.memref_slice %arg23[%dma_wait3A_612, %dma_wait3A_613] : memref<80x128xf32, #tpu.memory_space<vmem>> -> memref<48x128xf32, #tpu.memory_space<vmem>>
      %dma_wait3A_615 = arith.constant 0 : i32
      %dma_wait3A_616 = tpu.memref_slice %arg43[%add3A_553, %dma_wait3A_615] : memref<10000x128xf32, #tpu.memory_space<vmem_shared>> -> memref<48x128xf32, #tpu.memory_space<vmem_shared>>
      tpu.wait_dma2 semaphore(%run_scoped3A : memref<!tpu.dma_semaphore, #tpu.memory_space<semaphore_mem>>) src(%dma_wait3A_616 : memref<48x128xf32, #tpu.memory_space<vmem_shared>>) dst(%dma_wait3A_614 : memref<48x128xf32, #tpu.memory_space<vmem>>)
      tpu.yield
    }) : () -> ()
    %add3A_554 = arith.constant 144 : i32
    %add3A_555 = arith.addi %mul3A_4, %add3A_554 : i32
    "tpu.region"() ({
      %run_scoped3A = tpu.sem_alloc : memref<!tpu.dma_semaphore, #tpu.memory_space<semaphore_mem>>
      %dma_start3A_597 = arith.constant 0 : i32
      %dma_start3A_598 = arith.constant 0 : i32
      %dma_start3A_599 = tpu.memref_slice %arg23[%dma_start3A_597, %dma_start3A_598] : memref<80x128xf32, #tpu.memory_space<vmem>> -> memref<48x128xf32, #tpu.memory_space<vmem>>
      %dma_start3A_600 = arith.constant 0 : i32
      %dma_start3A_601 = tpu.memref_slice %arg6[%arg0, %add3A_555, %dma_start3A_600] : memref<2x10000x128xf32, #tpu.memory_space<hbm>> -> memref<1x48x128xf32, #tpu.memory_space<hbm>>
      %dma_start3A_602 = tpu.memref_squeeze %dma_start3A_601 : memref<1x48x128xf32, #tpu.memory_space<hbm>> -> memref<48x128xf32, #tpu.memory_space<hbm>>
      %dma_start3A_603 = arith.constant 0 : i32
      %dma_start3A_604 = tpu.memref_slice %arg6[%arg0, %add3A_555, %dma_start3A_603] : memref<2x10000x128xf32, #tpu.memory_space<hbm>> -> memref<1x48x128xf32, #tpu.memory_space<hbm>>
      %dma_start3A_605 = tpu.memref_squeeze %dma_start3A_604 : memref<1x48x128xf32, #tpu.memory_space<hbm>> -> memref<48x128xf32, #tpu.memory_space<hbm>>
      %dma_start3A_606 = arith.constant 0 : i32
      %dma_start3A_607 = arith.constant 0 : i32
      %dma_start3A_608 = tpu.memref_slice %arg23[%dma_start3A_606, %dma_start3A_607] : memref<80x128xf32, #tpu.memory_space<vmem>> -> memref<48x128xf32, #tpu.memory_space<vmem>>
      tpu.enqueue_dma source(%dma_start3A_608 : memref<48x128xf32, #tpu.memory_space<vmem>>) target(%dma_start3A_605 : memref<48x128xf32, #tpu.memory_space<hbm>>) target_semaphore(%run_scoped3A : memref<!tpu.dma_semaphore, #tpu.memory_space<semaphore_mem>>)
      %dma_wait3A_609 = arith.constant 0 : i32
      %dma_wait3A_610 = arith.constant 0 : i32
      %dma_wait3A_611 = tpu.memref_slice %arg23[%dma_wait3A_609, %dma_wait3A_610] : memref<80x128xf32, #tpu.memory_space<vmem>> -> memref<48x128xf32, #tpu.memory_space<vmem>>
      %dma_wait3A_612 = arith.constant 0 : i32
      %dma_wait3A_613 = tpu.memref_slice %arg6[%arg0, %add3A_555, %dma_wait3A_612] : memref<2x10000x128xf32, #tpu.memory_space<hbm>> -> memref<1x48x128xf32, #tpu.memory_space<hbm>>
      %dma_wait3A_614 = tpu.memref_squeeze %dma_wait3A_613 : memref<1x48x128xf32, #tpu.memory_space<hbm>> -> memref<48x128xf32, #tpu.memory_space<hbm>>
      %dma_wait3A_615 = arith.constant 0 : i32
      %dma_wait3A_616 = tpu.memref_slice %arg6[%arg0, %add3A_555, %dma_wait3A_615] : memref<2x10000x128xf32, #tpu.memory_space<hbm>> -> memref<1x48x128xf32, #tpu.memory_space<hbm>>
      %dma_wait3A_617 = tpu.memref_squeeze %dma_wait3A_616 : memref<1x48x128xf32, #tpu.memory_space<hbm>> -> memref<48x128xf32, #tpu.memory_space<hbm>>
      %dma_wait3A_618 = arith.constant 0 : i32
      %dma_wait3A_619 = arith.constant 0 : i32
      %dma_wait3A_620 = tpu.memref_slice %arg23[%dma_wait3A_618, %dma_wait3A_619] : memref<80x128xf32, #tpu.memory_space<vmem>> -> memref<48x128xf32, #tpu.memory_space<vmem>>
      tpu.wait_dma2 semaphore(%run_scoped3A : memref<!tpu.dma_semaphore, #tpu.memory_space<semaphore_mem>>) src(%dma_wait3A_620 : memref<48x128xf32, #tpu.memory_space<vmem>>) dst(%dma_wait3A_617 : memref<48x128xf32, #tpu.memory_space<hbm>>)
      tpu.yield
    }) : () -> ()
    %add3A_556 = arith.constant 192 : i32
    %add3A_557 = arith.addi %mul3A_4, %add3A_556 : i32
    "tpu.region"() ({
      %run_scoped3A = tpu.sem_alloc : memref<!tpu.dma_semaphore, #tpu.memory_space<semaphore_mem>>
      %dma_start3A_597 = arith.constant 0 : i32
      %dma_start3A_598 = arith.constant 0 : i32
      %dma_start3A_599 = tpu.memref_slice %arg23[%dma_start3A_597, %dma_start3A_598] : memref<80x128xf32, #tpu.memory_space<vmem>> -> memref<48x128xf32, #tpu.memory_space<vmem>>
      %dma_start3A_600 = arith.constant 0 : i32
      %dma_start3A_601 = tpu.memref_slice %arg43[%add3A_557, %dma_start3A_600] : memref<10000x128xf32, #tpu.memory_space<vmem_shared>> -> memref<48x128xf32, #tpu.memory_space<vmem_shared>>
      %dma_start3A_602 = arith.constant 0 : i32
      %dma_start3A_603 = arith.constant 0 : i32
      %dma_start3A_604 = tpu.memref_slice %arg23[%dma_start3A_602, %dma_start3A_603] : memref<80x128xf32, #tpu.memory_space<vmem>> -> memref<48x128xf32, #tpu.memory_space<vmem>>
      %dma_start3A_605 = arith.constant 0 : i32
      %dma_start3A_606 = tpu.memref_slice %arg43[%add3A_557, %dma_start3A_605] : memref<10000x128xf32, #tpu.memory_space<vmem_shared>> -> memref<48x128xf32, #tpu.memory_space<vmem_shared>>
      tpu.enqueue_dma source(%dma_start3A_606 : memref<48x128xf32, #tpu.memory_space<vmem_shared>>) target(%dma_start3A_604 : memref<48x128xf32, #tpu.memory_space<vmem>>) target_semaphore(%run_scoped3A : memref<!tpu.dma_semaphore, #tpu.memory_space<semaphore_mem>>)
      %dma_wait3A_607 = arith.constant 0 : i32
      %dma_wait3A_608 = arith.constant 0 : i32
      %dma_wait3A_609 = tpu.memref_slice %arg23[%dma_wait3A_607, %dma_wait3A_608] : memref<80x128xf32, #tpu.memory_space<vmem>> -> memref<48x128xf32, #tpu.memory_space<vmem>>
      %dma_wait3A_610 = arith.constant 0 : i32
      %dma_wait3A_611 = tpu.memref_slice %arg43[%add3A_557, %dma_wait3A_610] : memref<10000x128xf32, #tpu.memory_space<vmem_shared>> -> memref<48x128xf32, #tpu.memory_space<vmem_shared>>
      %dma_wait3A_612 = arith.constant 0 : i32
      %dma_wait3A_613 = arith.constant 0 : i32
      %dma_wait3A_614 = tpu.memref_slice %arg23[%dma_wait3A_612, %dma_wait3A_613] : memref<80x128xf32, #tpu.memory_space<vmem>> -> memref<48x128xf32, #tpu.memory_space<vmem>>
      %dma_wait3A_615 = arith.constant 0 : i32
      %dma_wait3A_616 = tpu.memref_slice %arg43[%add3A_557, %dma_wait3A_615] : memref<10000x128xf32, #tpu.memory_space<vmem_shared>> -> memref<48x128xf32, #tpu.memory_space<vmem_shared>>
      tpu.wait_dma2 semaphore(%run_scoped3A : memref<!tpu.dma_semaphore, #tpu.memory_space<semaphore_mem>>) src(%dma_wait3A_616 : memref<48x128xf32, #tpu.memory_space<vmem_shared>>) dst(%dma_wait3A_614 : memref<48x128xf32, #tpu.memory_space<vmem>>)
      tpu.yield
    }) : () -> ()
    %add3A_558 = arith.constant 192 : i32
    %add3A_559 = arith.addi %mul3A_4, %add3A_558 : i32
    "tpu.region"() ({
      %run_scoped3A = tpu.sem_alloc : memref<!tpu.dma_semaphore, #tpu.memory_space<semaphore_mem>>
      %dma_start3A_597 = arith.constant 0 : i32
      %dma_start3A_598 = arith.constant 0 : i32
      %dma_start3A_599 = tpu.memref_slice %arg23[%dma_start3A_597, %dma_start3A_598] : memref<80x128xf32, #tpu.memory_space<vmem>> -> memref<48x128xf32, #tpu.memory_space<vmem>>
      %dma_start3A_600 = arith.constant 0 : i32
      %dma_start3A_601 = tpu.memref_slice %arg6[%arg0, %add3A_559, %dma_start3A_600] : memref<2x10000x128xf32, #tpu.memory_space<hbm>> -> memref<1x48x128xf32, #tpu.memory_space<hbm>>
      %dma_start3A_602 = tpu.memref_squeeze %dma_start3A_601 : memref<1x48x128xf32, #tpu.memory_space<hbm>> -> memref<48x128xf32, #tpu.memory_space<hbm>>
      %dma_start3A_603 = arith.constant 0 : i32
      %dma_start3A_604 = tpu.memref_slice %arg6[%arg0, %add3A_559, %dma_start3A_603] : memref<2x10000x128xf32, #tpu.memory_space<hbm>> -> memref<1x48x128xf32, #tpu.memory_space<hbm>>
      %dma_start3A_605 = tpu.memref_squeeze %dma_start3A_604 : memref<1x48x128xf32, #tpu.memory_space<hbm>> -> memref<48x128xf32, #tpu.memory_space<hbm>>
      %dma_start3A_606 = arith.constant 0 : i32
      %dma_start3A_607 = arith.constant 0 : i32
      %dma_start3A_608 = tpu.memref_slice %arg23[%dma_start3A_606, %dma_start3A_607] : memref<80x128xf32, #tpu.memory_space<vmem>> -> memref<48x128xf32, #tpu.memory_space<vmem>>
      tpu.enqueue_dma source(%dma_start3A_608 : memref<48x128xf32, #tpu.memory_space<vmem>>) target(%dma_start3A_605 : memref<48x128xf32, #tpu.memory_space<hbm>>) target_semaphore(%run_scoped3A : memref<!tpu.dma_semaphore, #tpu.memory_space<semaphore_mem>>)
      %dma_wait3A_609 = arith.constant 0 : i32
      %dma_wait3A_610 = arith.constant 0 : i32
      %dma_wait3A_611 = tpu.memref_slice %arg23[%dma_wait3A_609, %dma_wait3A_610] : memref<80x128xf32, #tpu.memory_space<vmem>> -> memref<48x128xf32, #tpu.memory_space<vmem>>
      %dma_wait3A_612 = arith.constant 0 : i32
      %dma_wait3A_613 = tpu.memref_slice %arg6[%arg0, %add3A_559, %dma_wait3A_612] : memref<2x10000x128xf32, #tpu.memory_space<hbm>> -> memref<1x48x128xf32, #tpu.memory_space<hbm>>
      %dma_wait3A_614 = tpu.memref_squeeze %dma_wait3A_613 : memref<1x48x128xf32, #tpu.memory_space<hbm>> -> memref<48x128xf32, #tpu.memory_space<hbm>>
      %dma_wait3A_615 = arith.constant 0 : i32
      %dma_wait3A_616 = tpu.memref_slice %arg6[%arg0, %add3A_559, %dma_wait3A_615] : memref<2x10000x128xf32, #tpu.memory_space<hbm>> -> memref<1x48x128xf32, #tpu.memory_space<hbm>>
      %dma_wait3A_617 = tpu.memref_squeeze %dma_wait3A_616 : memref<1x48x128xf32, #tpu.memory_space<hbm>> -> memref<48x128xf32, #tpu.memory_space<hbm>>
      %dma_wait3A_618 = arith.constant 0 : i32
      %dma_wait3A_619 = arith.constant 0 : i32
      %dma_wait3A_620 = tpu.memref_slice %arg23[%dma_wait3A_618, %dma_wait3A_619] : memref<80x128xf32, #tpu.memory_space<vmem>> -> memref<48x128xf32, #tpu.memory_space<vmem>>
      tpu.wait_dma2 semaphore(%run_scoped3A : memref<!tpu.dma_semaphore, #tpu.memory_space<semaphore_mem>>) src(%dma_wait3A_620 : memref<48x128xf32, #tpu.memory_space<vmem>>) dst(%dma_wait3A_617 : memref<48x128xf32, #tpu.memory_space<hbm>>)
      tpu.yield
    }) : () -> ()
    %add3A_560 = arith.constant 240 : i32
    %add3A_561 = arith.addi %mul3A_4, %add3A_560 : i32
    "tpu.region"() ({
      %run_scoped3A = tpu.sem_alloc : memref<!tpu.dma_semaphore, #tpu.memory_space<semaphore_mem>>
      %dma_start3A_597 = arith.constant 0 : i32
      %dma_start3A_598 = arith.constant 0 : i32
      %dma_start3A_599 = tpu.memref_slice %arg23[%dma_start3A_597, %dma_start3A_598] : memref<80x128xf32, #tpu.memory_space<vmem>> -> memref<48x128xf32, #tpu.memory_space<vmem>>
      %dma_start3A_600 = arith.constant 0 : i32
      %dma_start3A_601 = tpu.memref_slice %arg43[%add3A_561, %dma_start3A_600] : memref<10000x128xf32, #tpu.memory_space<vmem_shared>> -> memref<48x128xf32, #tpu.memory_space<vmem_shared>>
      %dma_start3A_602 = arith.constant 0 : i32
      %dma_start3A_603 = arith.constant 0 : i32
      %dma_start3A_604 = tpu.memref_slice %arg23[%dma_start3A_602, %dma_start3A_603] : memref<80x128xf32, #tpu.memory_space<vmem>> -> memref<48x128xf32, #tpu.memory_space<vmem>>
      %dma_start3A_605 = arith.constant 0 : i32
      %dma_start3A_606 = tpu.memref_slice %arg43[%add3A_561, %dma_start3A_605] : memref<10000x128xf32, #tpu.memory_space<vmem_shared>> -> memref<48x128xf32, #tpu.memory_space<vmem_shared>>
      tpu.enqueue_dma source(%dma_start3A_606 : memref<48x128xf32, #tpu.memory_space<vmem_shared>>) target(%dma_start3A_604 : memref<48x128xf32, #tpu.memory_space<vmem>>) target_semaphore(%run_scoped3A : memref<!tpu.dma_semaphore, #tpu.memory_space<semaphore_mem>>)
      %dma_wait3A_607 = arith.constant 0 : i32
      %dma_wait3A_608 = arith.constant 0 : i32
      %dma_wait3A_609 = tpu.memref_slice %arg23[%dma_wait3A_607, %dma_wait3A_608] : memref<80x128xf32, #tpu.memory_space<vmem>> -> memref<48x128xf32, #tpu.memory_space<vmem>>
      %dma_wait3A_610 = arith.constant 0 : i32
      %dma_wait3A_611 = tpu.memref_slice %arg43[%add3A_561, %dma_wait3A_610] : memref<10000x128xf32, #tpu.memory_space<vmem_shared>> -> memref<48x128xf32, #tpu.memory_space<vmem_shared>>
      %dma_wait3A_612 = arith.constant 0 : i32
      %dma_wait3A_613 = arith.constant 0 : i32
      %dma_wait3A_614 = tpu.memref_slice %arg23[%dma_wait3A_612, %dma_wait3A_613] : memref<80x128xf32, #tpu.memory_space<vmem>> -> memref<48x128xf32, #tpu.memory_space<vmem>>
      %dma_wait3A_615 = arith.constant 0 : i32
      %dma_wait3A_616 = tpu.memref_slice %arg43[%add3A_561, %dma_wait3A_615] : memref<10000x128xf32, #tpu.memory_space<vmem_shared>> -> memref<48x128xf32, #tpu.memory_space<vmem_shared>>
      tpu.wait_dma2 semaphore(%run_scoped3A : memref<!tpu.dma_semaphore, #tpu.memory_space<semaphore_mem>>) src(%dma_wait3A_616 : memref<48x128xf32, #tpu.memory_space<vmem_shared>>) dst(%dma_wait3A_614 : memref<48x128xf32, #tpu.memory_space<vmem>>)
      tpu.yield
    }) : () -> ()
    %add3A_562 = arith.constant 240 : i32
    %add3A_563 = arith.addi %mul3A_4, %add3A_562 : i32
    "tpu.region"() ({
      %run_scoped3A = tpu.sem_alloc : memref<!tpu.dma_semaphore, #tpu.memory_space<semaphore_mem>>
      %dma_start3A_597 = arith.constant 0 : i32
      %dma_start3A_598 = arith.constant 0 : i32
      %dma_start3A_599 = tpu.memref_slice %arg23[%dma_start3A_597, %dma_start3A_598] : memref<80x128xf32, #tpu.memory_space<vmem>> -> memref<48x128xf32, #tpu.memory_space<vmem>>
      %dma_start3A_600 = arith.constant 0 : i32
      %dma_start3A_601 = tpu.memref_slice %arg6[%arg0, %add3A_563, %dma_start3A_600] : memref<2x10000x128xf32, #tpu.memory_space<hbm>> -> memref<1x48x128xf32, #tpu.memory_space<hbm>>
      %dma_start3A_602 = tpu.memref_squeeze %dma_start3A_601 : memref<1x48x128xf32, #tpu.memory_space<hbm>> -> memref<48x128xf32, #tpu.memory_space<hbm>>
      %dma_start3A_603 = arith.constant 0 : i32
      %dma_start3A_604 = tpu.memref_slice %arg6[%arg0, %add3A_563, %dma_start3A_603] : memref<2x10000x128xf32, #tpu.memory_space<hbm>> -> memref<1x48x128xf32, #tpu.memory_space<hbm>>
      %dma_start3A_605 = tpu.memref_squeeze %dma_start3A_604 : memref<1x48x128xf32, #tpu.memory_space<hbm>> -> memref<48x128xf32, #tpu.memory_space<hbm>>
      %dma_start3A_606 = arith.constant 0 : i32
      %dma_start3A_607 = arith.constant 0 : i32
      %dma_start3A_608 = tpu.memref_slice %arg23[%dma_start3A_606, %dma_start3A_607] : memref<80x128xf32, #tpu.memory_space<vmem>> -> memref<48x128xf32, #tpu.memory_space<vmem>>
      tpu.enqueue_dma source(%dma_start3A_608 : memref<48x128xf32, #tpu.memory_space<vmem>>) target(%dma_start3A_605 : memref<48x128xf32, #tpu.memory_space<hbm>>) target_semaphore(%run_scoped3A : memref<!tpu.dma_semaphore, #tpu.memory_space<semaphore_mem>>)
      %dma_wait3A_609 = arith.constant 0 : i32
      %dma_wait3A_610 = arith.constant 0 : i32
      %dma_wait3A_611 = tpu.memref_slice %arg23[%dma_wait3A_609, %dma_wait3A_610] : memref<80x128xf32, #tpu.memory_space<vmem>> -> memref<48x128xf32, #tpu.memory_space<vmem>>
      %dma_wait3A_612 = arith.constant 0 : i32
      %dma_wait3A_613 = tpu.memref_slice %arg6[%arg0, %add3A_563, %dma_wait3A_612] : memref<2x10000x128xf32, #tpu.memory_space<hbm>> -> memref<1x48x128xf32, #tpu.memory_space<hbm>>
      %dma_wait3A_614 = tpu.memref_squeeze %dma_wait3A_613 : memref<1x48x128xf32, #tpu.memory_space<hbm>> -> memref<48x128xf32, #tpu.memory_space<hbm>>
      %dma_wait3A_615 = arith.constant 0 : i32
      %dma_wait3A_616 = tpu.memref_slice %arg6[%arg0, %add3A_563, %dma_wait3A_615] : memref<2x10000x128xf32, #tpu.memory_space<hbm>> -> memref<1x48x128xf32, #tpu.memory_space<hbm>>
      %dma_wait3A_617 = tpu.memref_squeeze %dma_wait3A_616 : memref<1x48x128xf32, #tpu.memory_space<hbm>> -> memref<48x128xf32, #tpu.memory_space<hbm>>
      %dma_wait3A_618 = arith.constant 0 : i32
      %dma_wait3A_619 = arith.constant 0 : i32
      %dma_wait3A_620 = tpu.memref_slice %arg23[%dma_wait3A_618, %dma_wait3A_619] : memref<80x128xf32, #tpu.memory_space<vmem>> -> memref<48x128xf32, #tpu.memory_space<vmem>>
      tpu.wait_dma2 semaphore(%run_scoped3A : memref<!tpu.dma_semaphore, #tpu.memory_space<semaphore_mem>>) src(%dma_wait3A_620 : memref<48x128xf32, #tpu.memory_space<vmem>>) dst(%dma_wait3A_617 : memref<48x128xf32, #tpu.memory_space<hbm>>)
      tpu.yield
    }) : () -> ()
    %add3A_564 = arith.constant 288 : i32
    %add3A_565 = arith.addi %mul3A_4, %add3A_564 : i32
    "tpu.region"() ({
      %run_scoped3A = tpu.sem_alloc : memref<!tpu.dma_semaphore, #tpu.memory_space<semaphore_mem>>
      %dma_start3A_597 = arith.constant 0 : i32
      %dma_start3A_598 = arith.constant 0 : i32
      %dma_start3A_599 = tpu.memref_slice %arg23[%dma_start3A_597, %dma_start3A_598] : memref<80x128xf32, #tpu.memory_space<vmem>> -> memref<48x128xf32, #tpu.memory_space<vmem>>
      %dma_start3A_600 = arith.constant 0 : i32
      %dma_start3A_601 = tpu.memref_slice %arg43[%add3A_565, %dma_start3A_600] : memref<10000x128xf32, #tpu.memory_space<vmem_shared>> -> memref<48x128xf32, #tpu.memory_space<vmem_shared>>
      %dma_start3A_602 = arith.constant 0 : i32
      %dma_start3A_603 = arith.constant 0 : i32
      %dma_start3A_604 = tpu.memref_slice %arg23[%dma_start3A_602, %dma_start3A_603] : memref<80x128xf32, #tpu.memory_space<vmem>> -> memref<48x128xf32, #tpu.memory_space<vmem>>
      %dma_start3A_605 = arith.constant 0 : i32
      %dma_start3A_606 = tpu.memref_slice %arg43[%add3A_565, %dma_start3A_605] : memref<10000x128xf32, #tpu.memory_space<vmem_shared>> -> memref<48x128xf32, #tpu.memory_space<vmem_shared>>
      tpu.enqueue_dma source(%dma_start3A_606 : memref<48x128xf32, #tpu.memory_space<vmem_shared>>) target(%dma_start3A_604 : memref<48x128xf32, #tpu.memory_space<vmem>>) target_semaphore(%run_scoped3A : memref<!tpu.dma_semaphore, #tpu.memory_space<semaphore_mem>>)
      %dma_wait3A_607 = arith.constant 0 : i32
      %dma_wait3A_608 = arith.constant 0 : i32
      %dma_wait3A_609 = tpu.memref_slice %arg23[%dma_wait3A_607, %dma_wait3A_608] : memref<80x128xf32, #tpu.memory_space<vmem>> -> memref<48x128xf32, #tpu.memory_space<vmem>>
      %dma_wait3A_610 = arith.constant 0 : i32
      %dma_wait3A_611 = tpu.memref_slice %arg43[%add3A_565, %dma_wait3A_610] : memref<10000x128xf32, #tpu.memory_space<vmem_shared>> -> memref<48x128xf32, #tpu.memory_space<vmem_shared>>
      %dma_wait3A_612 = arith.constant 0 : i32
      %dma_wait3A_613 = arith.constant 0 : i32
      %dma_wait3A_614 = tpu.memref_slice %arg23[%dma_wait3A_612, %dma_wait3A_613] : memref<80x128xf32, #tpu.memory_space<vmem>> -> memref<48x128xf32, #tpu.memory_space<vmem>>
      %dma_wait3A_615 = arith.constant 0 : i32
      %dma_wait3A_616 = tpu.memref_slice %arg43[%add3A_565, %dma_wait3A_615] : memref<10000x128xf32, #tpu.memory_space<vmem_shared>> -> memref<48x128xf32, #tpu.memory_space<vmem_shared>>
      tpu.wait_dma2 semaphore(%run_scoped3A : memref<!tpu.dma_semaphore, #tpu.memory_space<semaphore_mem>>) src(%dma_wait3A_616 : memref<48x128xf32, #tpu.memory_space<vmem_shared>>) dst(%dma_wait3A_614 : memref<48x128xf32, #tpu.memory_space<vmem>>)
      tpu.yield
    }) : () -> ()
    %add3A_566 = arith.constant 288 : i32
    %add3A_567 = arith.addi %mul3A_4, %add3A_566 : i32
    "tpu.region"() ({
      %run_scoped3A = tpu.sem_alloc : memref<!tpu.dma_semaphore, #tpu.memory_space<semaphore_mem>>
      %dma_start3A_597 = arith.constant 0 : i32
      %dma_start3A_598 = arith.constant 0 : i32
      %dma_start3A_599 = tpu.memref_slice %arg23[%dma_start3A_597, %dma_start3A_598] : memref<80x128xf32, #tpu.memory_space<vmem>> -> memref<48x128xf32, #tpu.memory_space<vmem>>
      %dma_start3A_600 = arith.constant 0 : i32
      %dma_start3A_601 = tpu.memref_slice %arg6[%arg0, %add3A_567, %dma_start3A_600] : memref<2x10000x128xf32, #tpu.memory_space<hbm>> -> memref<1x48x128xf32, #tpu.memory_space<hbm>>
      %dma_start3A_602 = tpu.memref_squeeze %dma_start3A_601 : memref<1x48x128xf32, #tpu.memory_space<hbm>> -> memref<48x128xf32, #tpu.memory_space<hbm>>
      %dma_start3A_603 = arith.constant 0 : i32
      %dma_start3A_604 = tpu.memref_slice %arg6[%arg0, %add3A_567, %dma_start3A_603] : memref<2x10000x128xf32, #tpu.memory_space<hbm>> -> memref<1x48x128xf32, #tpu.memory_space<hbm>>
      %dma_start3A_605 = tpu.memref_squeeze %dma_start3A_604 : memref<1x48x128xf32, #tpu.memory_space<hbm>> -> memref<48x128xf32, #tpu.memory_space<hbm>>
      %dma_start3A_606 = arith.constant 0 : i32
      %dma_start3A_607 = arith.constant 0 : i32
      %dma_start3A_608 = tpu.memref_slice %arg23[%dma_start3A_606, %dma_start3A_607] : memref<80x128xf32, #tpu.memory_space<vmem>> -> memref<48x128xf32, #tpu.memory_space<vmem>>
      tpu.enqueue_dma source(%dma_start3A_608 : memref<48x128xf32, #tpu.memory_space<vmem>>) target(%dma_start3A_605 : memref<48x128xf32, #tpu.memory_space<hbm>>) target_semaphore(%run_scoped3A : memref<!tpu.dma_semaphore, #tpu.memory_space<semaphore_mem>>)
      %dma_wait3A_609 = arith.constant 0 : i32
      %dma_wait3A_610 = arith.constant 0 : i32
      %dma_wait3A_611 = tpu.memref_slice %arg23[%dma_wait3A_609, %dma_wait3A_610] : memref<80x128xf32, #tpu.memory_space<vmem>> -> memref<48x128xf32, #tpu.memory_space<vmem>>
      %dma_wait3A_612 = arith.constant 0 : i32
      %dma_wait3A_613 = tpu.memref_slice %arg6[%arg0, %add3A_567, %dma_wait3A_612] : memref<2x10000x128xf32, #tpu.memory_space<hbm>> -> memref<1x48x128xf32, #tpu.memory_space<hbm>>
      %dma_wait3A_614 = tpu.memref_squeeze %dma_wait3A_613 : memref<1x48x128xf32, #tpu.memory_space<hbm>> -> memref<48x128xf32, #tpu.memory_space<hbm>>
      %dma_wait3A_615 = arith.constant 0 : i32
      %dma_wait3A_616 = tpu.memref_slice %arg6[%arg0, %add3A_567, %dma_wait3A_615] : memref<2x10000x128xf32, #tpu.memory_space<hbm>> -> memref<1x48x128xf32, #tpu.memory_space<hbm>>
      %dma_wait3A_617 = tpu.memref_squeeze %dma_wait3A_616 : memref<1x48x128xf32, #tpu.memory_space<hbm>> -> memref<48x128xf32, #tpu.memory_space<hbm>>
      %dma_wait3A_618 = arith.constant 0 : i32
      %dma_wait3A_619 = arith.constant 0 : i32
      %dma_wait3A_620 = tpu.memref_slice %arg23[%dma_wait3A_618, %dma_wait3A_619] : memref<80x128xf32, #tpu.memory_space<vmem>> -> memref<48x128xf32, #tpu.memory_space<vmem>>
      tpu.wait_dma2 semaphore(%run_scoped3A : memref<!tpu.dma_semaphore, #tpu.memory_space<semaphore_mem>>) src(%dma_wait3A_620 : memref<48x128xf32, #tpu.memory_space<vmem>>) dst(%dma_wait3A_617 : memref<48x128xf32, #tpu.memory_space<hbm>>)
      tpu.yield
    }) : () -> ()
    %add3A_568 = arith.constant 336 : i32
    %add3A_569 = arith.addi %mul3A_4, %add3A_568 : i32
    "tpu.region"() ({
      %run_scoped3A = tpu.sem_alloc : memref<!tpu.dma_semaphore, #tpu.memory_space<semaphore_mem>>
      %dma_start3A_597 = arith.constant 0 : i32
      %dma_start3A_598 = arith.constant 0 : i32
      %dma_start3A_599 = tpu.memref_slice %arg23[%dma_start3A_597, %dma_start3A_598] : memref<80x128xf32, #tpu.memory_space<vmem>> -> memref<48x128xf32, #tpu.memory_space<vmem>>
      %dma_start3A_600 = arith.constant 0 : i32
      %dma_start3A_601 = tpu.memref_slice %arg43[%add3A_569, %dma_start3A_600] : memref<10000x128xf32, #tpu.memory_space<vmem_shared>> -> memref<48x128xf32, #tpu.memory_space<vmem_shared>>
      %dma_start3A_602 = arith.constant 0 : i32
      %dma_start3A_603 = arith.constant 0 : i32
      %dma_start3A_604 = tpu.memref_slice %arg23[%dma_start3A_602, %dma_start3A_603] : memref<80x128xf32, #tpu.memory_space<vmem>> -> memref<48x128xf32, #tpu.memory_space<vmem>>
      %dma_start3A_605 = arith.constant 0 : i32
      %dma_start3A_606 = tpu.memref_slice %arg43[%add3A_569, %dma_start3A_605] : memref<10000x128xf32, #tpu.memory_space<vmem_shared>> -> memref<48x128xf32, #tpu.memory_space<vmem_shared>>
      tpu.enqueue_dma source(%dma_start3A_606 : memref<48x128xf32, #tpu.memory_space<vmem_shared>>) target(%dma_start3A_604 : memref<48x128xf32, #tpu.memory_space<vmem>>) target_semaphore(%run_scoped3A : memref<!tpu.dma_semaphore, #tpu.memory_space<semaphore_mem>>)
      %dma_wait3A_607 = arith.constant 0 : i32
      %dma_wait3A_608 = arith.constant 0 : i32
      %dma_wait3A_609 = tpu.memref_slice %arg23[%dma_wait3A_607, %dma_wait3A_608] : memref<80x128xf32, #tpu.memory_space<vmem>> -> memref<48x128xf32, #tpu.memory_space<vmem>>
      %dma_wait3A_610 = arith.constant 0 : i32
      %dma_wait3A_611 = tpu.memref_slice %arg43[%add3A_569, %dma_wait3A_610] : memref<10000x128xf32, #tpu.memory_space<vmem_shared>> -> memref<48x128xf32, #tpu.memory_space<vmem_shared>>
      %dma_wait3A_612 = arith.constant 0 : i32
      %dma_wait3A_613 = arith.constant 0 : i32
      %dma_wait3A_614 = tpu.memref_slice %arg23[%dma_wait3A_612, %dma_wait3A_613] : memref<80x128xf32, #tpu.memory_space<vmem>> -> memref<48x128xf32, #tpu.memory_space<vmem>>
      %dma_wait3A_615 = arith.constant 0 : i32
      %dma_wait3A_616 = tpu.memref_slice %arg43[%add3A_569, %dma_wait3A_615] : memref<10000x128xf32, #tpu.memory_space<vmem_shared>> -> memref<48x128xf32, #tpu.memory_space<vmem_shared>>
      tpu.wait_dma2 semaphore(%run_scoped3A : memref<!tpu.dma_semaphore, #tpu.memory_space<semaphore_mem>>) src(%dma_wait3A_616 : memref<48x128xf32, #tpu.memory_space<vmem_shared>>) dst(%dma_wait3A_614 : memref<48x128xf32, #tpu.memory_space<vmem>>)
      tpu.yield
    }) : () -> ()
    %add3A_570 = arith.constant 336 : i32
    %add3A_571 = arith.addi %mul3A_4, %add3A_570 : i32
    "tpu.region"() ({
      %run_scoped3A = tpu.sem_alloc : memref<!tpu.dma_semaphore, #tpu.memory_space<semaphore_mem>>
      %dma_start3A_597 = arith.constant 0 : i32
      %dma_start3A_598 = arith.constant 0 : i32
      %dma_start3A_599 = tpu.memref_slice %arg23[%dma_start3A_597, %dma_start3A_598] : memref<80x128xf32, #tpu.memory_space<vmem>> -> memref<48x128xf32, #tpu.memory_space<vmem>>
      %dma_start3A_600 = arith.constant 0 : i32
      %dma_start3A_601 = tpu.memref_slice %arg6[%arg0, %add3A_571, %dma_start3A_600] : memref<2x10000x128xf32, #tpu.memory_space<hbm>> -> memref<1x48x128xf32, #tpu.memory_space<hbm>>
      %dma_start3A_602 = tpu.memref_squeeze %dma_start3A_601 : memref<1x48x128xf32, #tpu.memory_space<hbm>> -> memref<48x128xf32, #tpu.memory_space<hbm>>
      %dma_start3A_603 = arith.constant 0 : i32
      %dma_start3A_604 = tpu.memref_slice %arg6[%arg0, %add3A_571, %dma_start3A_603] : memref<2x10000x128xf32, #tpu.memory_space<hbm>> -> memref<1x48x128xf32, #tpu.memory_space<hbm>>
      %dma_start3A_605 = tpu.memref_squeeze %dma_start3A_604 : memref<1x48x128xf32, #tpu.memory_space<hbm>> -> memref<48x128xf32, #tpu.memory_space<hbm>>
      %dma_start3A_606 = arith.constant 0 : i32
      %dma_start3A_607 = arith.constant 0 : i32
      %dma_start3A_608 = tpu.memref_slice %arg23[%dma_start3A_606, %dma_start3A_607] : memref<80x128xf32, #tpu.memory_space<vmem>> -> memref<48x128xf32, #tpu.memory_space<vmem>>
      tpu.enqueue_dma source(%dma_start3A_608 : memref<48x128xf32, #tpu.memory_space<vmem>>) target(%dma_start3A_605 : memref<48x128xf32, #tpu.memory_space<hbm>>) target_semaphore(%run_scoped3A : memref<!tpu.dma_semaphore, #tpu.memory_space<semaphore_mem>>)
      %dma_wait3A_609 = arith.constant 0 : i32
      %dma_wait3A_610 = arith.constant 0 : i32
      %dma_wait3A_611 = tpu.memref_slice %arg23[%dma_wait3A_609, %dma_wait3A_610] : memref<80x128xf32, #tpu.memory_space<vmem>> -> memref<48x128xf32, #tpu.memory_space<vmem>>
      %dma_wait3A_612 = arith.constant 0 : i32
      %dma_wait3A_613 = tpu.memref_slice %arg6[%arg0, %add3A_571, %dma_wait3A_612] : memref<2x10000x128xf32, #tpu.memory_space<hbm>> -> memref<1x48x128xf32, #tpu.memory_space<hbm>>
      %dma_wait3A_614 = tpu.memref_squeeze %dma_wait3A_613 : memref<1x48x128xf32, #tpu.memory_space<hbm>> -> memref<48x128xf32, #tpu.memory_space<hbm>>
      %dma_wait3A_615 = arith.constant 0 : i32
      %dma_wait3A_616 = tpu.memref_slice %arg6[%arg0, %add3A_571, %dma_wait3A_615] : memref<2x10000x128xf32, #tpu.memory_space<hbm>> -> memref<1x48x128xf32, #tpu.memory_space<hbm>>
      %dma_wait3A_617 = tpu.memref_squeeze %dma_wait3A_616 : memref<1x48x128xf32, #tpu.memory_space<hbm>> -> memref<48x128xf32, #tpu.memory_space<hbm>>
      %dma_wait3A_618 = arith.constant 0 : i32
      %dma_wait3A_619 = arith.constant 0 : i32
      %dma_wait3A_620 = tpu.memref_slice %arg23[%dma_wait3A_618, %dma_wait3A_619] : memref<80x128xf32, #tpu.memory_space<vmem>> -> memref<48x128xf32, #tpu.memory_space<vmem>>
      tpu.wait_dma2 semaphore(%run_scoped3A : memref<!tpu.dma_semaphore, #tpu.memory_space<semaphore_mem>>) src(%dma_wait3A_620 : memref<48x128xf32, #tpu.memory_space<vmem>>) dst(%dma_wait3A_617 : memref<48x128xf32, #tpu.memory_space<hbm>>)
      tpu.yield
    }) : () -> ()
    %add3A_572 = arith.constant 384 : i32
    %add3A_573 = arith.addi %mul3A_4, %add3A_572 : i32
    "tpu.region"() ({
      %run_scoped3A = tpu.sem_alloc : memref<!tpu.dma_semaphore, #tpu.memory_space<semaphore_mem>>
      %dma_start3A_597 = arith.constant 0 : i32
      %dma_start3A_598 = arith.constant 0 : i32
      %dma_start3A_599 = tpu.memref_slice %arg23[%dma_start3A_597, %dma_start3A_598] : memref<80x128xf32, #tpu.memory_space<vmem>> -> memref<48x128xf32, #tpu.memory_space<vmem>>
      %dma_start3A_600 = arith.constant 0 : i32
      %dma_start3A_601 = tpu.memref_slice %arg43[%add3A_573, %dma_start3A_600] : memref<10000x128xf32, #tpu.memory_space<vmem_shared>> -> memref<48x128xf32, #tpu.memory_space<vmem_shared>>
      %dma_start3A_602 = arith.constant 0 : i32
      %dma_start3A_603 = arith.constant 0 : i32
      %dma_start3A_604 = tpu.memref_slice %arg23[%dma_start3A_602, %dma_start3A_603] : memref<80x128xf32, #tpu.memory_space<vmem>> -> memref<48x128xf32, #tpu.memory_space<vmem>>
      %dma_start3A_605 = arith.constant 0 : i32
      %dma_start3A_606 = tpu.memref_slice %arg43[%add3A_573, %dma_start3A_605] : memref<10000x128xf32, #tpu.memory_space<vmem_shared>> -> memref<48x128xf32, #tpu.memory_space<vmem_shared>>
      tpu.enqueue_dma source(%dma_start3A_606 : memref<48x128xf32, #tpu.memory_space<vmem_shared>>) target(%dma_start3A_604 : memref<48x128xf32, #tpu.memory_space<vmem>>) target_semaphore(%run_scoped3A : memref<!tpu.dma_semaphore, #tpu.memory_space<semaphore_mem>>)
      %dma_wait3A_607 = arith.constant 0 : i32
      %dma_wait3A_608 = arith.constant 0 : i32
      %dma_wait3A_609 = tpu.memref_slice %arg23[%dma_wait3A_607, %dma_wait3A_608] : memref<80x128xf32, #tpu.memory_space<vmem>> -> memref<48x128xf32, #tpu.memory_space<vmem>>
      %dma_wait3A_610 = arith.constant 0 : i32
      %dma_wait3A_611 = tpu.memref_slice %arg43[%add3A_573, %dma_wait3A_610] : memref<10000x128xf32, #tpu.memory_space<vmem_shared>> -> memref<48x128xf32, #tpu.memory_space<vmem_shared>>
      %dma_wait3A_612 = arith.constant 0 : i32
      %dma_wait3A_613 = arith.constant 0 : i32
      %dma_wait3A_614 = tpu.memref_slice %arg23[%dma_wait3A_612, %dma_wait3A_613] : memref<80x128xf32, #tpu.memory_space<vmem>> -> memref<48x128xf32, #tpu.memory_space<vmem>>
      %dma_wait3A_615 = arith.constant 0 : i32
      %dma_wait3A_616 = tpu.memref_slice %arg43[%add3A_573, %dma_wait3A_615] : memref<10000x128xf32, #tpu.memory_space<vmem_shared>> -> memref<48x128xf32, #tpu.memory_space<vmem_shared>>
      tpu.wait_dma2 semaphore(%run_scoped3A : memref<!tpu.dma_semaphore, #tpu.memory_space<semaphore_mem>>) src(%dma_wait3A_616 : memref<48x128xf32, #tpu.memory_space<vmem_shared>>) dst(%dma_wait3A_614 : memref<48x128xf32, #tpu.memory_space<vmem>>)
      tpu.yield
    }) : () -> ()
    %add3A_574 = arith.constant 384 : i32
    %add3A_575 = arith.addi %mul3A_4, %add3A_574 : i32
    "tpu.region"() ({
      %run_scoped3A = tpu.sem_alloc : memref<!tpu.dma_semaphore, #tpu.memory_space<semaphore_mem>>
      %dma_start3A_597 = arith.constant 0 : i32
      %dma_start3A_598 = arith.constant 0 : i32
      %dma_start3A_599 = tpu.memref_slice %arg23[%dma_start3A_597, %dma_start3A_598] : memref<80x128xf32, #tpu.memory_space<vmem>> -> memref<48x128xf32, #tpu.memory_space<vmem>>
      %dma_start3A_600 = arith.constant 0 : i32
      %dma_start3A_601 = tpu.memref_slice %arg6[%arg0, %add3A_575, %dma_start3A_600] : memref<2x10000x128xf32, #tpu.memory_space<hbm>> -> memref<1x48x128xf32, #tpu.memory_space<hbm>>
      %dma_start3A_602 = tpu.memref_squeeze %dma_start3A_601 : memref<1x48x128xf32, #tpu.memory_space<hbm>> -> memref<48x128xf32, #tpu.memory_space<hbm>>
      %dma_start3A_603 = arith.constant 0 : i32
      %dma_start3A_604 = tpu.memref_slice %arg6[%arg0, %add3A_575, %dma_start3A_603] : memref<2x10000x128xf32, #tpu.memory_space<hbm>> -> memref<1x48x128xf32, #tpu.memory_space<hbm>>
      %dma_start3A_605 = tpu.memref_squeeze %dma_start3A_604 : memref<1x48x128xf32, #tpu.memory_space<hbm>> -> memref<48x128xf32, #tpu.memory_space<hbm>>
      %dma_start3A_606 = arith.constant 0 : i32
      %dma_start3A_607 = arith.constant 0 : i32
      %dma_start3A_608 = tpu.memref_slice %arg23[%dma_start3A_606, %dma_start3A_607] : memref<80x128xf32, #tpu.memory_space<vmem>> -> memref<48x128xf32, #tpu.memory_space<vmem>>
      tpu.enqueue_dma source(%dma_start3A_608 : memref<48x128xf32, #tpu.memory_space<vmem>>) target(%dma_start3A_605 : memref<48x128xf32, #tpu.memory_space<hbm>>) target_semaphore(%run_scoped3A : memref<!tpu.dma_semaphore, #tpu.memory_space<semaphore_mem>>)
      %dma_wait3A_609 = arith.constant 0 : i32
      %dma_wait3A_610 = arith.constant 0 : i32
      %dma_wait3A_611 = tpu.memref_slice %arg23[%dma_wait3A_609, %dma_wait3A_610] : memref<80x128xf32, #tpu.memory_space<vmem>> -> memref<48x128xf32, #tpu.memory_space<vmem>>
      %dma_wait3A_612 = arith.constant 0 : i32
      %dma_wait3A_613 = tpu.memref_slice %arg6[%arg0, %add3A_575, %dma_wait3A_612] : memref<2x10000x128xf32, #tpu.memory_space<hbm>> -> memref<1x48x128xf32, #tpu.memory_space<hbm>>
      %dma_wait3A_614 = tpu.memref_squeeze %dma_wait3A_613 : memref<1x48x128xf32, #tpu.memory_space<hbm>> -> memref<48x128xf32, #tpu.memory_space<hbm>>
      %dma_wait3A_615 = arith.constant 0 : i32
      %dma_wait3A_616 = tpu.memref_slice %arg6[%arg0, %add3A_575, %dma_wait3A_615] : memref<2x10000x128xf32, #tpu.memory_space<hbm>> -> memref<1x48x128xf32, #tpu.memory_space<hbm>>
      %dma_wait3A_617 = tpu.memref_squeeze %dma_wait3A_616 : memref<1x48x128xf32, #tpu.memory_space<hbm>> -> memref<48x128xf32, #tpu.memory_space<hbm>>
      %dma_wait3A_618 = arith.constant 0 : i32
      %dma_wait3A_619 = arith.constant 0 : i32
      %dma_wait3A_620 = tpu.memref_slice %arg23[%dma_wait3A_618, %dma_wait3A_619] : memref<80x128xf32, #tpu.memory_space<vmem>> -> memref<48x128xf32, #tpu.memory_space<vmem>>
      tpu.wait_dma2 semaphore(%run_scoped3A : memref<!tpu.dma_semaphore, #tpu.memory_space<semaphore_mem>>) src(%dma_wait3A_620 : memref<48x128xf32, #tpu.memory_space<vmem>>) dst(%dma_wait3A_617 : memref<48x128xf32, #tpu.memory_space<hbm>>)
      tpu.yield
    }) : () -> ()
    %add3A_576 = arith.constant 432 : i32
    %add3A_577 = arith.addi %mul3A_4, %add3A_576 : i32
    "tpu.region"() ({
      %run_scoped3A = tpu.sem_alloc : memref<!tpu.dma_semaphore, #tpu.memory_space<semaphore_mem>>
      %dma_start3A_597 = arith.constant 0 : i32
      %dma_start3A_598 = arith.constant 0 : i32
      %dma_start3A_599 = tpu.memref_slice %arg23[%dma_start3A_597, %dma_start3A_598] : memref<80x128xf32, #tpu.memory_space<vmem>> -> memref<48x128xf32, #tpu.memory_space<vmem>>
      %dma_start3A_600 = arith.constant 0 : i32
      %dma_start3A_601 = tpu.memref_slice %arg43[%add3A_577, %dma_start3A_600] : memref<10000x128xf32, #tpu.memory_space<vmem_shared>> -> memref<48x128xf32, #tpu.memory_space<vmem_shared>>
      %dma_start3A_602 = arith.constant 0 : i32
      %dma_start3A_603 = arith.constant 0 : i32
      %dma_start3A_604 = tpu.memref_slice %arg23[%dma_start3A_602, %dma_start3A_603] : memref<80x128xf32, #tpu.memory_space<vmem>> -> memref<48x128xf32, #tpu.memory_space<vmem>>
      %dma_start3A_605 = arith.constant 0 : i32
      %dma_start3A_606 = tpu.memref_slice %arg43[%add3A_577, %dma_start3A_605] : memref<10000x128xf32, #tpu.memory_space<vmem_shared>> -> memref<48x128xf32, #tpu.memory_space<vmem_shared>>
      tpu.enqueue_dma source(%dma_start3A_606 : memref<48x128xf32, #tpu.memory_space<vmem_shared>>) target(%dma_start3A_604 : memref<48x128xf32, #tpu.memory_space<vmem>>) target_semaphore(%run_scoped3A : memref<!tpu.dma_semaphore, #tpu.memory_space<semaphore_mem>>)
      %dma_wait3A_607 = arith.constant 0 : i32
      %dma_wait3A_608 = arith.constant 0 : i32
      %dma_wait3A_609 = tpu.memref_slice %arg23[%dma_wait3A_607, %dma_wait3A_608] : memref<80x128xf32, #tpu.memory_space<vmem>> -> memref<48x128xf32, #tpu.memory_space<vmem>>
      %dma_wait3A_610 = arith.constant 0 : i32
      %dma_wait3A_611 = tpu.memref_slice %arg43[%add3A_577, %dma_wait3A_610] : memref<10000x128xf32, #tpu.memory_space<vmem_shared>> -> memref<48x128xf32, #tpu.memory_space<vmem_shared>>
      %dma_wait3A_612 = arith.constant 0 : i32
      %dma_wait3A_613 = arith.constant 0 : i32
      %dma_wait3A_614 = tpu.memref_slice %arg23[%dma_wait3A_612, %dma_wait3A_613] : memref<80x128xf32, #tpu.memory_space<vmem>> -> memref<48x128xf32, #tpu.memory_space<vmem>>
      %dma_wait3A_615 = arith.constant 0 : i32
      %dma_wait3A_616 = tpu.memref_slice %arg43[%add3A_577, %dma_wait3A_615] : memref<10000x128xf32, #tpu.memory_space<vmem_shared>> -> memref<48x128xf32, #tpu.memory_space<vmem_shared>>
      tpu.wait_dma2 semaphore(%run_scoped3A : memref<!tpu.dma_semaphore, #tpu.memory_space<semaphore_mem>>) src(%dma_wait3A_616 : memref<48x128xf32, #tpu.memory_space<vmem_shared>>) dst(%dma_wait3A_614 : memref<48x128xf32, #tpu.memory_space<vmem>>)
      tpu.yield
    }) : () -> ()
    %add3A_578 = arith.constant 432 : i32
    %add3A_579 = arith.addi %mul3A_4, %add3A_578 : i32
    "tpu.region"() ({
      %run_scoped3A = tpu.sem_alloc : memref<!tpu.dma_semaphore, #tpu.memory_space<semaphore_mem>>
      %dma_start3A_597 = arith.constant 0 : i32
      %dma_start3A_598 = arith.constant 0 : i32
      %dma_start3A_599 = tpu.memref_slice %arg23[%dma_start3A_597, %dma_start3A_598] : memref<80x128xf32, #tpu.memory_space<vmem>> -> memref<48x128xf32, #tpu.memory_space<vmem>>
      %dma_start3A_600 = arith.constant 0 : i32
      %dma_start3A_601 = tpu.memref_slice %arg6[%arg0, %add3A_579, %dma_start3A_600] : memref<2x10000x128xf32, #tpu.memory_space<hbm>> -> memref<1x48x128xf32, #tpu.memory_space<hbm>>
      %dma_start3A_602 = tpu.memref_squeeze %dma_start3A_601 : memref<1x48x128xf32, #tpu.memory_space<hbm>> -> memref<48x128xf32, #tpu.memory_space<hbm>>
      %dma_start3A_603 = arith.constant 0 : i32
      %dma_start3A_604 = tpu.memref_slice %arg6[%arg0, %add3A_579, %dma_start3A_603] : memref<2x10000x128xf32, #tpu.memory_space<hbm>> -> memref<1x48x128xf32, #tpu.memory_space<hbm>>
      %dma_start3A_605 = tpu.memref_squeeze %dma_start3A_604 : memref<1x48x128xf32, #tpu.memory_space<hbm>> -> memref<48x128xf32, #tpu.memory_space<hbm>>
      %dma_start3A_606 = arith.constant 0 : i32
      %dma_start3A_607 = arith.constant 0 : i32
      %dma_start3A_608 = tpu.memref_slice %arg23[%dma_start3A_606, %dma_start3A_607] : memref<80x128xf32, #tpu.memory_space<vmem>> -> memref<48x128xf32, #tpu.memory_space<vmem>>
      tpu.enqueue_dma source(%dma_start3A_608 : memref<48x128xf32, #tpu.memory_space<vmem>>) target(%dma_start3A_605 : memref<48x128xf32, #tpu.memory_space<hbm>>) target_semaphore(%run_scoped3A : memref<!tpu.dma_semaphore, #tpu.memory_space<semaphore_mem>>)
      %dma_wait3A_609 = arith.constant 0 : i32
      %dma_wait3A_610 = arith.constant 0 : i32
      %dma_wait3A_611 = tpu.memref_slice %arg23[%dma_wait3A_609, %dma_wait3A_610] : memref<80x128xf32, #tpu.memory_space<vmem>> -> memref<48x128xf32, #tpu.memory_space<vmem>>
      %dma_wait3A_612 = arith.constant 0 : i32
      %dma_wait3A_613 = tpu.memref_slice %arg6[%arg0, %add3A_579, %dma_wait3A_612] : memref<2x10000x128xf32, #tpu.memory_space<hbm>> -> memref<1x48x128xf32, #tpu.memory_space<hbm>>
      %dma_wait3A_614 = tpu.memref_squeeze %dma_wait3A_613 : memref<1x48x128xf32, #tpu.memory_space<hbm>> -> memref<48x128xf32, #tpu.memory_space<hbm>>
      %dma_wait3A_615 = arith.constant 0 : i32
      %dma_wait3A_616 = tpu.memref_slice %arg6[%arg0, %add3A_579, %dma_wait3A_615] : memref<2x10000x128xf32, #tpu.memory_space<hbm>> -> memref<1x48x128xf32, #tpu.memory_space<hbm>>
      %dma_wait3A_617 = tpu.memref_squeeze %dma_wait3A_616 : memref<1x48x128xf32, #tpu.memory_space<hbm>> -> memref<48x128xf32, #tpu.memory_space<hbm>>
      %dma_wait3A_618 = arith.constant 0 : i32
      %dma_wait3A_619 = arith.constant 0 : i32
      %dma_wait3A_620 = tpu.memref_slice %arg23[%dma_wait3A_618, %dma_wait3A_619] : memref<80x128xf32, #tpu.memory_space<vmem>> -> memref<48x128xf32, #tpu.memory_space<vmem>>
      tpu.wait_dma2 semaphore(%run_scoped3A : memref<!tpu.dma_semaphore, #tpu.memory_space<semaphore_mem>>) src(%dma_wait3A_620 : memref<48x128xf32, #tpu.memory_space<vmem>>) dst(%dma_wait3A_617 : memref<48x128xf32, #tpu.memory_space<hbm>>)
      tpu.yield
    }) : () -> ()
    %add3A_580 = arith.constant 480 : i32
    %add3A_581 = arith.addi %mul3A_4, %add3A_580 : i32
    "tpu.region"() ({
      %run_scoped3A = tpu.sem_alloc : memref<!tpu.dma_semaphore, #tpu.memory_space<semaphore_mem>>
      %dma_start3A_597 = arith.constant 0 : i32
      %dma_start3A_598 = arith.constant 0 : i32
      %dma_start3A_599 = tpu.memref_slice %arg23[%dma_start3A_597, %dma_start3A_598] : memref<80x128xf32, #tpu.memory_space<vmem>> -> memref<48x128xf32, #tpu.memory_space<vmem>>
      %dma_start3A_600 = arith.constant 0 : i32
      %dma_start3A_601 = tpu.memref_slice %arg43[%add3A_581, %dma_start3A_600] : memref<10000x128xf32, #tpu.memory_space<vmem_shared>> -> memref<48x128xf32, #tpu.memory_space<vmem_shared>>
      %dma_start3A_602 = arith.constant 0 : i32
      %dma_start3A_603 = arith.constant 0 : i32
      %dma_start3A_604 = tpu.memref_slice %arg23[%dma_start3A_602, %dma_start3A_603] : memref<80x128xf32, #tpu.memory_space<vmem>> -> memref<48x128xf32, #tpu.memory_space<vmem>>
      %dma_start3A_605 = arith.constant 0 : i32
      %dma_start3A_606 = tpu.memref_slice %arg43[%add3A_581, %dma_start3A_605] : memref<10000x128xf32, #tpu.memory_space<vmem_shared>> -> memref<48x128xf32, #tpu.memory_space<vmem_shared>>
      tpu.enqueue_dma source(%dma_start3A_606 : memref<48x128xf32, #tpu.memory_space<vmem_shared>>) target(%dma_start3A_604 : memref<48x128xf32, #tpu.memory_space<vmem>>) target_semaphore(%run_scoped3A : memref<!tpu.dma_semaphore, #tpu.memory_space<semaphore_mem>>)
      %dma_wait3A_607 = arith.constant 0 : i32
      %dma_wait3A_608 = arith.constant 0 : i32
      %dma_wait3A_609 = tpu.memref_slice %arg23[%dma_wait3A_607, %dma_wait3A_608] : memref<80x128xf32, #tpu.memory_space<vmem>> -> memref<48x128xf32, #tpu.memory_space<vmem>>
      %dma_wait3A_610 = arith.constant 0 : i32
      %dma_wait3A_611 = tpu.memref_slice %arg43[%add3A_581, %dma_wait3A_610] : memref<10000x128xf32, #tpu.memory_space<vmem_shared>> -> memref<48x128xf32, #tpu.memory_space<vmem_shared>>
      %dma_wait3A_612 = arith.constant 0 : i32
      %dma_wait3A_613 = arith.constant 0 : i32
      %dma_wait3A_614 = tpu.memref_slice %arg23[%dma_wait3A_612, %dma_wait3A_613] : memref<80x128xf32, #tpu.memory_space<vmem>> -> memref<48x128xf32, #tpu.memory_space<vmem>>
      %dma_wait3A_615 = arith.constant 0 : i32
      %dma_wait3A_616 = tpu.memref_slice %arg43[%add3A_581, %dma_wait3A_615] : memref<10000x128xf32, #tpu.memory_space<vmem_shared>> -> memref<48x128xf32, #tpu.memory_space<vmem_shared>>
      tpu.wait_dma2 semaphore(%run_scoped3A : memref<!tpu.dma_semaphore, #tpu.memory_space<semaphore_mem>>) src(%dma_wait3A_616 : memref<48x128xf32, #tpu.memory_space<vmem_shared>>) dst(%dma_wait3A_614 : memref<48x128xf32, #tpu.memory_space<vmem>>)
      tpu.yield
    }) : () -> ()
    %add3A_582 = arith.constant 480 : i32
    %add3A_583 = arith.addi %mul3A_4, %add3A_582 : i32
    "tpu.region"() ({
      %run_scoped3A = tpu.sem_alloc : memref<!tpu.dma_semaphore, #tpu.memory_space<semaphore_mem>>
      %dma_start3A_597 = arith.constant 0 : i32
      %dma_start3A_598 = arith.constant 0 : i32
      %dma_start3A_599 = tpu.memref_slice %arg23[%dma_start3A_597, %dma_start3A_598] : memref<80x128xf32, #tpu.memory_space<vmem>> -> memref<48x128xf32, #tpu.memory_space<vmem>>
      %dma_start3A_600 = arith.constant 0 : i32
      %dma_start3A_601 = tpu.memref_slice %arg6[%arg0, %add3A_583, %dma_start3A_600] : memref<2x10000x128xf32, #tpu.memory_space<hbm>> -> memref<1x48x128xf32, #tpu.memory_space<hbm>>
      %dma_start3A_602 = tpu.memref_squeeze %dma_start3A_601 : memref<1x48x128xf32, #tpu.memory_space<hbm>> -> memref<48x128xf32, #tpu.memory_space<hbm>>
      %dma_start3A_603 = arith.constant 0 : i32
      %dma_start3A_604 = tpu.memref_slice %arg6[%arg0, %add3A_583, %dma_start3A_603] : memref<2x10000x128xf32, #tpu.memory_space<hbm>> -> memref<1x48x128xf32, #tpu.memory_space<hbm>>
      %dma_start3A_605 = tpu.memref_squeeze %dma_start3A_604 : memref<1x48x128xf32, #tpu.memory_space<hbm>> -> memref<48x128xf32, #tpu.memory_space<hbm>>
      %dma_start3A_606 = arith.constant 0 : i32
      %dma_start3A_607 = arith.constant 0 : i32
      %dma_start3A_608 = tpu.memref_slice %arg23[%dma_start3A_606, %dma_start3A_607] : memref<80x128xf32, #tpu.memory_space<vmem>> -> memref<48x128xf32, #tpu.memory_space<vmem>>
      tpu.enqueue_dma source(%dma_start3A_608 : memref<48x128xf32, #tpu.memory_space<vmem>>) target(%dma_start3A_605 : memref<48x128xf32, #tpu.memory_space<hbm>>) target_semaphore(%run_scoped3A : memref<!tpu.dma_semaphore, #tpu.memory_space<semaphore_mem>>)
      %dma_wait3A_609 = arith.constant 0 : i32
      %dma_wait3A_610 = arith.constant 0 : i32
      %dma_wait3A_611 = tpu.memref_slice %arg23[%dma_wait3A_609, %dma_wait3A_610] : memref<80x128xf32, #tpu.memory_space<vmem>> -> memref<48x128xf32, #tpu.memory_space<vmem>>
      %dma_wait3A_612 = arith.constant 0 : i32
      %dma_wait3A_613 = tpu.memref_slice %arg6[%arg0, %add3A_583, %dma_wait3A_612] : memref<2x10000x128xf32, #tpu.memory_space<hbm>> -> memref<1x48x128xf32, #tpu.memory_space<hbm>>
      %dma_wait3A_614 = tpu.memref_squeeze %dma_wait3A_613 : memref<1x48x128xf32, #tpu.memory_space<hbm>> -> memref<48x128xf32, #tpu.memory_space<hbm>>
      %dma_wait3A_615 = arith.constant 0 : i32
      %dma_wait3A_616 = tpu.memref_slice %arg6[%arg0, %add3A_583, %dma_wait3A_615] : memref<2x10000x128xf32, #tpu.memory_space<hbm>> -> memref<1x48x128xf32, #tpu.memory_space<hbm>>
      %dma_wait3A_617 = tpu.memref_squeeze %dma_wait3A_616 : memref<1x48x128xf32, #tpu.memory_space<hbm>> -> memref<48x128xf32, #tpu.memory_space<hbm>>
      %dma_wait3A_618 = arith.constant 0 : i32
      %dma_wait3A_619 = arith.constant 0 : i32
      %dma_wait3A_620 = tpu.memref_slice %arg23[%dma_wait3A_618, %dma_wait3A_619] : memref<80x128xf32, #tpu.memory_space<vmem>> -> memref<48x128xf32, #tpu.memory_space<vmem>>
      tpu.wait_dma2 semaphore(%run_scoped3A : memref<!tpu.dma_semaphore, #tpu.memory_space<semaphore_mem>>) src(%dma_wait3A_620 : memref<48x128xf32, #tpu.memory_space<vmem>>) dst(%dma_wait3A_617 : memref<48x128xf32, #tpu.memory_space<hbm>>)
      tpu.yield
    }) : () -> ()
    %add3A_584 = arith.constant 528 : i32
    %add3A_585 = arith.addi %mul3A_4, %add3A_584 : i32
    "tpu.region"() ({
      %run_scoped3A = tpu.sem_alloc : memref<!tpu.dma_semaphore, #tpu.memory_space<semaphore_mem>>
      %dma_start3A_597 = arith.constant 0 : i32
      %dma_start3A_598 = arith.constant 0 : i32
      %dma_start3A_599 = tpu.memref_slice %arg23[%dma_start3A_597, %dma_start3A_598] : memref<80x128xf32, #tpu.memory_space<vmem>> -> memref<48x128xf32, #tpu.memory_space<vmem>>
      %dma_start3A_600 = arith.constant 0 : i32
      %dma_start3A_601 = tpu.memref_slice %arg43[%add3A_585, %dma_start3A_600] : memref<10000x128xf32, #tpu.memory_space<vmem_shared>> -> memref<48x128xf32, #tpu.memory_space<vmem_shared>>
      %dma_start3A_602 = arith.constant 0 : i32
      %dma_start3A_603 = arith.constant 0 : i32
      %dma_start3A_604 = tpu.memref_slice %arg23[%dma_start3A_602, %dma_start3A_603] : memref<80x128xf32, #tpu.memory_space<vmem>> -> memref<48x128xf32, #tpu.memory_space<vmem>>
      %dma_start3A_605 = arith.constant 0 : i32
      %dma_start3A_606 = tpu.memref_slice %arg43[%add3A_585, %dma_start3A_605] : memref<10000x128xf32, #tpu.memory_space<vmem_shared>> -> memref<48x128xf32, #tpu.memory_space<vmem_shared>>
      tpu.enqueue_dma source(%dma_start3A_606 : memref<48x128xf32, #tpu.memory_space<vmem_shared>>) target(%dma_start3A_604 : memref<48x128xf32, #tpu.memory_space<vmem>>) target_semaphore(%run_scoped3A : memref<!tpu.dma_semaphore, #tpu.memory_space<semaphore_mem>>)
      %dma_wait3A_607 = arith.constant 0 : i32
      %dma_wait3A_608 = arith.constant 0 : i32
      %dma_wait3A_609 = tpu.memref_slice %arg23[%dma_wait3A_607, %dma_wait3A_608] : memref<80x128xf32, #tpu.memory_space<vmem>> -> memref<48x128xf32, #tpu.memory_space<vmem>>
      %dma_wait3A_610 = arith.constant 0 : i32
      %dma_wait3A_611 = tpu.memref_slice %arg43[%add3A_585, %dma_wait3A_610] : memref<10000x128xf32, #tpu.memory_space<vmem_shared>> -> memref<48x128xf32, #tpu.memory_space<vmem_shared>>
      %dma_wait3A_612 = arith.constant 0 : i32
      %dma_wait3A_613 = arith.constant 0 : i32
      %dma_wait3A_614 = tpu.memref_slice %arg23[%dma_wait3A_612, %dma_wait3A_613] : memref<80x128xf32, #tpu.memory_space<vmem>> -> memref<48x128xf32, #tpu.memory_space<vmem>>
      %dma_wait3A_615 = arith.constant 0 : i32
      %dma_wait3A_616 = tpu.memref_slice %arg43[%add3A_585, %dma_wait3A_615] : memref<10000x128xf32, #tpu.memory_space<vmem_shared>> -> memref<48x128xf32, #tpu.memory_space<vmem_shared>>
      tpu.wait_dma2 semaphore(%run_scoped3A : memref<!tpu.dma_semaphore, #tpu.memory_space<semaphore_mem>>) src(%dma_wait3A_616 : memref<48x128xf32, #tpu.memory_space<vmem_shared>>) dst(%dma_wait3A_614 : memref<48x128xf32, #tpu.memory_space<vmem>>)
      tpu.yield
    }) : () -> ()
    %add3A_586 = arith.constant 528 : i32
    %add3A_587 = arith.addi %mul3A_4, %add3A_586 : i32
    "tpu.region"() ({
      %run_scoped3A = tpu.sem_alloc : memref<!tpu.dma_semaphore, #tpu.memory_space<semaphore_mem>>
      %dma_start3A_597 = arith.constant 0 : i32
      %dma_start3A_598 = arith.constant 0 : i32
      %dma_start3A_599 = tpu.memref_slice %arg23[%dma_start3A_597, %dma_start3A_598] : memref<80x128xf32, #tpu.memory_space<vmem>> -> memref<48x128xf32, #tpu.memory_space<vmem>>
      %dma_start3A_600 = arith.constant 0 : i32
      %dma_start3A_601 = tpu.memref_slice %arg6[%arg0, %add3A_587, %dma_start3A_600] : memref<2x10000x128xf32, #tpu.memory_space<hbm>> -> memref<1x48x128xf32, #tpu.memory_space<hbm>>
      %dma_start3A_602 = tpu.memref_squeeze %dma_start3A_601 : memref<1x48x128xf32, #tpu.memory_space<hbm>> -> memref<48x128xf32, #tpu.memory_space<hbm>>
      %dma_start3A_603 = arith.constant 0 : i32
      %dma_start3A_604 = tpu.memref_slice %arg6[%arg0, %add3A_587, %dma_start3A_603] : memref<2x10000x128xf32, #tpu.memory_space<hbm>> -> memref<1x48x128xf32, #tpu.memory_space<hbm>>
      %dma_start3A_605 = tpu.memref_squeeze %dma_start3A_604 : memref<1x48x128xf32, #tpu.memory_space<hbm>> -> memref<48x128xf32, #tpu.memory_space<hbm>>
      %dma_start3A_606 = arith.constant 0 : i32
      %dma_start3A_607 = arith.constant 0 : i32
      %dma_start3A_608 = tpu.memref_slice %arg23[%dma_start3A_606, %dma_start3A_607] : memref<80x128xf32, #tpu.memory_space<vmem>> -> memref<48x128xf32, #tpu.memory_space<vmem>>
      tpu.enqueue_dma source(%dma_start3A_608 : memref<48x128xf32, #tpu.memory_space<vmem>>) target(%dma_start3A_605 : memref<48x128xf32, #tpu.memory_space<hbm>>) target_semaphore(%run_scoped3A : memref<!tpu.dma_semaphore, #tpu.memory_space<semaphore_mem>>)
      %dma_wait3A_609 = arith.constant 0 : i32
      %dma_wait3A_610 = arith.constant 0 : i32
      %dma_wait3A_611 = tpu.memref_slice %arg23[%dma_wait3A_609, %dma_wait3A_610] : memref<80x128xf32, #tpu.memory_space<vmem>> -> memref<48x128xf32, #tpu.memory_space<vmem>>
      %dma_wait3A_612 = arith.constant 0 : i32
      %dma_wait3A_613 = tpu.memref_slice %arg6[%arg0, %add3A_587, %dma_wait3A_612] : memref<2x10000x128xf32, #tpu.memory_space<hbm>> -> memref<1x48x128xf32, #tpu.memory_space<hbm>>
      %dma_wait3A_614 = tpu.memref_squeeze %dma_wait3A_613 : memref<1x48x128xf32, #tpu.memory_space<hbm>> -> memref<48x128xf32, #tpu.memory_space<hbm>>
      %dma_wait3A_615 = arith.constant 0 : i32
      %dma_wait3A_616 = tpu.memref_slice %arg6[%arg0, %add3A_587, %dma_wait3A_615] : memref<2x10000x128xf32, #tpu.memory_space<hbm>> -> memref<1x48x128xf32, #tpu.memory_space<hbm>>
      %dma_wait3A_617 = tpu.memref_squeeze %dma_wait3A_616 : memref<1x48x128xf32, #tpu.memory_space<hbm>> -> memref<48x128xf32, #tpu.memory_space<hbm>>
      %dma_wait3A_618 = arith.constant 0 : i32
      %dma_wait3A_619 = arith.constant 0 : i32
      %dma_wait3A_620 = tpu.memref_slice %arg23[%dma_wait3A_618, %dma_wait3A_619] : memref<80x128xf32, #tpu.memory_space<vmem>> -> memref<48x128xf32, #tpu.memory_space<vmem>>
      tpu.wait_dma2 semaphore(%run_scoped3A : memref<!tpu.dma_semaphore, #tpu.memory_space<semaphore_mem>>) src(%dma_wait3A_620 : memref<48x128xf32, #tpu.memory_space<vmem>>) dst(%dma_wait3A_617 : memref<48x128xf32, #tpu.memory_space<hbm>>)
      tpu.yield
    }) : () -> ()
    %add3A_588 = arith.constant 576 : i32
    %add3A_589 = arith.addi %mul3A_4, %add3A_588 : i32
    "tpu.region"() ({
      %run_scoped3A = tpu.sem_alloc : memref<!tpu.dma_semaphore, #tpu.memory_space<semaphore_mem>>
      %dma_start3A_597 = arith.constant 0 : i32
      %dma_start3A_598 = arith.constant 0 : i32
      %dma_start3A_599 = tpu.memref_slice %arg23[%dma_start3A_597, %dma_start3A_598] : memref<80x128xf32, #tpu.memory_space<vmem>> -> memref<48x128xf32, #tpu.memory_space<vmem>>
      %dma_start3A_600 = arith.constant 0 : i32
      %dma_start3A_601 = tpu.memref_slice %arg43[%add3A_589, %dma_start3A_600] : memref<10000x128xf32, #tpu.memory_space<vmem_shared>> -> memref<48x128xf32, #tpu.memory_space<vmem_shared>>
      %dma_start3A_602 = arith.constant 0 : i32
      %dma_start3A_603 = arith.constant 0 : i32
      %dma_start3A_604 = tpu.memref_slice %arg23[%dma_start3A_602, %dma_start3A_603] : memref<80x128xf32, #tpu.memory_space<vmem>> -> memref<48x128xf32, #tpu.memory_space<vmem>>
      %dma_start3A_605 = arith.constant 0 : i32
      %dma_start3A_606 = tpu.memref_slice %arg43[%add3A_589, %dma_start3A_605] : memref<10000x128xf32, #tpu.memory_space<vmem_shared>> -> memref<48x128xf32, #tpu.memory_space<vmem_shared>>
      tpu.enqueue_dma source(%dma_start3A_606 : memref<48x128xf32, #tpu.memory_space<vmem_shared>>) target(%dma_start3A_604 : memref<48x128xf32, #tpu.memory_space<vmem>>) target_semaphore(%run_scoped3A : memref<!tpu.dma_semaphore, #tpu.memory_space<semaphore_mem>>)
      %dma_wait3A_607 = arith.constant 0 : i32
      %dma_wait3A_608 = arith.constant 0 : i32
      %dma_wait3A_609 = tpu.memref_slice %arg23[%dma_wait3A_607, %dma_wait3A_608] : memref<80x128xf32, #tpu.memory_space<vmem>> -> memref<48x128xf32, #tpu.memory_space<vmem>>
      %dma_wait3A_610 = arith.constant 0 : i32
      %dma_wait3A_611 = tpu.memref_slice %arg43[%add3A_589, %dma_wait3A_610] : memref<10000x128xf32, #tpu.memory_space<vmem_shared>> -> memref<48x128xf32, #tpu.memory_space<vmem_shared>>
      %dma_wait3A_612 = arith.constant 0 : i32
      %dma_wait3A_613 = arith.constant 0 : i32
      %dma_wait3A_614 = tpu.memref_slice %arg23[%dma_wait3A_612, %dma_wait3A_613] : memref<80x128xf32, #tpu.memory_space<vmem>> -> memref<48x128xf32, #tpu.memory_space<vmem>>
      %dma_wait3A_615 = arith.constant 0 : i32
      %dma_wait3A_616 = tpu.memref_slice %arg43[%add3A_589, %dma_wait3A_615] : memref<10000x128xf32, #tpu.memory_space<vmem_shared>> -> memref<48x128xf32, #tpu.memory_space<vmem_shared>>
      tpu.wait_dma2 semaphore(%run_scoped3A : memref<!tpu.dma_semaphore, #tpu.memory_space<semaphore_mem>>) src(%dma_wait3A_616 : memref<48x128xf32, #tpu.memory_space<vmem_shared>>) dst(%dma_wait3A_614 : memref<48x128xf32, #tpu.memory_space<vmem>>)
      tpu.yield
    }) : () -> ()
    %add3A_590 = arith.constant 576 : i32
    %add3A_591 = arith.addi %mul3A_4, %add3A_590 : i32
    "tpu.region"() ({
      %run_scoped3A = tpu.sem_alloc : memref<!tpu.dma_semaphore, #tpu.memory_space<semaphore_mem>>
      %dma_start3A_597 = arith.constant 0 : i32
      %dma_start3A_598 = arith.constant 0 : i32
      %dma_start3A_599 = tpu.memref_slice %arg23[%dma_start3A_597, %dma_start3A_598] : memref<80x128xf32, #tpu.memory_space<vmem>> -> memref<48x128xf32, #tpu.memory_space<vmem>>
      %dma_start3A_600 = arith.constant 0 : i32
      %dma_start3A_601 = tpu.memref_slice %arg6[%arg0, %add3A_591, %dma_start3A_600] : memref<2x10000x128xf32, #tpu.memory_space<hbm>> -> memref<1x48x128xf32, #tpu.memory_space<hbm>>
      %dma_start3A_602 = tpu.memref_squeeze %dma_start3A_601 : memref<1x48x128xf32, #tpu.memory_space<hbm>> -> memref<48x128xf32, #tpu.memory_space<hbm>>
      %dma_start3A_603 = arith.constant 0 : i32
      %dma_start3A_604 = tpu.memref_slice %arg6[%arg0, %add3A_591, %dma_start3A_603] : memref<2x10000x128xf32, #tpu.memory_space<hbm>> -> memref<1x48x128xf32, #tpu.memory_space<hbm>>
      %dma_start3A_605 = tpu.memref_squeeze %dma_start3A_604 : memref<1x48x128xf32, #tpu.memory_space<hbm>> -> memref<48x128xf32, #tpu.memory_space<hbm>>
      %dma_start3A_606 = arith.constant 0 : i32
      %dma_start3A_607 = arith.constant 0 : i32
      %dma_start3A_608 = tpu.memref_slice %arg23[%dma_start3A_606, %dma_start3A_607] : memref<80x128xf32, #tpu.memory_space<vmem>> -> memref<48x128xf32, #tpu.memory_space<vmem>>
      tpu.enqueue_dma source(%dma_start3A_608 : memref<48x128xf32, #tpu.memory_space<vmem>>) target(%dma_start3A_605 : memref<48x128xf32, #tpu.memory_space<hbm>>) target_semaphore(%run_scoped3A : memref<!tpu.dma_semaphore, #tpu.memory_space<semaphore_mem>>)
      %dma_wait3A_609 = arith.constant 0 : i32
      %dma_wait3A_610 = arith.constant 0 : i32
      %dma_wait3A_611 = tpu.memref_slice %arg23[%dma_wait3A_609, %dma_wait3A_610] : memref<80x128xf32, #tpu.memory_space<vmem>> -> memref<48x128xf32, #tpu.memory_space<vmem>>
      %dma_wait3A_612 = arith.constant 0 : i32
      %dma_wait3A_613 = tpu.memref_slice %arg6[%arg0, %add3A_591, %dma_wait3A_612] : memref<2x10000x128xf32, #tpu.memory_space<hbm>> -> memref<1x48x128xf32, #tpu.memory_space<hbm>>
      %dma_wait3A_614 = tpu.memref_squeeze %dma_wait3A_613 : memref<1x48x128xf32, #tpu.memory_space<hbm>> -> memref<48x128xf32, #tpu.memory_space<hbm>>
      %dma_wait3A_615 = arith.constant 0 : i32
      %dma_wait3A_616 = tpu.memref_slice %arg6[%arg0, %add3A_591, %dma_wait3A_615] : memref<2x10000x128xf32, #tpu.memory_space<hbm>> -> memref<1x48x128xf32, #tpu.memory_space<hbm>>
      %dma_wait3A_617 = tpu.memref_squeeze %dma_wait3A_616 : memref<1x48x128xf32, #tpu.memory_space<hbm>> -> memref<48x128xf32, #tpu.memory_space<hbm>>
      %dma_wait3A_618 = arith.constant 0 : i32
      %dma_wait3A_619 = arith.constant 0 : i32
      %dma_wait3A_620 = tpu.memref_slice %arg23[%dma_wait3A_618, %dma_wait3A_619] : memref<80x128xf32, #tpu.memory_space<vmem>> -> memref<48x128xf32, #tpu.memory_space<vmem>>
      tpu.wait_dma2 semaphore(%run_scoped3A : memref<!tpu.dma_semaphore, #tpu.memory_space<semaphore_mem>>) src(%dma_wait3A_620 : memref<48x128xf32, #tpu.memory_space<vmem>>) dst(%dma_wait3A_617 : memref<48x128xf32, #tpu.memory_space<hbm>>)
      tpu.yield
    }) : () -> ()
    %eq3A_592 = arith.constant 0 : i32
    %eq3A_593 = arith.cmpi eq, %arg1, %eq3A_592 : i32
    %convert_element_type3A_594 = arith.extui %eq3A_593 : i1 to i32
    %cond3A_595 = arith.constant 0 : i32
    %cond3A_596 = arith.cmpi ne, %convert_element_type3A_594, %cond3A_595 : i32
    scf.if %cond3A_596 {
      "tpu.region"() ({
        %run_scoped3A = tpu.sem_alloc : memref<!tpu.dma_semaphore, #tpu.memory_space<semaphore_mem>>
        %dma_start3A_597 = arith.constant 0 : i32
        %dma_start3A_598 = arith.constant 0 : i32
        %dma_start3A_599 = tpu.memref_slice %arg24[%dma_start3A_597, %dma_start3A_598] : memref<80x128xf32, #tpu.memory_space<vmem>> -> memref<16x128xf32, #tpu.memory_space<vmem>>
        %dma_start3A_600 = arith.constant 9984 : i32
        %dma_start3A_601 = arith.constant 0 : i32
        %dma_start3A_602 = tpu.memref_slice %arg43[%dma_start3A_600, %dma_start3A_601] : memref<10000x128xf32, #tpu.memory_space<vmem_shared>> -> memref<16x128xf32, #tpu.memory_space<vmem_shared>>
        %dma_start3A_603 = arith.constant 0 : i32
        %dma_start3A_604 = arith.constant 0 : i32
        %dma_start3A_605 = tpu.memref_slice %arg24[%dma_start3A_603, %dma_start3A_604] : memref<80x128xf32, #tpu.memory_space<vmem>> -> memref<16x128xf32, #tpu.memory_space<vmem>>
        %dma_start3A_606 = arith.constant 9984 : i32
        %dma_start3A_607 = arith.constant 0 : i32
        %dma_start3A_608 = tpu.memref_slice %arg43[%dma_start3A_606, %dma_start3A_607] : memref<10000x128xf32, #tpu.memory_space<vmem_shared>> -> memref<16x128xf32, #tpu.memory_space<vmem_shared>>
        tpu.enqueue_dma source(%dma_start3A_608 : memref<16x128xf32, #tpu.memory_space<vmem_shared>>) target(%dma_start3A_605 : memref<16x128xf32, #tpu.memory_space<vmem>>) target_semaphore(%run_scoped3A : memref<!tpu.dma_semaphore, #tpu.memory_space<semaphore_mem>>)
        %dma_wait3A_609 = arith.constant 0 : i32
        %dma_wait3A_610 = arith.constant 0 : i32
        %dma_wait3A_611 = tpu.memref_slice %arg24[%dma_wait3A_609, %dma_wait3A_610] : memref<80x128xf32, #tpu.memory_space<vmem>> -> memref<16x128xf32, #tpu.memory_space<vmem>>
        %dma_wait3A_612 = arith.constant 9984 : i32
        %dma_wait3A_613 = arith.constant 0 : i32
        %dma_wait3A_614 = tpu.memref_slice %arg43[%dma_wait3A_612, %dma_wait3A_613] : memref<10000x128xf32, #tpu.memory_space<vmem_shared>> -> memref<16x128xf32, #tpu.memory_space<vmem_shared>>
        %dma_wait3A_615 = arith.constant 0 : i32
        %dma_wait3A_616 = arith.constant 0 : i32
        %dma_wait3A_617 = tpu.memref_slice %arg24[%dma_wait3A_615, %dma_wait3A_616] : memref<80x128xf32, #tpu.memory_space<vmem>> -> memref<16x128xf32, #tpu.memory_space<vmem>>
        %dma_wait3A_618 = arith.constant 9984 : i32
        %dma_wait3A_619 = arith.constant 0 : i32
        %dma_wait3A_620 = tpu.memref_slice %arg43[%dma_wait3A_618, %dma_wait3A_619] : memref<10000x128xf32, #tpu.memory_space<vmem_shared>> -> memref<16x128xf32, #tpu.memory_space<vmem_shared>>
        tpu.wait_dma2 semaphore(%run_scoped3A : memref<!tpu.dma_semaphore, #tpu.memory_space<semaphore_mem>>) src(%dma_wait3A_620 : memref<16x128xf32, #tpu.memory_space<vmem_shared>>) dst(%dma_wait3A_617 : memref<16x128xf32, #tpu.memory_space<vmem>>)
        tpu.yield
      }) : () -> ()
      "tpu.region"() ({
        %run_scoped3A = tpu.sem_alloc : memref<!tpu.dma_semaphore, #tpu.memory_space<semaphore_mem>>
        %dma_start3A_597 = arith.constant 0 : i32
        %dma_start3A_598 = arith.constant 0 : i32
        %dma_start3A_599 = tpu.memref_slice %arg24[%dma_start3A_597, %dma_start3A_598] : memref<80x128xf32, #tpu.memory_space<vmem>> -> memref<16x128xf32, #tpu.memory_space<vmem>>
        %dma_start3A_600 = arith.constant 9984 : i32
        %dma_start3A_601 = arith.constant 0 : i32
        %dma_start3A_602 = tpu.memref_slice %arg6[%arg0, %dma_start3A_600, %dma_start3A_601] : memref<2x10000x128xf32, #tpu.memory_space<hbm>> -> memref<1x16x128xf32, #tpu.memory_space<hbm>>
        %dma_start3A_603 = tpu.memref_squeeze %dma_start3A_602 : memref<1x16x128xf32, #tpu.memory_space<hbm>> -> memref<16x128xf32, #tpu.memory_space<hbm>>
        %dma_start3A_604 = arith.constant 9984 : i32
        %dma_start3A_605 = arith.constant 0 : i32
        %dma_start3A_606 = tpu.memref_slice %arg6[%arg0, %dma_start3A_604, %dma_start3A_605] : memref<2x10000x128xf32, #tpu.memory_space<hbm>> -> memref<1x16x128xf32, #tpu.memory_space<hbm>>
        %dma_start3A_607 = tpu.memref_squeeze %dma_start3A_606 : memref<1x16x128xf32, #tpu.memory_space<hbm>> -> memref<16x128xf32, #tpu.memory_space<hbm>>
        %dma_start3A_608 = arith.constant 0 : i32
        %dma_start3A_609 = arith.constant 0 : i32
        %dma_start3A_610 = tpu.memref_slice %arg24[%dma_start3A_608, %dma_start3A_609] : memref<80x128xf32, #tpu.memory_space<vmem>> -> memref<16x128xf32, #tpu.memory_space<vmem>>
        tpu.enqueue_dma source(%dma_start3A_610 : memref<16x128xf32, #tpu.memory_space<vmem>>) target(%dma_start3A_607 : memref<16x128xf32, #tpu.memory_space<hbm>>) target_semaphore(%run_scoped3A : memref<!tpu.dma_semaphore, #tpu.memory_space<semaphore_mem>>)
        %dma_wait3A_611 = arith.constant 0 : i32
        %dma_wait3A_612 = arith.constant 0 : i32
        %dma_wait3A_613 = tpu.memref_slice %arg24[%dma_wait3A_611, %dma_wait3A_612] : memref<80x128xf32, #tpu.memory_space<vmem>> -> memref<16x128xf32, #tpu.memory_space<vmem>>
        %dma_wait3A_614 = arith.constant 9984 : i32
        %dma_wait3A_615 = arith.constant 0 : i32
        %dma_wait3A_616 = tpu.memref_slice %arg6[%arg0, %dma_wait3A_614, %dma_wait3A_615] : memref<2x10000x128xf32, #tpu.memory_space<hbm>> -> memref<1x16x128xf32, #tpu.memory_space<hbm>>
        %dma_wait3A_617 = tpu.memref_squeeze %dma_wait3A_616 : memref<1x16x128xf32, #tpu.memory_space<hbm>> -> memref<16x128xf32, #tpu.memory_space<hbm>>
        %dma_wait3A_618 = arith.constant 9984 : i32
        %dma_wait3A_619 = arith.constant 0 : i32
        %dma_wait3A_620 = tpu.memref_slice %arg6[%arg0, %dma_wait3A_618, %dma_wait3A_619] : memref<2x10000x128xf32, #tpu.memory_space<hbm>> -> memref<1x16x128xf32, #tpu.memory_space<hbm>>
        %dma_wait3A_621 = tpu.memref_squeeze %dma_wait3A_620 : memref<1x16x128xf32, #tpu.memory_space<hbm>> -> memref<16x128xf32, #tpu.memory_space<hbm>>
        %dma_wait3A_622 = arith.constant 0 : i32
        %dma_wait3A_623 = arith.constant 0 : i32
        %dma_wait3A_624 = tpu.memref_slice %arg24[%dma_wait3A_622, %dma_wait3A_623] : memref<80x128xf32, #tpu.memory_space<vmem>> -> memref<16x128xf32, #tpu.memory_space<vmem>>
        tpu.wait_dma2 semaphore(%run_scoped3A : memref<!tpu.dma_semaphore, #tpu.memory_space<semaphore_mem>>) src(%dma_wait3A_624 : memref<16x128xf32, #tpu.memory_space<vmem>>) dst(%dma_wait3A_621 : memref<16x128xf32, #tpu.memory_space<hbm>>)
        tpu.yield
      }) : () -> ()
    } else {
    }
    return
  }
}

#map = affine_map<(d0, d1) -> (0, 0, 0)>
#map1 = affine_map<(d0, d1) -> (0)>
module attributes {stable_mosaic.version = 14 : i64} {
  func.func @deg_kernel(%arg0: i32, %arg1: i32, %arg2: memref<32x80x125xi32, #tpu.memory_space<hbm>>, %arg3: memref<125xf32, #tpu.memory_space<hbm>>, %arg4: memref<624xf32, #tpu.memory_space<hbm>>, %arg5: memref<20000xf32, #tpu.memory_space<hbm>>, %arg6: memref<80x125xi32, #tpu.memory_space<vmem>>, %arg7: memref<125xf32, #tpu.memory_space<vmem>>, %arg8: memref<624xf32, #tpu.memory_space<vmem>>, %arg9: memref<10000xf32, #tpu.memory_space<vmem_shared>>, %arg10: memref<!tpu.dma_semaphore, #tpu.memory_space<semaphore_mem>>) attributes {dimension_semantics = [#tpu.dimension_semantics<core_parallel>, #tpu.dimension_semantics<subcore_parallel>], iteration_bounds = array<i64: 2, 16>, scalar_prefetch = 0 : i64, scratch_operands = 5 : i64, tpu.core_type = #tpu.core_type<sc_vector_subcore>, window_params = [{transform_indices = #map}, {transform_indices = #map1}, {transform_indices = #map1}, {transform_indices = #map1}]} {
    %mul3A = arith.constant 16 : i32
    %mul3A_0 = arith.muli %arg0, %mul3A : i32
    %add3A = arith.addi %mul3A_0, %arg1 : i32
    "tpu.region"() ({
      %run_scoped3A = tpu.sem_alloc : memref<!tpu.dma_semaphore, #tpu.memory_space<semaphore_mem>>
      tpu.enqueue_dma source(%arg4 : memref<624xf32, #tpu.memory_space<hbm>>) target(%arg8 : memref<624xf32, #tpu.memory_space<vmem>>) target_semaphore(%run_scoped3A : memref<!tpu.dma_semaphore, #tpu.memory_space<semaphore_mem>>)
      tpu.wait_dma2 semaphore(%run_scoped3A : memref<!tpu.dma_semaphore, #tpu.memory_space<semaphore_mem>>) src(%arg4 : memref<624xf32, #tpu.memory_space<hbm>>) dst(%arg8 : memref<624xf32, #tpu.memory_space<vmem>>)
      tpu.yield
    }) : () -> ()
    %mul3A_1 = arith.constant 624 : i32
    %mul3A_2 = arith.muli %arg1, %mul3A_1 : i32
    "tpu.region"() ({
      %run_scoped3A = tpu.sem_alloc : memref<!tpu.dma_semaphore, #tpu.memory_space<semaphore_mem>>
      %dma_start3A_212 = tpu.memref_slice %arg9[%mul3A_2] : memref<10000xf32, #tpu.memory_space<vmem_shared>> -> memref<624xf32, #tpu.memory_space<vmem_shared>>
      %dma_start3A_213 = tpu.memref_slice %arg9[%mul3A_2] : memref<10000xf32, #tpu.memory_space<vmem_shared>> -> memref<624xf32, #tpu.memory_space<vmem_shared>>
      tpu.enqueue_dma source(%arg8 : memref<624xf32, #tpu.memory_space<vmem>>) target(%dma_start3A_213 : memref<624xf32, #tpu.memory_space<vmem_shared>>) target_semaphore(%run_scoped3A : memref<!tpu.dma_semaphore, #tpu.memory_space<semaphore_mem>>)
      %dma_wait3A_214 = tpu.memref_slice %arg9[%mul3A_2] : memref<10000xf32, #tpu.memory_space<vmem_shared>> -> memref<624xf32, #tpu.memory_space<vmem_shared>>
      %dma_wait3A_215 = tpu.memref_slice %arg9[%mul3A_2] : memref<10000xf32, #tpu.memory_space<vmem_shared>> -> memref<624xf32, #tpu.memory_space<vmem_shared>>
      tpu.wait_dma2 semaphore(%run_scoped3A : memref<!tpu.dma_semaphore, #tpu.memory_space<semaphore_mem>>) src(%arg8 : memref<624xf32, #tpu.memory_space<vmem>>) dst(%dma_wait3A_215 : memref<624xf32, #tpu.memory_space<vmem_shared>>)
      tpu.yield
    }) : () -> ()
    %eq3A = arith.constant 0 : i32
    %eq3A_3 = arith.cmpi eq, %arg1, %eq3A : i32
    %convert_element_type3A = arith.extui %eq3A_3 : i1 to i32
    %cond3A = arith.constant 0 : i32
    %cond3A_4 = arith.cmpi ne, %convert_element_type3A, %cond3A : i32
    scf.if %cond3A_4 {
      "tpu.region"() ({
        %run_scoped3A = tpu.sem_alloc : memref<!tpu.dma_semaphore, #tpu.memory_space<semaphore_mem>>
        %dma_start3A_212 = arith.constant 0 : i32
        %dma_start3A_213 = tpu.memref_slice %arg8[%dma_start3A_212] : memref<624xf32, #tpu.memory_space<vmem>> -> memref<16xf32, #tpu.memory_space<vmem>>
        %dma_start3A_214 = arith.constant 9984 : i32
        %dma_start3A_215 = tpu.memref_slice %arg9[%dma_start3A_214] : memref<10000xf32, #tpu.memory_space<vmem_shared>> -> memref<16xf32, #tpu.memory_space<vmem_shared>>
        %dma_start3A_216 = arith.constant 9984 : i32
        %dma_start3A_217 = tpu.memref_slice %arg9[%dma_start3A_216] : memref<10000xf32, #tpu.memory_space<vmem_shared>> -> memref<16xf32, #tpu.memory_space<vmem_shared>>
        %dma_start3A_218 = arith.constant 0 : i32
        %dma_start3A_219 = tpu.memref_slice %arg8[%dma_start3A_218] : memref<624xf32, #tpu.memory_space<vmem>> -> memref<16xf32, #tpu.memory_space<vmem>>
        tpu.enqueue_dma source(%dma_start3A_219 : memref<16xf32, #tpu.memory_space<vmem>>) target(%dma_start3A_217 : memref<16xf32, #tpu.memory_space<vmem_shared>>) target_semaphore(%run_scoped3A : memref<!tpu.dma_semaphore, #tpu.memory_space<semaphore_mem>>)
        %dma_wait3A_220 = arith.constant 0 : i32
        %dma_wait3A_221 = tpu.memref_slice %arg8[%dma_wait3A_220] : memref<624xf32, #tpu.memory_space<vmem>> -> memref<16xf32, #tpu.memory_space<vmem>>
        %dma_wait3A_222 = arith.constant 9984 : i32
        %dma_wait3A_223 = tpu.memref_slice %arg9[%dma_wait3A_222] : memref<10000xf32, #tpu.memory_space<vmem_shared>> -> memref<16xf32, #tpu.memory_space<vmem_shared>>
        %dma_wait3A_224 = arith.constant 9984 : i32
        %dma_wait3A_225 = tpu.memref_slice %arg9[%dma_wait3A_224] : memref<10000xf32, #tpu.memory_space<vmem_shared>> -> memref<16xf32, #tpu.memory_space<vmem_shared>>
        %dma_wait3A_226 = arith.constant 0 : i32
        %dma_wait3A_227 = tpu.memref_slice %arg8[%dma_wait3A_226] : memref<624xf32, #tpu.memory_space<vmem>> -> memref<16xf32, #tpu.memory_space<vmem>>
        tpu.wait_dma2 semaphore(%run_scoped3A : memref<!tpu.dma_semaphore, #tpu.memory_space<semaphore_mem>>) src(%dma_wait3A_227 : memref<16xf32, #tpu.memory_space<vmem>>) dst(%dma_wait3A_225 : memref<16xf32, #tpu.memory_space<vmem_shared>>)
        tpu.yield
      }) : () -> ()
    } else {
    }
    "tpu.region"() ({
      %run_scoped3A = tpu.sem_alloc : memref<!tpu.dma_semaphore, #tpu.memory_space<semaphore_mem>>
      tpu.enqueue_dma source(%arg3 : memref<125xf32, #tpu.memory_space<hbm>>) target(%arg7 : memref<125xf32, #tpu.memory_space<vmem>>) target_semaphore(%run_scoped3A : memref<!tpu.dma_semaphore, #tpu.memory_space<semaphore_mem>>)
      tpu.wait_dma2 semaphore(%run_scoped3A : memref<!tpu.dma_semaphore, #tpu.memory_space<semaphore_mem>>) src(%arg3 : memref<125xf32, #tpu.memory_space<hbm>>) dst(%arg7 : memref<125xf32, #tpu.memory_space<vmem>>)
      tpu.yield
    }) : () -> ()
    "tpu.region"() ({
      %run_scoped3A = tpu.sem_alloc : memref<!tpu.dma_semaphore, #tpu.memory_space<semaphore_mem>>
      %dma_start3A_212 = arith.constant 0 : i32
      %dma_start3A_213 = arith.constant 0 : i32
      %dma_start3A_214 = tpu.memref_slice %arg2[%add3A, %dma_start3A_212, %dma_start3A_213] : memref<32x80x125xi32, #tpu.memory_space<hbm>> -> memref<1x80x125xi32, #tpu.memory_space<hbm>>
      %dma_start3A_215 = tpu.memref_squeeze %dma_start3A_214 : memref<1x80x125xi32, #tpu.memory_space<hbm>> -> memref<80x125xi32, #tpu.memory_space<hbm>>
      %dma_start3A_216 = arith.constant 0 : i32
      %dma_start3A_217 = arith.constant 0 : i32
      %dma_start3A_218 = tpu.memref_slice %arg2[%add3A, %dma_start3A_216, %dma_start3A_217] : memref<32x80x125xi32, #tpu.memory_space<hbm>> -> memref<1x80x125xi32, #tpu.memory_space<hbm>>
      %dma_start3A_219 = tpu.memref_squeeze %dma_start3A_218 : memref<1x80x125xi32, #tpu.memory_space<hbm>> -> memref<80x125xi32, #tpu.memory_space<hbm>>
      tpu.enqueue_dma source(%dma_start3A_219 : memref<80x125xi32, #tpu.memory_space<hbm>>) target(%arg6 : memref<80x125xi32, #tpu.memory_space<vmem>>) target_semaphore(%run_scoped3A : memref<!tpu.dma_semaphore, #tpu.memory_space<semaphore_mem>>)
      %dma_wait3A_220 = arith.constant 0 : i32
      %dma_wait3A_221 = arith.constant 0 : i32
      %dma_wait3A_222 = tpu.memref_slice %arg2[%add3A, %dma_wait3A_220, %dma_wait3A_221] : memref<32x80x125xi32, #tpu.memory_space<hbm>> -> memref<1x80x125xi32, #tpu.memory_space<hbm>>
      %dma_wait3A_223 = tpu.memref_squeeze %dma_wait3A_222 : memref<1x80x125xi32, #tpu.memory_space<hbm>> -> memref<80x125xi32, #tpu.memory_space<hbm>>
      %dma_wait3A_224 = arith.constant 0 : i32
      %dma_wait3A_225 = arith.constant 0 : i32
      %dma_wait3A_226 = tpu.memref_slice %arg2[%add3A, %dma_wait3A_224, %dma_wait3A_225] : memref<32x80x125xi32, #tpu.memory_space<hbm>> -> memref<1x80x125xi32, #tpu.memory_space<hbm>>
      %dma_wait3A_227 = tpu.memref_squeeze %dma_wait3A_226 : memref<1x80x125xi32, #tpu.memory_space<hbm>> -> memref<80x125xi32, #tpu.memory_space<hbm>>
      tpu.wait_dma2 semaphore(%run_scoped3A : memref<!tpu.dma_semaphore, #tpu.memory_space<semaphore_mem>>) src(%dma_wait3A_227 : memref<80x125xi32, #tpu.memory_space<hbm>>) dst(%arg6 : memref<80x125xi32, #tpu.memory_space<vmem>>)
      tpu.yield
    }) : () -> ()
    %barrier3A = arith.constant 0 : index
    tpu.barrier barrier_id(%barrier3A)
    %dma_start3A = arith.constant 0 : i32
    %dma_start3A_5 = arith.constant 0 : i32
    %dma_start3A_6 = tpu.memref_slice %arg6[%dma_start3A, %dma_start3A_5] : memref<80x125xi32, #tpu.memory_space<vmem>> -> memref<1x125xi32, #tpu.memory_space<vmem>>
    %dma_start3A_7 = tpu.memref_squeeze %dma_start3A_6 : memref<1x125xi32, #tpu.memory_space<vmem>> -> memref<125xi32, #tpu.memory_space<vmem>>
    %dma_start3A_8 = arith.constant 0 : i32
    %dma_start3A_9 = tpu.memref_slice %arg9[%dma_start3A_8] : memref<10000xf32, #tpu.memory_space<vmem_shared>> -> memref<10000xf32, #tpu.memory_space<vmem_shared>>
    tpu.enqueue_indirect_dma source(%arg7 : memref<125xf32, #tpu.memory_space<vmem>>) target(%dma_start3A_9 : memref<10000xf32, #tpu.memory_space<vmem_shared>>) offsets(%dma_start3A_7 : memref<125xi32, #tpu.memory_space<vmem>>) semaphore(%arg10 : memref<!tpu.dma_semaphore, #tpu.memory_space<semaphore_mem>>) {add = true}
    %dma_start3A_10 = arith.constant 1 : i32
    %dma_start3A_11 = arith.constant 0 : i32
    %dma_start3A_12 = tpu.memref_slice %arg6[%dma_start3A_10, %dma_start3A_11] : memref<80x125xi32, #tpu.memory_space<vmem>> -> memref<1x125xi32, #tpu.memory_space<vmem>>
    %dma_start3A_13 = tpu.memref_squeeze %dma_start3A_12 : memref<1x125xi32, #tpu.memory_space<vmem>> -> memref<125xi32, #tpu.memory_space<vmem>>
    %dma_start3A_14 = arith.constant 0 : i32
    %dma_start3A_15 = tpu.memref_slice %arg9[%dma_start3A_14] : memref<10000xf32, #tpu.memory_space<vmem_shared>> -> memref<10000xf32, #tpu.memory_space<vmem_shared>>
    tpu.enqueue_indirect_dma source(%arg7 : memref<125xf32, #tpu.memory_space<vmem>>) target(%dma_start3A_15 : memref<10000xf32, #tpu.memory_space<vmem_shared>>) offsets(%dma_start3A_13 : memref<125xi32, #tpu.memory_space<vmem>>) semaphore(%arg10 : memref<!tpu.dma_semaphore, #tpu.memory_space<semaphore_mem>>) {add = true}
    %dma_start3A_16 = arith.constant 2 : i32
    %dma_start3A_17 = arith.constant 0 : i32
    %dma_start3A_18 = tpu.memref_slice %arg6[%dma_start3A_16, %dma_start3A_17] : memref<80x125xi32, #tpu.memory_space<vmem>> -> memref<1x125xi32, #tpu.memory_space<vmem>>
    %dma_start3A_19 = tpu.memref_squeeze %dma_start3A_18 : memref<1x125xi32, #tpu.memory_space<vmem>> -> memref<125xi32, #tpu.memory_space<vmem>>
    %dma_start3A_20 = arith.constant 0 : i32
    %dma_start3A_21 = tpu.memref_slice %arg9[%dma_start3A_20] : memref<10000xf32, #tpu.memory_space<vmem_shared>> -> memref<10000xf32, #tpu.memory_space<vmem_shared>>
    tpu.enqueue_indirect_dma source(%arg7 : memref<125xf32, #tpu.memory_space<vmem>>) target(%dma_start3A_21 : memref<10000xf32, #tpu.memory_space<vmem_shared>>) offsets(%dma_start3A_19 : memref<125xi32, #tpu.memory_space<vmem>>) semaphore(%arg10 : memref<!tpu.dma_semaphore, #tpu.memory_space<semaphore_mem>>) {add = true}
    %dma_start3A_22 = arith.constant 3 : i32
    %dma_start3A_23 = arith.constant 0 : i32
    %dma_start3A_24 = tpu.memref_slice %arg6[%dma_start3A_22, %dma_start3A_23] : memref<80x125xi32, #tpu.memory_space<vmem>> -> memref<1x125xi32, #tpu.memory_space<vmem>>
    %dma_start3A_25 = tpu.memref_squeeze %dma_start3A_24 : memref<1x125xi32, #tpu.memory_space<vmem>> -> memref<125xi32, #tpu.memory_space<vmem>>
    %dma_start3A_26 = arith.constant 0 : i32
    %dma_start3A_27 = tpu.memref_slice %arg9[%dma_start3A_26] : memref<10000xf32, #tpu.memory_space<vmem_shared>> -> memref<10000xf32, #tpu.memory_space<vmem_shared>>
    tpu.enqueue_indirect_dma source(%arg7 : memref<125xf32, #tpu.memory_space<vmem>>) target(%dma_start3A_27 : memref<10000xf32, #tpu.memory_space<vmem_shared>>) offsets(%dma_start3A_25 : memref<125xi32, #tpu.memory_space<vmem>>) semaphore(%arg10 : memref<!tpu.dma_semaphore, #tpu.memory_space<semaphore_mem>>) {add = true}
    %dma_start3A_28 = arith.constant 4 : i32
    %dma_start3A_29 = arith.constant 0 : i32
    %dma_start3A_30 = tpu.memref_slice %arg6[%dma_start3A_28, %dma_start3A_29] : memref<80x125xi32, #tpu.memory_space<vmem>> -> memref<1x125xi32, #tpu.memory_space<vmem>>
    %dma_start3A_31 = tpu.memref_squeeze %dma_start3A_30 : memref<1x125xi32, #tpu.memory_space<vmem>> -> memref<125xi32, #tpu.memory_space<vmem>>
    %dma_start3A_32 = arith.constant 0 : i32
    %dma_start3A_33 = tpu.memref_slice %arg9[%dma_start3A_32] : memref<10000xf32, #tpu.memory_space<vmem_shared>> -> memref<10000xf32, #tpu.memory_space<vmem_shared>>
    tpu.enqueue_indirect_dma source(%arg7 : memref<125xf32, #tpu.memory_space<vmem>>) target(%dma_start3A_33 : memref<10000xf32, #tpu.memory_space<vmem_shared>>) offsets(%dma_start3A_31 : memref<125xi32, #tpu.memory_space<vmem>>) semaphore(%arg10 : memref<!tpu.dma_semaphore, #tpu.memory_space<semaphore_mem>>) {add = true}
    %dma_start3A_34 = arith.constant 5 : i32
    %dma_start3A_35 = arith.constant 0 : i32
    %dma_start3A_36 = tpu.memref_slice %arg6[%dma_start3A_34, %dma_start3A_35] : memref<80x125xi32, #tpu.memory_space<vmem>> -> memref<1x125xi32, #tpu.memory_space<vmem>>
    %dma_start3A_37 = tpu.memref_squeeze %dma_start3A_36 : memref<1x125xi32, #tpu.memory_space<vmem>> -> memref<125xi32, #tpu.memory_space<vmem>>
    %dma_start3A_38 = arith.constant 0 : i32
    %dma_start3A_39 = tpu.memref_slice %arg9[%dma_start3A_38] : memref<10000xf32, #tpu.memory_space<vmem_shared>> -> memref<10000xf32, #tpu.memory_space<vmem_shared>>
    tpu.enqueue_indirect_dma source(%arg7 : memref<125xf32, #tpu.memory_space<vmem>>) target(%dma_start3A_39 : memref<10000xf32, #tpu.memory_space<vmem_shared>>) offsets(%dma_start3A_37 : memref<125xi32, #tpu.memory_space<vmem>>) semaphore(%arg10 : memref<!tpu.dma_semaphore, #tpu.memory_space<semaphore_mem>>) {add = true}
    %dma_start3A_40 = arith.constant 6 : i32
    %dma_start3A_41 = arith.constant 0 : i32
    %dma_start3A_42 = tpu.memref_slice %arg6[%dma_start3A_40, %dma_start3A_41] : memref<80x125xi32, #tpu.memory_space<vmem>> -> memref<1x125xi32, #tpu.memory_space<vmem>>
    %dma_start3A_43 = tpu.memref_squeeze %dma_start3A_42 : memref<1x125xi32, #tpu.memory_space<vmem>> -> memref<125xi32, #tpu.memory_space<vmem>>
    %dma_start3A_44 = arith.constant 0 : i32
    %dma_start3A_45 = tpu.memref_slice %arg9[%dma_start3A_44] : memref<10000xf32, #tpu.memory_space<vmem_shared>> -> memref<10000xf32, #tpu.memory_space<vmem_shared>>
    tpu.enqueue_indirect_dma source(%arg7 : memref<125xf32, #tpu.memory_space<vmem>>) target(%dma_start3A_45 : memref<10000xf32, #tpu.memory_space<vmem_shared>>) offsets(%dma_start3A_43 : memref<125xi32, #tpu.memory_space<vmem>>) semaphore(%arg10 : memref<!tpu.dma_semaphore, #tpu.memory_space<semaphore_mem>>) {add = true}
    %dma_start3A_46 = arith.constant 7 : i32
    %dma_start3A_47 = arith.constant 0 : i32
    %dma_start3A_48 = tpu.memref_slice %arg6[%dma_start3A_46, %dma_start3A_47] : memref<80x125xi32, #tpu.memory_space<vmem>> -> memref<1x125xi32, #tpu.memory_space<vmem>>
    %dma_start3A_49 = tpu.memref_squeeze %dma_start3A_48 : memref<1x125xi32, #tpu.memory_space<vmem>> -> memref<125xi32, #tpu.memory_space<vmem>>
    %dma_start3A_50 = arith.constant 0 : i32
    %dma_start3A_51 = tpu.memref_slice %arg9[%dma_start3A_50] : memref<10000xf32, #tpu.memory_space<vmem_shared>> -> memref<10000xf32, #tpu.memory_space<vmem_shared>>
    tpu.enqueue_indirect_dma source(%arg7 : memref<125xf32, #tpu.memory_space<vmem>>) target(%dma_start3A_51 : memref<10000xf32, #tpu.memory_space<vmem_shared>>) offsets(%dma_start3A_49 : memref<125xi32, #tpu.memory_space<vmem>>) semaphore(%arg10 : memref<!tpu.dma_semaphore, #tpu.memory_space<semaphore_mem>>) {add = true}
    %dma_start3A_52 = arith.constant 8 : i32
    %dma_start3A_53 = arith.constant 0 : i32
    %dma_start3A_54 = tpu.memref_slice %arg6[%dma_start3A_52, %dma_start3A_53] : memref<80x125xi32, #tpu.memory_space<vmem>> -> memref<1x125xi32, #tpu.memory_space<vmem>>
    %dma_start3A_55 = tpu.memref_squeeze %dma_start3A_54 : memref<1x125xi32, #tpu.memory_space<vmem>> -> memref<125xi32, #tpu.memory_space<vmem>>
    %dma_start3A_56 = arith.constant 0 : i32
    %dma_start3A_57 = tpu.memref_slice %arg9[%dma_start3A_56] : memref<10000xf32, #tpu.memory_space<vmem_shared>> -> memref<10000xf32, #tpu.memory_space<vmem_shared>>
    tpu.enqueue_indirect_dma source(%arg7 : memref<125xf32, #tpu.memory_space<vmem>>) target(%dma_start3A_57 : memref<10000xf32, #tpu.memory_space<vmem_shared>>) offsets(%dma_start3A_55 : memref<125xi32, #tpu.memory_space<vmem>>) semaphore(%arg10 : memref<!tpu.dma_semaphore, #tpu.memory_space<semaphore_mem>>) {add = true}
    %dma_start3A_58 = arith.constant 9 : i32
    %dma_start3A_59 = arith.constant 0 : i32
    %dma_start3A_60 = tpu.memref_slice %arg6[%dma_start3A_58, %dma_start3A_59] : memref<80x125xi32, #tpu.memory_space<vmem>> -> memref<1x125xi32, #tpu.memory_space<vmem>>
    %dma_start3A_61 = tpu.memref_squeeze %dma_start3A_60 : memref<1x125xi32, #tpu.memory_space<vmem>> -> memref<125xi32, #tpu.memory_space<vmem>>
    %dma_start3A_62 = arith.constant 0 : i32
    %dma_start3A_63 = tpu.memref_slice %arg9[%dma_start3A_62] : memref<10000xf32, #tpu.memory_space<vmem_shared>> -> memref<10000xf32, #tpu.memory_space<vmem_shared>>
    tpu.enqueue_indirect_dma source(%arg7 : memref<125xf32, #tpu.memory_space<vmem>>) target(%dma_start3A_63 : memref<10000xf32, #tpu.memory_space<vmem_shared>>) offsets(%dma_start3A_61 : memref<125xi32, #tpu.memory_space<vmem>>) semaphore(%arg10 : memref<!tpu.dma_semaphore, #tpu.memory_space<semaphore_mem>>) {add = true}
    %dma_start3A_64 = arith.constant 10 : i32
    %dma_start3A_65 = arith.constant 0 : i32
    %dma_start3A_66 = tpu.memref_slice %arg6[%dma_start3A_64, %dma_start3A_65] : memref<80x125xi32, #tpu.memory_space<vmem>> -> memref<1x125xi32, #tpu.memory_space<vmem>>
    %dma_start3A_67 = tpu.memref_squeeze %dma_start3A_66 : memref<1x125xi32, #tpu.memory_space<vmem>> -> memref<125xi32, #tpu.memory_space<vmem>>
    %dma_start3A_68 = arith.constant 0 : i32
    %dma_start3A_69 = tpu.memref_slice %arg9[%dma_start3A_68] : memref<10000xf32, #tpu.memory_space<vmem_shared>> -> memref<10000xf32, #tpu.memory_space<vmem_shared>>
    tpu.enqueue_indirect_dma source(%arg7 : memref<125xf32, #tpu.memory_space<vmem>>) target(%dma_start3A_69 : memref<10000xf32, #tpu.memory_space<vmem_shared>>) offsets(%dma_start3A_67 : memref<125xi32, #tpu.memory_space<vmem>>) semaphore(%arg10 : memref<!tpu.dma_semaphore, #tpu.memory_space<semaphore_mem>>) {add = true}
    %dma_start3A_70 = arith.constant 11 : i32
    %dma_start3A_71 = arith.constant 0 : i32
    %dma_start3A_72 = tpu.memref_slice %arg6[%dma_start3A_70, %dma_start3A_71] : memref<80x125xi32, #tpu.memory_space<vmem>> -> memref<1x125xi32, #tpu.memory_space<vmem>>
    %dma_start3A_73 = tpu.memref_squeeze %dma_start3A_72 : memref<1x125xi32, #tpu.memory_space<vmem>> -> memref<125xi32, #tpu.memory_space<vmem>>
    %dma_start3A_74 = arith.constant 0 : i32
    %dma_start3A_75 = tpu.memref_slice %arg9[%dma_start3A_74] : memref<10000xf32, #tpu.memory_space<vmem_shared>> -> memref<10000xf32, #tpu.memory_space<vmem_shared>>
    tpu.enqueue_indirect_dma source(%arg7 : memref<125xf32, #tpu.memory_space<vmem>>) target(%dma_start3A_75 : memref<10000xf32, #tpu.memory_space<vmem_shared>>) offsets(%dma_start3A_73 : memref<125xi32, #tpu.memory_space<vmem>>) semaphore(%arg10 : memref<!tpu.dma_semaphore, #tpu.memory_space<semaphore_mem>>) {add = true}
    %dma_start3A_76 = arith.constant 12 : i32
    %dma_start3A_77 = arith.constant 0 : i32
    %dma_start3A_78 = tpu.memref_slice %arg6[%dma_start3A_76, %dma_start3A_77] : memref<80x125xi32, #tpu.memory_space<vmem>> -> memref<1x125xi32, #tpu.memory_space<vmem>>
    %dma_start3A_79 = tpu.memref_squeeze %dma_start3A_78 : memref<1x125xi32, #tpu.memory_space<vmem>> -> memref<125xi32, #tpu.memory_space<vmem>>
    %dma_start3A_80 = arith.constant 0 : i32
    %dma_start3A_81 = tpu.memref_slice %arg9[%dma_start3A_80] : memref<10000xf32, #tpu.memory_space<vmem_shared>> -> memref<10000xf32, #tpu.memory_space<vmem_shared>>
    tpu.enqueue_indirect_dma source(%arg7 : memref<125xf32, #tpu.memory_space<vmem>>) target(%dma_start3A_81 : memref<10000xf32, #tpu.memory_space<vmem_shared>>) offsets(%dma_start3A_79 : memref<125xi32, #tpu.memory_space<vmem>>) semaphore(%arg10 : memref<!tpu.dma_semaphore, #tpu.memory_space<semaphore_mem>>) {add = true}
    %dma_start3A_82 = arith.constant 13 : i32
    %dma_start3A_83 = arith.constant 0 : i32
    %dma_start3A_84 = tpu.memref_slice %arg6[%dma_start3A_82, %dma_start3A_83] : memref<80x125xi32, #tpu.memory_space<vmem>> -> memref<1x125xi32, #tpu.memory_space<vmem>>
    %dma_start3A_85 = tpu.memref_squeeze %dma_start3A_84 : memref<1x125xi32, #tpu.memory_space<vmem>> -> memref<125xi32, #tpu.memory_space<vmem>>
    %dma_start3A_86 = arith.constant 0 : i32
    %dma_start3A_87 = tpu.memref_slice %arg9[%dma_start3A_86] : memref<10000xf32, #tpu.memory_space<vmem_shared>> -> memref<10000xf32, #tpu.memory_space<vmem_shared>>
    tpu.enqueue_indirect_dma source(%arg7 : memref<125xf32, #tpu.memory_space<vmem>>) target(%dma_start3A_87 : memref<10000xf32, #tpu.memory_space<vmem_shared>>) offsets(%dma_start3A_85 : memref<125xi32, #tpu.memory_space<vmem>>) semaphore(%arg10 : memref<!tpu.dma_semaphore, #tpu.memory_space<semaphore_mem>>) {add = true}
    %dma_start3A_88 = arith.constant 14 : i32
    %dma_start3A_89 = arith.constant 0 : i32
    %dma_start3A_90 = tpu.memref_slice %arg6[%dma_start3A_88, %dma_start3A_89] : memref<80x125xi32, #tpu.memory_space<vmem>> -> memref<1x125xi32, #tpu.memory_space<vmem>>
    %dma_start3A_91 = tpu.memref_squeeze %dma_start3A_90 : memref<1x125xi32, #tpu.memory_space<vmem>> -> memref<125xi32, #tpu.memory_space<vmem>>
    %dma_start3A_92 = arith.constant 0 : i32
    %dma_start3A_93 = tpu.memref_slice %arg9[%dma_start3A_92] : memref<10000xf32, #tpu.memory_space<vmem_shared>> -> memref<10000xf32, #tpu.memory_space<vmem_shared>>
    tpu.enqueue_indirect_dma source(%arg7 : memref<125xf32, #tpu.memory_space<vmem>>) target(%dma_start3A_93 : memref<10000xf32, #tpu.memory_space<vmem_shared>>) offsets(%dma_start3A_91 : memref<125xi32, #tpu.memory_space<vmem>>) semaphore(%arg10 : memref<!tpu.dma_semaphore, #tpu.memory_space<semaphore_mem>>) {add = true}
    %dma_start3A_94 = arith.constant 15 : i32
    %dma_start3A_95 = arith.constant 0 : i32
    %dma_start3A_96 = tpu.memref_slice %arg6[%dma_start3A_94, %dma_start3A_95] : memref<80x125xi32, #tpu.memory_space<vmem>> -> memref<1x125xi32, #tpu.memory_space<vmem>>
    %dma_start3A_97 = tpu.memref_squeeze %dma_start3A_96 : memref<1x125xi32, #tpu.memory_space<vmem>> -> memref<125xi32, #tpu.memory_space<vmem>>
    %dma_start3A_98 = arith.constant 0 : i32
    %dma_start3A_99 = tpu.memref_slice %arg9[%dma_start3A_98] : memref<10000xf32, #tpu.memory_space<vmem_shared>> -> memref<10000xf32, #tpu.memory_space<vmem_shared>>
    tpu.enqueue_indirect_dma source(%arg7 : memref<125xf32, #tpu.memory_space<vmem>>) target(%dma_start3A_99 : memref<10000xf32, #tpu.memory_space<vmem_shared>>) offsets(%dma_start3A_97 : memref<125xi32, #tpu.memory_space<vmem>>) semaphore(%arg10 : memref<!tpu.dma_semaphore, #tpu.memory_space<semaphore_mem>>) {add = true}
    %scan3A = arith.constant 0 : i32
    %scan3A_100 = arith.constant 4 : i32
    %scan3A_101 = arith.addi %scan3A, %scan3A_100 : i32
    %scan3A_102 = arith.constant 1 : i32
    scf.for %scan3A_212 = %scan3A to %scan3A_101 step %scan3A_102  : i32 {
      %mul3A_213 = arith.constant 1 : i32
      %mul3A_214 = arith.muli %scan3A_212, %mul3A_213 : i32
      %add3A_215 = arith.constant 0 : i32
      %add3A_216 = arith.addi %add3A_215, %mul3A_214 : i32
      %add3A_217 = arith.constant 1 : i32
      %add3A_218 = arith.addi %add3A_216, %add3A_217 : i32
      %mul3A_219 = arith.constant 16 : i32
      %mul3A_220 = arith.muli %add3A_218, %mul3A_219 : i32
      %add3A_221 = arith.constant 0 : i32
      %add3A_222 = arith.addi %mul3A_220, %add3A_221 : i32
      %dma_start3A_223 = arith.constant 0 : i32
      %dma_start3A_224 = tpu.memref_slice %arg6[%add3A_222, %dma_start3A_223] : memref<80x125xi32, #tpu.memory_space<vmem>> -> memref<1x125xi32, #tpu.memory_space<vmem>>
      %dma_start3A_225 = tpu.memref_squeeze %dma_start3A_224 : memref<1x125xi32, #tpu.memory_space<vmem>> -> memref<125xi32, #tpu.memory_space<vmem>>
      %dma_start3A_226 = arith.constant 0 : i32
      %dma_start3A_227 = tpu.memref_slice %arg9[%dma_start3A_226] : memref<10000xf32, #tpu.memory_space<vmem_shared>> -> memref<10000xf32, #tpu.memory_space<vmem_shared>>
      tpu.enqueue_indirect_dma source(%arg7 : memref<125xf32, #tpu.memory_space<vmem>>) target(%dma_start3A_227 : memref<10000xf32, #tpu.memory_space<vmem_shared>>) offsets(%dma_start3A_225 : memref<125xi32, #tpu.memory_space<vmem>>) semaphore(%arg10 : memref<!tpu.dma_semaphore, #tpu.memory_space<semaphore_mem>>) {add = true}
      %add3A_228 = arith.constant 1 : i32
      %add3A_229 = arith.addi %add3A_216, %add3A_228 : i32
      %mul3A_230 = arith.constant 16 : i32
      %mul3A_231 = arith.muli %add3A_229, %mul3A_230 : i32
      %add3A_232 = arith.constant 1 : i32
      %add3A_233 = arith.addi %mul3A_231, %add3A_232 : i32
      %dma_start3A_234 = arith.constant 0 : i32
      %dma_start3A_235 = tpu.memref_slice %arg6[%add3A_233, %dma_start3A_234] : memref<80x125xi32, #tpu.memory_space<vmem>> -> memref<1x125xi32, #tpu.memory_space<vmem>>
      %dma_start3A_236 = tpu.memref_squeeze %dma_start3A_235 : memref<1x125xi32, #tpu.memory_space<vmem>> -> memref<125xi32, #tpu.memory_space<vmem>>
      %dma_start3A_237 = arith.constant 0 : i32
      %dma_start3A_238 = tpu.memref_slice %arg9[%dma_start3A_237] : memref<10000xf32, #tpu.memory_space<vmem_shared>> -> memref<10000xf32, #tpu.memory_space<vmem_shared>>
      tpu.enqueue_indirect_dma source(%arg7 : memref<125xf32, #tpu.memory_space<vmem>>) target(%dma_start3A_238 : memref<10000xf32, #tpu.memory_space<vmem_shared>>) offsets(%dma_start3A_236 : memref<125xi32, #tpu.memory_space<vmem>>) semaphore(%arg10 : memref<!tpu.dma_semaphore, #tpu.memory_space<semaphore_mem>>) {add = true}
      %add3A_239 = arith.constant 1 : i32
      %add3A_240 = arith.addi %add3A_216, %add3A_239 : i32
      %mul3A_241 = arith.constant 16 : i32
      %mul3A_242 = arith.muli %add3A_240, %mul3A_241 : i32
      %add3A_243 = arith.constant 2 : i32
      %add3A_244 = arith.addi %mul3A_242, %add3A_243 : i32
      %dma_start3A_245 = arith.constant 0 : i32
      %dma_start3A_246 = tpu.memref_slice %arg6[%add3A_244, %dma_start3A_245] : memref<80x125xi32, #tpu.memory_space<vmem>> -> memref<1x125xi32, #tpu.memory_space<vmem>>
      %dma_start3A_247 = tpu.memref_squeeze %dma_start3A_246 : memref<1x125xi32, #tpu.memory_space<vmem>> -> memref<125xi32, #tpu.memory_space<vmem>>
      %dma_start3A_248 = arith.constant 0 : i32
      %dma_start3A_249 = tpu.memref_slice %arg9[%dma_start3A_248] : memref<10000xf32, #tpu.memory_space<vmem_shared>> -> memref<10000xf32, #tpu.memory_space<vmem_shared>>
      tpu.enqueue_indirect_dma source(%arg7 : memref<125xf32, #tpu.memory_space<vmem>>) target(%dma_start3A_249 : memref<10000xf32, #tpu.memory_space<vmem_shared>>) offsets(%dma_start3A_247 : memref<125xi32, #tpu.memory_space<vmem>>) semaphore(%arg10 : memref<!tpu.dma_semaphore, #tpu.memory_space<semaphore_mem>>) {add = true}
      %add3A_250 = arith.constant 1 : i32
      %add3A_251 = arith.addi %add3A_216, %add3A_250 : i32
      %mul3A_252 = arith.constant 16 : i32
      %mul3A_253 = arith.muli %add3A_251, %mul3A_252 : i32
      %add3A_254 = arith.constant 3 : i32
      %add3A_255 = arith.addi %mul3A_253, %add3A_254 : i32
      %dma_start3A_256 = arith.constant 0 : i32
      %dma_start3A_257 = tpu.memref_slice %arg6[%add3A_255, %dma_start3A_256] : memref<80x125xi32, #tpu.memory_space<vmem>> -> memref<1x125xi32, #tpu.memory_space<vmem>>
      %dma_start3A_258 = tpu.memref_squeeze %dma_start3A_257 : memref<1x125xi32, #tpu.memory_space<vmem>> -> memref<125xi32, #tpu.memory_space<vmem>>
      %dma_start3A_259 = arith.constant 0 : i32
      %dma_start3A_260 = tpu.memref_slice %arg9[%dma_start3A_259] : memref<10000xf32, #tpu.memory_space<vmem_shared>> -> memref<10000xf32, #tpu.memory_space<vmem_shared>>
      tpu.enqueue_indirect_dma source(%arg7 : memref<125xf32, #tpu.memory_space<vmem>>) target(%dma_start3A_260 : memref<10000xf32, #tpu.memory_space<vmem_shared>>) offsets(%dma_start3A_258 : memref<125xi32, #tpu.memory_space<vmem>>) semaphore(%arg10 : memref<!tpu.dma_semaphore, #tpu.memory_space<semaphore_mem>>) {add = true}
      %add3A_261 = arith.constant 1 : i32
      %add3A_262 = arith.addi %add3A_216, %add3A_261 : i32
      %mul3A_263 = arith.constant 16 : i32
      %mul3A_264 = arith.muli %add3A_262, %mul3A_263 : i32
      %add3A_265 = arith.constant 4 : i32
      %add3A_266 = arith.addi %mul3A_264, %add3A_265 : i32
      %dma_start3A_267 = arith.constant 0 : i32
      %dma_start3A_268 = tpu.memref_slice %arg6[%add3A_266, %dma_start3A_267] : memref<80x125xi32, #tpu.memory_space<vmem>> -> memref<1x125xi32, #tpu.memory_space<vmem>>
      %dma_start3A_269 = tpu.memref_squeeze %dma_start3A_268 : memref<1x125xi32, #tpu.memory_space<vmem>> -> memref<125xi32, #tpu.memory_space<vmem>>
      %dma_start3A_270 = arith.constant 0 : i32
      %dma_start3A_271 = tpu.memref_slice %arg9[%dma_start3A_270] : memref<10000xf32, #tpu.memory_space<vmem_shared>> -> memref<10000xf32, #tpu.memory_space<vmem_shared>>
      tpu.enqueue_indirect_dma source(%arg7 : memref<125xf32, #tpu.memory_space<vmem>>) target(%dma_start3A_271 : memref<10000xf32, #tpu.memory_space<vmem_shared>>) offsets(%dma_start3A_269 : memref<125xi32, #tpu.memory_space<vmem>>) semaphore(%arg10 : memref<!tpu.dma_semaphore, #tpu.memory_space<semaphore_mem>>) {add = true}
      %add3A_272 = arith.constant 1 : i32
      %add3A_273 = arith.addi %add3A_216, %add3A_272 : i32
      %mul3A_274 = arith.constant 16 : i32
      %mul3A_275 = arith.muli %add3A_273, %mul3A_274 : i32
      %add3A_276 = arith.constant 5 : i32
      %add3A_277 = arith.addi %mul3A_275, %add3A_276 : i32
      %dma_start3A_278 = arith.constant 0 : i32
      %dma_start3A_279 = tpu.memref_slice %arg6[%add3A_277, %dma_start3A_278] : memref<80x125xi32, #tpu.memory_space<vmem>> -> memref<1x125xi32, #tpu.memory_space<vmem>>
      %dma_start3A_280 = tpu.memref_squeeze %dma_start3A_279 : memref<1x125xi32, #tpu.memory_space<vmem>> -> memref<125xi32, #tpu.memory_space<vmem>>
      %dma_start3A_281 = arith.constant 0 : i32
      %dma_start3A_282 = tpu.memref_slice %arg9[%dma_start3A_281] : memref<10000xf32, #tpu.memory_space<vmem_shared>> -> memref<10000xf32, #tpu.memory_space<vmem_shared>>
      tpu.enqueue_indirect_dma source(%arg7 : memref<125xf32, #tpu.memory_space<vmem>>) target(%dma_start3A_282 : memref<10000xf32, #tpu.memory_space<vmem_shared>>) offsets(%dma_start3A_280 : memref<125xi32, #tpu.memory_space<vmem>>) semaphore(%arg10 : memref<!tpu.dma_semaphore, #tpu.memory_space<semaphore_mem>>) {add = true}
      %add3A_283 = arith.constant 1 : i32
      %add3A_284 = arith.addi %add3A_216, %add3A_283 : i32
      %mul3A_285 = arith.constant 16 : i32
      %mul3A_286 = arith.muli %add3A_284, %mul3A_285 : i32
      %add3A_287 = arith.constant 6 : i32
      %add3A_288 = arith.addi %mul3A_286, %add3A_287 : i32
      %dma_start3A_289 = arith.constant 0 : i32
      %dma_start3A_290 = tpu.memref_slice %arg6[%add3A_288, %dma_start3A_289] : memref<80x125xi32, #tpu.memory_space<vmem>> -> memref<1x125xi32, #tpu.memory_space<vmem>>
      %dma_start3A_291 = tpu.memref_squeeze %dma_start3A_290 : memref<1x125xi32, #tpu.memory_space<vmem>> -> memref<125xi32, #tpu.memory_space<vmem>>
      %dma_start3A_292 = arith.constant 0 : i32
      %dma_start3A_293 = tpu.memref_slice %arg9[%dma_start3A_292] : memref<10000xf32, #tpu.memory_space<vmem_shared>> -> memref<10000xf32, #tpu.memory_space<vmem_shared>>
      tpu.enqueue_indirect_dma source(%arg7 : memref<125xf32, #tpu.memory_space<vmem>>) target(%dma_start3A_293 : memref<10000xf32, #tpu.memory_space<vmem_shared>>) offsets(%dma_start3A_291 : memref<125xi32, #tpu.memory_space<vmem>>) semaphore(%arg10 : memref<!tpu.dma_semaphore, #tpu.memory_space<semaphore_mem>>) {add = true}
      %add3A_294 = arith.constant 1 : i32
      %add3A_295 = arith.addi %add3A_216, %add3A_294 : i32
      %mul3A_296 = arith.constant 16 : i32
      %mul3A_297 = arith.muli %add3A_295, %mul3A_296 : i32
      %add3A_298 = arith.constant 7 : i32
      %add3A_299 = arith.addi %mul3A_297, %add3A_298 : i32
      %dma_start3A_300 = arith.constant 0 : i32
      %dma_start3A_301 = tpu.memref_slice %arg6[%add3A_299, %dma_start3A_300] : memref<80x125xi32, #tpu.memory_space<vmem>> -> memref<1x125xi32, #tpu.memory_space<vmem>>
      %dma_start3A_302 = tpu.memref_squeeze %dma_start3A_301 : memref<1x125xi32, #tpu.memory_space<vmem>> -> memref<125xi32, #tpu.memory_space<vmem>>
      %dma_start3A_303 = arith.constant 0 : i32
      %dma_start3A_304 = tpu.memref_slice %arg9[%dma_start3A_303] : memref<10000xf32, #tpu.memory_space<vmem_shared>> -> memref<10000xf32, #tpu.memory_space<vmem_shared>>
      tpu.enqueue_indirect_dma source(%arg7 : memref<125xf32, #tpu.memory_space<vmem>>) target(%dma_start3A_304 : memref<10000xf32, #tpu.memory_space<vmem_shared>>) offsets(%dma_start3A_302 : memref<125xi32, #tpu.memory_space<vmem>>) semaphore(%arg10 : memref<!tpu.dma_semaphore, #tpu.memory_space<semaphore_mem>>) {add = true}
      %add3A_305 = arith.constant 1 : i32
      %add3A_306 = arith.addi %add3A_216, %add3A_305 : i32
      %mul3A_307 = arith.constant 16 : i32
      %mul3A_308 = arith.muli %add3A_306, %mul3A_307 : i32
      %add3A_309 = arith.constant 8 : i32
      %add3A_310 = arith.addi %mul3A_308, %add3A_309 : i32
      %dma_start3A_311 = arith.constant 0 : i32
      %dma_start3A_312 = tpu.memref_slice %arg6[%add3A_310, %dma_start3A_311] : memref<80x125xi32, #tpu.memory_space<vmem>> -> memref<1x125xi32, #tpu.memory_space<vmem>>
      %dma_start3A_313 = tpu.memref_squeeze %dma_start3A_312 : memref<1x125xi32, #tpu.memory_space<vmem>> -> memref<125xi32, #tpu.memory_space<vmem>>
      %dma_start3A_314 = arith.constant 0 : i32
      %dma_start3A_315 = tpu.memref_slice %arg9[%dma_start3A_314] : memref<10000xf32, #tpu.memory_space<vmem_shared>> -> memref<10000xf32, #tpu.memory_space<vmem_shared>>
      tpu.enqueue_indirect_dma source(%arg7 : memref<125xf32, #tpu.memory_space<vmem>>) target(%dma_start3A_315 : memref<10000xf32, #tpu.memory_space<vmem_shared>>) offsets(%dma_start3A_313 : memref<125xi32, #tpu.memory_space<vmem>>) semaphore(%arg10 : memref<!tpu.dma_semaphore, #tpu.memory_space<semaphore_mem>>) {add = true}
      %add3A_316 = arith.constant 1 : i32
      %add3A_317 = arith.addi %add3A_216, %add3A_316 : i32
      %mul3A_318 = arith.constant 16 : i32
      %mul3A_319 = arith.muli %add3A_317, %mul3A_318 : i32
      %add3A_320 = arith.constant 9 : i32
      %add3A_321 = arith.addi %mul3A_319, %add3A_320 : i32
      %dma_start3A_322 = arith.constant 0 : i32
      %dma_start3A_323 = tpu.memref_slice %arg6[%add3A_321, %dma_start3A_322] : memref<80x125xi32, #tpu.memory_space<vmem>> -> memref<1x125xi32, #tpu.memory_space<vmem>>
      %dma_start3A_324 = tpu.memref_squeeze %dma_start3A_323 : memref<1x125xi32, #tpu.memory_space<vmem>> -> memref<125xi32, #tpu.memory_space<vmem>>
      %dma_start3A_325 = arith.constant 0 : i32
      %dma_start3A_326 = tpu.memref_slice %arg9[%dma_start3A_325] : memref<10000xf32, #tpu.memory_space<vmem_shared>> -> memref<10000xf32, #tpu.memory_space<vmem_shared>>
      tpu.enqueue_indirect_dma source(%arg7 : memref<125xf32, #tpu.memory_space<vmem>>) target(%dma_start3A_326 : memref<10000xf32, #tpu.memory_space<vmem_shared>>) offsets(%dma_start3A_324 : memref<125xi32, #tpu.memory_space<vmem>>) semaphore(%arg10 : memref<!tpu.dma_semaphore, #tpu.memory_space<semaphore_mem>>) {add = true}
      %add3A_327 = arith.constant 1 : i32
      %add3A_328 = arith.addi %add3A_216, %add3A_327 : i32
      %mul3A_329 = arith.constant 16 : i32
      %mul3A_330 = arith.muli %add3A_328, %mul3A_329 : i32
      %add3A_331 = arith.constant 10 : i32
      %add3A_332 = arith.addi %mul3A_330, %add3A_331 : i32
      %dma_start3A_333 = arith.constant 0 : i32
      %dma_start3A_334 = tpu.memref_slice %arg6[%add3A_332, %dma_start3A_333] : memref<80x125xi32, #tpu.memory_space<vmem>> -> memref<1x125xi32, #tpu.memory_space<vmem>>
      %dma_start3A_335 = tpu.memref_squeeze %dma_start3A_334 : memref<1x125xi32, #tpu.memory_space<vmem>> -> memref<125xi32, #tpu.memory_space<vmem>>
      %dma_start3A_336 = arith.constant 0 : i32
      %dma_start3A_337 = tpu.memref_slice %arg9[%dma_start3A_336] : memref<10000xf32, #tpu.memory_space<vmem_shared>> -> memref<10000xf32, #tpu.memory_space<vmem_shared>>
      tpu.enqueue_indirect_dma source(%arg7 : memref<125xf32, #tpu.memory_space<vmem>>) target(%dma_start3A_337 : memref<10000xf32, #tpu.memory_space<vmem_shared>>) offsets(%dma_start3A_335 : memref<125xi32, #tpu.memory_space<vmem>>) semaphore(%arg10 : memref<!tpu.dma_semaphore, #tpu.memory_space<semaphore_mem>>) {add = true}
      %add3A_338 = arith.constant 1 : i32
      %add3A_339 = arith.addi %add3A_216, %add3A_338 : i32
      %mul3A_340 = arith.constant 16 : i32
      %mul3A_341 = arith.muli %add3A_339, %mul3A_340 : i32
      %add3A_342 = arith.constant 11 : i32
      %add3A_343 = arith.addi %mul3A_341, %add3A_342 : i32
      %dma_start3A_344 = arith.constant 0 : i32
      %dma_start3A_345 = tpu.memref_slice %arg6[%add3A_343, %dma_start3A_344] : memref<80x125xi32, #tpu.memory_space<vmem>> -> memref<1x125xi32, #tpu.memory_space<vmem>>
      %dma_start3A_346 = tpu.memref_squeeze %dma_start3A_345 : memref<1x125xi32, #tpu.memory_space<vmem>> -> memref<125xi32, #tpu.memory_space<vmem>>
      %dma_start3A_347 = arith.constant 0 : i32
      %dma_start3A_348 = tpu.memref_slice %arg9[%dma_start3A_347] : memref<10000xf32, #tpu.memory_space<vmem_shared>> -> memref<10000xf32, #tpu.memory_space<vmem_shared>>
      tpu.enqueue_indirect_dma source(%arg7 : memref<125xf32, #tpu.memory_space<vmem>>) target(%dma_start3A_348 : memref<10000xf32, #tpu.memory_space<vmem_shared>>) offsets(%dma_start3A_346 : memref<125xi32, #tpu.memory_space<vmem>>) semaphore(%arg10 : memref<!tpu.dma_semaphore, #tpu.memory_space<semaphore_mem>>) {add = true}
      %add3A_349 = arith.constant 1 : i32
      %add3A_350 = arith.addi %add3A_216, %add3A_349 : i32
      %mul3A_351 = arith.constant 16 : i32
      %mul3A_352 = arith.muli %add3A_350, %mul3A_351 : i32
      %add3A_353 = arith.constant 12 : i32
      %add3A_354 = arith.addi %mul3A_352, %add3A_353 : i32
      %dma_start3A_355 = arith.constant 0 : i32
      %dma_start3A_356 = tpu.memref_slice %arg6[%add3A_354, %dma_start3A_355] : memref<80x125xi32, #tpu.memory_space<vmem>> -> memref<1x125xi32, #tpu.memory_space<vmem>>
      %dma_start3A_357 = tpu.memref_squeeze %dma_start3A_356 : memref<1x125xi32, #tpu.memory_space<vmem>> -> memref<125xi32, #tpu.memory_space<vmem>>
      %dma_start3A_358 = arith.constant 0 : i32
      %dma_start3A_359 = tpu.memref_slice %arg9[%dma_start3A_358] : memref<10000xf32, #tpu.memory_space<vmem_shared>> -> memref<10000xf32, #tpu.memory_space<vmem_shared>>
      tpu.enqueue_indirect_dma source(%arg7 : memref<125xf32, #tpu.memory_space<vmem>>) target(%dma_start3A_359 : memref<10000xf32, #tpu.memory_space<vmem_shared>>) offsets(%dma_start3A_357 : memref<125xi32, #tpu.memory_space<vmem>>) semaphore(%arg10 : memref<!tpu.dma_semaphore, #tpu.memory_space<semaphore_mem>>) {add = true}
      %add3A_360 = arith.constant 1 : i32
      %add3A_361 = arith.addi %add3A_216, %add3A_360 : i32
      %mul3A_362 = arith.constant 16 : i32
      %mul3A_363 = arith.muli %add3A_361, %mul3A_362 : i32
      %add3A_364 = arith.constant 13 : i32
      %add3A_365 = arith.addi %mul3A_363, %add3A_364 : i32
      %dma_start3A_366 = arith.constant 0 : i32
      %dma_start3A_367 = tpu.memref_slice %arg6[%add3A_365, %dma_start3A_366] : memref<80x125xi32, #tpu.memory_space<vmem>> -> memref<1x125xi32, #tpu.memory_space<vmem>>
      %dma_start3A_368 = tpu.memref_squeeze %dma_start3A_367 : memref<1x125xi32, #tpu.memory_space<vmem>> -> memref<125xi32, #tpu.memory_space<vmem>>
      %dma_start3A_369 = arith.constant 0 : i32
      %dma_start3A_370 = tpu.memref_slice %arg9[%dma_start3A_369] : memref<10000xf32, #tpu.memory_space<vmem_shared>> -> memref<10000xf32, #tpu.memory_space<vmem_shared>>
      tpu.enqueue_indirect_dma source(%arg7 : memref<125xf32, #tpu.memory_space<vmem>>) target(%dma_start3A_370 : memref<10000xf32, #tpu.memory_space<vmem_shared>>) offsets(%dma_start3A_368 : memref<125xi32, #tpu.memory_space<vmem>>) semaphore(%arg10 : memref<!tpu.dma_semaphore, #tpu.memory_space<semaphore_mem>>) {add = true}
      %add3A_371 = arith.constant 1 : i32
      %add3A_372 = arith.addi %add3A_216, %add3A_371 : i32
      %mul3A_373 = arith.constant 16 : i32
      %mul3A_374 = arith.muli %add3A_372, %mul3A_373 : i32
      %add3A_375 = arith.constant 14 : i32
      %add3A_376 = arith.addi %mul3A_374, %add3A_375 : i32
      %dma_start3A_377 = arith.constant 0 : i32
      %dma_start3A_378 = tpu.memref_slice %arg6[%add3A_376, %dma_start3A_377] : memref<80x125xi32, #tpu.memory_space<vmem>> -> memref<1x125xi32, #tpu.memory_space<vmem>>
      %dma_start3A_379 = tpu.memref_squeeze %dma_start3A_378 : memref<1x125xi32, #tpu.memory_space<vmem>> -> memref<125xi32, #tpu.memory_space<vmem>>
      %dma_start3A_380 = arith.constant 0 : i32
      %dma_start3A_381 = tpu.memref_slice %arg9[%dma_start3A_380] : memref<10000xf32, #tpu.memory_space<vmem_shared>> -> memref<10000xf32, #tpu.memory_space<vmem_shared>>
      tpu.enqueue_indirect_dma source(%arg7 : memref<125xf32, #tpu.memory_space<vmem>>) target(%dma_start3A_381 : memref<10000xf32, #tpu.memory_space<vmem_shared>>) offsets(%dma_start3A_379 : memref<125xi32, #tpu.memory_space<vmem>>) semaphore(%arg10 : memref<!tpu.dma_semaphore, #tpu.memory_space<semaphore_mem>>) {add = true}
      %add3A_382 = arith.constant 1 : i32
      %add3A_383 = arith.addi %add3A_216, %add3A_382 : i32
      %mul3A_384 = arith.constant 16 : i32
      %mul3A_385 = arith.muli %add3A_383, %mul3A_384 : i32
      %add3A_386 = arith.constant 15 : i32
      %add3A_387 = arith.addi %mul3A_385, %add3A_386 : i32
      %dma_start3A_388 = arith.constant 0 : i32
      %dma_start3A_389 = tpu.memref_slice %arg6[%add3A_387, %dma_start3A_388] : memref<80x125xi32, #tpu.memory_space<vmem>> -> memref<1x125xi32, #tpu.memory_space<vmem>>
      %dma_start3A_390 = tpu.memref_squeeze %dma_start3A_389 : memref<1x125xi32, #tpu.memory_space<vmem>> -> memref<125xi32, #tpu.memory_space<vmem>>
      %dma_start3A_391 = arith.constant 0 : i32
      %dma_start3A_392 = tpu.memref_slice %arg9[%dma_start3A_391] : memref<10000xf32, #tpu.memory_space<vmem_shared>> -> memref<10000xf32, #tpu.memory_space<vmem_shared>>
      tpu.enqueue_indirect_dma source(%arg7 : memref<125xf32, #tpu.memory_space<vmem>>) target(%dma_start3A_392 : memref<10000xf32, #tpu.memory_space<vmem_shared>>) offsets(%dma_start3A_390 : memref<125xi32, #tpu.memory_space<vmem>>) semaphore(%arg10 : memref<!tpu.dma_semaphore, #tpu.memory_space<semaphore_mem>>) {add = true}
      %mul3A_393 = arith.constant 16 : i32
      %mul3A_394 = arith.muli %add3A_216, %mul3A_393 : i32
      %add3A_395 = arith.constant 0 : i32
      %add3A_396 = arith.addi %mul3A_394, %add3A_395 : i32
      %dma_wait3A_397 = arith.constant 0 : i32
      %dma_wait3A_398 = tpu.memref_slice %arg6[%add3A_396, %dma_wait3A_397] : memref<80x125xi32, #tpu.memory_space<vmem>> -> memref<1x125xi32, #tpu.memory_space<vmem>>
      %dma_wait3A_399 = tpu.memref_squeeze %dma_wait3A_398 : memref<1x125xi32, #tpu.memory_space<vmem>> -> memref<125xi32, #tpu.memory_space<vmem>>
      %dma_wait3A_400 = arith.constant 0 : i32
      %dma_wait3A_401 = tpu.memref_slice %arg9[%dma_wait3A_400] : memref<10000xf32, #tpu.memory_space<vmem_shared>> -> memref<10000xf32, #tpu.memory_space<vmem_shared>>
      tpu.wait_indirect_dma semaphore(%arg10 : memref<!tpu.dma_semaphore, #tpu.memory_space<semaphore_mem>>) src(%arg7 : memref<125xf32, #tpu.memory_space<vmem>>) dst(%dma_wait3A_401 : memref<10000xf32, #tpu.memory_space<vmem_shared>>)
      %mul3A_402 = arith.constant 16 : i32
      %mul3A_403 = arith.muli %add3A_216, %mul3A_402 : i32
      %add3A_404 = arith.constant 1 : i32
      %add3A_405 = arith.addi %mul3A_403, %add3A_404 : i32
      %dma_wait3A_406 = arith.constant 0 : i32
      %dma_wait3A_407 = tpu.memref_slice %arg6[%add3A_405, %dma_wait3A_406] : memref<80x125xi32, #tpu.memory_space<vmem>> -> memref<1x125xi32, #tpu.memory_space<vmem>>
      %dma_wait3A_408 = tpu.memref_squeeze %dma_wait3A_407 : memref<1x125xi32, #tpu.memory_space<vmem>> -> memref<125xi32, #tpu.memory_space<vmem>>
      %dma_wait3A_409 = arith.constant 0 : i32
      %dma_wait3A_410 = tpu.memref_slice %arg9[%dma_wait3A_409] : memref<10000xf32, #tpu.memory_space<vmem_shared>> -> memref<10000xf32, #tpu.memory_space<vmem_shared>>
      tpu.wait_indirect_dma semaphore(%arg10 : memref<!tpu.dma_semaphore, #tpu.memory_space<semaphore_mem>>) src(%arg7 : memref<125xf32, #tpu.memory_space<vmem>>) dst(%dma_wait3A_410 : memref<10000xf32, #tpu.memory_space<vmem_shared>>)
      %mul3A_411 = arith.constant 16 : i32
      %mul3A_412 = arith.muli %add3A_216, %mul3A_411 : i32
      %add3A_413 = arith.constant 2 : i32
      %add3A_414 = arith.addi %mul3A_412, %add3A_413 : i32
      %dma_wait3A_415 = arith.constant 0 : i32
      %dma_wait3A_416 = tpu.memref_slice %arg6[%add3A_414, %dma_wait3A_415] : memref<80x125xi32, #tpu.memory_space<vmem>> -> memref<1x125xi32, #tpu.memory_space<vmem>>
      %dma_wait3A_417 = tpu.memref_squeeze %dma_wait3A_416 : memref<1x125xi32, #tpu.memory_space<vmem>> -> memref<125xi32, #tpu.memory_space<vmem>>
      %dma_wait3A_418 = arith.constant 0 : i32
      %dma_wait3A_419 = tpu.memref_slice %arg9[%dma_wait3A_418] : memref<10000xf32, #tpu.memory_space<vmem_shared>> -> memref<10000xf32, #tpu.memory_space<vmem_shared>>
      tpu.wait_indirect_dma semaphore(%arg10 : memref<!tpu.dma_semaphore, #tpu.memory_space<semaphore_mem>>) src(%arg7 : memref<125xf32, #tpu.memory_space<vmem>>) dst(%dma_wait3A_419 : memref<10000xf32, #tpu.memory_space<vmem_shared>>)
      %mul3A_420 = arith.constant 16 : i32
      %mul3A_421 = arith.muli %add3A_216, %mul3A_420 : i32
      %add3A_422 = arith.constant 3 : i32
      %add3A_423 = arith.addi %mul3A_421, %add3A_422 : i32
      %dma_wait3A_424 = arith.constant 0 : i32
      %dma_wait3A_425 = tpu.memref_slice %arg6[%add3A_423, %dma_wait3A_424] : memref<80x125xi32, #tpu.memory_space<vmem>> -> memref<1x125xi32, #tpu.memory_space<vmem>>
      %dma_wait3A_426 = tpu.memref_squeeze %dma_wait3A_425 : memref<1x125xi32, #tpu.memory_space<vmem>> -> memref<125xi32, #tpu.memory_space<vmem>>
      %dma_wait3A_427 = arith.constant 0 : i32
      %dma_wait3A_428 = tpu.memref_slice %arg9[%dma_wait3A_427] : memref<10000xf32, #tpu.memory_space<vmem_shared>> -> memref<10000xf32, #tpu.memory_space<vmem_shared>>
      tpu.wait_indirect_dma semaphore(%arg10 : memref<!tpu.dma_semaphore, #tpu.memory_space<semaphore_mem>>) src(%arg7 : memref<125xf32, #tpu.memory_space<vmem>>) dst(%dma_wait3A_428 : memref<10000xf32, #tpu.memory_space<vmem_shared>>)
      %mul3A_429 = arith.constant 16 : i32
      %mul3A_430 = arith.muli %add3A_216, %mul3A_429 : i32
      %add3A_431 = arith.constant 4 : i32
      %add3A_432 = arith.addi %mul3A_430, %add3A_431 : i32
      %dma_wait3A_433 = arith.constant 0 : i32
      %dma_wait3A_434 = tpu.memref_slice %arg6[%add3A_432, %dma_wait3A_433] : memref<80x125xi32, #tpu.memory_space<vmem>> -> memref<1x125xi32, #tpu.memory_space<vmem>>
      %dma_wait3A_435 = tpu.memref_squeeze %dma_wait3A_434 : memref<1x125xi32, #tpu.memory_space<vmem>> -> memref<125xi32, #tpu.memory_space<vmem>>
      %dma_wait3A_436 = arith.constant 0 : i32
      %dma_wait3A_437 = tpu.memref_slice %arg9[%dma_wait3A_436] : memref<10000xf32, #tpu.memory_space<vmem_shared>> -> memref<10000xf32, #tpu.memory_space<vmem_shared>>
      tpu.wait_indirect_dma semaphore(%arg10 : memref<!tpu.dma_semaphore, #tpu.memory_space<semaphore_mem>>) src(%arg7 : memref<125xf32, #tpu.memory_space<vmem>>) dst(%dma_wait3A_437 : memref<10000xf32, #tpu.memory_space<vmem_shared>>)
      %mul3A_438 = arith.constant 16 : i32
      %mul3A_439 = arith.muli %add3A_216, %mul3A_438 : i32
      %add3A_440 = arith.constant 5 : i32
      %add3A_441 = arith.addi %mul3A_439, %add3A_440 : i32
      %dma_wait3A_442 = arith.constant 0 : i32
      %dma_wait3A_443 = tpu.memref_slice %arg6[%add3A_441, %dma_wait3A_442] : memref<80x125xi32, #tpu.memory_space<vmem>> -> memref<1x125xi32, #tpu.memory_space<vmem>>
      %dma_wait3A_444 = tpu.memref_squeeze %dma_wait3A_443 : memref<1x125xi32, #tpu.memory_space<vmem>> -> memref<125xi32, #tpu.memory_space<vmem>>
      %dma_wait3A_445 = arith.constant 0 : i32
      %dma_wait3A_446 = tpu.memref_slice %arg9[%dma_wait3A_445] : memref<10000xf32, #tpu.memory_space<vmem_shared>> -> memref<10000xf32, #tpu.memory_space<vmem_shared>>
      tpu.wait_indirect_dma semaphore(%arg10 : memref<!tpu.dma_semaphore, #tpu.memory_space<semaphore_mem>>) src(%arg7 : memref<125xf32, #tpu.memory_space<vmem>>) dst(%dma_wait3A_446 : memref<10000xf32, #tpu.memory_space<vmem_shared>>)
      %mul3A_447 = arith.constant 16 : i32
      %mul3A_448 = arith.muli %add3A_216, %mul3A_447 : i32
      %add3A_449 = arith.constant 6 : i32
      %add3A_450 = arith.addi %mul3A_448, %add3A_449 : i32
      %dma_wait3A_451 = arith.constant 0 : i32
      %dma_wait3A_452 = tpu.memref_slice %arg6[%add3A_450, %dma_wait3A_451] : memref<80x125xi32, #tpu.memory_space<vmem>> -> memref<1x125xi32, #tpu.memory_space<vmem>>
      %dma_wait3A_453 = tpu.memref_squeeze %dma_wait3A_452 : memref<1x125xi32, #tpu.memory_space<vmem>> -> memref<125xi32, #tpu.memory_space<vmem>>
      %dma_wait3A_454 = arith.constant 0 : i32
      %dma_wait3A_455 = tpu.memref_slice %arg9[%dma_wait3A_454] : memref<10000xf32, #tpu.memory_space<vmem_shared>> -> memref<10000xf32, #tpu.memory_space<vmem_shared>>
      tpu.wait_indirect_dma semaphore(%arg10 : memref<!tpu.dma_semaphore, #tpu.memory_space<semaphore_mem>>) src(%arg7 : memref<125xf32, #tpu.memory_space<vmem>>) dst(%dma_wait3A_455 : memref<10000xf32, #tpu.memory_space<vmem_shared>>)
      %mul3A_456 = arith.constant 16 : i32
      %mul3A_457 = arith.muli %add3A_216, %mul3A_456 : i32
      %add3A_458 = arith.constant 7 : i32
      %add3A_459 = arith.addi %mul3A_457, %add3A_458 : i32
      %dma_wait3A_460 = arith.constant 0 : i32
      %dma_wait3A_461 = tpu.memref_slice %arg6[%add3A_459, %dma_wait3A_460] : memref<80x125xi32, #tpu.memory_space<vmem>> -> memref<1x125xi32, #tpu.memory_space<vmem>>
      %dma_wait3A_462 = tpu.memref_squeeze %dma_wait3A_461 : memref<1x125xi32, #tpu.memory_space<vmem>> -> memref<125xi32, #tpu.memory_space<vmem>>
      %dma_wait3A_463 = arith.constant 0 : i32
      %dma_wait3A_464 = tpu.memref_slice %arg9[%dma_wait3A_463] : memref<10000xf32, #tpu.memory_space<vmem_shared>> -> memref<10000xf32, #tpu.memory_space<vmem_shared>>
      tpu.wait_indirect_dma semaphore(%arg10 : memref<!tpu.dma_semaphore, #tpu.memory_space<semaphore_mem>>) src(%arg7 : memref<125xf32, #tpu.memory_space<vmem>>) dst(%dma_wait3A_464 : memref<10000xf32, #tpu.memory_space<vmem_shared>>)
      %mul3A_465 = arith.constant 16 : i32
      %mul3A_466 = arith.muli %add3A_216, %mul3A_465 : i32
      %add3A_467 = arith.constant 8 : i32
      %add3A_468 = arith.addi %mul3A_466, %add3A_467 : i32
      %dma_wait3A_469 = arith.constant 0 : i32
      %dma_wait3A_470 = tpu.memref_slice %arg6[%add3A_468, %dma_wait3A_469] : memref<80x125xi32, #tpu.memory_space<vmem>> -> memref<1x125xi32, #tpu.memory_space<vmem>>
      %dma_wait3A_471 = tpu.memref_squeeze %dma_wait3A_470 : memref<1x125xi32, #tpu.memory_space<vmem>> -> memref<125xi32, #tpu.memory_space<vmem>>
      %dma_wait3A_472 = arith.constant 0 : i32
      %dma_wait3A_473 = tpu.memref_slice %arg9[%dma_wait3A_472] : memref<10000xf32, #tpu.memory_space<vmem_shared>> -> memref<10000xf32, #tpu.memory_space<vmem_shared>>
      tpu.wait_indirect_dma semaphore(%arg10 : memref<!tpu.dma_semaphore, #tpu.memory_space<semaphore_mem>>) src(%arg7 : memref<125xf32, #tpu.memory_space<vmem>>) dst(%dma_wait3A_473 : memref<10000xf32, #tpu.memory_space<vmem_shared>>)
      %mul3A_474 = arith.constant 16 : i32
      %mul3A_475 = arith.muli %add3A_216, %mul3A_474 : i32
      %add3A_476 = arith.constant 9 : i32
      %add3A_477 = arith.addi %mul3A_475, %add3A_476 : i32
      %dma_wait3A_478 = arith.constant 0 : i32
      %dma_wait3A_479 = tpu.memref_slice %arg6[%add3A_477, %dma_wait3A_478] : memref<80x125xi32, #tpu.memory_space<vmem>> -> memref<1x125xi32, #tpu.memory_space<vmem>>
      %dma_wait3A_480 = tpu.memref_squeeze %dma_wait3A_479 : memref<1x125xi32, #tpu.memory_space<vmem>> -> memref<125xi32, #tpu.memory_space<vmem>>
      %dma_wait3A_481 = arith.constant 0 : i32
      %dma_wait3A_482 = tpu.memref_slice %arg9[%dma_wait3A_481] : memref<10000xf32, #tpu.memory_space<vmem_shared>> -> memref<10000xf32, #tpu.memory_space<vmem_shared>>
      tpu.wait_indirect_dma semaphore(%arg10 : memref<!tpu.dma_semaphore, #tpu.memory_space<semaphore_mem>>) src(%arg7 : memref<125xf32, #tpu.memory_space<vmem>>) dst(%dma_wait3A_482 : memref<10000xf32, #tpu.memory_space<vmem_shared>>)
      %mul3A_483 = arith.constant 16 : i32
      %mul3A_484 = arith.muli %add3A_216, %mul3A_483 : i32
      %add3A_485 = arith.constant 10 : i32
      %add3A_486 = arith.addi %mul3A_484, %add3A_485 : i32
      %dma_wait3A_487 = arith.constant 0 : i32
      %dma_wait3A_488 = tpu.memref_slice %arg6[%add3A_486, %dma_wait3A_487] : memref<80x125xi32, #tpu.memory_space<vmem>> -> memref<1x125xi32, #tpu.memory_space<vmem>>
      %dma_wait3A_489 = tpu.memref_squeeze %dma_wait3A_488 : memref<1x125xi32, #tpu.memory_space<vmem>> -> memref<125xi32, #tpu.memory_space<vmem>>
      %dma_wait3A_490 = arith.constant 0 : i32
      %dma_wait3A_491 = tpu.memref_slice %arg9[%dma_wait3A_490] : memref<10000xf32, #tpu.memory_space<vmem_shared>> -> memref<10000xf32, #tpu.memory_space<vmem_shared>>
      tpu.wait_indirect_dma semaphore(%arg10 : memref<!tpu.dma_semaphore, #tpu.memory_space<semaphore_mem>>) src(%arg7 : memref<125xf32, #tpu.memory_space<vmem>>) dst(%dma_wait3A_491 : memref<10000xf32, #tpu.memory_space<vmem_shared>>)
      %mul3A_492 = arith.constant 16 : i32
      %mul3A_493 = arith.muli %add3A_216, %mul3A_492 : i32
      %add3A_494 = arith.constant 11 : i32
      %add3A_495 = arith.addi %mul3A_493, %add3A_494 : i32
      %dma_wait3A_496 = arith.constant 0 : i32
      %dma_wait3A_497 = tpu.memref_slice %arg6[%add3A_495, %dma_wait3A_496] : memref<80x125xi32, #tpu.memory_space<vmem>> -> memref<1x125xi32, #tpu.memory_space<vmem>>
      %dma_wait3A_498 = tpu.memref_squeeze %dma_wait3A_497 : memref<1x125xi32, #tpu.memory_space<vmem>> -> memref<125xi32, #tpu.memory_space<vmem>>
      %dma_wait3A_499 = arith.constant 0 : i32
      %dma_wait3A_500 = tpu.memref_slice %arg9[%dma_wait3A_499] : memref<10000xf32, #tpu.memory_space<vmem_shared>> -> memref<10000xf32, #tpu.memory_space<vmem_shared>>
      tpu.wait_indirect_dma semaphore(%arg10 : memref<!tpu.dma_semaphore, #tpu.memory_space<semaphore_mem>>) src(%arg7 : memref<125xf32, #tpu.memory_space<vmem>>) dst(%dma_wait3A_500 : memref<10000xf32, #tpu.memory_space<vmem_shared>>)
      %mul3A_501 = arith.constant 16 : i32
      %mul3A_502 = arith.muli %add3A_216, %mul3A_501 : i32
      %add3A_503 = arith.constant 12 : i32
      %add3A_504 = arith.addi %mul3A_502, %add3A_503 : i32
      %dma_wait3A_505 = arith.constant 0 : i32
      %dma_wait3A_506 = tpu.memref_slice %arg6[%add3A_504, %dma_wait3A_505] : memref<80x125xi32, #tpu.memory_space<vmem>> -> memref<1x125xi32, #tpu.memory_space<vmem>>
      %dma_wait3A_507 = tpu.memref_squeeze %dma_wait3A_506 : memref<1x125xi32, #tpu.memory_space<vmem>> -> memref<125xi32, #tpu.memory_space<vmem>>
      %dma_wait3A_508 = arith.constant 0 : i32
      %dma_wait3A_509 = tpu.memref_slice %arg9[%dma_wait3A_508] : memref<10000xf32, #tpu.memory_space<vmem_shared>> -> memref<10000xf32, #tpu.memory_space<vmem_shared>>
      tpu.wait_indirect_dma semaphore(%arg10 : memref<!tpu.dma_semaphore, #tpu.memory_space<semaphore_mem>>) src(%arg7 : memref<125xf32, #tpu.memory_space<vmem>>) dst(%dma_wait3A_509 : memref<10000xf32, #tpu.memory_space<vmem_shared>>)
      %mul3A_510 = arith.constant 16 : i32
      %mul3A_511 = arith.muli %add3A_216, %mul3A_510 : i32
      %add3A_512 = arith.constant 13 : i32
      %add3A_513 = arith.addi %mul3A_511, %add3A_512 : i32
      %dma_wait3A_514 = arith.constant 0 : i32
      %dma_wait3A_515 = tpu.memref_slice %arg6[%add3A_513, %dma_wait3A_514] : memref<80x125xi32, #tpu.memory_space<vmem>> -> memref<1x125xi32, #tpu.memory_space<vmem>>
      %dma_wait3A_516 = tpu.memref_squeeze %dma_wait3A_515 : memref<1x125xi32, #tpu.memory_space<vmem>> -> memref<125xi32, #tpu.memory_space<vmem>>
      %dma_wait3A_517 = arith.constant 0 : i32
      %dma_wait3A_518 = tpu.memref_slice %arg9[%dma_wait3A_517] : memref<10000xf32, #tpu.memory_space<vmem_shared>> -> memref<10000xf32, #tpu.memory_space<vmem_shared>>
      tpu.wait_indirect_dma semaphore(%arg10 : memref<!tpu.dma_semaphore, #tpu.memory_space<semaphore_mem>>) src(%arg7 : memref<125xf32, #tpu.memory_space<vmem>>) dst(%dma_wait3A_518 : memref<10000xf32, #tpu.memory_space<vmem_shared>>)
      %mul3A_519 = arith.constant 16 : i32
      %mul3A_520 = arith.muli %add3A_216, %mul3A_519 : i32
      %add3A_521 = arith.constant 14 : i32
      %add3A_522 = arith.addi %mul3A_520, %add3A_521 : i32
      %dma_wait3A_523 = arith.constant 0 : i32
      %dma_wait3A_524 = tpu.memref_slice %arg6[%add3A_522, %dma_wait3A_523] : memref<80x125xi32, #tpu.memory_space<vmem>> -> memref<1x125xi32, #tpu.memory_space<vmem>>
      %dma_wait3A_525 = tpu.memref_squeeze %dma_wait3A_524 : memref<1x125xi32, #tpu.memory_space<vmem>> -> memref<125xi32, #tpu.memory_space<vmem>>
      %dma_wait3A_526 = arith.constant 0 : i32
      %dma_wait3A_527 = tpu.memref_slice %arg9[%dma_wait3A_526] : memref<10000xf32, #tpu.memory_space<vmem_shared>> -> memref<10000xf32, #tpu.memory_space<vmem_shared>>
      tpu.wait_indirect_dma semaphore(%arg10 : memref<!tpu.dma_semaphore, #tpu.memory_space<semaphore_mem>>) src(%arg7 : memref<125xf32, #tpu.memory_space<vmem>>) dst(%dma_wait3A_527 : memref<10000xf32, #tpu.memory_space<vmem_shared>>)
      %mul3A_528 = arith.constant 16 : i32
      %mul3A_529 = arith.muli %add3A_216, %mul3A_528 : i32
      %add3A_530 = arith.constant 15 : i32
      %add3A_531 = arith.addi %mul3A_529, %add3A_530 : i32
      %dma_wait3A_532 = arith.constant 0 : i32
      %dma_wait3A_533 = tpu.memref_slice %arg6[%add3A_531, %dma_wait3A_532] : memref<80x125xi32, #tpu.memory_space<vmem>> -> memref<1x125xi32, #tpu.memory_space<vmem>>
      %dma_wait3A_534 = tpu.memref_squeeze %dma_wait3A_533 : memref<1x125xi32, #tpu.memory_space<vmem>> -> memref<125xi32, #tpu.memory_space<vmem>>
      %dma_wait3A_535 = arith.constant 0 : i32
      %dma_wait3A_536 = tpu.memref_slice %arg9[%dma_wait3A_535] : memref<10000xf32, #tpu.memory_space<vmem_shared>> -> memref<10000xf32, #tpu.memory_space<vmem_shared>>
      tpu.wait_indirect_dma semaphore(%arg10 : memref<!tpu.dma_semaphore, #tpu.memory_space<semaphore_mem>>) src(%arg7 : memref<125xf32, #tpu.memory_space<vmem>>) dst(%dma_wait3A_536 : memref<10000xf32, #tpu.memory_space<vmem_shared>>)
    }
    %scan3A_103 = arith.constant 4 : i32
    %dma_wait3A = arith.constant 64 : i32
    %dma_wait3A_104 = arith.constant 0 : i32
    %dma_wait3A_105 = tpu.memref_slice %arg6[%dma_wait3A, %dma_wait3A_104] : memref<80x125xi32, #tpu.memory_space<vmem>> -> memref<1x125xi32, #tpu.memory_space<vmem>>
    %dma_wait3A_106 = tpu.memref_squeeze %dma_wait3A_105 : memref<1x125xi32, #tpu.memory_space<vmem>> -> memref<125xi32, #tpu.memory_space<vmem>>
    %dma_wait3A_107 = arith.constant 0 : i32
    %dma_wait3A_108 = tpu.memref_slice %arg9[%dma_wait3A_107] : memref<10000xf32, #tpu.memory_space<vmem_shared>> -> memref<10000xf32, #tpu.memory_space<vmem_shared>>
    tpu.wait_indirect_dma semaphore(%arg10 : memref<!tpu.dma_semaphore, #tpu.memory_space<semaphore_mem>>) src(%arg7 : memref<125xf32, #tpu.memory_space<vmem>>) dst(%dma_wait3A_108 : memref<10000xf32, #tpu.memory_space<vmem_shared>>)
    %dma_wait3A_109 = arith.constant 65 : i32
    %dma_wait3A_110 = arith.constant 0 : i32
    %dma_wait3A_111 = tpu.memref_slice %arg6[%dma_wait3A_109, %dma_wait3A_110] : memref<80x125xi32, #tpu.memory_space<vmem>> -> memref<1x125xi32, #tpu.memory_space<vmem>>
    %dma_wait3A_112 = tpu.memref_squeeze %dma_wait3A_111 : memref<1x125xi32, #tpu.memory_space<vmem>> -> memref<125xi32, #tpu.memory_space<vmem>>
    %dma_wait3A_113 = arith.constant 0 : i32
    %dma_wait3A_114 = tpu.memref_slice %arg9[%dma_wait3A_113] : memref<10000xf32, #tpu.memory_space<vmem_shared>> -> memref<10000xf32, #tpu.memory_space<vmem_shared>>
    tpu.wait_indirect_dma semaphore(%arg10 : memref<!tpu.dma_semaphore, #tpu.memory_space<semaphore_mem>>) src(%arg7 : memref<125xf32, #tpu.memory_space<vmem>>) dst(%dma_wait3A_114 : memref<10000xf32, #tpu.memory_space<vmem_shared>>)
    %dma_wait3A_115 = arith.constant 66 : i32
    %dma_wait3A_116 = arith.constant 0 : i32
    %dma_wait3A_117 = tpu.memref_slice %arg6[%dma_wait3A_115, %dma_wait3A_116] : memref<80x125xi32, #tpu.memory_space<vmem>> -> memref<1x125xi32, #tpu.memory_space<vmem>>
    %dma_wait3A_118 = tpu.memref_squeeze %dma_wait3A_117 : memref<1x125xi32, #tpu.memory_space<vmem>> -> memref<125xi32, #tpu.memory_space<vmem>>
    %dma_wait3A_119 = arith.constant 0 : i32
    %dma_wait3A_120 = tpu.memref_slice %arg9[%dma_wait3A_119] : memref<10000xf32, #tpu.memory_space<vmem_shared>> -> memref<10000xf32, #tpu.memory_space<vmem_shared>>
    tpu.wait_indirect_dma semaphore(%arg10 : memref<!tpu.dma_semaphore, #tpu.memory_space<semaphore_mem>>) src(%arg7 : memref<125xf32, #tpu.memory_space<vmem>>) dst(%dma_wait3A_120 : memref<10000xf32, #tpu.memory_space<vmem_shared>>)
    %dma_wait3A_121 = arith.constant 67 : i32
    %dma_wait3A_122 = arith.constant 0 : i32
    %dma_wait3A_123 = tpu.memref_slice %arg6[%dma_wait3A_121, %dma_wait3A_122] : memref<80x125xi32, #tpu.memory_space<vmem>> -> memref<1x125xi32, #tpu.memory_space<vmem>>
    %dma_wait3A_124 = tpu.memref_squeeze %dma_wait3A_123 : memref<1x125xi32, #tpu.memory_space<vmem>> -> memref<125xi32, #tpu.memory_space<vmem>>
    %dma_wait3A_125 = arith.constant 0 : i32
    %dma_wait3A_126 = tpu.memref_slice %arg9[%dma_wait3A_125] : memref<10000xf32, #tpu.memory_space<vmem_shared>> -> memref<10000xf32, #tpu.memory_space<vmem_shared>>
    tpu.wait_indirect_dma semaphore(%arg10 : memref<!tpu.dma_semaphore, #tpu.memory_space<semaphore_mem>>) src(%arg7 : memref<125xf32, #tpu.memory_space<vmem>>) dst(%dma_wait3A_126 : memref<10000xf32, #tpu.memory_space<vmem_shared>>)
    %dma_wait3A_127 = arith.constant 68 : i32
    %dma_wait3A_128 = arith.constant 0 : i32
    %dma_wait3A_129 = tpu.memref_slice %arg6[%dma_wait3A_127, %dma_wait3A_128] : memref<80x125xi32, #tpu.memory_space<vmem>> -> memref<1x125xi32, #tpu.memory_space<vmem>>
    %dma_wait3A_130 = tpu.memref_squeeze %dma_wait3A_129 : memref<1x125xi32, #tpu.memory_space<vmem>> -> memref<125xi32, #tpu.memory_space<vmem>>
    %dma_wait3A_131 = arith.constant 0 : i32
    %dma_wait3A_132 = tpu.memref_slice %arg9[%dma_wait3A_131] : memref<10000xf32, #tpu.memory_space<vmem_shared>> -> memref<10000xf32, #tpu.memory_space<vmem_shared>>
    tpu.wait_indirect_dma semaphore(%arg10 : memref<!tpu.dma_semaphore, #tpu.memory_space<semaphore_mem>>) src(%arg7 : memref<125xf32, #tpu.memory_space<vmem>>) dst(%dma_wait3A_132 : memref<10000xf32, #tpu.memory_space<vmem_shared>>)
    %dma_wait3A_133 = arith.constant 69 : i32
    %dma_wait3A_134 = arith.constant 0 : i32
    %dma_wait3A_135 = tpu.memref_slice %arg6[%dma_wait3A_133, %dma_wait3A_134] : memref<80x125xi32, #tpu.memory_space<vmem>> -> memref<1x125xi32, #tpu.memory_space<vmem>>
    %dma_wait3A_136 = tpu.memref_squeeze %dma_wait3A_135 : memref<1x125xi32, #tpu.memory_space<vmem>> -> memref<125xi32, #tpu.memory_space<vmem>>
    %dma_wait3A_137 = arith.constant 0 : i32
    %dma_wait3A_138 = tpu.memref_slice %arg9[%dma_wait3A_137] : memref<10000xf32, #tpu.memory_space<vmem_shared>> -> memref<10000xf32, #tpu.memory_space<vmem_shared>>
    tpu.wait_indirect_dma semaphore(%arg10 : memref<!tpu.dma_semaphore, #tpu.memory_space<semaphore_mem>>) src(%arg7 : memref<125xf32, #tpu.memory_space<vmem>>) dst(%dma_wait3A_138 : memref<10000xf32, #tpu.memory_space<vmem_shared>>)
    %dma_wait3A_139 = arith.constant 70 : i32
    %dma_wait3A_140 = arith.constant 0 : i32
    %dma_wait3A_141 = tpu.memref_slice %arg6[%dma_wait3A_139, %dma_wait3A_140] : memref<80x125xi32, #tpu.memory_space<vmem>> -> memref<1x125xi32, #tpu.memory_space<vmem>>
    %dma_wait3A_142 = tpu.memref_squeeze %dma_wait3A_141 : memref<1x125xi32, #tpu.memory_space<vmem>> -> memref<125xi32, #tpu.memory_space<vmem>>
    %dma_wait3A_143 = arith.constant 0 : i32
    %dma_wait3A_144 = tpu.memref_slice %arg9[%dma_wait3A_143] : memref<10000xf32, #tpu.memory_space<vmem_shared>> -> memref<10000xf32, #tpu.memory_space<vmem_shared>>
    tpu.wait_indirect_dma semaphore(%arg10 : memref<!tpu.dma_semaphore, #tpu.memory_space<semaphore_mem>>) src(%arg7 : memref<125xf32, #tpu.memory_space<vmem>>) dst(%dma_wait3A_144 : memref<10000xf32, #tpu.memory_space<vmem_shared>>)
    %dma_wait3A_145 = arith.constant 71 : i32
    %dma_wait3A_146 = arith.constant 0 : i32
    %dma_wait3A_147 = tpu.memref_slice %arg6[%dma_wait3A_145, %dma_wait3A_146] : memref<80x125xi32, #tpu.memory_space<vmem>> -> memref<1x125xi32, #tpu.memory_space<vmem>>
    %dma_wait3A_148 = tpu.memref_squeeze %dma_wait3A_147 : memref<1x125xi32, #tpu.memory_space<vmem>> -> memref<125xi32, #tpu.memory_space<vmem>>
    %dma_wait3A_149 = arith.constant 0 : i32
    %dma_wait3A_150 = tpu.memref_slice %arg9[%dma_wait3A_149] : memref<10000xf32, #tpu.memory_space<vmem_shared>> -> memref<10000xf32, #tpu.memory_space<vmem_shared>>
    tpu.wait_indirect_dma semaphore(%arg10 : memref<!tpu.dma_semaphore, #tpu.memory_space<semaphore_mem>>) src(%arg7 : memref<125xf32, #tpu.memory_space<vmem>>) dst(%dma_wait3A_150 : memref<10000xf32, #tpu.memory_space<vmem_shared>>)
    %dma_wait3A_151 = arith.constant 72 : i32
    %dma_wait3A_152 = arith.constant 0 : i32
    %dma_wait3A_153 = tpu.memref_slice %arg6[%dma_wait3A_151, %dma_wait3A_152] : memref<80x125xi32, #tpu.memory_space<vmem>> -> memref<1x125xi32, #tpu.memory_space<vmem>>
    %dma_wait3A_154 = tpu.memref_squeeze %dma_wait3A_153 : memref<1x125xi32, #tpu.memory_space<vmem>> -> memref<125xi32, #tpu.memory_space<vmem>>
    %dma_wait3A_155 = arith.constant 0 : i32
    %dma_wait3A_156 = tpu.memref_slice %arg9[%dma_wait3A_155] : memref<10000xf32, #tpu.memory_space<vmem_shared>> -> memref<10000xf32, #tpu.memory_space<vmem_shared>>
    tpu.wait_indirect_dma semaphore(%arg10 : memref<!tpu.dma_semaphore, #tpu.memory_space<semaphore_mem>>) src(%arg7 : memref<125xf32, #tpu.memory_space<vmem>>) dst(%dma_wait3A_156 : memref<10000xf32, #tpu.memory_space<vmem_shared>>)
    %dma_wait3A_157 = arith.constant 73 : i32
    %dma_wait3A_158 = arith.constant 0 : i32
    %dma_wait3A_159 = tpu.memref_slice %arg6[%dma_wait3A_157, %dma_wait3A_158] : memref<80x125xi32, #tpu.memory_space<vmem>> -> memref<1x125xi32, #tpu.memory_space<vmem>>
    %dma_wait3A_160 = tpu.memref_squeeze %dma_wait3A_159 : memref<1x125xi32, #tpu.memory_space<vmem>> -> memref<125xi32, #tpu.memory_space<vmem>>
    %dma_wait3A_161 = arith.constant 0 : i32
    %dma_wait3A_162 = tpu.memref_slice %arg9[%dma_wait3A_161] : memref<10000xf32, #tpu.memory_space<vmem_shared>> -> memref<10000xf32, #tpu.memory_space<vmem_shared>>
    tpu.wait_indirect_dma semaphore(%arg10 : memref<!tpu.dma_semaphore, #tpu.memory_space<semaphore_mem>>) src(%arg7 : memref<125xf32, #tpu.memory_space<vmem>>) dst(%dma_wait3A_162 : memref<10000xf32, #tpu.memory_space<vmem_shared>>)
    %dma_wait3A_163 = arith.constant 74 : i32
    %dma_wait3A_164 = arith.constant 0 : i32
    %dma_wait3A_165 = tpu.memref_slice %arg6[%dma_wait3A_163, %dma_wait3A_164] : memref<80x125xi32, #tpu.memory_space<vmem>> -> memref<1x125xi32, #tpu.memory_space<vmem>>
    %dma_wait3A_166 = tpu.memref_squeeze %dma_wait3A_165 : memref<1x125xi32, #tpu.memory_space<vmem>> -> memref<125xi32, #tpu.memory_space<vmem>>
    %dma_wait3A_167 = arith.constant 0 : i32
    %dma_wait3A_168 = tpu.memref_slice %arg9[%dma_wait3A_167] : memref<10000xf32, #tpu.memory_space<vmem_shared>> -> memref<10000xf32, #tpu.memory_space<vmem_shared>>
    tpu.wait_indirect_dma semaphore(%arg10 : memref<!tpu.dma_semaphore, #tpu.memory_space<semaphore_mem>>) src(%arg7 : memref<125xf32, #tpu.memory_space<vmem>>) dst(%dma_wait3A_168 : memref<10000xf32, #tpu.memory_space<vmem_shared>>)
    %dma_wait3A_169 = arith.constant 75 : i32
    %dma_wait3A_170 = arith.constant 0 : i32
    %dma_wait3A_171 = tpu.memref_slice %arg6[%dma_wait3A_169, %dma_wait3A_170] : memref<80x125xi32, #tpu.memory_space<vmem>> -> memref<1x125xi32, #tpu.memory_space<vmem>>
    %dma_wait3A_172 = tpu.memref_squeeze %dma_wait3A_171 : memref<1x125xi32, #tpu.memory_space<vmem>> -> memref<125xi32, #tpu.memory_space<vmem>>
    %dma_wait3A_173 = arith.constant 0 : i32
    %dma_wait3A_174 = tpu.memref_slice %arg9[%dma_wait3A_173] : memref<10000xf32, #tpu.memory_space<vmem_shared>> -> memref<10000xf32, #tpu.memory_space<vmem_shared>>
    tpu.wait_indirect_dma semaphore(%arg10 : memref<!tpu.dma_semaphore, #tpu.memory_space<semaphore_mem>>) src(%arg7 : memref<125xf32, #tpu.memory_space<vmem>>) dst(%dma_wait3A_174 : memref<10000xf32, #tpu.memory_space<vmem_shared>>)
    %dma_wait3A_175 = arith.constant 76 : i32
    %dma_wait3A_176 = arith.constant 0 : i32
    %dma_wait3A_177 = tpu.memref_slice %arg6[%dma_wait3A_175, %dma_wait3A_176] : memref<80x125xi32, #tpu.memory_space<vmem>> -> memref<1x125xi32, #tpu.memory_space<vmem>>
    %dma_wait3A_178 = tpu.memref_squeeze %dma_wait3A_177 : memref<1x125xi32, #tpu.memory_space<vmem>> -> memref<125xi32, #tpu.memory_space<vmem>>
    %dma_wait3A_179 = arith.constant 0 : i32
    %dma_wait3A_180 = tpu.memref_slice %arg9[%dma_wait3A_179] : memref<10000xf32, #tpu.memory_space<vmem_shared>> -> memref<10000xf32, #tpu.memory_space<vmem_shared>>
    tpu.wait_indirect_dma semaphore(%arg10 : memref<!tpu.dma_semaphore, #tpu.memory_space<semaphore_mem>>) src(%arg7 : memref<125xf32, #tpu.memory_space<vmem>>) dst(%dma_wait3A_180 : memref<10000xf32, #tpu.memory_space<vmem_shared>>)
    %dma_wait3A_181 = arith.constant 77 : i32
    %dma_wait3A_182 = arith.constant 0 : i32
    %dma_wait3A_183 = tpu.memref_slice %arg6[%dma_wait3A_181, %dma_wait3A_182] : memref<80x125xi32, #tpu.memory_space<vmem>> -> memref<1x125xi32, #tpu.memory_space<vmem>>
    %dma_wait3A_184 = tpu.memref_squeeze %dma_wait3A_183 : memref<1x125xi32, #tpu.memory_space<vmem>> -> memref<125xi32, #tpu.memory_space<vmem>>
    %dma_wait3A_185 = arith.constant 0 : i32
    %dma_wait3A_186 = tpu.memref_slice %arg9[%dma_wait3A_185] : memref<10000xf32, #tpu.memory_space<vmem_shared>> -> memref<10000xf32, #tpu.memory_space<vmem_shared>>
    tpu.wait_indirect_dma semaphore(%arg10 : memref<!tpu.dma_semaphore, #tpu.memory_space<semaphore_mem>>) src(%arg7 : memref<125xf32, #tpu.memory_space<vmem>>) dst(%dma_wait3A_186 : memref<10000xf32, #tpu.memory_space<vmem_shared>>)
    %dma_wait3A_187 = arith.constant 78 : i32
    %dma_wait3A_188 = arith.constant 0 : i32
    %dma_wait3A_189 = tpu.memref_slice %arg6[%dma_wait3A_187, %dma_wait3A_188] : memref<80x125xi32, #tpu.memory_space<vmem>> -> memref<1x125xi32, #tpu.memory_space<vmem>>
    %dma_wait3A_190 = tpu.memref_squeeze %dma_wait3A_189 : memref<1x125xi32, #tpu.memory_space<vmem>> -> memref<125xi32, #tpu.memory_space<vmem>>
    %dma_wait3A_191 = arith.constant 0 : i32
    %dma_wait3A_192 = tpu.memref_slice %arg9[%dma_wait3A_191] : memref<10000xf32, #tpu.memory_space<vmem_shared>> -> memref<10000xf32, #tpu.memory_space<vmem_shared>>
    tpu.wait_indirect_dma semaphore(%arg10 : memref<!tpu.dma_semaphore, #tpu.memory_space<semaphore_mem>>) src(%arg7 : memref<125xf32, #tpu.memory_space<vmem>>) dst(%dma_wait3A_192 : memref<10000xf32, #tpu.memory_space<vmem_shared>>)
    %dma_wait3A_193 = arith.constant 79 : i32
    %dma_wait3A_194 = arith.constant 0 : i32
    %dma_wait3A_195 = tpu.memref_slice %arg6[%dma_wait3A_193, %dma_wait3A_194] : memref<80x125xi32, #tpu.memory_space<vmem>> -> memref<1x125xi32, #tpu.memory_space<vmem>>
    %dma_wait3A_196 = tpu.memref_squeeze %dma_wait3A_195 : memref<1x125xi32, #tpu.memory_space<vmem>> -> memref<125xi32, #tpu.memory_space<vmem>>
    %dma_wait3A_197 = arith.constant 0 : i32
    %dma_wait3A_198 = tpu.memref_slice %arg9[%dma_wait3A_197] : memref<10000xf32, #tpu.memory_space<vmem_shared>> -> memref<10000xf32, #tpu.memory_space<vmem_shared>>
    tpu.wait_indirect_dma semaphore(%arg10 : memref<!tpu.dma_semaphore, #tpu.memory_space<semaphore_mem>>) src(%arg7 : memref<125xf32, #tpu.memory_space<vmem>>) dst(%dma_wait3A_198 : memref<10000xf32, #tpu.memory_space<vmem_shared>>)
    %barrier3A_199 = arith.constant 0 : index
    tpu.barrier barrier_id(%barrier3A_199)
    %mul3A_200 = arith.constant 624 : i32
    %mul3A_201 = arith.muli %arg1, %mul3A_200 : i32
    "tpu.region"() ({
      %run_scoped3A = tpu.sem_alloc : memref<!tpu.dma_semaphore, #tpu.memory_space<semaphore_mem>>
      %dma_start3A_212 = tpu.memref_slice %arg9[%mul3A_201] : memref<10000xf32, #tpu.memory_space<vmem_shared>> -> memref<624xf32, #tpu.memory_space<vmem_shared>>
      %dma_start3A_213 = tpu.memref_slice %arg9[%mul3A_201] : memref<10000xf32, #tpu.memory_space<vmem_shared>> -> memref<624xf32, #tpu.memory_space<vmem_shared>>
      tpu.enqueue_dma source(%dma_start3A_213 : memref<624xf32, #tpu.memory_space<vmem_shared>>) target(%arg8 : memref<624xf32, #tpu.memory_space<vmem>>) target_semaphore(%run_scoped3A : memref<!tpu.dma_semaphore, #tpu.memory_space<semaphore_mem>>)
      %dma_wait3A_214 = tpu.memref_slice %arg9[%mul3A_201] : memref<10000xf32, #tpu.memory_space<vmem_shared>> -> memref<624xf32, #tpu.memory_space<vmem_shared>>
      %dma_wait3A_215 = tpu.memref_slice %arg9[%mul3A_201] : memref<10000xf32, #tpu.memory_space<vmem_shared>> -> memref<624xf32, #tpu.memory_space<vmem_shared>>
      tpu.wait_dma2 semaphore(%run_scoped3A : memref<!tpu.dma_semaphore, #tpu.memory_space<semaphore_mem>>) src(%dma_wait3A_215 : memref<624xf32, #tpu.memory_space<vmem_shared>>) dst(%arg8 : memref<624xf32, #tpu.memory_space<vmem>>)
      tpu.yield
    }) : () -> ()
    %mul3A_202 = arith.constant 10000 : i32
    %mul3A_203 = arith.muli %arg0, %mul3A_202 : i32
    %mul3A_204 = arith.constant 624 : i32
    %mul3A_205 = arith.muli %arg1, %mul3A_204 : i32
    %add3A_206 = arith.addi %mul3A_203, %mul3A_205 : i32
    "tpu.region"() ({
      %run_scoped3A = tpu.sem_alloc : memref<!tpu.dma_semaphore, #tpu.memory_space<semaphore_mem>>
      %dma_start3A_212 = tpu.memref_slice %arg5[%add3A_206] : memref<20000xf32, #tpu.memory_space<hbm>> -> memref<624xf32, #tpu.memory_space<hbm>>
      %dma_start3A_213 = tpu.memref_slice %arg5[%add3A_206] : memref<20000xf32, #tpu.memory_space<hbm>> -> memref<624xf32, #tpu.memory_space<hbm>>
      tpu.enqueue_dma source(%arg8 : memref<624xf32, #tpu.memory_space<vmem>>) target(%dma_start3A_213 : memref<624xf32, #tpu.memory_space<hbm>>) target_semaphore(%run_scoped3A : memref<!tpu.dma_semaphore, #tpu.memory_space<semaphore_mem>>)
      %dma_wait3A_214 = tpu.memref_slice %arg5[%add3A_206] : memref<20000xf32, #tpu.memory_space<hbm>> -> memref<624xf32, #tpu.memory_space<hbm>>
      %dma_wait3A_215 = tpu.memref_slice %arg5[%add3A_206] : memref<20000xf32, #tpu.memory_space<hbm>> -> memref<624xf32, #tpu.memory_space<hbm>>
      tpu.wait_dma2 semaphore(%run_scoped3A : memref<!tpu.dma_semaphore, #tpu.memory_space<semaphore_mem>>) src(%arg8 : memref<624xf32, #tpu.memory_space<vmem>>) dst(%dma_wait3A_215 : memref<624xf32, #tpu.memory_space<hbm>>)
      tpu.yield
    }) : () -> ()
    %eq3A_207 = arith.constant 0 : i32
    %eq3A_208 = arith.cmpi eq, %arg1, %eq3A_207 : i32
    %convert_element_type3A_209 = arith.extui %eq3A_208 : i1 to i32
    %cond3A_210 = arith.constant 0 : i32
    %cond3A_211 = arith.cmpi ne, %convert_element_type3A_209, %cond3A_210 : i32
    scf.if %cond3A_211 {
      "tpu.region"() ({
        %run_scoped3A = tpu.sem_alloc : memref<!tpu.dma_semaphore, #tpu.memory_space<semaphore_mem>>
        %dma_start3A_216 = arith.constant 0 : i32
        %dma_start3A_217 = tpu.memref_slice %arg8[%dma_start3A_216] : memref<624xf32, #tpu.memory_space<vmem>> -> memref<16xf32, #tpu.memory_space<vmem>>
        %dma_start3A_218 = arith.constant 9984 : i32
        %dma_start3A_219 = tpu.memref_slice %arg9[%dma_start3A_218] : memref<10000xf32, #tpu.memory_space<vmem_shared>> -> memref<16xf32, #tpu.memory_space<vmem_shared>>
        %dma_start3A_220 = arith.constant 0 : i32
        %dma_start3A_221 = tpu.memref_slice %arg8[%dma_start3A_220] : memref<624xf32, #tpu.memory_space<vmem>> -> memref<16xf32, #tpu.memory_space<vmem>>
        %dma_start3A_222 = arith.constant 9984 : i32
        %dma_start3A_223 = tpu.memref_slice %arg9[%dma_start3A_222] : memref<10000xf32, #tpu.memory_space<vmem_shared>> -> memref<16xf32, #tpu.memory_space<vmem_shared>>
        tpu.enqueue_dma source(%dma_start3A_223 : memref<16xf32, #tpu.memory_space<vmem_shared>>) target(%dma_start3A_221 : memref<16xf32, #tpu.memory_space<vmem>>) target_semaphore(%run_scoped3A : memref<!tpu.dma_semaphore, #tpu.memory_space<semaphore_mem>>)
        %dma_wait3A_224 = arith.constant 0 : i32
        %dma_wait3A_225 = tpu.memref_slice %arg8[%dma_wait3A_224] : memref<624xf32, #tpu.memory_space<vmem>> -> memref<16xf32, #tpu.memory_space<vmem>>
        %dma_wait3A_226 = arith.constant 9984 : i32
        %dma_wait3A_227 = tpu.memref_slice %arg9[%dma_wait3A_226] : memref<10000xf32, #tpu.memory_space<vmem_shared>> -> memref<16xf32, #tpu.memory_space<vmem_shared>>
        %dma_wait3A_228 = arith.constant 0 : i32
        %dma_wait3A_229 = tpu.memref_slice %arg8[%dma_wait3A_228] : memref<624xf32, #tpu.memory_space<vmem>> -> memref<16xf32, #tpu.memory_space<vmem>>
        %dma_wait3A_230 = arith.constant 9984 : i32
        %dma_wait3A_231 = tpu.memref_slice %arg9[%dma_wait3A_230] : memref<10000xf32, #tpu.memory_space<vmem_shared>> -> memref<16xf32, #tpu.memory_space<vmem_shared>>
        tpu.wait_dma2 semaphore(%run_scoped3A : memref<!tpu.dma_semaphore, #tpu.memory_space<semaphore_mem>>) src(%dma_wait3A_231 : memref<16xf32, #tpu.memory_space<vmem_shared>>) dst(%dma_wait3A_229 : memref<16xf32, #tpu.memory_space<vmem>>)
        tpu.yield
      }) : () -> ()
      %mul3A_212 = arith.constant 10000 : i32
      %mul3A_213 = arith.muli %arg0, %mul3A_212 : i32
      %add3A_214 = arith.constant 9984 : i32
      %add3A_215 = arith.addi %mul3A_213, %add3A_214 : i32
      "tpu.region"() ({
        %run_scoped3A = tpu.sem_alloc : memref<!tpu.dma_semaphore, #tpu.memory_space<semaphore_mem>>
        %dma_start3A_216 = arith.constant 0 : i32
        %dma_start3A_217 = tpu.memref_slice %arg8[%dma_start3A_216] : memref<624xf32, #tpu.memory_space<vmem>> -> memref<16xf32, #tpu.memory_space<vmem>>
        %dma_start3A_218 = tpu.memref_slice %arg5[%add3A_215] : memref<20000xf32, #tpu.memory_space<hbm>> -> memref<16xf32, #tpu.memory_space<hbm>>
        %dma_start3A_219 = tpu.memref_slice %arg5[%add3A_215] : memref<20000xf32, #tpu.memory_space<hbm>> -> memref<16xf32, #tpu.memory_space<hbm>>
        %dma_start3A_220 = arith.constant 0 : i32
        %dma_start3A_221 = tpu.memref_slice %arg8[%dma_start3A_220] : memref<624xf32, #tpu.memory_space<vmem>> -> memref<16xf32, #tpu.memory_space<vmem>>
        tpu.enqueue_dma source(%dma_start3A_221 : memref<16xf32, #tpu.memory_space<vmem>>) target(%dma_start3A_219 : memref<16xf32, #tpu.memory_space<hbm>>) target_semaphore(%run_scoped3A : memref<!tpu.dma_semaphore, #tpu.memory_space<semaphore_mem>>)
        %dma_wait3A_222 = arith.constant 0 : i32
        %dma_wait3A_223 = tpu.memref_slice %arg8[%dma_wait3A_222] : memref<624xf32, #tpu.memory_space<vmem>> -> memref<16xf32, #tpu.memory_space<vmem>>
        %dma_wait3A_224 = tpu.memref_slice %arg5[%add3A_215] : memref<20000xf32, #tpu.memory_space<hbm>> -> memref<16xf32, #tpu.memory_space<hbm>>
        %dma_wait3A_225 = tpu.memref_slice %arg5[%add3A_215] : memref<20000xf32, #tpu.memory_space<hbm>> -> memref<16xf32, #tpu.memory_space<hbm>>
        %dma_wait3A_226 = arith.constant 0 : i32
        %dma_wait3A_227 = tpu.memref_slice %arg8[%dma_wait3A_226] : memref<624xf32, #tpu.memory_space<vmem>> -> memref<16xf32, #tpu.memory_space<vmem>>
        tpu.wait_dma2 semaphore(%run_scoped3A : memref<!tpu.dma_semaphore, #tpu.memory_space<semaphore_mem>>) src(%dma_wait3A_227 : memref<16xf32, #tpu.memory_space<vmem>>) dst(%dma_wait3A_225 : memref<16xf32, #tpu.memory_space<hbm>>)
        tpu.yield
      }) : () -> ()
    } else {
    }
    return
  }
}

module attributes {stable_mosaic.version = 14 : i64} {
  func.func @_mm_body(%arg0: memref<10000x128xf32, #tpu.memory_space<vmem>>, %arg1: memref<128x128xf32, #tpu.memory_space<vmem>>, %arg2: memref<2x10000xf32, #tpu.memory_space<vmem>>, %arg3: memref<10000x128xf32, #tpu.memory_space<vmem>>) attributes {dimension_semantics = [], scalar_prefetch = 0 : i64, scratch_operands = 0 : i64, tpu.core_type = #tpu.core_type<tc>} {
    %get3A = arith.constant 0 : index
    %get3A_0 = arith.constant 0 : index
    %get3A_1 = vector.load %arg2[%get3A, %get3A_0] : memref<2x10000xf32, #tpu.memory_space<vmem>>, vector<1x10000xf32>
    %get3A_2 = vector.shape_cast %get3A_1 : vector<1x10000xf32> to vector<10000xf32>
    %add3A = arith.constant 1.000000e+00 : f32
    %add3A_3 = vector.broadcast %add3A : f32 to vector<10000xf32>
    %add3A_4 = arith.addf %add3A_3, %get3A_2 : vector<10000xf32>
    %get3A_5 = arith.constant 1 : index
    %get3A_6 = arith.constant 0 : index
    %get3A_7 = vector.load %arg2[%get3A_5, %get3A_6] : memref<2x10000xf32, #tpu.memory_space<vmem>>, vector<1x10000xf32>
    %get3A_8 = vector.shape_cast %get3A_7 : vector<1x10000xf32> to vector<10000xf32>
    %add3A_9 = arith.addf %add3A_4, %get3A_8 : vector<10000xf32>
    %rsqrt3A = math.rsqrt %add3A_9 : vector<10000xf32>
    %get3A_10 = arith.constant 0 : index
    %get3A_11 = arith.constant 0 : index
    %get3A_12 = vector.load %arg0[%get3A_10, %get3A_11] : memref<10000x128xf32, #tpu.memory_space<vmem>>, vector<10000x128xf32>
    %get3A_13 = arith.constant 0 : index
    %get3A_14 = arith.constant 0 : index
    %get3A_15 = vector.load %arg1[%get3A_13, %get3A_14] : memref<128x128xf32, #tpu.memory_space<vmem>>, vector<128x128xf32>
    %dot_general3A = arith.constant dense<0.000000e+00> : vector<10000x128xf32>
    %dot_general3A_16 = tpu.matmul %get3A_12, %get3A_15, %dot_general3A {dimension_numbers = #tpu.dot_dimension_numbers<[1], [0], [0], [1], [0, 0, 1, 1], [], []>, transpose_lhs_hint = false} : vector<10000x128xf32>, vector<128x128xf32>, vector<10000x128xf32> -> vector<10000x128xf32>
    %broadcast_in_dim3A = vector.shape_cast %rsqrt3A : vector<10000xf32> to vector<10000x1xf32>
    %mul3A = vector.broadcast %broadcast_in_dim3A : vector<10000x1xf32> to vector<10000x128xf32>
    %mul3A_17 = arith.mulf %dot_general3A_16, %mul3A : vector<10000x128xf32>
    %swap3A = arith.constant 0 : index
    %swap3A_18 = arith.constant 0 : index
    %swap3A_19 = vector.load %arg3[%swap3A, %swap3A_18] : memref<10000x128xf32, #tpu.memory_space<vmem>>, vector<10000x128xf32>
    tpu.vector_store %arg3[%swap3A, %swap3A_18], %mul3A_17 {strides = array<i32>} : memref<10000x128xf32, #tpu.memory_space<vmem>>, vector<10000x128xf32>,
    return
  }
}

module attributes {stable_mosaic.version = 14 : i64} {
  func.func @_final_body(%arg0: memref<2x10000x128xf32, #tpu.memory_space<vmem>>, %arg1: memref<10000x128xf32, #tpu.memory_space<vmem>>, %arg2: memref<2x10000xf32, #tpu.memory_space<vmem>>, %arg3: memref<128xf32, #tpu.memory_space<vmem>>, %arg4: memref<128xf32, #tpu.memory_space<vmem>>, %arg5: memref<1xf32, #tpu.memory_space<vmem>>, %arg6: memref<10000x128xf32, #tpu.memory_space<vmem>>) attributes {dimension_semantics = [], scalar_prefetch = 0 : i64, scratch_operands = 0 : i64, tpu.core_type = #tpu.core_type<tc>} {
    %get3A = arith.constant 0 : index
    %get3A_0 = arith.constant 0 : index
    %get3A_1 = vector.load %arg2[%get3A, %get3A_0] : memref<2x10000xf32, #tpu.memory_space<vmem>>, vector<1x10000xf32>
    %get3A_2 = vector.shape_cast %get3A_1 : vector<1x10000xf32> to vector<10000xf32>
    %add3A = arith.constant 1.000000e+00 : f32
    %add3A_3 = vector.broadcast %add3A : f32 to vector<10000xf32>
    %add3A_4 = arith.addf %add3A_3, %get3A_2 : vector<10000xf32>
    %get3A_5 = arith.constant 1 : index
    %get3A_6 = arith.constant 0 : index
    %get3A_7 = vector.load %arg2[%get3A_5, %get3A_6] : memref<2x10000xf32, #tpu.memory_space<vmem>>, vector<1x10000xf32>
    %get3A_8 = vector.shape_cast %get3A_7 : vector<1x10000xf32> to vector<10000xf32>
    %add3A_9 = arith.addf %add3A_4, %get3A_8 : vector<10000xf32>
    %rsqrt3A = math.rsqrt %add3A_9 : vector<10000xf32>
    %get3A_10 = arith.constant 0 : index
    %get3A_11 = arith.constant 0 : index
    %get3A_12 = arith.constant 0 : index
    %get3A_13 = vector.load %arg0[%get3A_10, %get3A_11, %get3A_12] : memref<2x10000x128xf32, #tpu.memory_space<vmem>>, vector<1x10000x128xf32>
    %get3A_14 = vector.shape_cast %get3A_13 : vector<1x10000x128xf32> to vector<10000x128xf32>
    %get3A_15 = arith.constant 1 : index
    %get3A_16 = arith.constant 0 : index
    %get3A_17 = arith.constant 0 : index
    %get3A_18 = vector.load %arg0[%get3A_15, %get3A_16, %get3A_17] : memref<2x10000x128xf32, #tpu.memory_space<vmem>>, vector<1x10000x128xf32>
    %get3A_19 = vector.shape_cast %get3A_18 : vector<1x10000x128xf32> to vector<10000x128xf32>
    %add3A_20 = arith.addf %get3A_14, %get3A_19 : vector<10000x128xf32>
    %get3A_21 = arith.constant 0 : index
    %get3A_22 = arith.constant 0 : index
    %get3A_23 = vector.load %arg1[%get3A_21, %get3A_22] : memref<10000x128xf32, #tpu.memory_space<vmem>>, vector<10000x128xf32>
    %add3A_24 = arith.addf %add3A_20, %get3A_23 : vector<10000x128xf32>
    %broadcast_in_dim3A = vector.shape_cast %rsqrt3A : vector<10000xf32> to vector<10000x1xf32>
    %mul3A = vector.broadcast %broadcast_in_dim3A : vector<10000x1xf32> to vector<10000x128xf32>
    %mul3A_25 = arith.mulf %add3A_24, %mul3A : vector<10000x128xf32>
    %reduce_sum3A = arith.constant dense<0.000000e+00> : vector<128xf32>
    %reduce_sum3A_26 = vector.multi_reduction <add>, %mul3A_25, %reduce_sum3A [0] : vector<10000x128xf32> to vector<128xf32>
    %div3A = arith.constant 1.000000e+04 : f32
    %div3A_27 = vector.broadcast %div3A : f32 to vector<128xf32>
    %div3A_28 = arith.divf %reduce_sum3A_26, %div3A_27 : vector<128xf32>
    %broadcast_in_dim3A_29 = vector.shape_cast %div3A_28 : vector<128xf32> to vector<1x128xf32>
    %sub3A = vector.broadcast %broadcast_in_dim3A_29 : vector<1x128xf32> to vector<10000x128xf32>
    %sub3A_30 = arith.subf %mul3A_25, %sub3A : vector<10000x128xf32>
    %mul3A_31 = arith.mulf %sub3A_30, %sub3A_30 : vector<10000x128xf32>
    %reduce_sum3A_32 = arith.constant dense<0.000000e+00> : vector<128xf32>
    %reduce_sum3A_33 = vector.multi_reduction <add>, %mul3A_31, %reduce_sum3A_32 [0] : vector<10000x128xf32> to vector<128xf32>
    %div3A_34 = arith.constant 1.000000e+04 : f32
    %div3A_35 = vector.broadcast %div3A_34 : f32 to vector<128xf32>
    %div3A_36 = arith.divf %reduce_sum3A_33, %div3A_35 : vector<128xf32>
    %add3A_37 = arith.constant 9.99999974E-6 : f32
    %add3A_38 = vector.broadcast %add3A_37 : f32 to vector<128xf32>
    %add3A_39 = arith.addf %div3A_36, %add3A_38 : vector<128xf32>
    %rsqrt3A_40 = math.rsqrt %add3A_39 : vector<128xf32>
    %broadcast_in_dim3A_41 = vector.shape_cast %rsqrt3A_40 : vector<128xf32> to vector<1x128xf32>
    %mul3A_42 = vector.broadcast %broadcast_in_dim3A_41 : vector<1x128xf32> to vector<10000x128xf32>
    %mul3A_43 = arith.mulf %sub3A_30, %mul3A_42 : vector<10000x128xf32>
    %get3A_44 = arith.constant 0 : index
    %get3A_45 = vector.load %arg3[%get3A_44] : memref<128xf32, #tpu.memory_space<vmem>>, vector<128xf32>
    %broadcast_in_dim3A_46 = vector.shape_cast %get3A_45 : vector<128xf32> to vector<1x128xf32>
    %mul3A_47 = vector.broadcast %broadcast_in_dim3A_46 : vector<1x128xf32> to vector<10000x128xf32>
    %mul3A_48 = arith.mulf %mul3A_43, %mul3A_47 : vector<10000x128xf32>
    %get3A_49 = arith.constant 0 : index
    %get3A_50 = vector.load %arg4[%get3A_49] : memref<128xf32, #tpu.memory_space<vmem>>, vector<128xf32>
    %broadcast_in_dim3A_51 = vector.shape_cast %get3A_50 : vector<128xf32> to vector<1x128xf32>
    %add3A_52 = vector.broadcast %broadcast_in_dim3A_51 : vector<1x128xf32> to vector<10000x128xf32>
    %add3A_53 = arith.addf %mul3A_48, %add3A_52 : vector<10000x128xf32>
    %get3A_54 = arith.constant 0 : index
    %get3A_55 = vector.load %arg5[%get3A_54] : memref<1xf32, #tpu.memory_space<vmem>>, vector<1xf32>
    %ge3A = arith.constant 0.000000e+00 : f32
    %ge3A_56 = vector.broadcast %ge3A : f32 to vector<10000x128xf32>
    %ge3A_57 = arith.cmpf oge, %add3A_53, %ge3A_56 : vector<10000x128xf32>
    %broadcast_in_dim3A_58 = vector.shape_cast %get3A_55 : vector<1xf32> to vector<1x1xf32>
    %mul3A_59 = vector.broadcast %broadcast_in_dim3A_58 : vector<1x1xf32> to vector<10000x128xf32>
    %mul3A_60 = arith.mulf %mul3A_59, %add3A_53 : vector<10000x128xf32>
    %select_n3A = arith.select %ge3A_57, %add3A_53, %mul3A_60 : vector<10000x128xi1>, vector<10000x128xf32>
    %swap3A = arith.constant 0 : index
    %swap3A_61 = arith.constant 0 : index
    %swap3A_62 = vector.load %arg6[%swap3A, %swap3A_61] : memref<10000x128xf32, #tpu.memory_space<vmem>>, vector<10000x128xf32>
    tpu.vector_store %arg6[%swap3A, %swap3A_61], %select_n3A {strides = array<i32>} : memref<10000x128xf32, #tpu.memory_space<vmem>>, vector<10000x128xf32>,
    return
  }
}

</mosaic_0001>

<sc_bundles>
// kernel: kernel.6.cloned.1.call-start
scs
__scs_entry_jumppad:
0x0: {  	(pc) =	sbr.rel $0x88, $3  }
0x1: {  	(tag) =	ssettag $0x0;
	lr =	simm.s32 $0x1  }
0x2: {  	[smem:$0x3F9B] =	sst lr;
	_ =	strace $0xD0000000  }
0x3: {  	_ = 	snop  }
0x4: {  	_ = 	snop  }
0x5: {  	_ = 	snop  }
0x6: {  	_ = 	snop  }
0x7: {  	_ = 	snop  }
__scs_overlays_trampoline_lowered:
0x8: {  	[smem:$0x3FAA] =	sst s0  }
0x9: {  	[smem:$0x3FAB] =	sst s1  }
0xa: {  	[smem:$0x3FAC] =	sst s2  }
0xb: {  	[smem:$0x3FAD] =	sst s3  }
0xc: {  	[smem:$0x3FAE] =	sst s4  }
0xd: {  	[smem:$0x3FAF] =	sst s5  }
0xe: {  	[smem:$0x3FB0] =	sst s6  }
0xf: {  	[smem:$0x3FB1] =	sst s7  }
0x10: {  	[smem:$0x3FB2] =	sst s8  }
0x11: {  	[smem:$0x3FB3] =	sst s9;
	s0 =	simm.s32 @!p0 $0x0  }
0x12: {  	s1 =	sld [smem:$0x3F99];
	s0 =	simm.s32 @p0 $0x1  }
0x13: {  	[smem:$0x3FB4] =	sst s0;
	s0 =	simm.s32 @!p1 $0x0  }
0x14: {  	s2 =	sld [smem:$0x3F98];
	s0 =	simm.s32 @p1 $0x1  }
0x15: {  	[smem:$0x3FB5] =	sst s0;
	s0 =	simm.s32 @!p2 $0x0  }
0x16: {  	s3 =	sld [smem:$0x3FDB];
	s0 =	simm.s32 @p2 $0x1  }
0x17: {  	s4 =	simm.s32 $0x1BF5;
	[smem:$0x3FB7] =	sst s0  }
0x18: {  	s0 =	sld [smem:$0x3F9A];
	_ =	swait.ge [sflag:s4], $0x0  }
0x19: {  	s7 =	sld [smem:$0x3F9B]  }
0x1a: {  	s8 =	sadd.s32 $0xFFFFE003, lr  }
0x1b: {  	s9 =	sadd.s32 $0xFFFFFEF7, lr;
	s5 =	simm.s32 $0xFFFFFFFF;
	p2 =	slt.u32 s8, $0xFFFFF086  }
0x1c: {  	p1 =	slt.u32 s9, $0xF7A;
	s5 =	simm.s32 @!p2 $0x0  }
0x1d: {  	s5 =	simm.s32 @p1 $0x1;
	p0 =	seq.s32 s7, s2  }
0x1e: {  	s7 =	smul.u32 @!p0 $0xF7A, s2;
	p2 =	seq.s32 @!p0 s5, $0x0  }
0x1f: {  	s9 =	smul.u32 $0xF7A, s1;
	s8 =	simm.s32 @!p0 $0x1BF5;
	p2 =	por !p2, p0  }
0x20: {  	[sflag:s8] =	ssyncset.s32 @!p0 $0xFFFFF086;
	s6 =	sadd.s32 @!p0 s3, s7;
	s7 =	simm.s32 @!p0 $0x108  }
0x21: {  	s3 =	sadd.s32 s3, s9;
	s6 =	sadd.s32 @!p0 $0x88, s6;
	s7 =	simm.s32 @p2 $0x1082  }
0x22: {  	[simem:s7], [sflag:s8] =	dma.local @!p0 [hbm:s6], $0xF7A  }
0x23: {  	s9 =	sor.u32 $0xD0000000, s2;
	s6 =	simm.s32 $0x108;
	_ =	swait.ge @!p0 [sflag:s8], $0x0  }
0x24: {  	s3 =	sadd.s32 $0x88, s3;
	s6 =	simm.s32 @!p1 $0x1082;
	[sflag:s4] =	ssyncset.s32 $0xFFFFF086  }
0x25: {  	[simem:s6], [sflag:s4] =	dma.local [hbm:s3], $0xF7A  }
0x26: {  	[smem:$0x3F9B] =	sst s1;
	(tag) =	ssettag s2;
	_ =	strace s9  }
0x27: {  	s1 =	sld [smem:$0x3FAB]  }
0x28: {  	s2 =	sld [smem:$0x3FAC]  }
0x29: {  	s4 =	sld [smem:$0x3FAE]  }
0x2a: {  	p0 =	seq.s32 s5, $0x0;
	s5 =	sld [smem:$0x3FAF]  }
0x2b: {  	s6 =	sld [smem:$0x3FB0]  }
0x2c: {  	s7 =	sld [smem:$0x3FB1]  }
0x2d: {  	s3 =	simm.s32 $0x108;
	s8 =	sld [smem:$0x3FB2]  }
0x2e: {  	s3 =	simm.s32 @!p0 $0x1082;
	s9 =	sld [smem:$0x3FB3]  }
0x2f: {  	lr =	sadd.s32 s0, s3;
	s0 =	sld [smem:$0x3FAA]  }
0x30: {  	s3 =	sld [smem:$0x3FAD]  }
0x31: {  	[smem:$0x3FB6] =	sst s10  }
0x32: {  	s10 =	sld [smem:$0x3FB4];
	_ =	sdelay $0x3  }
0x33: {  	p0 =	seq.s32 s10, $0x1;
	s10 =	sld [smem:$0x3FB6];
	_ =	sdelay $0x3  }
0x34: {  	[smem:$0x3FB6] =	sst s10  }
0x35: {  	s10 =	sld [smem:$0x3FB5];
	_ =	sdelay $0x3  }
0x36: {  	p1 =	seq.s32 s10, $0x1;
	s10 =	sld [smem:$0x3FB6];
	_ =	sdelay $0x3  }
0x37: {  	[smem:$0x3FB6] =	sst s10  }
0x38: {  	s10 =	sld [smem:$0x3FB7]  }
0x39: {  	_ = 	snop;
	(pc) =	sbr.ind lr, $3  }
0x3a: {  	_ = 	snop  }
0x3b: {  	_ = 	snop  }
0x3c: {  	p2 =	seq.s32 s10, $0x1;
	s10 =	sld [smem:$0x3FB6]  }
0x3d: {  	_ =	shalt  }
0x3e: {  	_ =	shalt  }
0x3f: {  	_ =	shalt  }
0x40: {  	_ =	shalt  }
0x41: {  	_ =	shalt  }
0x42: {  	_ =	shalt  }
0x43: {  	_ =	shalt  }
0x44: {  	_ =	shalt  }
0x45: {  	_ =	shalt  }
0x46: {  	_ =	shalt  }
0x47: {  	_ =	shalt  }
0x48: {  	_ =	shalt  }
0x49: {  	_ =	shalt  }
0x4a: {  	_ =	shalt  }
0x4b: {  	_ =	shalt  }
0x4c: {  	_ =	shalt  }
0x4d: {  	_ =	shalt  }
0x4e: {  	_ =	shalt  }
0x4f: {  	_ =	shalt  }
0x50: {  	_ =	shalt  }
0x51: {  	_ =	shalt  }
0x52: {  	_ =	shalt  }
0x53: {  	_ =	shalt  }
0x54: {  	_ =	shalt  }
0x55: {  	_ =	shalt  }
0x56: {  	_ =	shalt  }
0x57: {  	_ =	shalt  }
0x58: {  	_ =	shalt  }
0x59: {  	_ =	shalt  }
0x5a: {  	_ =	shalt  }
0x5b: {  	_ =	shalt  }
0x5c: {  	_ =	shalt  }
0x5d: {  	_ =	shalt  }
0x5e: {  	_ =	shalt  }
0x5f: {  	_ =	shalt  }
0x60: {  	_ =	shalt  }
0x61: {  	_ =	shalt  }
0x62: {  	_ =	shalt  }
0x63: {  	_ =	shalt  }
0x64: {  	_ =	shalt  }
0x65: {  	_ =	shalt  }
0x66: {  	_ =	shalt  }
0x67: {  	_ =	shalt  }
0x68: {  	_ =	shalt  }
0x69: {  	_ =	shalt  }
0x6a: {  	_ =	shalt  }
0x6b: {  	_ =	shalt  }
0x6c: {  	_ =	shalt  }
0x6d: {  	_ =	shalt  }
0x6e: {  	_ =	shalt  }
0x6f: {  	_ =	shalt  }
0x70: {  	_ =	shalt  }
0x71: {  	_ =	shalt  }
0x72: {  	_ =	shalt  }
0x73: {  	_ =	shalt  }
0x74: {  	_ =	shalt  }
0x75: {  	_ =	shalt  }
0x76: {  	_ =	shalt  }
0x77: {  	_ =	shalt  }
0x78: {  	_ =	shalt  }
0x79: {  	_ =	shalt  }
0x7a: {  	_ =	shalt  }
0x7b: {  	_ =	shalt  }
0x7c: {  	_ =	shalt  }
0x7d: {  	_ =	shalt  }
0x7e: {  	_ =	shalt  }
0x7f: {  	_ =	shalt  }
0x80: {  	_ =	shalt  }
0x81: {  	_ =	shalt  }
0x82: {  	_ =	shalt  }
0x83: {  	_ =	shalt  }
0x84: {  	_ =	shalt  }
0x85: {  	_ =	shalt  }
0x86: {  	_ =	shalt  }
0x87: {  	_ =	shalt  }
.Lfunc_end0:
.L_simem_size_0:
called_computation_lowered:
.L_overlay_start_0:
0x88: {  	s2 =	sld [smem:$0x3FD9]  }
0x89: {  	s3 =	sld [smem:$0x3FFE];
	_ =	sdelay $0x1  }
0x8a: {  	s1 =	srdreg.scid  }
0x8b: {  	s0 =	sand.u32 $0x1, s1  }
0x8c: {  	s17 =	sshll.u32 s0, $0xA;
	s2 =	sadd.s32 s3, s2  }
0x8d: {  	s2 =	sadd.s32 s2, s17  }
0x8e: {  	[smem:$0x3FC2] =	sst s2  }
0x8f: {  	_ = 	snop  }
0x90: {  	s2 =	sld [smem:$0x3FD0];
	(tm) =	ssettm $0x1  }
0x91: {  	s18 =	sld [smem:$0x3FFB];
	_ =	sdelay $0x3  }
0x92: {  	_ =	strace s18  }
0x93: {  	s3 =	sld [smem:$0x3FFC];
	_ =	sdelay $0x3  }
0x94: {  	_ =	strace s3  }
0x95: {  	s3 =	sld [smem:$0x3FFD];
	_ =	sdelay $0x3  }
0x96: {  	_ =	strace s3  }
0x97: {  	_ =	strace $0x8FFFFFFF  }
0x98: {  	s19 =	sld [smem:$0x3FDB];
	_ =	sdelay $0x1  }
0x99: {  	s4 =	simm.s32 $_scs_section_size  }
0x9a: {  	s5 =	simm.s32 $_size__tile_overlayer_lowered;
	s6 =	simm.s32 $_tile_overlayer_lowered  }
0x9b: {  	s22 =	simm.s32 $0x1BFF;
	s21 =	sshll.u32 s6, $0x1;
	s3 =	sadd.s32 s4, s19  }
0x9c: {  	s7 =	simm.s32 $0x0;
	s20 =	sshll.u32 s5, $0x1;
	s5 =	sadd.s32 s21, s3  }
0x9d: {  	[timem:s7], [sflag:s22] =	dma.local [hbm:s5], s20  }
0x9e: {  	_ =	swait.ge [sflag:s22], s20  }
0x9f: {  	s4 =	ssub.s32 $0x0, s20;
	[sflag:s22] =	ssyncset.done $0x0  }
0xa0: {  	[sflag:s22] =	ssyncadd.s32 s4;
	_ =	sdelay $0x1  }
0xa1: {  	s23 =	simm.s32 $0x1B8B  }
0xa2: {  	_ =	swait.ge [sflag:s23], $0x1  }
0xa3: {  	[sflag:s23] =	ssyncset.done $0x0  }
0xa4: {  	s25 =	simm.s32 $0x1B8E;
	s24 =	sld [smem:$0x3FFE];
	[sflag:s23] =	ssyncadd.s32 $0xFFFFFFFF  }
0xa5: {  	s26 =	simm.s32 $execute0_lowered;
	[smem:$0x3FD2] =	sst s25  }
0xa6: {  	s5 =	sshll.u32 s26, $0x1;
	_ =	strace $0x80000046;
	[dreg:$0x1] =	wrdreg $0xFFFFFFFF  }
0xa7: {  	s28 =	simm.s32 $_size_execute0_lowered;
	s3 =	sadd.s32 s3, s5;
	[dreg:$0x0] =	wrdreg $0x0  }
0xa8: {  	s5 =	sshll.u32 s28, $0x1;
	[dreg:$0x2] =	wrdreg s3  }
0xa9: {  	[dreg:$0x3] =	wrdreg s5  }
0xaa: {  	[dreg:$0x4] =	wrdreg $0xC0  }
0xab: {  	_ =	task [dreg:s7], $0x5FFFF  }
0xac: {  	[dreg:$0x1] =	wrdreg $0xFFFFFFFF  }
0xad: {  	[dreg:$0x0] =	wrdreg $0x60  }
0xae: {  	[dreg:$0x2] =	wrdreg s2  }
0xaf: {  	[dreg:$0x3] =	wrdreg s24  }
0xb0: {  	[dreg:$0x4] =	wrdreg $0x2B000  }
0xb1: {  	[dreg:$0x5] =	wrdreg $0x9  }
0xb2: {  	_ =	task.clear_ibuf [dreg:s7], $0x6FFFF;
	_ =	strace $0x90000046  }
0xb3: {  	s29 =	simm.s32 $0x9;
	_ =	strace $0x80000048  }
0xb4: {  	_ =	swait.ge [sflag:s29], $0x1  }
0xb5: {  	[sflag:s29] =	ssyncadd.s32 $0xFFFFFFFF  }
0xb6: {  	_ =	strace $0x90000048  }
0xb7: {  	_ =	sfence  }
0xb8: {  	s30 =	sld [smem:$0x0];
	_ =	sdelay $0x2  }
0xb9: {  	s31 =	sshll.u32 s1, $0xD;
	s1 =	sshrl.u32 s1, $0x2  }
0xba: {  	s3 =	sand.u32 $0x4000, s31;
	s1 =	sadd.s32 s1, s30  }
0xbb: {  	s0 =	sor.u32 s3, s0;
	s1 =	sshll.u32 s1, $0x11  }
0xbc: {  	s0 =	sor.u32 s1, s0  }
0xbd: {  	s0 =	sadd.s32 $0x8F2B, s0  }
0xbe: {  	[sflag:s0] =	ssyncadd.remote.s32 $0x1  }
0xbf: {  	_ =	sfence.sel $0xFFFF  }
0xc0: {  	[dreg:$0x0] =	wrdreg $0xFFFFFFFF;
	(pc) =	sbr.abs _section_cstart, $3  }
0xc1: {  	[dreg:$0x1] =	wrdreg $0xFFFFFFFF  }
0xc2: {  	_ =	task.clear_ibuf [dreg:s7], $0x2FFFF;
	_ =	strace $0x9FFFFFFF  }
0xc3: {  	(tm) =	ssettm $0x7FFFFFFF  }
tec
execute0_lowered:
.L_overlay_start_1:
0x0: {  	(tag) =	ssettag $0x1  }
0x1: {  	s0 =	rddreg [dreg:$0x0]  }
0x2: {  	s5 =	rddreg [dreg:$0x1]  }
0x3: {  	s1 =	rddreg [dreg:$0x2];
	s2 =	simm.s32 $0x0;
	s4 =	srdreg.scid  }
0x4: {  	s11 =	stileid.u32;
	s20 =	simm.s32 $0x300;
	s21 =	simm.s32 $0x380  }
0x5: {  	s22 =	simm.s32 $0x400;
	s28 =	simm.s32 $0x680;
	s29 =	simm.s32 $0x700  }
0x6: {  	s30 =	simm.s32 $0x780;
	s31 =	simm.s32 $0x1;
	[smem:$0x7FF] =	sst s2  }
0x7: {  	s3 =	sadd.s32 $0x15200, s5;
	s6 =	sand.u32 $0x1, s4;
	s4 =	sadd.s32 $0x15400, s5  }
0x8: {  	s8 =	smul.u32 $0x270, s11;
	s13 =	sadd.s32 $0x15600, s5;
	p0 =	sne.s32 s11, $0x0  }
0x9: {  	_ =	strace $0x80000047;
	s7 =	ssub.s32 $0x2, s6;
	s10 =	sshll.u32 s6, $0x4  }
0xa: {  	s12 =	smul.u32 $0x2710, s6;
	s6 =	sadd.s32 $0x2700, s1;
	s9 =	sshrl.u32 s7, $0x1  }
0xb: {  	s23 =	sor.u32 s11, s10;
	s5 =	sadd.s32 s8, s1;
	s11 =	simm.s32 $0x2880  }
0xc: {  	s14 =	ssub.s32 s7, s9;
	s24 =	smul.u32 $0x500, s23;
	s8 =	sadd.s32 s8, s12  }
0xd: {  	s25 =	sshrl.u32 s12, $0x3;
	s12 =	simm.s32 $0x2;
	s23 =	simm.s32 $0x480  }
0xe: {  	s8 =	sshrl.u32 s8, $0x3;
	s26 =	sadd.s32 s13, s25;
	s10 =	smax.u32 s14, $0x1  }
0xf: {  	s14 =	simm.s32 $0x7D;
	s25 =	simm.s32 $0x580;
	s7 =	sadd.s32 s0, s24  }
0x10: {  	s8 =	sadd.s32 s13, s8;
	s9 =	sadd.s32 $0x4E0, s26;
	s13 =	simm.s32 $0x2800  }
0x11: {  	s24 =	simm.s32 $0x500;
	s26 =	simm.s32 $0x600;
	s0 =	simm.s32 $0x0  }
.LBB2_1:
0x12: {  	[tilespmem:s11], [sflag:$0x2] =	stream.linear.gather [hbm4b:s4+s2], $0x280, $0x38;
	[tilespmem:$0x2D78] =	vst v63  }
0x13: {  	_ =	swait.ge [sflag:s12], $0x280  }
0x14: {  	[sflag:s12] =	ssyncset.done $0x0  }
0x15: {  	[sflag:s12] =	ssyncadd.s32 $0xFFFFFD80  }
0x16: {  	[spmem:s5] =	stream.linear.scatter [tilespmem:s11], [sflag:$0x2], $0x270, $0x38;
	[tilespmem:$0x2D78] =	vst v63  }
0x17: {  	_ =	swait.ge [sflag:s12], $0x270  }
0x18: {  	[sflag:s12] =	ssyncset.done $0x0  }
0x19: {  	s15 =	simm.s32 @!p0 $0x2880;
	[sflag:s12] =	ssyncadd.s32 $0xFFFFFD90  }
0x1a: {  	[spmem:s6] =	stream.linear.scatter @!p0 [tilespmem:s15], [sflag:$0x2], $0x10, $0x38;
	[tilespmem:$0x2D78] =	vst v63  }
0x1b: {  	s15 =	simm.s32 @!p0 $0x2  }
0x1c: {  	_ =	swait.ge @!p0 [sflag:s15], $0x10  }
0x1d: {  	[sflag:s15] =	ssyncset.done @!p0 $0x0  }
0x1e: {  	[sflag:s15] =	ssyncadd.s32 @!p0 $0xFFFFFFF0  }
0x1f: {  	[tilespmem:s13], [sflag:$0x2] =	stream.linear.gather [hbm4b:s3+s2], $0x80, $0x38;
	[tilespmem:$0x2D78] =	vst v63  }
0x20: {  	_ =	swait.ge [sflag:s12], $0x80  }
0x21: {  	[sflag:s12] =	ssyncset.done $0x0  }
0x22: {  	[sflag:s12] =	ssyncadd.s32 $0xFFFFFF80  }
0x23: {  	[tilespmem:s2], [sflag:$0x2] =	stream.linear.gather [hbm4b:s7+s2], $0x2800, $0x38;
	[tilespmem:$0x2D78] =	vst v63  }
0x24: {  	_ =	swait.ge [sflag:s12], $0x2800  }
0x25: {  	[sflag:s12] =	ssyncset.done $0x0  }
0x26: {  	[sflag:s12] =	ssyncadd.s32 $0xFFFFD800  }
0x27: {  	[bflag:$0x0] =	sbarrier.arrive $0xFFFF  }
0x28: {  	[spmem:s1] =	stream.indirect.scatter.add.f32 [tilespmem:s13], [sflag:$0x1], $0x1, s2, s14, $0xb8;
	[tilespmem:$0x2D78] =	vst v63  }
0x29: {  	s19 =	simm.s32 $0x80  }
0x2a: {  	[spmem:s1] =	stream.indirect.scatter.add.f32 [tilespmem:s13], [sflag:$0x1], $0x1, s19, s14, $0xb8;
	[tilespmem:$0x2D78] =	vst v63  }
0x2b: {  	s16 =	simm.s32 $0x100  }
0x2c: {  	[spmem:s1] =	stream.indirect.scatter.add.f32 [tilespmem:s13], [sflag:$0x1], $0x1, s16, s14, $0xb8;
	[tilespmem:$0x2D78] =	vst v63  }
0x2d: {  	s17 =	simm.s32 $0x180  }
0x2e: {  	[spmem:s1] =	stream.indirect.scatter.add.f32 [tilespmem:s13], [sflag:$0x1], $0x1, s17, s14, $0xb8;
	[tilespmem:$0x2D78] =	vst v63  }
0x2f: {  	s18 =	simm.s32 $0x200  }
0x30: {  	[spmem:s1] =	stream.indirect.scatter.add.f32 [tilespmem:s13], [sflag:$0x1], $0x1, s18, s14, $0xb8;
	[tilespmem:$0x2D78] =	vst v63  }
0x31: {  	s19 =	simm.s32 $0x280  }
0x32: {  	[spmem:s1] =	stream.indirect.scatter.add.f32 [tilespmem:s13], [sflag:$0x1], $0x1, s19, s14, $0xb8;
	[tilespmem:$0x2D78] =	vst v63  }
0x33: {  	_ = 	snop  }
0x34: {  	[spmem:s1] =	stream.indirect.scatter.add.f32 [tilespmem:s13], [sflag:$0x1], $0x1, s20, s14, $0xb8;
	[tilespmem:$0x2D78] =	vst v63  }
0x35: {  	_ = 	snop  }
0x36: {  	[spmem:s1] =	stream.indirect.scatter.add.f32 [tilespmem:s13], [sflag:$0x1], $0x1, s21, s14, $0xb8;
	[tilespmem:$0x2D78] =	vst v63  }
0x37: {  	_ = 	snop  }
0x38: {  	[spmem:s1] =	stream.indirect.scatter.add.f32 [tilespmem:s13], [sflag:$0x1], $0x1, s22, s14, $0xb8;
	[tilespmem:$0x2D78] =	vst v63  }
0x39: {  	_ = 	snop  }
0x3a: {  	[spmem:s1] =	stream.indirect.scatter.add.f32 [tilespmem:s13], [sflag:$0x1], $0x1, s23, s14, $0xb8;
	[tilespmem:$0x2D78] =	vst v63  }
0x3b: {  	_ = 	snop  }
0x3c: {  	[spmem:s1] =	stream.indirect.scatter.add.f32 [tilespmem:s13], [sflag:$0x1], $0x1, s24, s14, $0xb8;
	[tilespmem:$0x2D78] =	vst v63  }
0x3d: {  	_ = 	snop  }
0x3e: {  	[spmem:s1] =	stream.indirect.scatter.add.f32 [tilespmem:s13], [sflag:$0x1], $0x1, s25, s14, $0xb8;
	[tilespmem:$0x2D78] =	vst v63  }
0x3f: {  	_ = 	snop  }
0x40: {  	[spmem:s1] =	stream.indirect.scatter.add.f32 [tilespmem:s13], [sflag:$0x1], $0x1, s26, s14, $0xb8;
	[tilespmem:$0x2D78] =	vst v63  }
0x41: {  	_ = 	snop  }
0x42: {  	[spmem:s1] =	stream.indirect.scatter.add.f32 [tilespmem:s13], [sflag:$0x1], $0x1, s28, s14, $0xb8;
	[tilespmem:$0x2D78] =	vst v63  }
0x43: {  	_ = 	snop  }
0x44: {  	[spmem:s1] =	stream.indirect.scatter.add.f32 [tilespmem:s13], [sflag:$0x1], $0x1, s29, s14, $0xb8;
	[tilespmem:$0x2D78] =	vst v63  }
0x45: {  	_ = 	snop  }
0x46: {  	[spmem:s1] =	stream.indirect.scatter.add.f32 [tilespmem:s13], [sflag:$0x1], $0x1, s30, s14, $0xb8;
	[tilespmem:$0x2D78] =	vst v63  }
0x47: {  	s16 =	simm.s32 $0x800  }
0x48: {  	[spmem:s1] =	stream.indirect.scatter.add.f32 [tilespmem:s13], [sflag:$0x1], $0x1, s16, s14, $0xb8;
	[tilespmem:$0x2D78] =	vst v63  }
0x49: {  	s17 =	simm.s32 $0x880  }
0x4a: {  	[spmem:s1] =	stream.indirect.scatter.add.f32 [tilespmem:s13], [sflag:$0x1], $0x1, s17, s14, $0xb8;
	[tilespmem:$0x2D78] =	vst v63  }
0x4b: {  	s18 =	simm.s32 $0x900  }
0x4c: {  	[spmem:s1] =	stream.indirect.scatter.add.f32 [tilespmem:s13], [sflag:$0x1], $0x1, s18, s14, $0xb8;
	[tilespmem:$0x2D78] =	vst v63  }
0x4d: {  	s19 =	simm.s32 $0x980  }
0x4e: {  	[spmem:s1] =	stream.indirect.scatter.add.f32 [tilespmem:s13], [sflag:$0x1], $0x1, s19, s14, $0xb8;
	[tilespmem:$0x2D78] =	vst v63  }
0x4f: {  	s16 =	simm.s32 $0xA00  }
0x50: {  	[spmem:s1] =	stream.indirect.scatter.add.f32 [tilespmem:s13], [sflag:$0x1], $0x1, s16, s14, $0xb8;
	[tilespmem:$0x2D78] =	vst v63  }
0x51: {  	s17 =	simm.s32 $0xA80  }
0x52: {  	[spmem:s1] =	stream.indirect.scatter.add.f32 [tilespmem:s13], [sflag:$0x1], $0x1, s17, s14, $0xb8;
	[tilespmem:$0x2D78] =	vst v63  }
0x53: {  	s18 =	simm.s32 $0xB00  }
0x54: {  	[spmem:s1] =	stream.indirect.scatter.add.f32 [tilespmem:s13], [sflag:$0x1], $0x1, s18, s14, $0xb8;
	[tilespmem:$0x2D78] =	vst v63  }
0x55: {  	s19 =	simm.s32 $0xB80  }
0x56: {  	[spmem:s1] =	stream.indirect.scatter.add.f32 [tilespmem:s13], [sflag:$0x1], $0x1, s19, s14, $0xb8;
	[tilespmem:$0x2D78] =	vst v63  }
0x57: {  	s16 =	simm.s32 $0xC00  }
0x58: {  	[spmem:s1] =	stream.indirect.scatter.add.f32 [tilespmem:s13], [sflag:$0x1], $0x1, s16, s14, $0xb8;
	[tilespmem:$0x2D78] =	vst v63  }
0x59: {  	s17 =	simm.s32 $0xC80  }
0x5a: {  	[spmem:s1] =	stream.indirect.scatter.add.f32 [tilespmem:s13], [sflag:$0x1], $0x1, s17, s14, $0xb8;
	[tilespmem:$0x2D78] =	vst v63  }
0x5b: {  	s18 =	simm.s32 $0xD00  }
0x5c: {  	[spmem:s1] =	stream.indirect.scatter.add.f32 [tilespmem:s13], [sflag:$0x1], $0x1, s18, s14, $0xb8;
	[tilespmem:$0x2D78] =	vst v63  }
0x5d: {  	s19 =	simm.s32 $0xD80  }
0x5e: {  	[spmem:s1] =	stream.indirect.scatter.add.f32 [tilespmem:s13], [sflag:$0x1], $0x1, s19, s14, $0xb8;
	[tilespmem:$0x2D78] =	vst v63  }
0x5f: {  	s16 =	simm.s32 $0xE00  }
0x60: {  	[spmem:s1] =	stream.indirect.scatter.add.f32 [tilespmem:s13], [sflag:$0x1], $0x1, s16, s14, $0xb8;
	[tilespmem:$0x2D78] =	vst v63  }
0x61: {  	s17 =	simm.s32 $0xE80  }
0x62: {  	[spmem:s1] =	stream.indirect.scatter.add.f32 [tilespmem:s13], [sflag:$0x1], $0x1, s17, s14, $0xb8;
	[tilespmem:$0x2D78] =	vst v63  }
0x63: {  	s18 =	simm.s32 $0xF00  }
0x64: {  	[spmem:s1] =	stream.indirect.scatter.add.f32 [tilespmem:s13], [sflag:$0x1], $0x1, s18, s14, $0xb8;
	[tilespmem:$0x2D78] =	vst v63  }
0x65: {  	s19 =	simm.s32 $0xF80  }
0x66: {  	[spmem:s1] =	stream.indirect.scatter.add.f32 [tilespmem:s13], [sflag:$0x1], $0x1, s19, s14, $0xb8;
	[tilespmem:$0x2D78] =	vst v63  }
0x67: {  	_ =	swait.ge [sflag:s31], $0x7D  }
0x68: {  	[sflag:s31] =	ssyncset.done $0x0  }
0x69: {  	[sflag:s31] =	ssyncadd.s32 $0xFFFFFF83  }
0x6a: {  	_ =	swait.ge [sflag:s31], $0x7D  }
0x6b: {  	[sflag:s31] =	ssyncset.done $0x0  }
0x6c: {  	[sflag:s31] =	ssyncadd.s32 $0xFFFFFF83  }
0x6d: {  	_ =	swait.ge [sflag:s31], $0x7D  }
0x6e: {  	[sflag:s31] =	ssyncset.done $0x0  }
0x6f: {  	[sflag:s31] =	ssyncadd.s32 $0xFFFFFF83  }
0x70: {  	_ =	swait.ge [sflag:s31], $0x7D  }
0x71: {  	[sflag:s31] =	ssyncset.done $0x0  }
0x72: {  	[sflag:s31] =	ssyncadd.s32 $0xFFFFFF83  }
0x73: {  	_ =	swait.ge [sflag:s31], $0x7D  }
0x74: {  	[sflag:s31] =	ssyncset.done $0x0  }
0x75: {  	[sflag:s31] =	ssyncadd.s32 $0xFFFFFF83  }
0x76: {  	_ =	swait.ge [sflag:s31], $0x7D  }
0x77: {  	[sflag:s31] =	ssyncset.done $0x0  }
0x78: {  	[sflag:s31] =	ssyncadd.s32 $0xFFFFFF83  }
0x79: {  	_ =	swait.ge [sflag:s31], $0x7D  }
0x7a: {  	[sflag:s31] =	ssyncset.done $0x0  }
0x7b: {  	[sflag:s31] =	ssyncadd.s32 $0xFFFFFF83  }
0x7c: {  	_ =	swait.ge [sflag:s31], $0x7D  }
0x7d: {  	[sflag:s31] =	ssyncset.done $0x0  }
0x7e: {  	[sflag:s31] =	ssyncadd.s32 $0xFFFFFF83  }
0x7f: {  	_ =	swait.ge [sflag:s31], $0x7D  }
0x80: {  	[sflag:s31] =	ssyncset.done $0x0  }
0x81: {  	[sflag:s31] =	ssyncadd.s32 $0xFFFFFF83  }
0x82: {  	_ =	swait.ge [sflag:s31], $0x7D  }
0x83: {  	[sflag:s31] =	ssyncset.done $0x0  }
0x84: {  	[sflag:s31] =	ssyncadd.s32 $0xFFFFFF83  }
0x85: {  	_ =	swait.ge [sflag:s31], $0x7D  }
0x86: {  	[sflag:s31] =	ssyncset.done $0x0  }
0x87: {  	[sflag:s31] =	ssyncadd.s32 $0xFFFFFF83  }
0x88: {  	_ =	swait.ge [sflag:s31], $0x7D  }
0x89: {  	[sflag:s31] =	ssyncset.done $0x0  }
0x8a: {  	[sflag:s31] =	ssyncadd.s32 $0xFFFFFF83  }
0x8b: {  	_ =	swait.ge [sflag:s31], $0x7D  }
0x8c: {  	[sflag:s31] =	ssyncset.done $0x0  }
0x8d: {  	[sflag:s31] =	ssyncadd.s32 $0xFFFFFF83  }
0x8e: {  	_ =	swait.ge [sflag:s31], $0x7D  }
0x8f: {  	[sflag:s31] =	ssyncset.done $0x0  }
0x90: {  	[sflag:s31] =	ssyncadd.s32 $0xFFFFFF83  }
0x91: {  	_ =	swait.ge [sflag:s31], $0x7D  }
0x92: {  	[sflag:s31] =	ssyncset.done $0x0  }
0x93: {  	[sflag:s31] =	ssyncadd.s32 $0xFFFFFF83  }
0x94: {  	_ =	swait.ge [sflag:s31], $0x7D  }
0x95: {  	s15 =	simm.s32 $0x4000;
	s17 =	simm.s32 $0x800;
	[sflag:s31] =	ssyncset.done $0x0  }
.LBB2_2:
0x96: {  	s19 =	sadd.s32 $0x800, s17  }
0x97: {  	[sflag:s31] =	ssyncadd.s32 $0xFFFFFF83;
	s16 =	smov.u32 s15;
	s18 =	sadd.s32 $0x2000, s15  }
0x98: {  	[spmem:s1] =	stream.indirect.scatter.add.f32 [tilespmem:s13], [sflag:$0x1], $0x1, s19, s14, $0xb8;
	[tilespmem:$0x2D78] =	vst v63  }
0x99: {  	p1 =	sne.s32 s15, $0x6000;
	s15 =	sadd.s32 $0x880, s17  }
0x9a: {  	[spmem:s1] =	stream.indirect.scatter.add.f32 [tilespmem:s13], [sflag:$0x1], $0x1, s15, s14, $0xb8;
	[tilespmem:$0x2D78] =	vst v63  }
0x9b: {  	s15 =	sadd.s32 $0x900, s17  }
0x9c: {  	[spmem:s1] =	stream.indirect.scatter.add.f32 [tilespmem:s13], [sflag:$0x1], $0x1, s15, s14, $0xb8;
	[tilespmem:$0x2D78] =	vst v63  }
0x9d: {  	s15 =	sadd.s32 $0x980, s17  }
0x9e: {  	[spmem:s1] =	stream.indirect.scatter.add.f32 [tilespmem:s13], [sflag:$0x1], $0x1, s15, s14, $0xb8;
	[tilespmem:$0x2D78] =	vst v63  }
0x9f: {  	s15 =	sadd.s32 $0xA00, s17  }
0xa0: {  	[spmem:s1] =	stream.indirect.scatter.add.f32 [tilespmem:s13], [sflag:$0x1], $0x1, s15, s14, $0xb8;
	[tilespmem:$0x2D78] =	vst v63  }
0xa1: {  	s15 =	sadd.s32 $0xA80, s17  }
0xa2: {  	[spmem:s1] =	stream.indirect.scatter.add.f32 [tilespmem:s13], [sflag:$0x1], $0x1, s15, s14, $0xb8;
	[tilespmem:$0x2D78] =	vst v63  }
0xa3: {  	s15 =	sadd.s32 $0xB00, s17  }
0xa4: {  	[spmem:s1] =	stream.indirect.scatter.add.f32 [tilespmem:s13], [sflag:$0x1], $0x1, s15, s14, $0xb8;
	[tilespmem:$0x2D78] =	vst v63  }
0xa5: {  	s15 =	sadd.s32 $0xB80, s17  }
0xa6: {  	[spmem:s1] =	stream.indirect.scatter.add.f32 [tilespmem:s13], [sflag:$0x1], $0x1, s15, s14, $0xb8;
	[tilespmem:$0x2D78] =	vst v63  }
0xa7: {  	s15 =	sadd.s32 $0xC00, s17  }
0xa8: {  	[spmem:s1] =	stream.indirect.scatter.add.f32 [tilespmem:s13], [sflag:$0x1], $0x1, s15, s14, $0xb8;
	[tilespmem:$0x2D78] =	vst v63  }
0xa9: {  	s15 =	sadd.s32 $0xC80, s17  }
0xaa: {  	[spmem:s1] =	stream.indirect.scatter.add.f32 [tilespmem:s13], [sflag:$0x1], $0x1, s15, s14, $0xb8;
	[tilespmem:$0x2D78] =	vst v63  }
0xab: {  	s15 =	sadd.s32 $0xD00, s17  }
0xac: {  	[spmem:s1] =	stream.indirect.scatter.add.f32 [tilespmem:s13], [sflag:$0x1], $0x1, s15, s14, $0xb8;
	[tilespmem:$0x2D78] =	vst v63  }
0xad: {  	s15 =	sadd.s32 $0xD80, s17  }
0xae: {  	[spmem:s1] =	stream.indirect.scatter.add.f32 [tilespmem:s13], [sflag:$0x1], $0x1, s15, s14, $0xb8;
	[tilespmem:$0x2D78] =	vst v63  }
0xaf: {  	s15 =	sadd.s32 $0xE00, s17  }
0xb0: {  	[spmem:s1] =	stream.indirect.scatter.add.f32 [tilespmem:s13], [sflag:$0x1], $0x1, s15, s14, $0xb8;
	[tilespmem:$0x2D78] =	vst v63  }
0xb1: {  	s15 =	sadd.s32 $0xE80, s17  }
0xb2: {  	[spmem:s1] =	stream.indirect.scatter.add.f32 [tilespmem:s13], [sflag:$0x1], $0x1, s15, s14, $0xb8;
	[tilespmem:$0x2D78] =	vst v63  }
0xb3: {  	s15 =	sadd.s32 $0xF00, s17  }
0xb4: {  	[spmem:s1] =	stream.indirect.scatter.add.f32 [tilespmem:s13], [sflag:$0x1], $0x1, s15, s14, $0xb8;
	[tilespmem:$0x2D78] =	vst v63  }
0xb5: {  	s15 =	sadd.s32 $0xF80, s17  }
0xb6: {  	[spmem:s1] =	stream.indirect.scatter.add.f32 [tilespmem:s13], [sflag:$0x1], $0x1, s15, s14, $0xb8;
	[tilespmem:$0x2D78] =	vst v63  }
0xb7: {  	_ =	swait.ge [sflag:s31], $0x7D  }
0xb8: {  	[sflag:s31] =	ssyncset.done $0x0  }
0xb9: {  	[sflag:s31] =	ssyncadd.s32 $0xFFFFFF83  }
0xba: {  	_ =	swait.ge [sflag:s31], $0x7D  }
0xbb: {  	[sflag:s31] =	ssyncset.done $0x0  }
0xbc: {  	[sflag:s31] =	ssyncadd.s32 $0xFFFFFF83  }
0xbd: {  	_ =	swait.ge [sflag:s31], $0x7D  }
0xbe: {  	[sflag:s31] =	ssyncset.done $0x0  }
0xbf: {  	[sflag:s31] =	ssyncadd.s32 $0xFFFFFF83  }
0xc0: {  	_ =	swait.ge [sflag:s31], $0x7D  }
0xc1: {  	[sflag:s31] =	ssyncset.done $0x0  }
0xc2: {  	[sflag:s31] =	ssyncadd.s32 $0xFFFFFF83  }
0xc3: {  	_ =	swait.ge [sflag:s31], $0x7D  }
0xc4: {  	[sflag:s31] =	ssyncset.done $0x0  }
0xc5: {  	[sflag:s31] =	ssyncadd.s32 $0xFFFFFF83  }
0xc6: {  	_ =	swait.ge [sflag:s31], $0x7D  }
0xc7: {  	[sflag:s31] =	ssyncset.done $0x0  }
0xc8: {  	[sflag:s31] =	ssyncadd.s32 $0xFFFFFF83  }
0xc9: {  	_ =	swait.ge [sflag:s31], $0x7D  }
0xca: {  	[sflag:s31] =	ssyncset.done $0x0  }
0xcb: {  	[sflag:s31] =	ssyncadd.s32 $0xFFFFFF83  }
0xcc: {  	_ =	swait.ge [sflag:s31], $0x7D  }
0xcd: {  	[sflag:s31] =	ssyncset.done $0x0  }
0xce: {  	[sflag:s31] =	ssyncadd.s32 $0xFFFFFF83  }
0xcf: {  	_ =	swait.ge [sflag:s31], $0x7D  }
0xd0: {  	[sflag:s31] =	ssyncset.done $0x0  }
0xd1: {  	[sflag:s31] =	ssyncadd.s32 $0xFFFFFF83  }
0xd2: {  	_ =	swait.ge [sflag:s31], $0x7D  }
0xd3: {  	[sflag:s31] =	ssyncset.done $0x0  }
0xd4: {  	[sflag:s31] =	ssyncadd.s32 $0xFFFFFF83  }
0xd5: {  	_ =	swait.ge [sflag:s31], $0x7D  }
0xd6: {  	[sflag:s31] =	ssyncset.done $0x0  }
0xd7: {  	[sflag:s31] =	ssyncadd.s32 $0xFFFFFF83  }
0xd8: {  	_ =	swait.ge [sflag:s31], $0x7D  }
0xd9: {  	[sflag:s31] =	ssyncset.done $0x0  }
0xda: {  	[sflag:s31] =	ssyncadd.s32 $0xFFFFFF83  }
0xdb: {  	_ =	swait.ge [sflag:s31], $0x7D  }
0xdc: {  	[sflag:s31] =	ssyncset.done $0x0  }
0xdd: {  	[sflag:s31] =	ssyncadd.s32 $0xFFFFFF83  }
0xde: {  	_ =	swait.ge [sflag:s31], $0x7D  }
0xdf: {  	[sflag:s31] =	ssyncset.done $0x0  }
0xe0: {  	[sflag:s31] =	ssyncadd.s32 $0xFFFFFF83  }
.Ltmp0:
0xe1: {  	_ =	swait.ge [sflag:s31], $0x7D;
	(pc) =	sbr.rel @p1 .LBB2_2-.Ltmp0, $4  }
0xe2: {  	[sflag:s31] =	ssyncset.done $0x0  }
0xe3: {  	[sflag:s31] =	ssyncadd.s32 $0xFFFFFF83  }
0xe4: {  	_ =	swait.ge [sflag:s31], $0x7D  }
0xe5: {  	s17 =	sshra.s32 s16, $0x2;
	s15 =	smov.u32 s18;
	[sflag:s31] =	ssyncset.done $0x0  }
0xe6: {  	s15 =	sadd.s32 $0x800, s17;
	[sflag:s31] =	ssyncadd.s32 $0xFFFFFF83  }
0xe7: {  	[spmem:s1] =	stream.indirect.scatter.add.f32 [tilespmem:s13], [sflag:$0x1], $0x1, s15, s14, $0xb8;
	[tilespmem:$0x2D78] =	vst v63  }
0xe8: {  	s16 =	sadd.s32 $0x880, s17  }
0xe9: {  	[spmem:s1] =	stream.indirect.scatter.add.f32 [tilespmem:s13], [sflag:$0x1], $0x1, s16, s14, $0xb8;
	[tilespmem:$0x2D78] =	vst v63  }
0xea: {  	s18 =	sadd.s32 $0x900, s17  }
0xeb: {  	[spmem:s1] =	stream.indirect.scatter.add.f32 [tilespmem:s13], [sflag:$0x1], $0x1, s18, s14, $0xb8;
	[tilespmem:$0x2D78] =	vst v63  }
0xec: {  	s19 =	sadd.s32 $0x980, s17  }
0xed: {  	[spmem:s1] =	stream.indirect.scatter.add.f32 [tilespmem:s13], [sflag:$0x1], $0x1, s19, s14, $0xb8;
	[tilespmem:$0x2D78] =	vst v63  }
0xee: {  	s16 =	sadd.s32 $0xA00, s17  }
0xef: {  	[spmem:s1] =	stream.indirect.scatter.add.f32 [tilespmem:s13], [sflag:$0x1], $0x1, s16, s14, $0xb8;
	[tilespmem:$0x2D78] =	vst v63  }
0xf0: {  	s18 =	sadd.s32 $0xA80, s17  }
0xf1: {  	[spmem:s1] =	stream.indirect.scatter.add.f32 [tilespmem:s13], [sflag:$0x1], $0x1, s18, s14, $0xb8;
	[tilespmem:$0x2D78] =	vst v63  }
0xf2: {  	s19 =	sadd.s32 $0xB00, s17  }
0xf3: {  	[spmem:s1] =	stream.indirect.scatter.add.f32 [tilespmem:s13], [sflag:$0x1], $0x1, s19, s14, $0xb8;
	[tilespmem:$0x2D78] =	vst v63  }
0xf4: {  	s16 =	sadd.s32 $0xB80, s17  }
0xf5: {  	[spmem:s1] =	stream.indirect.scatter.add.f32 [tilespmem:s13], [sflag:$0x1], $0x1, s16, s14, $0xb8;
	[tilespmem:$0x2D78] =	vst v63  }
0xf6: {  	s18 =	sadd.s32 $0xC00, s17  }
0xf7: {  	[spmem:s1] =	stream.indirect.scatter.add.f32 [tilespmem:s13], [sflag:$0x1], $0x1, s18, s14, $0xb8;
	[tilespmem:$0x2D78] =	vst v63  }
0xf8: {  	s19 =	sadd.s32 $0xC80, s17  }
0xf9: {  	[spmem:s1] =	stream.indirect.scatter.add.f32 [tilespmem:s13], [sflag:$0x1], $0x1, s19, s14, $0xb8;
	[tilespmem:$0x2D78] =	vst v63  }
0xfa: {  	s16 =	sadd.s32 $0xD00, s17  }
0xfb: {  	[spmem:s1] =	stream.indirect.scatter.add.f32 [tilespmem:s13], [sflag:$0x1], $0x1, s16, s14, $0xb8;
	[tilespmem:$0x2D78] =	vst v63  }
0xfc: {  	s18 =	sadd.s32 $0xD80, s17  }
0xfd: {  	[spmem:s1] =	stream.indirect.scatter.add.f32 [tilespmem:s13], [sflag:$0x1], $0x1, s18, s14, $0xb8;
	[tilespmem:$0x2D78] =	vst v63  }
0xfe: {  	s19 =	sadd.s32 $0xE00, s17  }
0xff: {  	[spmem:s1] =	stream.indirect.scatter.add.f32 [tilespmem:s13], [sflag:$0x1], $0x1, s19, s14, $0xb8;
	[tilespmem:$0x2D78] =	vst v63  }
0x100: {  	s16 =	sadd.s32 $0xE80, s17  }
0x101: {  	[spmem:s1] =	stream.indirect.scatter.add.f32 [tilespmem:s13], [sflag:$0x1], $0x1, s16, s14, $0xb8;
	[tilespmem:$0x2D78] =	vst v63  }
0x102: {  	s18 =	sadd.s32 $0xF00, s17  }
0x103: {  	[spmem:s1] =	stream.indirect.scatter.add.f32 [tilespmem:s13], [sflag:$0x1], $0x1, s18, s14, $0xb8;
	[tilespmem:$0x2D78] =	vst v63  }
0x104: {  	s19 =	sadd.s32 $0xF80, s17  }
0x105: {  	[spmem:s1] =	stream.indirect.scatter.add.f32 [tilespmem:s13], [sflag:$0x1], $0x1, s19, s14, $0xb8;
	[tilespmem:$0x2D78] =	vst v63  }
0x106: {  	_ =	swait.ge [sflag:s31], $0x7D  }
0x107: {  	[sflag:s31] =	ssyncset.done $0x0  }
0x108: {  	[sflag:s31] =	ssyncadd.s32 $0xFFFFFF83  }
0x109: {  	_ =	swait.ge [sflag:s31], $0x7D  }
0x10a: {  	[sflag:s31] =	ssyncset.done $0x0  }
0x10b: {  	[sflag:s31] =	ssyncadd.s32 $0xFFFFFF83  }
0x10c: {  	_ =	swait.ge [sflag:s31], $0x7D  }
0x10d: {  	[sflag:s31] =	ssyncset.done $0x0  }
0x10e: {  	[sflag:s31] =	ssyncadd.s32 $0xFFFFFF83  }
0x10f: {  	_ =	swait.ge [sflag:s31], $0x7D  }
0x110: {  	[sflag:s31] =	ssyncset.done $0x0  }
0x111: {  	[sflag:s31] =	ssyncadd.s32 $0xFFFFFF83  }
0x112: {  	_ =	swait.ge [sflag:s31], $0x7D  }
0x113: {  	[sflag:s31] =	ssyncset.done $0x0  }
0x114: {  	[sflag:s31] =	ssyncadd.s32 $0xFFFFFF83  }
0x115: {  	_ =	swait.ge [sflag:s31], $0x7D  }
0x116: {  	[sflag:s31] =	ssyncset.done $0x0  }
0x117: {  	[sflag:s31] =	ssyncadd.s32 $0xFFFFFF83  }
0x118: {  	_ =	swait.ge [sflag:s31], $0x7D  }
0x119: {  	[sflag:s31] =	ssyncset.done $0x0  }
0x11a: {  	[sflag:s31] =	ssyncadd.s32 $0xFFFFFF83  }
0x11b: {  	_ =	swait.ge [sflag:s31], $0x7D  }
0x11c: {  	[sflag:s31] =	ssyncset.done $0x0  }
0x11d: {  	[sflag:s31] =	ssyncadd.s32 $0xFFFFFF83  }
0x11e: {  	_ =	swait.ge [sflag:s31], $0x7D  }
0x11f: {  	[sflag:s31] =	ssyncset.done $0x0  }
0x120: {  	[sflag:s31] =	ssyncadd.s32 $0xFFFFFF83  }
0x121: {  	_ =	swait.ge [sflag:s31], $0x7D  }
0x122: {  	[sflag:s31] =	ssyncset.done $0x0  }
0x123: {  	[sflag:s31] =	ssyncadd.s32 $0xFFFFFF83  }
0x124: {  	_ =	swait.ge [sflag:s31], $0x7D  }
0x125: {  	[sflag:s31] =	ssyncset.done $0x0  }
0x126: {  	[sflag:s31] =	ssyncadd.s32 $0xFFFFFF83  }
0x127: {  	_ =	swait.ge [sflag:s31], $0x7D  }
0x128: {  	[sflag:s31] =	ssyncset.done $0x0  }
0x129: {  	[sflag:s31] =	ssyncadd.s32 $0xFFFFFF83  }
0x12a: {  	_ =	swait.ge [sflag:s31], $0x7D  }
0x12b: {  	[sflag:s31] =	ssyncset.done $0x0  }
0x12c: {  	[sflag:s31] =	ssyncadd.s32 $0xFFFFFF83  }
0x12d: {  	_ =	swait.ge [sflag:s31], $0x7D  }
0x12e: {  	[sflag:s31] =	ssyncset.done $0x0  }
0x12f: {  	[sflag:s31] =	ssyncadd.s32 $0xFFFFFF83  }
0x130: {  	_ =	swait.ge [sflag:s31], $0x7D  }
0x131: {  	[sflag:s31] =	ssyncset.done $0x0  }
0x132: {  	[sflag:s31] =	ssyncadd.s32 $0xFFFFFF83  }
0x133: {  	_ =	swait.ge [sflag:s31], $0x7D  }
0x134: {  	[sflag:s31] =	ssyncset.done $0x0  }
0x135: {  	[sflag:s31] =	ssyncadd.s32 $0xFFFFFF83  }
0x136: {  	_ =	swait.ge [sflag:s31], $0x7D  }
0x137: {  	[sflag:s31] =	ssyncset.done $0x0  }
0x138: {  	[sflag:s31] =	ssyncadd.s32 $0xFFFFFF83  }
0x139: {  	_ =	swait.ge [sflag:s31], $0x7D  }
0x13a: {  	[sflag:s31] =	ssyncset.done $0x0  }
0x13b: {  	[sflag:s31] =	ssyncadd.s32 $0xFFFFFF83  }
0x13c: {  	_ =	swait.ge [sflag:s31], $0x7D  }
0x13d: {  	[sflag:s31] =	ssyncset.done $0x0  }
0x13e: {  	[sflag:s31] =	ssyncadd.s32 $0xFFFFFF83  }
0x13f: {  	_ =	swait.ge [sflag:s31], $0x7D  }
0x140: {  	[sflag:s31] =	ssyncset.done $0x0  }
0x141: {  	[sflag:s31] =	ssyncadd.s32 $0xFFFFFF83  }
0x142: {  	_ =	swait.ge [sflag:s31], $0x7D  }
0x143: {  	[sflag:s31] =	ssyncset.done $0x0  }
0x144: {  	[sflag:s31] =	ssyncadd.s32 $0xFFFFFF83  }
0x145: {  	_ =	swait.ge [sflag:s31], $0x7D  }
0x146: {  	[sflag:s31] =	ssyncset.done $0x0  }
0x147: {  	[sflag:s31] =	ssyncadd.s32 $0xFFFFFF83  }
0x148: {  	_ =	swait.ge [sflag:s31], $0x7D  }
0x149: {  	[sflag:s31] =	ssyncset.done $0x0  }
0x14a: {  	[sflag:s31] =	ssyncadd.s32 $0xFFFFFF83  }
0x14b: {  	_ =	swait.ge [sflag:s31], $0x7D  }
0x14c: {  	[sflag:s31] =	ssyncset.done $0x0  }
0x14d: {  	[sflag:s31] =	ssyncadd.s32 $0xFFFFFF83  }
0x14e: {  	_ =	swait.ge [sflag:s31], $0x7D  }
0x14f: {  	[sflag:s31] =	ssyncset.done $0x0  }
0x150: {  	[sflag:s31] =	ssyncadd.s32 $0xFFFFFF83  }
0x151: {  	_ =	swait.ge [sflag:s31], $0x7D  }
0x152: {  	[sflag:s31] =	ssyncset.done $0x0  }
0x153: {  	[sflag:s31] =	ssyncadd.s32 $0xFFFFFF83  }
0x154: {  	_ =	swait.ge [sflag:s31], $0x7D  }
0x155: {  	[sflag:s31] =	ssyncset.done $0x0  }
0x156: {  	[sflag:s31] =	ssyncadd.s32 $0xFFFFFF83  }
0x157: {  	_ =	swait.ge [sflag:s31], $0x7D  }
0x158: {  	[sflag:s31] =	ssyncset.done $0x0  }
0x159: {  	[sflag:s31] =	ssyncadd.s32 $0xFFFFFF83  }
0x15a: {  	_ =	swait.ge [sflag:s31], $0x7D  }
0x15b: {  	[sflag:s31] =	ssyncset.done $0x0  }
0x15c: {  	[sflag:s31] =	ssyncadd.s32 $0xFFFFFF83  }
0x15d: {  	_ =	swait.ge [sflag:s31], $0x7D  }
0x15e: {  	[sflag:s31] =	ssyncset.done $0x0  }
0x15f: {  	[sflag:s31] =	ssyncadd.s32 $0xFFFFFF83  }
0x160: {  	_ =	swait.ge [sflag:s31], $0x7D  }
0x161: {  	[sflag:s31] =	ssyncset.done $0x0  }
0x162: {  	[sflag:s31] =	ssyncadd.s32 $0xFFFFFF83  }
0x163: {  	_ =	swait.ge [sflag:s31], $0x7D  }
0x164: {  	[sflag:s31] =	ssyncset.done $0x0  }
0x165: {  	[sflag:s31] =	ssyncadd.s32 $0xFFFFFF83  }
0x166: {  	[bflag:$0x0] =	sbarrier.arrive $0xFFFF  }
0x167: {  	[tilespmem:s11], [sflag:$0x2] =	stream.linear.gather [spmem:s5], $0x270, $0x38;
	[tilespmem:$0x2D78] =	vst v63  }
0x168: {  	_ =	swait.ge [sflag:s12], $0x270  }
0x169: {  	[sflag:s12] =	ssyncset.done $0x0  }
0x16a: {  	[sflag:s12] =	ssyncadd.s32 $0xFFFFFD90  }
0x16b: {  	[hbm4b:s8+s2] =	stream.linear.scatter [tilespmem:s11], [sflag:$0x2], $0x270, $0x38;
	[tilespmem:$0x2D78] =	vst v63  }
0x16c: {  	_ =	swait.ge [sflag:s12], $0x270  }
0x16d: {  	[sflag:s12] =	ssyncset.done $0x0  }
0x16e: {  	s15 =	simm.s32 @!p0 $0x2880;
	s16 =	simm.s32 @!p0 $0x2;
	[sflag:s12] =	ssyncadd.s32 $0xFFFFFD90  }
0x16f: {  	[tilespmem:s15], [sflag:$0x2] =	stream.linear.gather @!p0 [spmem:s6], $0x10, $0x38;
	[tilespmem:$0x2D78] =	vst v63  }
0x170: {  	s0 =	sadd.s32 $0x1, s0;
	_ =	swait.ge @!p0 [sflag:s16], $0x10  }
0x171: {  	p1 =	sne.s32 s0, s10;
	[sflag:s16] =	ssyncset.done @!p0 $0x0  }
.Ltmp1:
0x172: {  	s17 =	simm.s32 @!p0 $0x0;
	[sflag:s16] =	ssyncadd.s32 @!p0 $0xFFFFFFF0;
	(pc) =	sbr.rel @p1 .LBB2_1-.Ltmp1, $4  }
0x173: {  	[hbm4b:s9+s17] =	stream.linear.scatter @!p0 [tilespmem:s15], [sflag:$0x2], $0x10, $0x38;
	[tilespmem:$0x2D78] =	vst v63  }
0x174: {  	_ =	swait.ge @!p0 [sflag:s16], $0x10  }
0x175: {  	[sflag:s16] =	ssyncset.done @!p0 $0x0  }
0x176: {  	[sflag:s16] =	ssyncadd.s32 @!p0 $0xFFFFFFF0  }
0x177: {  	_ =	sfence.sel $0x180000  }
0x178: {  	[bflag:$0x0] =	sbarrier.arrive $0xFFFF  }
0x179: {  	_ =	strace $0x90000047  }
0x17a: {  	[bflag:$0x2] =	sbarrier.arrive $0xFFFF  }
0x17b: {  	s0 =	rddreg [dreg:$0x3]  }
0x17c: {  	s0 =	sadd.s32 @!p0 $0x100000, s0  }
0x17d: {  	[sflag:s0] =	ssyncadd.tile.s32 @!p0 $0x1;
	_ =	shalt  }
.Lfunc_end2:
_tile_overlayer_lowered:
.L_overlay_start_2:
0x17e: {  	(tag) =	ssettag $0x2  }
0x17f: {  	s0 =	rddreg [dreg:$0x0];
	s2 =	stileid.u32  }
0x180: {  	s1 =	rddreg [dreg:$0x1];
	p0 =	sne.s32 s2, $0x0  }
0x181: {  	s3 =	rddreg [dreg:$0x2];
	[bflag:$0x3] =	sbarrier.arrive $0xFFFF;
	s2 =	simm.s32 @!p0 $0x1C02  }
0x182: {  	[timem:s3], [sflag:s2] =	dma.local @!p0 [hbm:s0], s1  }
0x183: {  	s0 =	simm.s32 @!p0 $0x2  }
0x184: {  	_ =	swait.ge @!p0 [sflag:s0], s1  }
0x185: {  	s1 =	ssub.s32 @!p0 $0x0, s1;
	[sflag:s0] =	ssyncset.done @!p0 $0x0  }
0x186: {  	[sflag:s0] =	ssyncadd.s32 @!p0 s1  }
0x187: {  	[bflag:$0x3] =	sbarrier.arrive $0xFFFF  }
0x188: {  	_ =	shalt  }

// kernel: kernel.9.cloned.1.call-start
scs
__scs_entry_jumppad:
0x0: {  	(pc) =	sbr.rel $0x88, $3  }
0x1: {  	(tag) =	ssettag $0x0;
	lr =	simm.s32 $0x1  }
0x2: {  	[smem:$0x3F9B] =	sst lr;
	_ =	strace $0xD0000000  }
0x3: {  	_ = 	snop  }
0x4: {  	_ = 	snop  }
0x5: {  	_ = 	snop  }
0x6: {  	_ = 	snop  }
0x7: {  	_ = 	snop  }
__scs_overlays_trampoline_lowered:
0x8: {  	[smem:$0x3FAA] =	sst s0  }
0x9: {  	[smem:$0x3FAB] =	sst s1  }
0xa: {  	[smem:$0x3FAC] =	sst s2  }
0xb: {  	[smem:$0x3FAD] =	sst s3  }
0xc: {  	[smem:$0x3FAE] =	sst s4  }
0xd: {  	[smem:$0x3FAF] =	sst s5  }
0xe: {  	[smem:$0x3FB0] =	sst s6  }
0xf: {  	[smem:$0x3FB1] =	sst s7  }
0x10: {  	[smem:$0x3FB2] =	sst s8  }
0x11: {  	[smem:$0x3FB3] =	sst s9;
	s0 =	simm.s32 @!p0 $0x0  }
0x12: {  	s1 =	sld [smem:$0x3F99];
	s0 =	simm.s32 @p0 $0x1  }
0x13: {  	[smem:$0x3FB4] =	sst s0;
	s0 =	simm.s32 @!p1 $0x0  }
0x14: {  	s2 =	sld [smem:$0x3F98];
	s0 =	simm.s32 @p1 $0x1  }
0x15: {  	[smem:$0x3FB5] =	sst s0;
	s0 =	simm.s32 @!p2 $0x0  }
0x16: {  	s3 =	sld [smem:$0x3FDB];
	s0 =	simm.s32 @p2 $0x1  }
0x17: {  	s4 =	simm.s32 $0x1BF5;
	[smem:$0x3FB7] =	sst s0  }
0x18: {  	s0 =	sld [smem:$0x3F9A];
	_ =	swait.ge [sflag:s4], $0x0  }
0x19: {  	s7 =	sld [smem:$0x3F9B]  }
0x1a: {  	s8 =	sadd.s32 $0xFFFFE003, lr  }
0x1b: {  	s9 =	sadd.s32 $0xFFFFFEF7, lr;
	s5 =	simm.s32 $0xFFFFFFFF;
	p2 =	slt.u32 s8, $0xFFFFF086  }
0x1c: {  	p1 =	slt.u32 s9, $0xF7A;
	s5 =	simm.s32 @!p2 $0x0  }
0x1d: {  	s5 =	simm.s32 @p1 $0x1;
	p0 =	seq.s32 s7, s2  }
0x1e: {  	s7 =	smul.u32 @!p0 $0xF7A, s2;
	p2 =	seq.s32 @!p0 s5, $0x0  }
0x1f: {  	s9 =	smul.u32 $0xF7A, s1;
	s8 =	simm.s32 @!p0 $0x1BF5;
	p2 =	por !p2, p0  }
0x20: {  	[sflag:s8] =	ssyncset.s32 @!p0 $0xFFFFF086;
	s6 =	sadd.s32 @!p0 s3, s7;
	s7 =	simm.s32 @!p0 $0x108  }
0x21: {  	s3 =	sadd.s32 s3, s9;
	s6 =	sadd.s32 @!p0 $0x88, s6;
	s7 =	simm.s32 @p2 $0x1082  }
0x22: {  	[simem:s7], [sflag:s8] =	dma.local @!p0 [hbm:s6], $0xF7A  }
0x23: {  	s9 =	sor.u32 $0xD0000000, s2;
	s6 =	simm.s32 $0x108;
	_ =	swait.ge @!p0 [sflag:s8], $0x0  }
0x24: {  	s3 =	sadd.s32 $0x88, s3;
	s6 =	simm.s32 @!p1 $0x1082;
	[sflag:s4] =	ssyncset.s32 $0xFFFFF086  }
0x25: {  	[simem:s6], [sflag:s4] =	dma.local [hbm:s3], $0xF7A  }
0x26: {  	[smem:$0x3F9B] =	sst s1;
	(tag) =	ssettag s2;
	_ =	strace s9  }
0x27: {  	s1 =	sld [smem:$0x3FAB]  }
0x28: {  	s2 =	sld [smem:$0x3FAC]  }
0x29: {  	s4 =	sld [smem:$0x3FAE]  }
0x2a: {  	p0 =	seq.s32 s5, $0x0;
	s5 =	sld [smem:$0x3FAF]  }
0x2b: {  	s6 =	sld [smem:$0x3FB0]  }
0x2c: {  	s7 =	sld [smem:$0x3FB1]  }
0x2d: {  	s3 =	simm.s32 $0x108;
	s8 =	sld [smem:$0x3FB2]  }
0x2e: {  	s3 =	simm.s32 @!p0 $0x1082;
	s9 =	sld [smem:$0x3FB3]  }
0x2f: {  	lr =	sadd.s32 s0, s3;
	s0 =	sld [smem:$0x3FAA]  }
0x30: {  	s3 =	sld [smem:$0x3FAD]  }
0x31: {  	[smem:$0x3FB6] =	sst s10  }
0x32: {  	s10 =	sld [smem:$0x3FB4];
	_ =	sdelay $0x3  }
0x33: {  	p0 =	seq.s32 s10, $0x1;
	s10 =	sld [smem:$0x3FB6];
	_ =	sdelay $0x3  }
0x34: {  	[smem:$0x3FB6] =	sst s10  }
0x35: {  	s10 =	sld [smem:$0x3FB5];
	_ =	sdelay $0x3  }
0x36: {  	p1 =	seq.s32 s10, $0x1;
	s10 =	sld [smem:$0x3FB6];
	_ =	sdelay $0x3  }
0x37: {  	[smem:$0x3FB6] =	sst s10  }
0x38: {  	s10 =	sld [smem:$0x3FB7]  }
0x39: {  	_ = 	snop;
	(pc) =	sbr.ind lr, $3  }
0x3a: {  	_ = 	snop  }
0x3b: {  	_ = 	snop  }
0x3c: {  	p2 =	seq.s32 s10, $0x1;
	s10 =	sld [smem:$0x3FB6]  }
0x3d: {  	_ =	shalt  }
0x3e: {  	_ =	shalt  }
0x3f: {  	_ =	shalt  }
0x40: {  	_ =	shalt  }
0x41: {  	_ =	shalt  }
0x42: {  	_ =	shalt  }
0x43: {  	_ =	shalt  }
0x44: {  	_ =	shalt  }
0x45: {  	_ =	shalt  }
0x46: {  	_ =	shalt  }
0x47: {  	_ =	shalt  }
0x48: {  	_ =	shalt  }
0x49: {  	_ =	shalt  }
0x4a: {  	_ =	shalt  }
0x4b: {  	_ =	shalt  }
0x4c: {  	_ =	shalt  }
0x4d: {  	_ =	shalt  }
0x4e: {  	_ =	shalt  }
0x4f: {  	_ =	shalt  }
0x50: {  	_ =	shalt  }
0x51: {  	_ =	shalt  }
0x52: {  	_ =	shalt  }
0x53: {  	_ =	shalt  }
0x54: {  	_ =	shalt  }
0x55: {  	_ =	shalt  }
0x56: {  	_ =	shalt  }
0x57: {  	_ =	shalt  }
0x58: {  	_ =	shalt  }
0x59: {  	_ =	shalt  }
0x5a: {  	_ =	shalt  }
0x5b: {  	_ =	shalt  }
0x5c: {  	_ =	shalt  }
0x5d: {  	_ =	shalt  }
0x5e: {  	_ =	shalt  }
0x5f: {  	_ =	shalt  }
0x60: {  	_ =	shalt  }
0x61: {  	_ =	shalt  }
0x62: {  	_ =	shalt  }
0x63: {  	_ =	shalt  }
0x64: {  	_ =	shalt  }
0x65: {  	_ =	shalt  }
0x66: {  	_ =	shalt  }
0x67: {  	_ =	shalt  }
0x68: {  	_ =	shalt  }
0x69: {  	_ =	shalt  }
0x6a: {  	_ =	shalt  }
0x6b: {  	_ =	shalt  }
0x6c: {  	_ =	shalt  }
0x6d: {  	_ =	shalt  }
0x6e: {  	_ =	shalt  }
0x6f: {  	_ =	shalt  }
0x70: {  	_ =	shalt  }
0x71: {  	_ =	shalt  }
0x72: {  	_ =	shalt  }
0x73: {  	_ =	shalt  }
0x74: {  	_ =	shalt  }
0x75: {  	_ =	shalt  }
0x76: {  	_ =	shalt  }
0x77: {  	_ =	shalt  }
0x78: {  	_ =	shalt  }
0x79: {  	_ =	shalt  }
0x7a: {  	_ =	shalt  }
0x7b: {  	_ =	shalt  }
0x7c: {  	_ =	shalt  }
0x7d: {  	_ =	shalt  }
0x7e: {  	_ =	shalt  }
0x7f: {  	_ =	shalt  }
0x80: {  	_ =	shalt  }
0x81: {  	_ =	shalt  }
0x82: {  	_ =	shalt  }
0x83: {  	_ =	shalt  }
0x84: {  	_ =	shalt  }
0x85: {  	_ =	shalt  }
0x86: {  	_ =	shalt  }
0x87: {  	_ =	shalt  }
.Lfunc_end0:
.L_simem_size_0:
called_computation.1_lowered:
.L_overlay_start_0:
0x88: {  	s2 =	sld [smem:$0x3FD9]  }
0x89: {  	s3 =	sld [smem:$0x3FFE];
	_ =	sdelay $0x1  }
0x8a: {  	s1 =	srdreg.scid  }
0x8b: {  	s0 =	sand.u32 $0x1, s1  }
0x8c: {  	s17 =	sshll.u32 s0, $0xA;
	s2 =	sadd.s32 s3, s2  }
0x8d: {  	s2 =	sadd.s32 s2, s17  }
0x8e: {  	[smem:$0x3FC2] =	sst s2  }
0x8f: {  	_ = 	snop  }
0x90: {  	s2 =	sld [smem:$0x3FD0];
	(tm) =	ssettm $0x1  }
0x91: {  	s18 =	sld [smem:$0x3FFB];
	_ =	sdelay $0x3  }
0x92: {  	_ =	strace s18  }
0x93: {  	s3 =	sld [smem:$0x3FFC];
	_ =	sdelay $0x3  }
0x94: {  	_ =	strace s3  }
0x95: {  	s3 =	sld [smem:$0x3FFD];
	_ =	sdelay $0x3  }
0x96: {  	_ =	strace s3  }
0x97: {  	_ =	strace $0x8FFFFFFF  }
0x98: {  	s19 =	sld [smem:$0x3FDB];
	_ =	sdelay $0x1  }
0x99: {  	s4 =	simm.s32 $_scs_section_size  }
0x9a: {  	s5 =	simm.s32 $_size__tile_overlayer_lowered;
	s6 =	simm.s32 $_tile_overlayer_lowered  }
0x9b: {  	s22 =	simm.s32 $0x1BFF;
	s21 =	sshll.u32 s6, $0x1;
	s3 =	sadd.s32 s4, s19  }
0x9c: {  	s7 =	simm.s32 $0x0;
	s20 =	sshll.u32 s5, $0x1;
	s5 =	sadd.s32 s21, s3  }
0x9d: {  	[timem:s7], [sflag:s22] =	dma.local [hbm:s5], s20  }
0x9e: {  	_ =	swait.ge [sflag:s22], s20  }
0x9f: {  	s4 =	ssub.s32 $0x0, s20;
	[sflag:s22] =	ssyncset.done $0x0  }
0xa0: {  	[sflag:s22] =	ssyncadd.s32 s4;
	_ =	sdelay $0x1  }
0xa1: {  	s23 =	simm.s32 $0x1B8B  }
0xa2: {  	_ =	swait.ge [sflag:s23], $0x1  }
0xa3: {  	[sflag:s23] =	ssyncset.done $0x0  }
0xa4: {  	s25 =	simm.s32 $0x1B8E;
	s24 =	sld [smem:$0x3FFE];
	[sflag:s23] =	ssyncadd.s32 $0xFFFFFFFF  }
0xa5: {  	s26 =	simm.s32 $execute0_lowered;
	[smem:$0x3FD2] =	sst s25  }
0xa6: {  	s5 =	sshll.u32 s26, $0x1;
	_ =	strace $0x80000049;
	[dreg:$0x1] =	wrdreg $0xFFFFFFFF  }
0xa7: {  	s28 =	simm.s32 $_size_execute0_lowered;
	s3 =	sadd.s32 s3, s5;
	[dreg:$0x0] =	wrdreg $0x0  }
0xa8: {  	s5 =	sshll.u32 s28, $0x1;
	[dreg:$0x2] =	wrdreg s3  }
0xa9: {  	[dreg:$0x3] =	wrdreg s5  }
0xaa: {  	[dreg:$0x4] =	wrdreg $0xC0  }
0xab: {  	_ =	task [dreg:s7], $0x5FFFF  }
0xac: {  	[dreg:$0x1] =	wrdreg $0xFFFFFFFF  }
0xad: {  	[dreg:$0x0] =	wrdreg $0x60  }
0xae: {  	[dreg:$0x2] =	wrdreg s24  }
0xaf: {  	[dreg:$0x3] =	wrdreg s2  }
0xb0: {  	[dreg:$0x4] =	wrdreg $0xA8000  }
0xb1: {  	[dreg:$0x5] =	wrdreg $0x9  }
0xb2: {  	_ =	task.clear_ibuf [dreg:s7], $0x6FFFF;
	_ =	strace $0x90000049  }
0xb3: {  	s29 =	simm.s32 $0x9;
	_ =	strace $0x8000004B  }
0xb4: {  	_ =	swait.ge [sflag:s29], $0x1  }
0xb5: {  	[sflag:s29] =	ssyncadd.s32 $0xFFFFFFFF  }
0xb6: {  	_ =	strace $0x9000004B  }
0xb7: {  	_ =	sfence  }
0xb8: {  	s30 =	sld [smem:$0x0];
	_ =	sdelay $0x2  }
0xb9: {  	s31 =	sshll.u32 s1, $0xD;
	s1 =	sshrl.u32 s1, $0x2  }
0xba: {  	s3 =	sand.u32 $0x4000, s31;
	s1 =	sadd.s32 s1, s30  }
0xbb: {  	s0 =	sor.u32 s3, s0;
	s1 =	sshll.u32 s1, $0x11  }
0xbc: {  	s0 =	sor.u32 s1, s0  }
0xbd: {  	s0 =	sadd.s32 $0x8F2B, s0  }
0xbe: {  	[sflag:s0] =	ssyncadd.remote.s32 $0x1  }
0xbf: {  	_ =	sfence.sel $0xFFFF  }
0xc0: {  	[dreg:$0x0] =	wrdreg $0xFFFFFFFF;
	(pc) =	sbr.abs _section_cstart, $3  }
0xc1: {  	[dreg:$0x1] =	wrdreg $0xFFFFFFFF  }
0xc2: {  	_ =	task.clear_ibuf [dreg:s7], $0x2FFFF;
	_ =	strace $0x9FFFFFFF  }
0xc3: {  	(tm) =	ssettm $0x7FFFFFFF  }
tec
execute0_lowered:
.L_overlay_start_1:
0x0: {  	(tag) =	ssettag $0x1  }
0x1: {  	s1 =	srdreg.scid  }
0x2: {  	s6 =	sand.u32 $0x1, s1  }
0x3: {  	s0 =	rddreg [dreg:$0x0];
	s5 =	stileid.u32;
	s3 =	sshll.u32 s6, $0x4  }
0x4: {  	s2 =	rddreg [dreg:$0x2];
	s4 =	sor.u32 s5, s3  }
0x5: {  	s1 =	rddreg [dreg:$0x1];
	s4 =	smul.u32 $0x2710, s4  }
0x6: {  	s7 =	sadd.s32 $0x1600, s0;
	s9 =	sadd.s32 $0xB400, s0;
	s13 =	smul.u32 $0x2710, s5  }
0x7: {  	s10 =	ssub.s32 $0x2, s6;
	s3 =	simm.s32 $0x0;
	s8 =	sshrl.u32 s4, $0x3  }
0x8: {  	s25 =	smul.u32 $0x27100, s6;
	[smem:$0x7FF] =	sst s3;
	s11 =	sadd.s32 $0xA, s8  }
0x9: {  	s21 =	sshrl.u32 s10, $0x1;
	_ =	strace $0x8000004A;
	s22 =	sadd.s32 s7, s11  }
0xa: {  	s24 =	sadd.s32 $0x14, s8;
	s23 =	sadd.s32 s9, s11;
	[dreg:$0x14] =	wrdreg s22  }
0xb: {  	s4 =	ssub.s32 s10, s21;
	s12 =	sadd.s32 s7, s24;
	[dreg:$0x15] =	wrdreg s23  }
0xc: {  	s26 =	sadd.s32 $0x1E, s8;
	s10 =	sadd.s32 s9, s24;
	[dreg:$0x16] =	wrdreg s12  }
0xd: {  	s31 =	sadd.s32 $0x28, s8;
	s28 =	sadd.s32 s7, s26;
	[dreg:$0x17] =	wrdreg s10  }
0xe: {  	s15 =	sadd.s32 $0x32, s8;
	s14 =	sadd.s32 s7, s31;
	[dreg:$0x18] =	wrdreg s28  }
0xf: {  	s17 =	sadd.s32 s7, s15;
	[dreg:$0x1a] =	wrdreg s14  }
0x10: {  	s11 =	sadd.s32 s13, s25;
	s12 =	sadd.s32 s9, s26;
	[dreg:$0x1c] =	wrdreg s17  }
0x11: {  	s10 =	sadd.s32 s9, s31;
	s16 =	sadd.s32 $0x690, s11;
	[dreg:$0x19] =	wrdreg s12  }
0x12: {  	[dreg:$0x1b] =	wrdreg s10;
	s10 =	sadd.s32 s9, s15;
	s18 =	sshrl.u32 s16, $0x3  }
0x13: {  	s14 =	sadd.s32 $0x640, s11;
	[dreg:$0x1d] =	wrdreg s10;
	s19 =	sadd.s32 s18, s9  }
0x14: {  	s20 =	sshrl.u32 s14, $0x3;
	s10 =	sadd.s32 s18, s7;
	[dreg:$0x4] =	wrdreg s19  }
0x15: {  	s22 =	sadd.s32 $0x5F0, s11;
	s21 =	sadd.s32 s20, s9;
	[dreg:$0x5] =	wrdreg s10  }
0x16: {  	s24 =	sshrl.u32 s22, $0x3;
	s23 =	sadd.s32 s20, s7;
	[dreg:$0x6] =	wrdreg s21  }
0x17: {  	s26 =	sadd.s32 $0x5A0, s11;
	s25 =	sadd.s32 s24, s9;
	[dreg:$0x7] =	wrdreg s23  }
0x18: {  	s31 =	sshrl.u32 s26, $0x3;
	s28 =	sadd.s32 s24, s7;
	[dreg:$0x8] =	wrdreg s25  }
0x19: {  	s14 =	sadd.s32 s31, s9;
	[dreg:$0x9] =	wrdreg s28  }
0x1a: {  	s12 =	sadd.s32 $0x3C, s8;
	s16 =	sadd.s32 s31, s7;
	[dreg:$0xa] =	wrdreg s14  }
0x1b: {  	s15 =	sadd.s32 $0x550, s11;
	s31 =	sadd.s32 s7, s12;
	[dreg:$0xb] =	wrdreg s16  }
0x1c: {  	s17 =	sshrl.u32 s15, $0x3;
	s12 =	sadd.s32 s9, s12;
	[dreg:$0x1e] =	wrdreg s31  }
0x1d: {  	s18 =	sadd.s32 s17, s9;
	[dreg:$0x1f] =	wrdreg s12  }
0x1e: {  	s20 =	sadd.s32 s17, s7;
	s14 =	sadd.s32 $0x46, s8;
	[dreg:$0xc] =	wrdreg s18  }
0x1f: {  	[dreg:$0xd] =	wrdreg s20;
	s15 =	sadd.s32 s7, s14  }
0x20: {  	s17 =	sadd.s32 $0x50, s8;
	s16 =	sadd.s32 s9, s14;
	[smem:$0x7C2] =	sst s15  }
0x21: {  	s19 =	sadd.s32 $0x500, s11;
	s18 =	sadd.s32 s7, s17;
	[smem:$0x7C3] =	sst s16  }
0x22: {  	s21 =	sshrl.u32 s19, $0x3;
	s10 =	sadd.s32 s9, s17;
	[smem:$0x7C4] =	sst s18  }
0x23: {  	s23 =	sadd.s32 $0x4B0, s11;
	s22 =	sadd.s32 s21, s9;
	[smem:$0x7C5] =	sst s10  }
0x24: {  	s25 =	sshrl.u32 s23, $0x3;
	s24 =	sadd.s32 s21, s7;
	[dreg:$0xe] =	wrdreg s22  }
0x25: {  	s11 =	sadd.s32 $0x460, s11;
	s26 =	sadd.s32 s25, s9;
	[dreg:$0xf] =	wrdreg s24  }
0x26: {  	s11 =	sshrl.u32 s11, $0x3;
	s28 =	sadd.s32 s25, s7;
	[dreg:$0x10] =	wrdreg s26  }
0x27: {  	s19 =	sadd.s32 $0x5A, s8;
	s13 =	sadd.s32 s11, s9;
	[dreg:$0x11] =	wrdreg s28  }
0x28: {  	s20 =	sadd.s32 s7, s19;
	[dreg:$0x12] =	wrdreg s13  }
0x29: {  	s17 =	sadd.s32 $0x4B0, s8;
	s10 =	sadd.s32 s9, s19;
	[smem:$0x7C6] =	sst s20  }
0x2a: {  	s21 =	sadd.s32 $0x64, s8;
	s18 =	sadd.s32 s7, s17;
	[smem:$0x7C7] =	sst s10  }
0x2b: {  	s22 =	sadd.s32 s7, s21;
	[smem:$0x7D4] =	sst s18  }
0x2c: {  	s23 =	sadd.s32 $0x6E, s8;
	s10 =	sadd.s32 s9, s21;
	[smem:$0x7C8] =	sst s22  }
0x2d: {  	s25 =	sadd.s32 $0x78, s8;
	s24 =	sadd.s32 s7, s23;
	[smem:$0x7C9] =	sst s10  }
0x2e: {  	s15 =	sadd.s32 $0x4A6, s8;
	s26 =	sadd.s32 s7, s25;
	[smem:$0x7CA] =	sst s24  }
0x2f: {  	s19 =	sadd.s32 $0x4BA, s8;
	s16 =	sadd.s32 s7, s15;
	[smem:$0x7CC] =	sst s26  }
0x30: {  	s20 =	sadd.s32 s7, s19;
	[smem:$0x7D2] =	sst s16  }
0x31: {  	s28 =	sadd.s32 $0x82, s8;
	s10 =	sadd.s32 s9, s23;
	[smem:$0x7D6] =	sst s20  }
0x32: {  	s13 =	sadd.s32 $0x49C, s8;
	s31 =	sadd.s32 s7, s28;
	[smem:$0x7CB] =	sst s10  }
0x33: {  	s21 =	sadd.s32 $0x4C4, s8;
	s14 =	sadd.s32 s7, s13;
	[smem:$0x7CE] =	sst s31  }
0x34: {  	s22 =	sadd.s32 s7, s21;
	[smem:$0x7D0] =	sst s14  }
0x35: {  	s26 =	sadd.s32 s9, s8;
	[smem:$0x7D8] =	sst s22  }
0x36: {  	s23 =	sadd.s32 $0x4CE, s8;
	s10 =	sadd.s32 s9, s25;
	[smem:$0x7DD] =	sst s26  }
0x37: {  	s24 =	sadd.s32 s7, s23;
	[smem:$0x7CD] =	sst s10  }
0x38: {  	s25 =	sadd.s32 s7, s8;
	[smem:$0x7DA] =	sst s24  }
0x39: {  	s10 =	sadd.s32 s9, s28;
	[smem:$0x7DC] =	sst s25  }
0x3a: {  	s28 =	smul.u32 $0x13800, s5;
	[smem:$0x7CF] =	sst s10;
	s10 =	sadd.s32 s9, s13  }
0x3b: {  	s6 =	smul.u32 $0x138800, s6;
	s8 =	sadd.s32 $0x4D8, s8;
	[smem:$0x7D1] =	sst s10  }
0x3c: {  	s10 =	sadd.s32 s9, s15;
	s12 =	sadd.s32 $0x6000, s28;
	s13 =	sadd.s32 $0x7800, s28  }
0x3d: {  	s14 =	sadd.s32 $0x9000, s28;
	s15 =	sadd.s32 $0xA800, s28;
	s16 =	sadd.s32 $0xC000, s28  }
0x3e: {  	s24 =	sadd.s32 $0xF000, s28;
	s20 =	sadd.s32 $0x10800, s28;
	[smem:$0x7D3] =	sst s10  }
0x3f: {  	s10 =	sadd.s32 s9, s17;
	s17 =	sadd.s32 $0xD800, s28;
	s26 =	sadd.s32 s6, s12  }
0x40: {  	[smem:$0x7D5] =	sst s10;
	s10 =	sadd.s32 s9, s19;
	s19 =	sadd.s32 s28, s6  }
0x41: {  	[smem:$0x7D7] =	sst s10;
	s10 =	sadd.s32 s9, s21;
	s19 =	sshrl.u32 s19, $0x3  }
0x42: {  	s21 =	sadd.s32 $0x15600, s0;
	s0 =	sadd.s32 $0x15200, s0;
	[smem:$0x7D9] =	sst s10  }
0x43: {  	s10 =	sadd.s32 s9, s23;
	s9 =	sadd.s32 s9, s8;
	[smem:$0x7ED] =	sst s0  }
0x44: {  	s8 =	sadd.s32 s7, s8;
	s7 =	sadd.s32 s11, s7;
	[smem:$0x7DB] =	sst s10  }
0x45: {  	s11 =	sadd.s32 $0x4800, s28;
	s19 =	sadd.s32 s21, s19;
	[smem:$0x7DE] =	sst s9  }
0x46: {  	[smem:$0x7DF] =	sst s8;
	s8 =	sadd.s32 $0x1800, s28;
	s9 =	sadd.s32 $0x3000, s28  }
0x47: {  	s10 =	sadd.s32 $0x12000, s28;
	[smem:$0x7E0] =	sst s19;
	s25 =	sadd.s32 s6, s11  }
0x48: {  	s28 =	sadd.s32 s6, s13;
	s22 =	sadd.s32 s6, s8;
	s23 =	sadd.s32 s6, s9  }
0x49: {  	[dreg:$0x13] =	wrdreg s7;
	s31 =	sshrl.u32 s22, $0x3;
	s18 =	sshrl.u32 s23, $0x3  }
0x4a: {  	s19 =	sadd.s32 s21, s31;
	s23 =	sadd.s32 s21, s18;
	s31 =	sshrl.u32 s26, $0x3  }
0x4b: {  	s18 =	sshrl.u32 s28, $0x3;
	s28 =	sadd.s32 s6, s16;
	[smem:$0x7E1] =	sst s19  }
0x4c: {  	[smem:$0x7E2] =	sst s23;
	s19 =	sshrl.u32 s25, $0x3;
	s23 =	sadd.s32 s21, s18  }
0x4d: {  	s18 =	sshrl.u32 s28, $0x3;
	s19 =	sadd.s32 s21, s19;
	[smem:$0x7E5] =	sst s23  }
0x4e: {  	s28 =	sadd.s32 s6, s20;
	s23 =	sadd.s32 s21, s18;
	[smem:$0x7E3] =	sst s19  }
0x4f: {  	s18 =	sshrl.u32 s28, $0x3;
	s19 =	sadd.s32 s21, s31;
	[smem:$0x7E8] =	sst s23  }
0x50: {  	s22 =	sadd.s32 s21, s18;
	[smem:$0x7E4] =	sst s19  }
0x51: {  	s18 =	sadd.s32 s8, s2;
	[smem:$0x7EB] =	sst s22  }
0x52: {  	s8 =	sadd.s32 s9, s2;
	[smem:$0x7F1] =	sst s18  }
0x53: {  	s9 =	sadd.s32 s11, s2;
	[smem:$0x7F2] =	sst s8  }
0x54: {  	s29 =	simm.s32 $0x10;
	s11 =	sadd.s32 s12, s2;
	[smem:$0x7F3] =	sst s9  }
0x55: {  	s26 =	sadd.s32 s6, s15;
	s12 =	sadd.s32 s13, s2;
	[smem:$0x7F4] =	sst s11  }
0x56: {  	s25 =	sadd.s32 s6, s14;
	s13 =	sadd.s32 s14, s2;
	[smem:$0x7F5] =	sst s12  }
0x57: {  	s31 =	sshrl.u32 s26, $0x3;
	s14 =	sadd.s32 s15, s2;
	[smem:$0x7F6] =	sst s13  }
0x58: {  	s26 =	sadd.s32 s6, s24;
	s15 =	sadd.s32 s16, s2;
	[smem:$0x7F7] =	sst s14  }
0x59: {  	s23 =	sadd.s32 s6, s10;
	s16 =	sadd.s32 s17, s2;
	[smem:$0x7F8] =	sst s15  }
0x5a: {  	s10 =	sadd.s32 s10, s2;
	s19 =	sshrl.u32 s25, $0x3;
	[smem:$0x7F9] =	sst s16  }
0x5b: {  	s25 =	sadd.s32 s6, s17;
	s22 =	sadd.s32 s24, s2;
	[smem:$0x7FC] =	sst s10  }
0x5c: {  	s6 =	sshrl.u32 s6, $0x3;
	s19 =	sadd.s32 s21, s19;
	[smem:$0x7FA] =	sst s22  }
0x5d: {  	s6 =	sadd.s32 s21, s6;
	[smem:$0x7E6] =	sst s19;
	s19 =	sadd.s32 s21, s31  }
0x5e: {  	s31 =	sshrl.u32 s26, $0x3;
	s28 =	sadd.s32 $0x27000, s6;
	[smem:$0x7E7] =	sst s19  }
0x5f: {  	s6 =	sadd.s32 $0x138000, s2;
	s19 =	sshrl.u32 s25, $0x3;
	[smem:$0x7EE] =	sst s28  }
0x60: {  	s25 =	smul.u32 $0x4E000, s5;
	[smem:$0x7FD] =	sst s6;
	s19 =	sadd.s32 s21, s19  }
0x61: {  	p0 =	sne.s32 s5, $0x0;
	[smem:$0x7E9] =	sst s19;
	s19 =	sadd.s32 s21, s31  }
0x62: {  	s26 =	sshrl.u32 s25, $0x2;
	s31 =	smax.u32 s4, $0x1;
	[smem:$0x7EA] =	sst s19  }
0x63: {  	s19 =	sshrl.u32 s23, $0x3;
	s5 =	sadd.s32 s26, s2;
	[smem:$0x7EF] =	sst s31  }
0x64: {  	s30 =	simm.s32 $0x8;
	s19 =	sadd.s32 s21, s19;
	[smem:$0x7F0] =	sst s5  }
0x65: {  	s0 =	simm.s32 $0x0;
	s21 =	sadd.s32 s20, s2;
	[smem:$0x7EC] =	sst s19  }
0x66: {  	s7 =	simm.s32 $0x11;
	s17 =	simm.s32 $0x50;
	[smem:$0x7FB] =	sst s21  }
.LBB2_1:
0x67: {  	s4 =	sld [smem:$0x7ED];
	_ =	sdelay $0x1  }
0x68: {  	[smem:$0x7C1] =	sst s0;
	s20 =	simm.s32 $0x800  }
0x69: {  	[tilespmem:s20], [sflag:$0x11] =	stream.linear.gather [hbm4b:s4+s3], $0x1800, $0x38;
	[tilespmem:$0x1E080] =	vst v63  }
0x6a: {  	_ =	swait.ge [sflag:s7], $0x1800  }
0x6b: {  	[sflag:s7] =	ssyncset.done $0x0  }
0x6c: {  	[sflag:s7] =	ssyncadd.s32 $0xFFFFE800  }
0x6d: {  	[spmem:s5] =	stream.linear.scatter [tilespmem:s20], [sflag:$0x11], $0x1800, $0x38;
	[tilespmem:$0x1E080] =	vst v63  }
0x6e: {  	_ =	swait.ge [sflag:s7], $0x1800  }
0x6f: {  	[sflag:s7] =	ssyncset.done $0x0  }
0x70: {  	[sflag:s7] =	ssyncadd.s32 $0xFFFFE800  }
0x71: {  	[spmem:s18] =	stream.linear.scatter [tilespmem:s20], [sflag:$0x11], $0x1800, $0x38;
	[tilespmem:$0x1E080] =	vst v63  }
0x72: {  	_ =	swait.ge [sflag:s7], $0x1800  }
0x73: {  	[sflag:s7] =	ssyncset.done $0x0  }
0x74: {  	[sflag:s7] =	ssyncadd.s32 $0xFFFFE800  }
0x75: {  	[spmem:s8] =	stream.linear.scatter [tilespmem:s20], [sflag:$0x11], $0x1800, $0x38;
	[tilespmem:$0x1E080] =	vst v63  }
0x76: {  	_ =	swait.ge [sflag:s7], $0x1800  }
0x77: {  	[sflag:s7] =	ssyncset.done $0x0  }
0x78: {  	[sflag:s7] =	ssyncadd.s32 $0xFFFFE800  }
0x79: {  	[spmem:s9] =	stream.linear.scatter [tilespmem:s20], [sflag:$0x11], $0x1800, $0x38;
	[tilespmem:$0x1E080] =	vst v63  }
0x7a: {  	_ =	swait.ge [sflag:s7], $0x1800  }
0x7b: {  	[sflag:s7] =	ssyncset.done $0x0  }
0x7c: {  	[sflag:s7] =	ssyncadd.s32 $0xFFFFE800  }
0x7d: {  	[spmem:s11] =	stream.linear.scatter [tilespmem:s20], [sflag:$0x11], $0x1800, $0x38;
	[tilespmem:$0x1E080] =	vst v63  }
0x7e: {  	_ =	swait.ge [sflag:s7], $0x1800  }
0x7f: {  	[sflag:s7] =	ssyncset.done $0x0  }
0x80: {  	[sflag:s7] =	ssyncadd.s32 $0xFFFFE800  }
0x81: {  	[spmem:s12] =	stream.linear.scatter [tilespmem:s20], [sflag:$0x11], $0x1800, $0x38;
	[tilespmem:$0x1E080] =	vst v63  }
0x82: {  	_ =	swait.ge [sflag:s7], $0x1800  }
0x83: {  	[sflag:s7] =	ssyncset.done $0x0  }
0x84: {  	[sflag:s7] =	ssyncadd.s32 $0xFFFFE800  }
0x85: {  	[spmem:s13] =	stream.linear.scatter [tilespmem:s20], [sflag:$0x11], $0x1800, $0x38;
	[tilespmem:$0x1E080] =	vst v63  }
0x86: {  	_ =	swait.ge [sflag:s7], $0x1800  }
0x87: {  	[sflag:s7] =	ssyncset.done $0x0  }
0x88: {  	[sflag:s7] =	ssyncadd.s32 $0xFFFFE800  }
0x89: {  	[spmem:s14] =	stream.linear.scatter [tilespmem:s20], [sflag:$0x11], $0x1800, $0x38;
	[tilespmem:$0x1E080] =	vst v63  }
0x8a: {  	_ =	swait.ge [sflag:s7], $0x1800  }
0x8b: {  	[sflag:s7] =	ssyncset.done $0x0  }
0x8c: {  	[sflag:s7] =	ssyncadd.s32 $0xFFFFE800  }
0x8d: {  	[spmem:s15] =	stream.linear.scatter [tilespmem:s20], [sflag:$0x11], $0x1800, $0x38;
	[tilespmem:$0x1E080] =	vst v63  }
0x8e: {  	_ =	swait.ge [sflag:s7], $0x1800  }
0x8f: {  	[sflag:s7] =	ssyncset.done $0x0  }
0x90: {  	[sflag:s7] =	ssyncadd.s32 $0xFFFFE800  }
0x91: {  	[spmem:s16] =	stream.linear.scatter [tilespmem:s20], [sflag:$0x11], $0x1800, $0x38;
	[tilespmem:$0x1E080] =	vst v63  }
0x92: {  	_ =	swait.ge [sflag:s7], $0x1800  }
0x93: {  	[sflag:s7] =	ssyncset.done $0x0  }
0x94: {  	[sflag:s7] =	ssyncadd.s32 $0xFFFFE800  }
0x95: {  	[spmem:s22] =	stream.linear.scatter [tilespmem:s20], [sflag:$0x11], $0x1800, $0x38;
	[tilespmem:$0x1E080] =	vst v63  }
0x96: {  	_ =	swait.ge [sflag:s7], $0x1800  }
0x97: {  	[sflag:s7] =	ssyncset.done $0x0  }
0x98: {  	[sflag:s7] =	ssyncadd.s32 $0xFFFFE800  }
0x99: {  	[spmem:s21] =	stream.linear.scatter [tilespmem:s20], [sflag:$0x11], $0x1800, $0x38;
	[tilespmem:$0x1E080] =	vst v63  }
0x9a: {  	_ =	swait.ge [sflag:s7], $0x1800  }
0x9b: {  	[sflag:s7] =	ssyncset.done $0x0  }
0x9c: {  	[sflag:s7] =	ssyncadd.s32 $0xFFFFE800  }
0x9d: {  	[spmem:s10] =	stream.linear.scatter [tilespmem:s20], [sflag:$0x11], $0x1800, $0x38;
	[tilespmem:$0x1E080] =	vst v63  }
0x9e: {  	_ =	swait.ge [sflag:s7], $0x1800  }
0x9f: {  	[sflag:s7] =	ssyncset.done $0x0  }
0xa0: {  	s18 =	simm.s32 @!p0 $0x800;
	[sflag:s7] =	ssyncadd.s32 $0xFFFFE800  }
0xa1: {  	[spmem:s6] =	stream.linear.scatter @!p0 [tilespmem:s18], [sflag:$0x11], $0x800, $0x38;
	[tilespmem:$0x1E080] =	vst v63  }
0xa2: {  	s18 =	simm.s32 @!p0 $0x11  }
0xa3: {  	_ =	swait.ge @!p0 [sflag:s18], $0x800  }
0xa4: {  	[sflag:s18] =	ssyncset.done @!p0 $0x0  }
0xa5: {  	[sflag:s18] =	ssyncadd.s32 @!p0 $0xFFFFF800  }
0xa6: {  	[bflag:$0x0] =	sbarrier.arrive $0xFFFF  }
0xa7: {  	s12 =	sld [smem:$0x7DC];
	_ =	sdelay $0x1  }
0xa8: {  	s13 =	sld [smem:$0x7DD]  }
0xa9: {  	[tilespmem:s3], [sflag:$0x1] =	stream.linear.gather [hbm4b:s12+s3], $0x50, $0x38;
	[tilespmem:$0x1E080] =	vst v63  }
0xaa: {  	s14 =	simm.s32 $0x400  }
0xab: {  	[tilespmem:s14], [sflag:$0x1] =	stream.linear.gather [hbm4b:s13+s3], $0x50, $0x38;
	[tilespmem:$0x1E080] =	vst v63  }
0xac: {  	s16 =	simm.s32 $0x80;
	s15 =	rddreg [dreg:$0x14]  }
0xad: {  	[tilespmem:s16], [sflag:$0x2] =	stream.linear.gather [hbm4b:s15+s3], $0x50, $0x38;
	[tilespmem:$0x1E080] =	vst v63  }
0xae: {  	s19 =	simm.s32 $0x480;
	s18 =	rddreg [dreg:$0x15]  }
0xaf: {  	[tilespmem:s19], [sflag:$0x2] =	stream.linear.gather [hbm4b:s18+s3], $0x50, $0x38;
	[tilespmem:$0x1E080] =	vst v63  }
0xb0: {  	s22 =	simm.s32 $0x100;
	s21 =	rddreg [dreg:$0x16]  }
0xb1: {  	[tilespmem:s22], [sflag:$0x3] =	stream.linear.gather [hbm4b:s21+s3], $0x50, $0x38;
	[tilespmem:$0x1E080] =	vst v63  }
0xb2: {  	s24 =	simm.s32 $0x500;
	s23 =	rddreg [dreg:$0x17]  }
0xb3: {  	[tilespmem:s24], [sflag:$0x3] =	stream.linear.gather [hbm4b:s23+s3], $0x50, $0x38;
	[tilespmem:$0x1E080] =	vst v63  }
0xb4: {  	s26 =	simm.s32 $0x180;
	s25 =	rddreg [dreg:$0x18]  }
0xb5: {  	[tilespmem:s26], [sflag:$0x4] =	stream.linear.gather [hbm4b:s25+s3], $0x50, $0x38;
	[tilespmem:$0x1E080] =	vst v63  }
0xb6: {  	s6 =	simm.s32 $0x580;
	s5 =	rddreg [dreg:$0x19]  }
0xb7: {  	[tilespmem:s6], [sflag:$0x4] =	stream.linear.gather [hbm4b:s5+s3], $0x50, $0x38;
	[tilespmem:$0x1E080] =	vst v63  }
0xb8: {  	s10 =	simm.s32 $0x200;
	s7 =	rddreg [dreg:$0x1a]  }
0xb9: {  	[tilespmem:s10], [sflag:$0x5] =	stream.linear.gather [hbm4b:s7+s3], $0x50, $0x38;
	[tilespmem:$0x1E080] =	vst v63  }
0xba: {  	s11 =	rddreg [dreg:$0x1b];
	s12 =	simm.s32 $0x600;
	s5 =	simm.s32 $0x1  }
0xbb: {  	[tilespmem:s12], [sflag:$0x5] =	stream.linear.gather [hbm4b:s11+s3], $0x50, $0x38;
	[tilespmem:$0x1E080] =	vst v63  }
0xbc: {  	_ =	swait.ge [sflag:s5], $0x50  }
0xbd: {  	[sflag:s5] =	ssyncset.done $0x0  }
0xbe: {  	[sflag:s5] =	ssyncadd.s32 $0xFFFFFFB0  }
0xbf: {  	_ =	swait.ge [sflag:s5], $0x50  }
0xc0: {  	[sflag:s5] =	ssyncset.done $0x0  }
0xc1: {  	[sflag:s5] =	ssyncadd.s32 $0xFFFFFFB0  }
0xc2: {  	[tilespmem:s20], [sflag:$0x9] =	stream.indirect.gather [hbm4b:s1+s17], $0x80, s3, s17, $0xb8;
	[tilespmem:$0x1E080] =	vst v63  }
0xc3: {  	s14 =	simm.s32 $0x280;
	s13 =	rddreg [dreg:$0x1c]  }
0xc4: {  	[tilespmem:s14], [sflag:$0x6] =	stream.linear.gather [hbm4b:s13+s3], $0x50, $0x38;
	[tilespmem:$0x1E080] =	vst v63  }
0xc5: {  	s16 =	simm.s32 $0x680;
	s6 =	simm.s32 $0x2;
	s15 =	rddreg [dreg:$0x1d]  }
0xc6: {  	[tilespmem:s16], [sflag:$0x6] =	stream.linear.gather [hbm4b:s15+s3], $0x50, $0x38;
	[tilespmem:$0x1E080] =	vst v63  }
0xc7: {  	_ =	swait.ge [sflag:s6], $0x50  }
0xc8: {  	[sflag:s6] =	ssyncset.done $0x0  }
0xc9: {  	[sflag:s6] =	ssyncadd.s32 $0xFFFFFFB0  }
0xca: {  	_ =	swait.ge [sflag:s6], $0x50  }
0xcb: {  	[sflag:s6] =	ssyncset.done $0x0  }
0xcc: {  	s0 =	simm.s32 $0x80;
	s14 =	simm.s32 $0x3000;
	[sflag:s6] =	ssyncadd.s32 $0xFFFFFFB0  }
0xcd: {  	[tilespmem:s14], [sflag:$0xA] =	stream.indirect.gather [hbm4b:s1+s17], $0x80, s0, s17, $0xb8;
	[tilespmem:$0x1E080] =	vst v63  }
0xce: {  	s22 =	simm.s32 $0x300;
	s21 =	rddreg [dreg:$0x1e]  }
0xcf: {  	[tilespmem:s22], [sflag:$0x7] =	stream.linear.gather [hbm4b:s21+s3], $0x50, $0x38;
	[tilespmem:$0x1E080] =	vst v63  }
0xd0: {  	s24 =	simm.s32 $0x700;
	s11 =	simm.s32 $0x3;
	s23 =	rddreg [dreg:$0x1f]  }
0xd1: {  	[tilespmem:s24], [sflag:$0x7] =	stream.linear.gather [hbm4b:s23+s3], $0x50, $0x38;
	[tilespmem:$0x1E080] =	vst v63  }
0xd2: {  	_ =	swait.ge [sflag:s11], $0x50  }
0xd3: {  	[sflag:s11] =	ssyncset.done $0x0  }
0xd4: {  	[sflag:s11] =	ssyncadd.s32 $0xFFFFFFB0  }
0xd5: {  	_ =	swait.ge [sflag:s11], $0x50  }
0xd6: {  	[sflag:s11] =	ssyncset.done $0x0  }
0xd7: {  	s8 =	simm.s32 $0x100;
	s15 =	simm.s32 $0x5800;
	[sflag:s11] =	ssyncadd.s32 $0xFFFFFFB0  }
0xd8: {  	[tilespmem:s15], [sflag:$0xB] =	stream.indirect.gather [hbm4b:s1+s17], $0x80, s8, s17, $0xb8;
	[tilespmem:$0x1E080] =	vst v63  }
0xd9: {  	s8 =	simm.s32 $0x9  }
0xda: {  	_ =	swait.ge [sflag:s8], $0x2800  }
0xdb: {  	[sflag:s8] =	ssyncset.done $0x0  }
0xdc: {  	s25 =	simm.s32 $0x400;
	s0 =	sld [smem:$0x7C2];
	[sflag:s8] =	ssyncadd.s32 $0xFFFFD800  }
0xdd: {  	[spmem:s2] =	stream.indirect.scatter.add.f32 [tilespmem:s20], [sflag:$0xD], $0x80, s25, s17, $0xb8;
	[tilespmem:$0x1E080] =	vst v63  }
0xde: {  	s13 =	simm.s32 $0x380;
	s21 =	sld [smem:$0x7C3]  }
0xdf: {  	[tilespmem:s13], [sflag:$0x8] =	stream.linear.gather [hbm4b:s0+s3], $0x50, $0x38;
	[tilespmem:$0x1E080] =	vst v63  }
0xe0: {  	s22 =	simm.s32 $0x780;
	s0 =	simm.s32 $0x4  }
0xe1: {  	[tilespmem:s22], [sflag:$0x8] =	stream.linear.gather [hbm4b:s21+s3], $0x50, $0x38;
	[tilespmem:$0x1E080] =	vst v63  }
0xe2: {  	_ =	swait.ge [sflag:s0], $0x50  }
0xe3: {  	[sflag:s0] =	ssyncset.done $0x0  }
0xe4: {  	[sflag:s0] =	ssyncadd.s32 $0xFFFFFFB0  }
0xe5: {  	_ =	swait.ge [sflag:s0], $0x50  }
0xe6: {  	[sflag:s0] =	ssyncset.done $0x0  }
0xe7: {  	s9 =	simm.s32 $0x180;
	s21 =	simm.s32 $0x8000;
	[sflag:s0] =	ssyncadd.s32 $0xFFFFFFB0  }
0xe8: {  	[tilespmem:s21], [sflag:$0xC] =	stream.indirect.gather [hbm4b:s1+s17], $0x80, s9, s17, $0xb8;
	[tilespmem:$0x1E080] =	vst v63  }
0xe9: {  	s9 =	simm.s32 $0xA  }
0xea: {  	_ =	swait.ge [sflag:s9], $0x2800  }
0xeb: {  	[sflag:s9] =	ssyncset.done $0x0  }
0xec: {  	s19 =	simm.s32 $0x480;
	s22 =	simm.s32 $0xD;
	[sflag:s9] =	ssyncadd.s32 $0xFFFFD800  }
0xed: {  	[spmem:s2] =	stream.indirect.scatter.add.f32 [tilespmem:s14], [sflag:$0xE], $0x80, s19, s17, $0xb8;
	[tilespmem:$0x1E080] =	vst v63  }
0xee: {  	_ =	swait.ge [sflag:s22], $0x2800  }
0xef: {  	s23 =	sld [smem:$0x7C4]  }
0xf0: {  	[sflag:s22] =	ssyncset.done $0x0  }
0xf1: {  	s24 =	sld [smem:$0x7C5];
	[sflag:s22] =	ssyncadd.s32 $0xFFFFD800  }
0xf2: {  	[tilespmem:s3], [sflag:$0x1] =	stream.linear.gather [hbm4b:s23+s3], $0x50, $0x38;
	[tilespmem:$0x1E080] =	vst v63  }
0xf3: {  	s23 =	simm.s32 $0x5  }
0xf4: {  	[tilespmem:s25], [sflag:$0x1] =	stream.linear.gather [hbm4b:s24+s3], $0x50, $0x38;
	[tilespmem:$0x1E080] =	vst v63  }
0xf5: {  	_ =	swait.ge [sflag:s23], $0x50  }
0xf6: {  	[sflag:s23] =	ssyncset.done $0x0  }
0xf7: {  	[sflag:s23] =	ssyncadd.s32 $0xFFFFFFB0  }
0xf8: {  	_ =	swait.ge [sflag:s23], $0x50  }
0xf9: {  	[sflag:s23] =	ssyncset.done $0x0  }
0xfa: {  	s10 =	simm.s32 $0x200;
	[sflag:s23] =	ssyncadd.s32 $0xFFFFFFB0  }
0xfb: {  	[tilespmem:s20], [sflag:$0x9] =	stream.indirect.gather [hbm4b:s1+s17], $0x80, s10, s17, $0xb8;
	[tilespmem:$0x1E080] =	vst v63  }
0xfc: {  	s10 =	simm.s32 $0xB  }
0xfd: {  	_ =	swait.ge [sflag:s10], $0x2800  }
0xfe: {  	[sflag:s10] =	ssyncset.done $0x0  }
0xff: {  	s28 =	simm.s32 $0x500;
	s24 =	simm.s32 $0xE;
	[sflag:s10] =	ssyncadd.s32 $0xFFFFD800  }
0x100: {  	[spmem:s2] =	stream.indirect.scatter.add.f32 [tilespmem:s15], [sflag:$0xF], $0x80, s28, s17, $0xb8;
	[tilespmem:$0x1E080] =	vst v63  }
0x101: {  	_ =	swait.ge [sflag:s24], $0x2800  }
0x102: {  	s25 =	sld [smem:$0x7C6]  }
0x103: {  	[sflag:s24] =	ssyncset.done $0x0  }
0x104: {  	s12 =	simm.s32 $0x80;
	s16 =	sld [smem:$0x7C7];
	[sflag:s24] =	ssyncadd.s32 $0xFFFFD800  }
0x105: {  	[tilespmem:s12], [sflag:$0x2] =	stream.linear.gather [hbm4b:s25+s3], $0x50, $0x38;
	[tilespmem:$0x1E080] =	vst v63  }
0x106: {  	s25 =	simm.s32 $0x6  }
0x107: {  	[tilespmem:s19], [sflag:$0x2] =	stream.linear.gather [hbm4b:s16+s3], $0x50, $0x38;
	[tilespmem:$0x1E080] =	vst v63  }
0x108: {  	_ =	swait.ge [sflag:s25], $0x50  }
0x109: {  	[sflag:s25] =	ssyncset.done $0x0  }
0x10a: {  	[sflag:s25] =	ssyncadd.s32 $0xFFFFFFB0  }
0x10b: {  	_ =	swait.ge [sflag:s25], $0x50  }
0x10c: {  	[sflag:s25] =	ssyncset.done $0x0  }
0x10d: {  	s26 =	simm.s32 $0x280;
	s12 =	simm.s32 $0xC;
	[sflag:s25] =	ssyncadd.s32 $0xFFFFFFB0  }
0x10e: {  	[tilespmem:s14], [sflag:$0xA] =	stream.indirect.gather [hbm4b:s1+s17], $0x80, s26, s17, $0xb8;
	[tilespmem:$0x1E080] =	vst v63  }
0x10f: {  	_ =	swait.ge [sflag:s12], $0x2800  }
0x110: {  	[sflag:s12] =	ssyncset.done $0x0  }
0x111: {  	s18 =	simm.s32 $0x580;
	s26 =	simm.s32 $0xF;
	[sflag:s12] =	ssyncadd.s32 $0xFFFFD800  }
0x112: {  	[spmem:s2] =	stream.indirect.scatter.add.f32 [tilespmem:s21], [sflag:$0x10], $0x80, s18, s17, $0xb8;
	[tilespmem:$0x1E080] =	vst v63  }
0x113: {  	_ =	swait.ge [sflag:s26], $0x2800  }
0x114: {  	s19 =	sld [smem:$0x7C8]  }
0x115: {  	[sflag:s26] =	ssyncset.done $0x0  }
0x116: {  	s7 =	simm.s32 $0x100;
	[sflag:s26] =	ssyncadd.s32 $0xFFFFD800  }
0x117: {  	[tilespmem:s7], [sflag:$0x3] =	stream.linear.gather [hbm4b:s19+s3], $0x50, $0x38;
	[tilespmem:$0x1E080] =	vst v63  }
0x118: {  	s19 =	sld [smem:$0x7C9];
	_ =	sdelay $0x2  }
0x119: {  	[tilespmem:s28], [sflag:$0x3] =	stream.linear.gather [hbm4b:s19+s3], $0x50, $0x38;
	[tilespmem:$0x1E080] =	vst v63  }
0x11a: {  	s28 =	simm.s32 $0x7  }
0x11b: {  	_ =	swait.ge [sflag:s28], $0x50  }
0x11c: {  	[sflag:s28] =	ssyncset.done $0x0  }
0x11d: {  	[sflag:s28] =	ssyncadd.s32 $0xFFFFFFB0  }
0x11e: {  	_ =	swait.ge [sflag:s28], $0x50  }
0x11f: {  	[sflag:s28] =	ssyncset.done $0x0  }
0x120: {  	s31 =	simm.s32 $0x300;
	[sflag:s28] =	ssyncadd.s32 $0xFFFFFFB0  }
0x121: {  	[tilespmem:s15], [sflag:$0xB] =	stream.indirect.gather [hbm4b:s1+s17], $0x80, s31, s17, $0xb8;
	[tilespmem:$0x1E080] =	vst v63  }
0x122: {  	_ =	swait.ge [sflag:s8], $0x2800  }
0x123: {  	[sflag:s8] =	ssyncset.done $0x0  }
0x124: {  	s31 =	simm.s32 $0x600;
	[sflag:s8] =	ssyncadd.s32 $0xFFFFD800  }
0x125: {  	[spmem:s2] =	stream.indirect.scatter.add.f32 [tilespmem:s20], [sflag:$0xD], $0x80, s31, s17, $0xb8;
	[tilespmem:$0x1E080] =	vst v63  }
0x126: {  	_ =	swait.ge [sflag:s29], $0x2800  }
0x127: {  	s7 =	sld [smem:$0x7CA]  }
0x128: {  	[sflag:s29] =	ssyncset.done $0x0  }
0x129: {  	s13 =	simm.s32 $0x180;
	s19 =	sld [smem:$0x7CB];
	[sflag:s29] =	ssyncadd.s32 $0xFFFFD800  }
0x12a: {  	[tilespmem:s13], [sflag:$0x4] =	stream.linear.gather [hbm4b:s7+s3], $0x50, $0x38;
	[tilespmem:$0x1E080] =	vst v63  }
0x12b: {  	_ = 	snop  }
0x12c: {  	[tilespmem:s18], [sflag:$0x4] =	stream.linear.gather [hbm4b:s19+s3], $0x50, $0x38;
	[tilespmem:$0x1E080] =	vst v63  }
0x12d: {  	_ =	swait.ge [sflag:s30], $0x50  }
0x12e: {  	[sflag:s30] =	ssyncset.done $0x0  }
0x12f: {  	[sflag:s30] =	ssyncadd.s32 $0xFFFFFFB0  }
0x130: {  	_ =	swait.ge [sflag:s30], $0x50  }
0x131: {  	[sflag:s30] =	ssyncset.done $0x0  }
0x132: {  	s13 =	simm.s32 $0x380;
	[sflag:s30] =	ssyncadd.s32 $0xFFFFFFB0  }
0x133: {  	[tilespmem:s21], [sflag:$0xC] =	stream.indirect.gather [hbm4b:s1+s17], $0x80, s13, s17, $0xb8;
	[tilespmem:$0x1E080] =	vst v63  }
0x134: {  	_ =	swait.ge [sflag:s9], $0x2800  }
0x135: {  	[sflag:s9] =	ssyncset.done $0x0  }
0x136: {  	s18 =	simm.s32 $0x680;
	[sflag:s9] =	ssyncadd.s32 $0xFFFFD800  }
0x137: {  	[spmem:s2] =	stream.indirect.scatter.add.f32 [tilespmem:s14], [sflag:$0xE], $0x80, s18, s17, $0xb8;
	[tilespmem:$0x1E080] =	vst v63  }
0x138: {  	_ =	swait.ge [sflag:s22], $0x2800  }
0x139: {  	s7 =	sld [smem:$0x7CC]  }
0x13a: {  	[sflag:s22] =	ssyncset.done $0x0  }
0x13b: {  	s19 =	simm.s32 $0x200;
	[sflag:s22] =	ssyncadd.s32 $0xFFFFD800  }
0x13c: {  	[tilespmem:s19], [sflag:$0x5] =	stream.linear.gather [hbm4b:s7+s3], $0x50, $0x38;
	[tilespmem:$0x1E080] =	vst v63  }
0x13d: {  	s7 =	sld [smem:$0x7CD];
	_ =	sdelay $0x2  }
0x13e: {  	[tilespmem:s31], [sflag:$0x5] =	stream.linear.gather [hbm4b:s7+s3], $0x50, $0x38;
	[tilespmem:$0x1E080] =	vst v63  }
0x13f: {  	_ =	swait.ge [sflag:s5], $0x50  }
0x140: {  	[sflag:s5] =	ssyncset.done $0x0  }
0x141: {  	[sflag:s5] =	ssyncadd.s32 $0xFFFFFFB0  }
0x142: {  	_ =	swait.ge [sflag:s5], $0x50  }
0x143: {  	[sflag:s5] =	ssyncset.done $0x0  }
0x144: {  	[sflag:s5] =	ssyncadd.s32 $0xFFFFFFB0  }
0x145: {  	[tilespmem:s20], [sflag:$0x9] =	stream.indirect.gather [hbm4b:s1+s17], $0x80, s3, s17, $0xb8;
	[tilespmem:$0x1E080] =	vst v63  }
0x146: {  	_ =	swait.ge [sflag:s10], $0x2800  }
0x147: {  	[sflag:s10] =	ssyncset.done $0x0  }
0x148: {  	s7 =	simm.s32 $0x700;
	[sflag:s10] =	ssyncadd.s32 $0xFFFFD800  }
0x149: {  	[spmem:s2] =	stream.indirect.scatter.add.f32 [tilespmem:s15], [sflag:$0xF], $0x80, s7, s17, $0xb8;
	[tilespmem:$0x1E080] =	vst v63  }
0x14a: {  	_ =	swait.ge [sflag:s24], $0x2800  }
0x14b: {  	s19 =	sld [smem:$0x7CE]  }
0x14c: {  	[sflag:s24] =	ssyncset.done $0x0  }
0x14d: {  	s16 =	simm.s32 $0x280;
	[sflag:s24] =	ssyncadd.s32 $0xFFFFD800  }
0x14e: {  	[tilespmem:s16], [sflag:$0x6] =	stream.linear.gather [hbm4b:s19+s3], $0x50, $0x38;
	[tilespmem:$0x1E080] =	vst v63  }
0x14f: {  	s16 =	sld [smem:$0x7CF];
	_ =	sdelay $0x2  }
0x150: {  	[tilespmem:s18], [sflag:$0x6] =	stream.linear.gather [hbm4b:s16+s3], $0x50, $0x38;
	[tilespmem:$0x1E080] =	vst v63  }
0x151: {  	_ =	swait.ge [sflag:s6], $0x50  }
0x152: {  	[sflag:s6] =	ssyncset.done $0x0  }
0x153: {  	[sflag:s6] =	ssyncadd.s32 $0xFFFFFFB0  }
0x154: {  	_ =	swait.ge [sflag:s6], $0x50  }
0x155: {  	[sflag:s6] =	ssyncset.done $0x0  }
0x156: {  	s16 =	simm.s32 $0x80;
	[sflag:s6] =	ssyncadd.s32 $0xFFFFFFB0  }
0x157: {  	[tilespmem:s14], [sflag:$0xA] =	stream.indirect.gather [hbm4b:s1+s17], $0x80, s16, s17, $0xb8;
	[tilespmem:$0x1E080] =	vst v63  }
0x158: {  	_ =	swait.ge [sflag:s12], $0x2800  }
0x159: {  	[sflag:s12] =	ssyncset.done $0x0  }
0x15a: {  	s4 =	simm.s32 $0x780;
	[sflag:s12] =	ssyncadd.s32 $0xFFFFD800  }
0x15b: {  	[spmem:s2] =	stream.indirect.scatter.add.f32 [tilespmem:s21], [sflag:$0x10], $0x80, s4, s17, $0xb8;
	[tilespmem:$0x1E080] =	vst v63  }
0x15c: {  	_ =	swait.ge [sflag:s26], $0x2800  }
0x15d: {  	s19 =	rddreg [dreg:$0x13]  }
0x15e: {  	[sflag:s26] =	ssyncset.done $0x0;
	s31 =	rddreg [dreg:$0x12]  }
0x15f: {  	[sflag:s26] =	ssyncadd.s32 $0xFFFFD800;
	s18 =	sadd.s32 $0x0, s19;
	s19 =	simm.s32 $0x300  }
0x160: {  	[tilespmem:s19], [sflag:$0x7] =	stream.linear.gather [hbm4b:s18+s3], $0x50, $0x38;
	[tilespmem:$0x1E080] =	vst v63  }
0x161: {  	s19 =	sadd.s32 $0x0, s31  }
0x162: {  	[tilespmem:s7], [sflag:$0x7] =	stream.linear.gather [hbm4b:s19+s3], $0x50, $0x38;
	[tilespmem:$0x1E080] =	vst v63  }
0x163: {  	_ =	swait.ge [sflag:s11], $0x50  }
0x164: {  	[sflag:s11] =	ssyncset.done $0x0  }
0x165: {  	[sflag:s11] =	ssyncadd.s32 $0xFFFFFFB0  }
0x166: {  	_ =	swait.ge [sflag:s11], $0x50  }
0x167: {  	[sflag:s11] =	ssyncset.done $0x0  }
0x168: {  	s19 =	simm.s32 $0x100;
	[sflag:s11] =	ssyncadd.s32 $0xFFFFFFB0  }
0x169: {  	[tilespmem:s15], [sflag:$0xB] =	stream.indirect.gather [hbm4b:s1+s17], $0x80, s19, s17, $0xb8;
	[tilespmem:$0x1E080] =	vst v63  }
0x16a: {  	_ =	swait.ge [sflag:s8], $0x2800  }
0x16b: {  	[sflag:s8] =	ssyncset.done $0x0  }
0x16c: {  	s11 =	simm.s32 $0x400;
	[sflag:s8] =	ssyncadd.s32 $0xFFFFD800  }
0x16d: {  	[spmem:s2] =	stream.indirect.scatter.add.f32 [tilespmem:s20], [sflag:$0xD], $0x80, s11, s17, $0xb8;
	[tilespmem:$0x1E080] =	vst v63  }
0x16e: {  	_ =	swait.ge [sflag:s29], $0x2800  }
0x16f: {  	s7 =	rddreg [dreg:$0x11];
	[sflag:s29] =	ssyncset.done $0x0  }
0x170: {  	s31 =	rddreg [dreg:$0x10];
	[sflag:s29] =	ssyncadd.s32 $0xFFFFD800;
	s18 =	sadd.s32 $0x0, s7  }
0x171: {  	[tilespmem:s13], [sflag:$0x8] =	stream.linear.gather [hbm4b:s18+s3], $0x50, $0x38;
	[tilespmem:$0x1E080] =	vst v63  }
0x172: {  	s13 =	sadd.s32 $0x0, s31  }
0x173: {  	[tilespmem:s4], [sflag:$0x8] =	stream.linear.gather [hbm4b:s13+s3], $0x50, $0x38;
	[tilespmem:$0x1E080] =	vst v63  }
0x174: {  	_ =	swait.ge [sflag:s0], $0x50  }
0x175: {  	[sflag:s0] =	ssyncset.done $0x0  }
0x176: {  	[sflag:s0] =	ssyncadd.s32 $0xFFFFFFB0  }
0x177: {  	_ =	swait.ge [sflag:s0], $0x50  }
0x178: {  	[sflag:s0] =	ssyncset.done $0x0  }
0x179: {  	s7 =	simm.s32 $0x180;
	[sflag:s0] =	ssyncadd.s32 $0xFFFFFFB0  }
0x17a: {  	[tilespmem:s21], [sflag:$0xC] =	stream.indirect.gather [hbm4b:s1+s17], $0x80, s7, s17, $0xb8;
	[tilespmem:$0x1E080] =	vst v63  }
0x17b: {  	_ =	swait.ge [sflag:s9], $0x2800  }
0x17c: {  	[sflag:s9] =	ssyncset.done $0x0  }
0x17d: {  	s0 =	simm.s32 $0x480;
	[sflag:s9] =	ssyncadd.s32 $0xFFFFD800  }
0x17e: {  	[spmem:s2] =	stream.indirect.scatter.add.f32 [tilespmem:s14], [sflag:$0xE], $0x80, s0, s17, $0xb8;
	[tilespmem:$0x1E080] =	vst v63  }
0x17f: {  	_ =	swait.ge [sflag:s22], $0x2800  }
0x180: {  	s4 =	rddreg [dreg:$0xf];
	[sflag:s22] =	ssyncset.done $0x0  }
0x181: {  	s31 =	rddreg [dreg:$0xe];
	[sflag:s22] =	ssyncadd.s32 $0xFFFFD800;
	s18 =	sadd.s32 $0x0, s4  }
0x182: {  	[tilespmem:s3], [sflag:$0x1] =	stream.linear.gather [hbm4b:s18+s3], $0x50, $0x38;
	[tilespmem:$0x1E080] =	vst v63  }
0x183: {  	s13 =	sadd.s32 $0x0, s31  }
0x184: {  	[tilespmem:s11], [sflag:$0x1] =	stream.linear.gather [hbm4b:s13+s3], $0x50, $0x38;
	[tilespmem:$0x1E080] =	vst v63  }
0x185: {  	_ =	swait.ge [sflag:s23], $0x50  }
0x186: {  	[sflag:s23] =	ssyncset.done $0x0  }
0x187: {  	[sflag:s23] =	ssyncadd.s32 $0xFFFFFFB0  }
0x188: {  	_ =	swait.ge [sflag:s23], $0x50  }
0x189: {  	[sflag:s23] =	ssyncset.done $0x0  }
0x18a: {  	s13 =	simm.s32 $0x200;
	[sflag:s23] =	ssyncadd.s32 $0xFFFFFFB0  }
0x18b: {  	[tilespmem:s20], [sflag:$0x9] =	stream.indirect.gather [hbm4b:s1+s17], $0x80, s13, s17, $0xb8;
	[tilespmem:$0x1E080] =	vst v63  }
0x18c: {  	_ =	swait.ge [sflag:s10], $0x2800  }
0x18d: {  	[sflag:s10] =	ssyncset.done $0x0  }
0x18e: {  	s11 =	simm.s32 $0x500;
	[sflag:s10] =	ssyncadd.s32 $0xFFFFD800  }
0x18f: {  	[spmem:s2] =	stream.indirect.scatter.add.f32 [tilespmem:s15], [sflag:$0xF], $0x80, s11, s17, $0xb8;
	[tilespmem:$0x1E080] =	vst v63  }
0x190: {  	_ =	swait.ge [sflag:s24], $0x2800  }
0x191: {  	s4 =	rddreg [dreg:$0xd];
	[sflag:s24] =	ssyncset.done $0x0  }
0x192: {  	s31 =	rddreg [dreg:$0xc];
	[sflag:s24] =	ssyncadd.s32 $0xFFFFD800;
	s18 =	sadd.s32 $0x0, s4  }
0x193: {  	[tilespmem:s16], [sflag:$0x2] =	stream.linear.gather [hbm4b:s18+s3], $0x50, $0x38;
	[tilespmem:$0x1E080] =	vst v63  }
0x194: {  	s23 =	sadd.s32 $0x0, s31  }
0x195: {  	[tilespmem:s0], [sflag:$0x2] =	stream.linear.gather [hbm4b:s23+s3], $0x50, $0x38;
	[tilespmem:$0x1E080] =	vst v63  }
0x196: {  	_ =	swait.ge [sflag:s25], $0x50  }
0x197: {  	[sflag:s25] =	ssyncset.done $0x0  }
0x198: {  	[sflag:s25] =	ssyncadd.s32 $0xFFFFFFB0  }
0x199: {  	_ =	swait.ge [sflag:s25], $0x50  }
0x19a: {  	[sflag:s25] =	ssyncset.done $0x0  }
0x19b: {  	s4 =	simm.s32 $0x280;
	[sflag:s25] =	ssyncadd.s32 $0xFFFFFFB0  }
0x19c: {  	[tilespmem:s14], [sflag:$0xA] =	stream.indirect.gather [hbm4b:s1+s17], $0x80, s4, s17, $0xb8;
	[tilespmem:$0x1E080] =	vst v63  }
0x19d: {  	_ =	swait.ge [sflag:s12], $0x2800  }
0x19e: {  	[sflag:s12] =	ssyncset.done $0x0  }
0x19f: {  	s0 =	simm.s32 $0x580;
	[sflag:s12] =	ssyncadd.s32 $0xFFFFD800  }
0x1a0: {  	[spmem:s2] =	stream.indirect.scatter.add.f32 [tilespmem:s21], [sflag:$0x10], $0x80, s0, s17, $0xb8;
	[tilespmem:$0x1E080] =	vst v63  }
0x1a1: {  	_ =	swait.ge [sflag:s26], $0x2800  }
0x1a2: {  	s25 =	rddreg [dreg:$0xb];
	[sflag:s26] =	ssyncset.done $0x0  }
0x1a3: {  	s31 =	rddreg [dreg:$0xa];
	[sflag:s26] =	ssyncadd.s32 $0xFFFFD800;
	s18 =	sadd.s32 $0x0, s25  }
0x1a4: {  	[tilespmem:s19], [sflag:$0x3] =	stream.linear.gather [hbm4b:s18+s3], $0x50, $0x38;
	[tilespmem:$0x1E080] =	vst v63  }
0x1a5: {  	s23 =	sadd.s32 $0x0, s31  }
0x1a6: {  	[tilespmem:s11], [sflag:$0x3] =	stream.linear.gather [hbm4b:s23+s3], $0x50, $0x38;
	[tilespmem:$0x1E080] =	vst v63  }
0x1a7: {  	_ =	swait.ge [sflag:s28], $0x50  }
0x1a8: {  	[sflag:s28] =	ssyncset.done $0x0  }
0x1a9: {  	[sflag:s28] =	ssyncadd.s32 $0xFFFFFFB0  }
0x1aa: {  	_ =	swait.ge [sflag:s28], $0x50  }
0x1ab: {  	[sflag:s28] =	ssyncset.done $0x0  }
0x1ac: {  	s25 =	simm.s32 $0x300;
	[sflag:s28] =	ssyncadd.s32 $0xFFFFFFB0  }
0x1ad: {  	[tilespmem:s15], [sflag:$0xB] =	stream.indirect.gather [hbm4b:s1+s17], $0x80, s25, s17, $0xb8;
	[tilespmem:$0x1E080] =	vst v63  }
0x1ae: {  	_ =	swait.ge [sflag:s8], $0x2800  }
0x1af: {  	[sflag:s8] =	ssyncset.done $0x0  }
0x1b0: {  	s26 =	simm.s32 $0x600;
	[sflag:s8] =	ssyncadd.s32 $0xFFFFD800  }
0x1b1: {  	[spmem:s2] =	stream.indirect.scatter.add.f32 [tilespmem:s20], [sflag:$0xD], $0x80, s26, s17, $0xb8;
	[tilespmem:$0x1E080] =	vst v63  }
0x1b2: {  	_ =	swait.ge [sflag:s29], $0x2800  }
0x1b3: {  	s28 =	rddreg [dreg:$0x9];
	[sflag:s29] =	ssyncset.done $0x0  }
0x1b4: {  	s31 =	rddreg [dreg:$0x8];
	[sflag:s29] =	ssyncadd.s32 $0xFFFFD800;
	s18 =	sadd.s32 $0x0, s28  }
0x1b5: {  	[tilespmem:s7], [sflag:$0x4] =	stream.linear.gather [hbm4b:s18+s3], $0x50, $0x38;
	[tilespmem:$0x1E080] =	vst v63  }
0x1b6: {  	s11 =	sadd.s32 $0x0, s31  }
0x1b7: {  	[tilespmem:s0], [sflag:$0x4] =	stream.linear.gather [hbm4b:s11+s3], $0x50, $0x38;
	[tilespmem:$0x1E080] =	vst v63  }
0x1b8: {  	_ =	swait.ge [sflag:s30], $0x50  }
0x1b9: {  	[sflag:s30] =	ssyncset.done $0x0  }
0x1ba: {  	[sflag:s30] =	ssyncadd.s32 $0xFFFFFFB0  }
0x1bb: {  	_ =	swait.ge [sflag:s30], $0x50  }
0x1bc: {  	[sflag:s30] =	ssyncset.done $0x0  }
0x1bd: {  	s18 =	simm.s32 $0x380;
	[sflag:s30] =	ssyncadd.s32 $0xFFFFFFB0  }
0x1be: {  	[tilespmem:s21], [sflag:$0xC] =	stream.indirect.gather [hbm4b:s1+s17], $0x80, s18, s17, $0xb8;
	[tilespmem:$0x1E080] =	vst v63  }
0x1bf: {  	_ =	swait.ge [sflag:s9], $0x2800  }
0x1c0: {  	[sflag:s9] =	ssyncset.done $0x0  }
0x1c1: {  	s19 =	simm.s32 $0x680;
	[sflag:s9] =	ssyncadd.s32 $0xFFFFD800  }
0x1c2: {  	[spmem:s2] =	stream.indirect.scatter.add.f32 [tilespmem:s14], [sflag:$0xE], $0x80, s19, s17, $0xb8;
	[tilespmem:$0x1E080] =	vst v63  }
0x1c3: {  	_ =	swait.ge [sflag:s22], $0x2800  }
0x1c4: {  	s21 =	rddreg [dreg:$0x7];
	[sflag:s22] =	ssyncset.done $0x0  }
0x1c5: {  	s31 =	rddreg [dreg:$0x6];
	[sflag:s22] =	ssyncadd.s32 $0xFFFFD800;
	s18 =	sadd.s32 $0x0, s21  }
0x1c6: {  	[tilespmem:s13], [sflag:$0x5] =	stream.linear.gather [hbm4b:s18+s3], $0x50, $0x38;
	[tilespmem:$0x1E080] =	vst v63  }
0x1c7: {  	s23 =	sadd.s32 $0x0, s31  }
0x1c8: {  	[tilespmem:s26], [sflag:$0x5] =	stream.linear.gather [hbm4b:s23+s3], $0x50, $0x38;
	[tilespmem:$0x1E080] =	vst v63  }
0x1c9: {  	_ =	swait.ge [sflag:s5], $0x50  }
0x1ca: {  	[sflag:s5] =	ssyncset.done $0x0  }
0x1cb: {  	[sflag:s5] =	ssyncadd.s32 $0xFFFFFFB0  }
0x1cc: {  	_ =	swait.ge [sflag:s5], $0x50  }
0x1cd: {  	[sflag:s5] =	ssyncset.done $0x0  }
0x1ce: {  	[sflag:s5] =	ssyncadd.s32 $0xFFFFFFB0  }
0x1cf: {  	[tilespmem:s20], [sflag:$0x9] =	stream.indirect.gather [hbm4b:s1+s17], $0x80, s3, s17, $0xb8;
	[tilespmem:$0x1E080] =	vst v63  }
0x1d0: {  	_ =	swait.ge [sflag:s10], $0x2800  }
0x1d1: {  	[sflag:s10] =	ssyncset.done $0x0  }
0x1d2: {  	s25 =	simm.s32 $0x700;
	[sflag:s10] =	ssyncadd.s32 $0xFFFFD800  }
0x1d3: {  	[spmem:s2] =	stream.indirect.scatter.add.f32 [tilespmem:s15], [sflag:$0xF], $0x80, s25, s17, $0xb8;
	[tilespmem:$0x1E080] =	vst v63  }
0x1d4: {  	_ =	swait.ge [sflag:s24], $0x2800  }
0x1d5: {  	s26 =	rddreg [dreg:$0x5];
	[sflag:s24] =	ssyncset.done $0x0  }
0x1d6: {  	s31 =	rddreg [dreg:$0x4];
	[sflag:s24] =	ssyncadd.s32 $0xFFFFD800;
	s18 =	sadd.s32 $0x0, s26  }
0x1d7: {  	[tilespmem:s4], [sflag:$0x6] =	stream.linear.gather [hbm4b:s18+s3], $0x50, $0x38;
	[tilespmem:$0x1E080] =	vst v63  }
0x1d8: {  	s28 =	sadd.s32 $0x0, s31  }
0x1d9: {  	[tilespmem:s19], [sflag:$0x6] =	stream.linear.gather [hbm4b:s28+s3], $0x50, $0x38;
	[tilespmem:$0x1E080] =	vst v63  }
0x1da: {  	_ =	swait.ge [sflag:s6], $0x50  }
0x1db: {  	[sflag:s6] =	ssyncset.done $0x0  }
0x1dc: {  	[sflag:s6] =	ssyncadd.s32 $0xFFFFFFB0  }
0x1dd: {  	_ =	swait.ge [sflag:s6], $0x50  }
0x1de: {  	[sflag:s6] =	ssyncset.done $0x0  }
0x1df: {  	s16 =	simm.s32 $0x80;
	[sflag:s6] =	ssyncadd.s32 $0xFFFFFFB0  }
0x1e0: {  	[tilespmem:s14], [sflag:$0xA] =	stream.indirect.gather [hbm4b:s1+s17], $0x80, s16, s17, $0xb8;
	[tilespmem:$0x1E080] =	vst v63  }
0x1e1: {  	_ =	swait.ge [sflag:s12], $0x2800  }
0x1e2: {  	[sflag:s12] =	ssyncset.done $0x0  }
0x1e3: {  	s31 =	simm.s32 $0x50;
	[sflag:s12] =	ssyncadd.s32 $0xFFFFD800  }
.LBB2_2:
0x1e4: {  	s5 =	simm.s32 $0x780;
	s21 =	simm.s32 $0x8000;
	s28 =	simm.s32 $0xF  }
0x1e5: {  	[spmem:s2] =	stream.indirect.scatter.add.f32 [tilespmem:s21], [sflag:$0x10], $0x80, s5, s17, $0xb8;
	[tilespmem:$0x1E080] =	vst v63  }
0x1e6: {  	s18 =	smov.u32 s31;
	_ =	swait.ge [sflag:s28], $0x2800  }
0x1e7: {  	s9 =	simm.s32 $0x300;
	s4 =	rddreg [dreg:$0x13];
	[sflag:s28] =	ssyncset.done $0x0  }
0x1e8: {  	s7 =	rddreg [dreg:$0x12];
	[sflag:s28] =	ssyncadd.s32 $0xFFFFD800;
	s4 =	sadd.s32 s18, s4  }
0x1e9: {  	[tilespmem:s9], [sflag:$0x7] =	stream.linear.gather [hbm4b:s4+s3], $0x50, $0x38;
	[tilespmem:$0x1E080] =	vst v63  }
0x1ea: {  	s11 =	simm.s32 $0x700;
	s0 =	simm.s32 $0x3;
	s25 =	sadd.s32 s18, s7  }
0x1eb: {  	[tilespmem:s11], [sflag:$0x7] =	stream.linear.gather [hbm4b:s25+s3], $0x50, $0x38;
	[tilespmem:$0x1E080] =	vst v63  }
0x1ec: {  	_ =	swait.ge [sflag:s0], $0x50  }
0x1ed: {  	[sflag:s0] =	ssyncset.done $0x0  }
0x1ee: {  	[sflag:s0] =	ssyncadd.s32 $0xFFFFFFB0  }
0x1ef: {  	_ =	swait.ge [sflag:s0], $0x50  }
0x1f0: {  	s13 =	simm.s32 $0x100;
	[sflag:s0] =	ssyncset.done $0x0  }
0x1f1: {  	s14 =	simm.s32 $0x5800;
	s16 =	simm.s32 $0x9;
	[sflag:s0] =	ssyncadd.s32 $0xFFFFFFB0  }
0x1f2: {  	[tilespmem:s14], [sflag:$0xB] =	stream.indirect.gather [hbm4b:s1+s17], $0x80, s13, s17, $0xb8;
	[tilespmem:$0x1E080] =	vst v63  }
0x1f3: {  	_ =	swait.ge [sflag:s16], $0x2800  }
0x1f4: {  	[sflag:s16] =	ssyncset.done $0x0  }
0x1f5: {  	s8 =	simm.s32 $0x400;
	s6 =	simm.s32 $0x800;
	[sflag:s16] =	ssyncadd.s32 $0xFFFFD800  }
0x1f6: {  	[spmem:s2] =	stream.indirect.scatter.add.f32 [tilespmem:s6], [sflag:$0xD], $0x80, s8, s17, $0xb8;
	[tilespmem:$0x1E080] =	vst v63  }
0x1f7: {  	_ =	swait.ge [sflag:s29], $0x2800  }
0x1f8: {  	s19 =	simm.s32 $0x380;
	s26 =	rddreg [dreg:$0x11];
	[sflag:s29] =	ssyncset.done $0x0  }
0x1f9: {  	s0 =	rddreg [dreg:$0x10];
	[sflag:s29] =	ssyncadd.s32 $0xFFFFD800;
	s4 =	sadd.s32 s18, s26  }
0x1fa: {  	[tilespmem:s19], [sflag:$0x8] =	stream.linear.gather [hbm4b:s4+s3], $0x50, $0x38;
	[tilespmem:$0x1E080] =	vst v63  }
0x1fb: {  	s12 =	simm.s32 $0x4;
	s10 =	sadd.s32 s18, s0  }
0x1fc: {  	[tilespmem:s5], [sflag:$0x8] =	stream.linear.gather [hbm4b:s10+s3], $0x50, $0x38;
	[tilespmem:$0x1E080] =	vst v63  }
0x1fd: {  	_ =	swait.ge [sflag:s12], $0x50  }
0x1fe: {  	[sflag:s12] =	ssyncset.done $0x0  }
0x1ff: {  	[sflag:s12] =	ssyncadd.s32 $0xFFFFFFB0  }
0x200: {  	_ =	swait.ge [sflag:s12], $0x50  }
0x201: {  	[sflag:s12] =	ssyncset.done $0x0  }
0x202: {  	s22 =	simm.s32 $0xA;
	s10 =	simm.s32 $0x180;
	[sflag:s12] =	ssyncadd.s32 $0xFFFFFFB0  }
0x203: {  	[tilespmem:s21], [sflag:$0xC] =	stream.indirect.gather [hbm4b:s1+s17], $0x80, s10, s17, $0xb8;
	[tilespmem:$0x1E080] =	vst v63  }
0x204: {  	_ =	swait.ge [sflag:s22], $0x2800  }
0x205: {  	s23 =	simm.s32 $0xD;
	[sflag:s22] =	ssyncset.done $0x0  }
0x206: {  	s5 =	simm.s32 $0x3000;
	s12 =	simm.s32 $0x480;
	[sflag:s22] =	ssyncadd.s32 $0xFFFFD800  }
0x207: {  	[spmem:s2] =	stream.indirect.scatter.add.f32 [tilespmem:s5], [sflag:$0xE], $0x80, s12, s17, $0xb8;
	[tilespmem:$0x1E080] =	vst v63  }
0x208: {  	_ =	swait.ge [sflag:s23], $0x2800  }
0x209: {  	s15 =	rddreg [dreg:$0xf];
	[sflag:s23] =	ssyncset.done $0x0  }
0x20a: {  	s20 =	rddreg [dreg:$0xe];
	[sflag:s23] =	ssyncadd.s32 $0xFFFFD800;
	s4 =	sadd.s32 s18, s15  }
0x20b: {  	[tilespmem:s3], [sflag:$0x1] =	stream.linear.gather [hbm4b:s4+s3], $0x50, $0x38;
	[tilespmem:$0x1E080] =	vst v63  }
0x20c: {  	s25 =	simm.s32 $0x5;
	s24 =	sadd.s32 s18, s20  }
0x20d: {  	[tilespmem:s8], [sflag:$0x1] =	stream.linear.gather [hbm4b:s24+s3], $0x50, $0x38;
	[tilespmem:$0x1E080] =	vst v63  }
0x20e: {  	_ =	swait.ge [sflag:s25], $0x50  }
0x20f: {  	[sflag:s25] =	ssyncset.done $0x0  }
0x210: {  	[sflag:s25] =	ssyncadd.s32 $0xFFFFFFB0  }
0x211: {  	_ =	swait.ge [sflag:s25], $0x50  }
0x212: {  	[sflag:s25] =	ssyncset.done $0x0  }
0x213: {  	s15 =	simm.s32 $0x200;
	s24 =	simm.s32 $0xB;
	[sflag:s25] =	ssyncadd.s32 $0xFFFFFFB0  }
0x214: {  	[tilespmem:s6], [sflag:$0x9] =	stream.indirect.gather [hbm4b:s1+s17], $0x80, s15, s17, $0xb8;
	[tilespmem:$0x1E080] =	vst v63  }
0x215: {  	_ =	swait.ge [sflag:s24], $0x2800  }
0x216: {  	[sflag:s24] =	ssyncset.done $0x0  }
0x217: {  	s20 =	simm.s32 $0x500;
	s25 =	simm.s32 $0xE;
	[sflag:s24] =	ssyncadd.s32 $0xFFFFD800  }
0x218: {  	[spmem:s2] =	stream.indirect.scatter.add.f32 [tilespmem:s14], [sflag:$0xF], $0x80, s20, s17, $0xb8;
	[tilespmem:$0x1E080] =	vst v63  }
0x219: {  	_ =	swait.ge [sflag:s25], $0x2800  }
0x21a: {  	s8 =	simm.s32 $0x80;
	s26 =	rddreg [dreg:$0xd];
	[sflag:s25] =	ssyncset.done $0x0  }
0x21b: {  	s0 =	rddreg [dreg:$0xc];
	[sflag:s25] =	ssyncadd.s32 $0xFFFFD800;
	s4 =	sadd.s32 s18, s26  }
0x21c: {  	[tilespmem:s8], [sflag:$0x2] =	stream.linear.gather [hbm4b:s4+s3], $0x50, $0x38;
	[tilespmem:$0x1E080] =	vst v63  }
0x21d: {  	s7 =	sadd.s32 s18, s0  }
0x21e: {  	[tilespmem:s12], [sflag:$0x2] =	stream.linear.gather [hbm4b:s7+s3], $0x50, $0x38;
	[tilespmem:$0x1E080] =	vst v63  }
0x21f: {  	s12 =	simm.s32 $0x6  }
0x220: {  	_ =	swait.ge [sflag:s12], $0x50  }
0x221: {  	[sflag:s12] =	ssyncset.done $0x0  }
0x222: {  	[sflag:s12] =	ssyncadd.s32 $0xFFFFFFB0  }
0x223: {  	_ =	swait.ge [sflag:s12], $0x50  }
0x224: {  	[sflag:s12] =	ssyncset.done $0x0  }
0x225: {  	s0 =	simm.s32 $0x280;
	s26 =	simm.s32 $0xC;
	[sflag:s12] =	ssyncadd.s32 $0xFFFFFFB0  }
0x226: {  	[tilespmem:s5], [sflag:$0xA] =	stream.indirect.gather [hbm4b:s1+s17], $0x80, s0, s17, $0xb8;
	[tilespmem:$0x1E080] =	vst v63  }
0x227: {  	_ =	swait.ge [sflag:s26], $0x2800  }
0x228: {  	[sflag:s26] =	ssyncset.done $0x0  }
0x229: {  	s12 =	simm.s32 $0x580;
	[sflag:s26] =	ssyncadd.s32 $0xFFFFD800  }
0x22a: {  	[spmem:s2] =	stream.indirect.scatter.add.f32 [tilespmem:s21], [sflag:$0x10], $0x80, s12, s17, $0xb8;
	[tilespmem:$0x1E080] =	vst v63  }
0x22b: {  	_ =	swait.ge [sflag:s28], $0x2800  }
0x22c: {  	s4 =	rddreg [dreg:$0xb];
	[sflag:s28] =	ssyncset.done $0x0  }
0x22d: {  	s7 =	rddreg [dreg:$0xa];
	[sflag:s28] =	ssyncadd.s32 $0xFFFFD800;
	s4 =	sadd.s32 s18, s4  }
0x22e: {  	[tilespmem:s13], [sflag:$0x3] =	stream.linear.gather [hbm4b:s4+s3], $0x50, $0x38;
	[tilespmem:$0x1E080] =	vst v63  }
0x22f: {  	s13 =	sadd.s32 s18, s7  }
0x230: {  	[tilespmem:s20], [sflag:$0x3] =	stream.linear.gather [hbm4b:s13+s3], $0x50, $0x38;
	[tilespmem:$0x1E080] =	vst v63  }
0x231: {  	s20 =	simm.s32 $0x7  }
0x232: {  	_ =	swait.ge [sflag:s20], $0x50  }
0x233: {  	[sflag:s20] =	ssyncset.done $0x0  }
0x234: {  	[sflag:s20] =	ssyncadd.s32 $0xFFFFFFB0  }
0x235: {  	_ =	swait.ge [sflag:s20], $0x50  }
0x236: {  	[sflag:s20] =	ssyncset.done $0x0  }
0x237: {  	[sflag:s20] =	ssyncadd.s32 $0xFFFFFFB0  }
0x238: {  	[tilespmem:s14], [sflag:$0xB] =	stream.indirect.gather [hbm4b:s1+s17], $0x80, s9, s17, $0xb8;
	[tilespmem:$0x1E080] =	vst v63  }
0x239: {  	_ =	swait.ge [sflag:s16], $0x2800  }
0x23a: {  	[sflag:s16] =	ssyncset.done $0x0  }
0x23b: {  	s28 =	simm.s32 $0x600;
	[sflag:s16] =	ssyncadd.s32 $0xFFFFD800  }
0x23c: {  	[spmem:s2] =	stream.indirect.scatter.add.f32 [tilespmem:s6], [sflag:$0xD], $0x80, s28, s17, $0xb8;
	[tilespmem:$0x1E080] =	vst v63  }
0x23d: {  	_ =	swait.ge [sflag:s29], $0x2800  }
0x23e: {  	s7 =	rddreg [dreg:$0x9];
	[sflag:s29] =	ssyncset.done $0x0  }
0x23f: {  	s9 =	rddreg [dreg:$0x8];
	[sflag:s29] =	ssyncadd.s32 $0xFFFFD800;
	s4 =	sadd.s32 s18, s7  }
0x240: {  	[tilespmem:s10], [sflag:$0x4] =	stream.linear.gather [hbm4b:s4+s3], $0x50, $0x38;
	[tilespmem:$0x1E080] =	vst v63  }
0x241: {  	s10 =	sadd.s32 s18, s9  }
0x242: {  	[tilespmem:s12], [sflag:$0x4] =	stream.linear.gather [hbm4b:s10+s3], $0x50, $0x38;
	[tilespmem:$0x1E080] =	vst v63  }
0x243: {  	_ =	swait.ge [sflag:s30], $0x50  }
0x244: {  	[sflag:s30] =	ssyncset.done $0x0  }
0x245: {  	[sflag:s30] =	ssyncadd.s32 $0xFFFFFFB0  }
0x246: {  	_ =	swait.ge [sflag:s30], $0x50  }
0x247: {  	[sflag:s30] =	ssyncset.done $0x0  }
0x248: {  	[sflag:s30] =	ssyncadd.s32 $0xFFFFFFB0  }
0x249: {  	[tilespmem:s21], [sflag:$0xC] =	stream.indirect.gather [hbm4b:s1+s17], $0x80, s19, s17, $0xb8;
	[tilespmem:$0x1E080] =	vst v63  }
0x24a: {  	_ =	swait.ge [sflag:s22], $0x2800  }
0x24b: {  	[sflag:s22] =	ssyncset.done $0x0  }
0x24c: {  	s16 =	simm.s32 $0x680;
	[sflag:s22] =	ssyncadd.s32 $0xFFFFD800  }
0x24d: {  	[spmem:s2] =	stream.indirect.scatter.add.f32 [tilespmem:s5], [sflag:$0xE], $0x80, s16, s17, $0xb8;
	[tilespmem:$0x1E080] =	vst v63  }
0x24e: {  	_ =	swait.ge [sflag:s23], $0x2800  }
0x24f: {  	s19 =	rddreg [dreg:$0x7];
	[sflag:s23] =	ssyncset.done $0x0  }
0x250: {  	s20 =	rddreg [dreg:$0x6];
	[sflag:s23] =	ssyncadd.s32 $0xFFFFD800;
	s4 =	sadd.s32 s18, s19  }
0x251: {  	[tilespmem:s15], [sflag:$0x5] =	stream.linear.gather [hbm4b:s4+s3], $0x50, $0x38;
	[tilespmem:$0x1E080] =	vst v63  }
0x252: {  	s22 =	simm.s32 $0x1;
	s21 =	sadd.s32 s18, s20  }
0x253: {  	[tilespmem:s28], [sflag:$0x5] =	stream.linear.gather [hbm4b:s21+s3], $0x50, $0x38;
	[tilespmem:$0x1E080] =	vst v63  }
0x254: {  	_ =	swait.ge [sflag:s22], $0x50  }
0x255: {  	[sflag:s22] =	ssyncset.done $0x0  }
0x256: {  	[sflag:s22] =	ssyncadd.s32 $0xFFFFFFB0  }
0x257: {  	_ =	swait.ge [sflag:s22], $0x50  }
0x258: {  	[sflag:s22] =	ssyncset.done $0x0  }
0x259: {  	[sflag:s22] =	ssyncadd.s32 $0xFFFFFFB0  }
0x25a: {  	[tilespmem:s6], [sflag:$0x9] =	stream.indirect.gather [hbm4b:s1+s17], $0x80, s3, s17, $0xb8;
	[tilespmem:$0x1E080] =	vst v63  }
0x25b: {  	_ =	swait.ge [sflag:s24], $0x2800  }
0x25c: {  	[sflag:s24] =	ssyncset.done $0x0  }
0x25d: {  	[sflag:s24] =	ssyncadd.s32 $0xFFFFD800  }
0x25e: {  	[spmem:s2] =	stream.indirect.scatter.add.f32 [tilespmem:s14], [sflag:$0xF], $0x80, s11, s17, $0xb8;
	[tilespmem:$0x1E080] =	vst v63  }
0x25f: {  	_ =	swait.ge [sflag:s25], $0x2800  }
0x260: {  	s23 =	rddreg [dreg:$0x5];
	[sflag:s25] =	ssyncset.done $0x0  }
0x261: {  	s24 =	rddreg [dreg:$0x4];
	[sflag:s25] =	ssyncadd.s32 $0xFFFFD800;
	s4 =	sadd.s32 s18, s23  }
0x262: {  	[tilespmem:s0], [sflag:$0x6] =	stream.linear.gather [hbm4b:s4+s3], $0x50, $0x38;
	[tilespmem:$0x1E080] =	vst v63  }
0x263: {  	s28 =	simm.s32 $0x2;
	s25 =	sadd.s32 s18, s24  }
0x264: {  	[tilespmem:s16], [sflag:$0x6] =	stream.linear.gather [hbm4b:s25+s3], $0x50, $0x38;
	[tilespmem:$0x1E080] =	vst v63  }
0x265: {  	_ =	swait.ge [sflag:s28], $0x50  }
0x266: {  	[sflag:s28] =	ssyncset.done $0x0  }
0x267: {  	[sflag:s28] =	ssyncadd.s32 $0xFFFFFFB0  }
0x268: {  	_ =	swait.ge [sflag:s28], $0x50  }
0x269: {  	p1 =	sne.s32 s31, $0x3C0;
	[sflag:s28] =	ssyncset.done $0x0  }
.Ltmp0:
0x26a: {  	[sflag:s28] =	ssyncadd.s32 $0xFFFFFFB0;
	(pc) =	sbr.rel @p1 .LBB2_2-.Ltmp0, $4  }
0x26b: {  	[tilespmem:s5], [sflag:$0xA] =	stream.indirect.gather [hbm4b:s1+s17], $0x80, s8, s17, $0xb8;
	[tilespmem:$0x1E080] =	vst v63  }
0x26c: {  	_ =	swait.ge [sflag:s26], $0x2800  }
0x26d: {  	s31 =	sadd.s32 $0x50, s31;
	[sflag:s26] =	ssyncset.done $0x0  }
0x26e: {  	s10 =	simm.s32 $0x280;
	s0 =	simm.s32 $0x680;
	[sflag:s26] =	ssyncadd.s32 $0xFFFFD800  }
0x26f: {  	s4 =	simm.s32 $0x780;
	s21 =	simm.s32 $0x8000;
	s8 =	simm.s32 $0xF  }
0x270: {  	[spmem:s2] =	stream.indirect.scatter.add.f32 [tilespmem:s21], [sflag:$0x10], $0x80, s4, s17, $0xb8;
	[tilespmem:$0x1E080] =	vst v63  }
0x271: {  	_ =	swait.ge [sflag:s8], $0x2800  }
0x272: {  	s16 =	sld [smem:$0x7D0]  }
0x273: {  	[sflag:s8] =	ssyncset.done $0x0  }
0x274: {  	s31 =	simm.s32 $0x300;
	s18 =	sld [smem:$0x7D1];
	[sflag:s8] =	ssyncadd.s32 $0xFFFFD800  }
0x275: {  	[tilespmem:s31], [sflag:$0x7] =	stream.linear.gather [hbm4b:s16+s3], $0x50, $0x38;
	[tilespmem:$0x1E080] =	vst v63  }
0x276: {  	s6 =	simm.s32 $0x700;
	s9 =	simm.s32 $0x3  }
0x277: {  	[tilespmem:s6], [sflag:$0x7] =	stream.linear.gather [hbm4b:s18+s3], $0x50, $0x38;
	[tilespmem:$0x1E080] =	vst v63  }
0x278: {  	_ =	swait.ge [sflag:s9], $0x50  }
0x279: {  	[sflag:s9] =	ssyncset.done $0x0  }
0x27a: {  	[sflag:s9] =	ssyncadd.s32 $0xFFFFFFB0  }
0x27b: {  	_ =	swait.ge [sflag:s9], $0x50  }
0x27c: {  	s12 =	simm.s32 $0x100;
	[sflag:s9] =	ssyncset.done $0x0  }
0x27d: {  	s14 =	simm.s32 $0x5800;
	s7 =	simm.s32 $0x9;
	[sflag:s9] =	ssyncadd.s32 $0xFFFFFFB0  }
0x27e: {  	[tilespmem:s14], [sflag:$0xB] =	stream.indirect.gather [hbm4b:s1+s17], $0x80, s12, s17, $0xb8;
	[tilespmem:$0x1E080] =	vst v63  }
0x27f: {  	_ =	swait.ge [sflag:s7], $0x2800  }
0x280: {  	[sflag:s7] =	ssyncset.done $0x0  }
0x281: {  	s19 =	simm.s32 $0x400;
	s20 =	simm.s32 $0x800;
	[sflag:s7] =	ssyncadd.s32 $0xFFFFD800  }
0x282: {  	[spmem:s2] =	stream.indirect.scatter.add.f32 [tilespmem:s20], [sflag:$0xD], $0x80, s19, s17, $0xb8;
	[tilespmem:$0x1E080] =	vst v63  }
0x283: {  	_ =	swait.ge [sflag:s29], $0x2800  }
0x284: {  	s22 =	sld [smem:$0x7D2]  }
0x285: {  	[sflag:s29] =	ssyncset.done $0x0  }
0x286: {  	s19 =	simm.s32 $0x380;
	s23 =	sld [smem:$0x7D3];
	[sflag:s29] =	ssyncadd.s32 $0xFFFFD800  }
0x287: {  	[tilespmem:s19], [sflag:$0x8] =	stream.linear.gather [hbm4b:s22+s3], $0x50, $0x38;
	[tilespmem:$0x1E080] =	vst v63  }
0x288: {  	s5 =	simm.s32 $0x780;
	s6 =	simm.s32 $0x4  }
0x289: {  	[tilespmem:s5], [sflag:$0x8] =	stream.linear.gather [hbm4b:s23+s3], $0x50, $0x38;
	[tilespmem:$0x1E080] =	vst v63  }
0x28a: {  	_ =	swait.ge [sflag:s6], $0x50  }
0x28b: {  	[sflag:s6] =	ssyncset.done $0x0  }
0x28c: {  	[sflag:s6] =	ssyncadd.s32 $0xFFFFFFB0  }
0x28d: {  	_ =	swait.ge [sflag:s6], $0x50  }
0x28e: {  	[sflag:s6] =	ssyncset.done $0x0  }
0x28f: {  	s11 =	simm.s32 $0x180;
	s22 =	simm.s32 $0xA;
	[sflag:s6] =	ssyncadd.s32 $0xFFFFFFB0  }
0x290: {  	[tilespmem:s21], [sflag:$0xC] =	stream.indirect.gather [hbm4b:s1+s17], $0x80, s11, s17, $0xb8;
	[tilespmem:$0x1E080] =	vst v63  }
0x291: {  	_ =	swait.ge [sflag:s22], $0x2800  }
0x292: {  	s16 =	simm.s32 $0x3000;
	[sflag:s22] =	ssyncset.done $0x0  }
0x293: {  	s18 =	simm.s32 $0x480;
	s23 =	simm.s32 $0xD;
	[sflag:s22] =	ssyncadd.s32 $0xFFFFD800  }
0x294: {  	[spmem:s2] =	stream.indirect.scatter.add.f32 [tilespmem:s16], [sflag:$0xE], $0x80, s18, s17, $0xb8;
	[tilespmem:$0x1E080] =	vst v63  }
0x295: {  	_ =	swait.ge [sflag:s23], $0x2800  }
0x296: {  	s24 =	sld [smem:$0x7D4]  }
0x297: {  	[sflag:s23] =	ssyncset.done $0x0  }
0x298: {  	s25 =	sld [smem:$0x7D5];
	[sflag:s23] =	ssyncadd.s32 $0xFFFFD800  }
0x299: {  	[tilespmem:s3], [sflag:$0x1] =	stream.linear.gather [hbm4b:s24+s3], $0x50, $0x38;
	[tilespmem:$0x1E080] =	vst v63  }
0x29a: {  	s13 =	simm.s32 $0x400;
	s5 =	simm.s32 $0x5  }
0x29b: {  	[tilespmem:s13], [sflag:$0x1] =	stream.linear.gather [hbm4b:s25+s3], $0x50, $0x38;
	[tilespmem:$0x1E080] =	vst v63  }
0x29c: {  	_ =	swait.ge [sflag:s5], $0x50  }
0x29d: {  	[sflag:s5] =	ssyncset.done $0x0  }
0x29e: {  	[sflag:s5] =	ssyncadd.s32 $0xFFFFFFB0  }
0x29f: {  	_ =	swait.ge [sflag:s5], $0x50  }
0x2a0: {  	[sflag:s5] =	ssyncset.done $0x0  }
0x2a1: {  	s15 =	simm.s32 $0x200;
	s24 =	simm.s32 $0xB;
	[sflag:s5] =	ssyncadd.s32 $0xFFFFFFB0  }
0x2a2: {  	[tilespmem:s20], [sflag:$0x9] =	stream.indirect.gather [hbm4b:s1+s17], $0x80, s15, s17, $0xb8;
	[tilespmem:$0x1E080] =	vst v63  }
0x2a3: {  	_ =	swait.ge [sflag:s24], $0x2800  }
0x2a4: {  	[sflag:s24] =	ssyncset.done $0x0  }
0x2a5: {  	s13 =	simm.s32 $0x500;
	s25 =	simm.s32 $0xE;
	[sflag:s24] =	ssyncadd.s32 $0xFFFFD800  }
0x2a6: {  	[spmem:s2] =	stream.indirect.scatter.add.f32 [tilespmem:s14], [sflag:$0xF], $0x80, s13, s17, $0xb8;
	[tilespmem:$0x1E080] =	vst v63  }
0x2a7: {  	_ =	swait.ge [sflag:s25], $0x2800  }
0x2a8: {  	s26 =	sld [smem:$0x7D6]  }
0x2a9: {  	[sflag:s25] =	ssyncset.done $0x0  }
0x2aa: {  	s28 =	simm.s32 $0x80;
	[sflag:s25] =	ssyncadd.s32 $0xFFFFD800  }
0x2ab: {  	[tilespmem:s28], [sflag:$0x2] =	stream.linear.gather [hbm4b:s26+s3], $0x50, $0x38;
	[tilespmem:$0x1E080] =	vst v63  }
0x2ac: {  	s26 =	sld [smem:$0x7D7];
	_ =	sdelay $0x2  }
0x2ad: {  	[tilespmem:s18], [sflag:$0x2] =	stream.linear.gather [hbm4b:s26+s3], $0x50, $0x38;
	[tilespmem:$0x1E080] =	vst v63  }
0x2ae: {  	s26 =	simm.s32 $0x6  }
0x2af: {  	_ =	swait.ge [sflag:s26], $0x50  }
0x2b0: {  	[sflag:s26] =	ssyncset.done $0x0  }
0x2b1: {  	[sflag:s26] =	ssyncadd.s32 $0xFFFFFFB0  }
0x2b2: {  	_ =	swait.ge [sflag:s26], $0x50  }
0x2b3: {  	[sflag:s26] =	ssyncset.done $0x0  }
0x2b4: {  	[sflag:s26] =	ssyncadd.s32 $0xFFFFFFB0;
	s26 =	simm.s32 $0xC  }
0x2b5: {  	[tilespmem:s16], [sflag:$0xA] =	stream.indirect.gather [hbm4b:s1+s17], $0x80, s10, s17, $0xb8;
	[tilespmem:$0x1E080] =	vst v63  }
0x2b6: {  	_ =	swait.ge [sflag:s26], $0x2800  }
0x2b7: {  	[sflag:s26] =	ssyncset.done $0x0  }
0x2b8: {  	s10 =	simm.s32 $0x580;
	[sflag:s26] =	ssyncadd.s32 $0xFFFFD800  }
0x2b9: {  	[spmem:s2] =	stream.indirect.scatter.add.f32 [tilespmem:s21], [sflag:$0x10], $0x80, s10, s17, $0xb8;
	[tilespmem:$0x1E080] =	vst v63  }
0x2ba: {  	_ =	swait.ge [sflag:s8], $0x2800  }
0x2bb: {  	s4 =	sld [smem:$0x7D8]  }
0x2bc: {  	[sflag:s8] =	ssyncset.done $0x0  }
0x2bd: {  	[sflag:s8] =	ssyncadd.s32 $0xFFFFD800  }
0x2be: {  	[tilespmem:s12], [sflag:$0x3] =	stream.linear.gather [hbm4b:s4+s3], $0x50, $0x38;
	[tilespmem:$0x1E080] =	vst v63  }
0x2bf: {  	s4 =	sld [smem:$0x7D9];
	_ =	sdelay $0x2  }
0x2c0: {  	[tilespmem:s13], [sflag:$0x3] =	stream.linear.gather [hbm4b:s4+s3], $0x50, $0x38;
	[tilespmem:$0x1E080] =	vst v63  }
0x2c1: {  	s4 =	simm.s32 $0x7  }
0x2c2: {  	_ =	swait.ge [sflag:s4], $0x50  }
0x2c3: {  	[sflag:s4] =	ssyncset.done $0x0  }
0x2c4: {  	[sflag:s4] =	ssyncadd.s32 $0xFFFFFFB0  }
0x2c5: {  	_ =	swait.ge [sflag:s4], $0x50  }
0x2c6: {  	[sflag:s4] =	ssyncset.done $0x0  }
0x2c7: {  	[sflag:s4] =	ssyncadd.s32 $0xFFFFFFB0  }
0x2c8: {  	[tilespmem:s14], [sflag:$0xB] =	stream.indirect.gather [hbm4b:s1+s17], $0x80, s31, s17, $0xb8;
	[tilespmem:$0x1E080] =	vst v63  }
0x2c9: {  	_ =	swait.ge [sflag:s7], $0x2800  }
0x2ca: {  	[sflag:s7] =	ssyncset.done $0x0  }
0x2cb: {  	s31 =	simm.s32 $0x600;
	[sflag:s7] =	ssyncadd.s32 $0xFFFFD800  }
0x2cc: {  	[spmem:s2] =	stream.indirect.scatter.add.f32 [tilespmem:s20], [sflag:$0xD], $0x80, s31, s17, $0xb8;
	[tilespmem:$0x1E080] =	vst v63  }
0x2cd: {  	_ =	swait.ge [sflag:s29], $0x2800  }
0x2ce: {  	s4 =	sld [smem:$0x7DA]  }
0x2cf: {  	[sflag:s29] =	ssyncset.done $0x0  }
0x2d0: {  	[sflag:s29] =	ssyncadd.s32 $0xFFFFD800  }
0x2d1: {  	[tilespmem:s11], [sflag:$0x4] =	stream.linear.gather [hbm4b:s4+s3], $0x50, $0x38;
	[tilespmem:$0x1E080] =	vst v63  }
0x2d2: {  	s4 =	sld [smem:$0x7DB];
	_ =	sdelay $0x2  }
0x2d3: {  	[tilespmem:s10], [sflag:$0x4] =	stream.linear.gather [hbm4b:s4+s3], $0x50, $0x38;
	[tilespmem:$0x1E080] =	vst v63  }
0x2d4: {  	_ =	swait.ge [sflag:s30], $0x50  }
0x2d5: {  	[sflag:s30] =	ssyncset.done $0x0  }
0x2d6: {  	[sflag:s30] =	ssyncadd.s32 $0xFFFFFFB0  }
0x2d7: {  	_ =	swait.ge [sflag:s30], $0x50  }
0x2d8: {  	[sflag:s30] =	ssyncset.done $0x0  }
0x2d9: {  	[sflag:s30] =	ssyncadd.s32 $0xFFFFFFB0  }
0x2da: {  	[tilespmem:s21], [sflag:$0xC] =	stream.indirect.gather [hbm4b:s1+s17], $0x80, s19, s17, $0xb8;
	[tilespmem:$0x1E080] =	vst v63  }
0x2db: {  	_ =	swait.ge [sflag:s22], $0x2800  }
0x2dc: {  	[sflag:s22] =	ssyncset.done $0x0  }
0x2dd: {  	[sflag:s22] =	ssyncadd.s32 $0xFFFFD800  }
0x2de: {  	[spmem:s2] =	stream.indirect.scatter.add.f32 [tilespmem:s16], [sflag:$0xE], $0x80, s0, s17, $0xb8;
	[tilespmem:$0x1E080] =	vst v63  }
0x2df: {  	_ =	swait.ge [sflag:s23], $0x2800  }
0x2e0: {  	s19 =	sld [smem:$0x7DF]  }
0x2e1: {  	[sflag:s23] =	ssyncset.done $0x0  }
0x2e2: {  	s0 =	sld [smem:$0x7DE];
	[sflag:s23] =	ssyncadd.s32 $0xFFFFD800  }
0x2e3: {  	[tilespmem:s15], [sflag:$0x5] =	stream.linear.gather [hbm4b:s19+s3], $0x50, $0x38;
	[tilespmem:$0x1E080] =	vst v63  }
0x2e4: {  	s19 =	simm.s32 $0x1  }
0x2e5: {  	[tilespmem:s31], [sflag:$0x5] =	stream.linear.gather [hbm4b:s0+s3], $0x50, $0x38;
	[tilespmem:$0x1E080] =	vst v63  }
0x2e6: {  	_ =	swait.ge [sflag:s19], $0x50  }
0x2e7: {  	[sflag:s19] =	ssyncset.done $0x0  }
0x2e8: {  	[sflag:s19] =	ssyncadd.s32 $0xFFFFFFB0  }
0x2e9: {  	_ =	swait.ge [sflag:s19], $0x50  }
0x2ea: {  	[sflag:s19] =	ssyncset.done $0x0  }
0x2eb: {  	[sflag:s19] =	ssyncadd.s32 $0xFFFFFFB0  }
0x2ec: {  	[tilespmem:s20], [sflag:$0x9] =	stream.indirect.gather [hbm4b:s1+s17], $0x80, s3, s17, $0xb8;
	[tilespmem:$0x1E080] =	vst v63  }
0x2ed: {  	_ =	swait.ge [sflag:s24], $0x2800  }
0x2ee: {  	[sflag:s24] =	ssyncset.done $0x0  }
0x2ef: {  	s4 =	simm.s32 $0x700;
	[sflag:s24] =	ssyncadd.s32 $0xFFFFD800  }
0x2f0: {  	[spmem:s2] =	stream.indirect.scatter.add.f32 [tilespmem:s14], [sflag:$0xF], $0x80, s4, s17, $0xb8;
	[tilespmem:$0x1E080] =	vst v63  }
0x2f1: {  	_ =	swait.ge [sflag:s25], $0x2800  }
0x2f2: {  	[sflag:s25] =	ssyncset.done $0x0  }
0x2f3: {  	s19 =	simm.s32 $0x2;
	[sflag:s25] =	ssyncadd.s32 $0xFFFFD800  }
0x2f4: {  	_ =	swait.ge [sflag:s19], $0x50  }
0x2f5: {  	[sflag:s19] =	ssyncset.done $0x0  }
0x2f6: {  	[sflag:s19] =	ssyncadd.s32 $0xFFFFFFB0  }
0x2f7: {  	_ =	swait.ge [sflag:s19], $0x50  }
0x2f8: {  	[sflag:s19] =	ssyncset.done $0x0  }
0x2f9: {  	[sflag:s19] =	ssyncadd.s32 $0xFFFFFFB0  }
0x2fa: {  	[tilespmem:s16], [sflag:$0xA] =	stream.indirect.gather [hbm4b:s1+s17], $0x80, s28, s17, $0xb8;
	[tilespmem:$0x1E080] =	vst v63  }
0x2fb: {  	_ =	swait.ge [sflag:s26], $0x2800  }
0x2fc: {  	[sflag:s26] =	ssyncset.done $0x0  }
0x2fd: {  	s4 =	simm.s32 $0x780;
	[sflag:s26] =	ssyncadd.s32 $0xFFFFD800  }
0x2fe: {  	[spmem:s2] =	stream.indirect.scatter.add.f32 [tilespmem:s21], [sflag:$0x10], $0x80, s4, s17, $0xb8;
	[tilespmem:$0x1E080] =	vst v63  }
0x2ff: {  	_ =	swait.ge [sflag:s8], $0x2800  }
0x300: {  	[sflag:s8] =	ssyncset.done $0x0  }
0x301: {  	[sflag:s8] =	ssyncadd.s32 $0xFFFFD800  }
0x302: {  	_ =	swait.ge [sflag:s9], $0x50  }
0x303: {  	[sflag:s9] =	ssyncset.done $0x0  }
0x304: {  	[sflag:s9] =	ssyncadd.s32 $0xFFFFFFB0  }
0x305: {  	_ =	swait.ge [sflag:s9], $0x50  }
0x306: {  	[sflag:s9] =	ssyncset.done $0x0  }
0x307: {  	[sflag:s9] =	ssyncadd.s32 $0xFFFFFFB0  }
0x308: {  	[tilespmem:s14], [sflag:$0xB] =	stream.indirect.gather [hbm4b:s1+s17], $0x80, s12, s17, $0xb8;
	[tilespmem:$0x1E080] =	vst v63  }
0x309: {  	_ =	swait.ge [sflag:s7], $0x2800  }
0x30a: {  	[sflag:s7] =	ssyncset.done $0x0  }
0x30b: {  	s9 =	simm.s32 $0x400;
	[sflag:s7] =	ssyncadd.s32 $0xFFFFD800  }
0x30c: {  	[spmem:s2] =	stream.indirect.scatter.add.f32 [tilespmem:s20], [sflag:$0xD], $0x80, s9, s17, $0xb8;
	[tilespmem:$0x1E080] =	vst v63  }
0x30d: {  	_ =	swait.ge [sflag:s29], $0x2800  }
0x30e: {  	[sflag:s29] =	ssyncset.done $0x0  }
0x30f: {  	[sflag:s29] =	ssyncadd.s32 $0xFFFFD800  }
0x310: {  	_ =	swait.ge [sflag:s6], $0x50  }
0x311: {  	[sflag:s6] =	ssyncset.done $0x0  }
0x312: {  	[sflag:s6] =	ssyncadd.s32 $0xFFFFFFB0  }
0x313: {  	_ =	swait.ge [sflag:s6], $0x50  }
0x314: {  	[sflag:s6] =	ssyncset.done $0x0  }
0x315: {  	[sflag:s6] =	ssyncadd.s32 $0xFFFFFFB0  }
0x316: {  	[tilespmem:s21], [sflag:$0xC] =	stream.indirect.gather [hbm4b:s1+s17], $0x80, s11, s17, $0xb8;
	[tilespmem:$0x1E080] =	vst v63  }
0x317: {  	_ =	swait.ge [sflag:s22], $0x2800  }
0x318: {  	[sflag:s22] =	ssyncset.done $0x0  }
0x319: {  	[sflag:s22] =	ssyncadd.s32 $0xFFFFD800  }
0x31a: {  	[spmem:s2] =	stream.indirect.scatter.add.f32 [tilespmem:s16], [sflag:$0xE], $0x80, s18, s17, $0xb8;
	[tilespmem:$0x1E080] =	vst v63  }
0x31b: {  	_ =	swait.ge [sflag:s23], $0x2800  }
0x31c: {  	[sflag:s23] =	ssyncset.done $0x0  }
0x31d: {  	[sflag:s23] =	ssyncadd.s32 $0xFFFFD800  }
0x31e: {  	_ =	swait.ge [sflag:s5], $0x50  }
0x31f: {  	[sflag:s5] =	ssyncset.done $0x0  }
0x320: {  	[sflag:s5] =	ssyncadd.s32 $0xFFFFFFB0  }
0x321: {  	_ =	swait.ge [sflag:s5], $0x50  }
0x322: {  	[sflag:s5] =	ssyncset.done $0x0  }
0x323: {  	[sflag:s5] =	ssyncadd.s32 $0xFFFFFFB0  }
0x324: {  	[tilespmem:s20], [sflag:$0x9] =	stream.indirect.gather [hbm4b:s1+s17], $0x80, s15, s17, $0xb8;
	[tilespmem:$0x1E080] =	vst v63  }
0x325: {  	_ =	swait.ge [sflag:s24], $0x2800  }
0x326: {  	[sflag:s24] =	ssyncset.done $0x0  }
0x327: {  	[sflag:s24] =	ssyncadd.s32 $0xFFFFD800  }
0x328: {  	[spmem:s2] =	stream.indirect.scatter.add.f32 [tilespmem:s14], [sflag:$0xF], $0x80, s13, s17, $0xb8;
	[tilespmem:$0x1E080] =	vst v63  }
0x329: {  	_ =	swait.ge [sflag:s26], $0x2800  }
0x32a: {  	[sflag:s26] =	ssyncset.done $0x0  }
0x32b: {  	[sflag:s26] =	ssyncadd.s32 $0xFFFFD800  }
0x32c: {  	[spmem:s2] =	stream.indirect.scatter.add.f32 [tilespmem:s21], [sflag:$0x10], $0x80, s10, s17, $0xb8;
	[tilespmem:$0x1E080] =	vst v63  }
0x32d: {  	_ =	swait.ge [sflag:s7], $0x2800  }
0x32e: {  	[sflag:s7] =	ssyncset.done $0x0  }
0x32f: {  	[sflag:s7] =	ssyncadd.s32 $0xFFFFD800  }
0x330: {  	[spmem:s2] =	stream.indirect.scatter.add.f32 [tilespmem:s20], [sflag:$0xD], $0x80, s31, s17, $0xb8;
	[tilespmem:$0x1E080] =	vst v63  }
0x331: {  	_ =	swait.ge [sflag:s25], $0x2800  }
0x332: {  	[sflag:s25] =	ssyncset.done $0x0  }
0x333: {  	[sflag:s25] =	ssyncadd.s32 $0xFFFFD800  }
0x334: {  	_ =	swait.ge [sflag:s8], $0x2800  }
0x335: {  	[sflag:s8] =	ssyncset.done $0x0  }
0x336: {  	[sflag:s8] =	ssyncadd.s32 $0xFFFFD800  }
0x337: {  	_ =	swait.ge [sflag:s29], $0x2800  }
0x338: {  	[sflag:s29] =	ssyncset.done $0x0  }
0x339: {  	[sflag:s29] =	ssyncadd.s32 $0xFFFFD800  }
0x33a: {  	_ =	swait.ge [sflag:s23], $0x2800  }
0x33b: {  	[sflag:s23] =	ssyncset.done $0x0  }
0x33c: {  	[sflag:s23] =	ssyncadd.s32 $0xFFFFD800  }
0x33d: {  	[bflag:$0x0] =	sbarrier.arrive $0xFFFF  }
0x33e: {  	s5 =	sld [smem:$0x7F0];
	_ =	sdelay $0x1  }
0x33f: {  	s7 =	simm.s32 $0x11  }
0x340: {  	[tilespmem:s20], [sflag:$0x11] =	stream.linear.gather [spmem:s5], $0x1800, $0x38;
	[tilespmem:$0x1E080] =	vst v63  }
0x341: {  	_ =	swait.ge [sflag:s7], $0x1800  }
0x342: {  	s10 =	sld [smem:$0x7E0]  }
0x343: {  	[sflag:s7] =	ssyncset.done $0x0  }
0x344: {  	[sflag:s7] =	ssyncadd.s32 $0xFFFFE800  }
0x345: {  	[hbm4b:s10+s3] =	stream.linear.scatter [tilespmem:s20], [sflag:$0x11], $0x1800, $0x38;
	[tilespmem:$0x1E080] =	vst v63  }
0x346: {  	_ =	swait.ge [sflag:s7], $0x1800  }
0x347: {  	s19 =	sld [smem:$0x7F1]  }
0x348: {  	[sflag:s7] =	ssyncset.done $0x0  }
0x349: {  	[sflag:s7] =	ssyncadd.s32 $0xFFFFE800  }
0x34a: {  	[tilespmem:s20], [sflag:$0x11] =	stream.linear.gather [spmem:s19], $0x1800, $0x38;
	[tilespmem:$0x1E080] =	vst v63  }
0x34b: {  	_ =	swait.ge [sflag:s7], $0x1800  }
0x34c: {  	s11 =	sld [smem:$0x7E1]  }
0x34d: {  	[sflag:s7] =	ssyncset.done $0x0  }
0x34e: {  	[sflag:s7] =	ssyncadd.s32 $0xFFFFE800  }
0x34f: {  	[hbm4b:s11+s3] =	stream.linear.scatter [tilespmem:s20], [sflag:$0x11], $0x1800, $0x38;
	[tilespmem:$0x1E080] =	vst v63  }
0x350: {  	_ =	swait.ge [sflag:s7], $0x1800  }
0x351: {  	s8 =	sld [smem:$0x7F2]  }
0x352: {  	[sflag:s7] =	ssyncset.done $0x0  }
0x353: {  	[sflag:s7] =	ssyncadd.s32 $0xFFFFE800  }
0x354: {  	[tilespmem:s20], [sflag:$0x11] =	stream.linear.gather [spmem:s8], $0x1800, $0x38;
	[tilespmem:$0x1E080] =	vst v63  }
0x355: {  	_ =	swait.ge [sflag:s7], $0x1800  }
0x356: {  	s12 =	sld [smem:$0x7E2]  }
0x357: {  	[sflag:s7] =	ssyncset.done $0x0  }
0x358: {  	[sflag:s7] =	ssyncadd.s32 $0xFFFFE800  }
0x359: {  	[hbm4b:s12+s3] =	stream.linear.scatter [tilespmem:s20], [sflag:$0x11], $0x1800, $0x38;
	[tilespmem:$0x1E080] =	vst v63  }
0x35a: {  	_ =	swait.ge [sflag:s7], $0x1800  }
0x35b: {  	s9 =	sld [smem:$0x7F3]  }
0x35c: {  	[sflag:s7] =	ssyncset.done $0x0  }
0x35d: {  	[sflag:s7] =	ssyncadd.s32 $0xFFFFE800  }
0x35e: {  	[tilespmem:s20], [sflag:$0x11] =	stream.linear.gather [spmem:s9], $0x1800, $0x38;
	[tilespmem:$0x1E080] =	vst v63  }
0x35f: {  	_ =	swait.ge [sflag:s7], $0x1800  }
0x360: {  	s13 =	sld [smem:$0x7E3]  }
0x361: {  	[sflag:s7] =	ssyncset.done $0x0  }
0x362: {  	[sflag:s7] =	ssyncadd.s32 $0xFFFFE800  }
0x363: {  	[hbm4b:s13+s3] =	stream.linear.scatter [tilespmem:s20], [sflag:$0x11], $0x1800, $0x38;
	[tilespmem:$0x1E080] =	vst v63  }
0x364: {  	_ =	swait.ge [sflag:s7], $0x1800  }
0x365: {  	s11 =	sld [smem:$0x7F4]  }
0x366: {  	[sflag:s7] =	ssyncset.done $0x0  }
0x367: {  	[sflag:s7] =	ssyncadd.s32 $0xFFFFE800  }
0x368: {  	[tilespmem:s20], [sflag:$0x11] =	stream.linear.gather [spmem:s11], $0x1800, $0x38;
	[tilespmem:$0x1E080] =	vst v63  }
0x369: {  	_ =	swait.ge [sflag:s7], $0x1800  }
0x36a: {  	s14 =	sld [smem:$0x7E4]  }
0x36b: {  	[sflag:s7] =	ssyncset.done $0x0  }
0x36c: {  	[sflag:s7] =	ssyncadd.s32 $0xFFFFE800  }
0x36d: {  	[hbm4b:s14+s3] =	stream.linear.scatter [tilespmem:s20], [sflag:$0x11], $0x1800, $0x38;
	[tilespmem:$0x1E080] =	vst v63  }
0x36e: {  	_ =	swait.ge [sflag:s7], $0x1800  }
0x36f: {  	s12 =	sld [smem:$0x7F5]  }
0x370: {  	[sflag:s7] =	ssyncset.done $0x0  }
0x371: {  	[sflag:s7] =	ssyncadd.s32 $0xFFFFE800  }
0x372: {  	[tilespmem:s20], [sflag:$0x11] =	stream.linear.gather [spmem:s12], $0x1800, $0x38;
	[tilespmem:$0x1E080] =	vst v63  }
0x373: {  	_ =	swait.ge [sflag:s7], $0x1800  }
0x374: {  	s15 =	sld [smem:$0x7E5]  }
0x375: {  	[sflag:s7] =	ssyncset.done $0x0  }
0x376: {  	[sflag:s7] =	ssyncadd.s32 $0xFFFFE800  }
0x377: {  	[hbm4b:s15+s3] =	stream.linear.scatter [tilespmem:s20], [sflag:$0x11], $0x1800, $0x38;
	[tilespmem:$0x1E080] =	vst v63  }
0x378: {  	_ =	swait.ge [sflag:s7], $0x1800  }
0x379: {  	s13 =	sld [smem:$0x7F6]  }
0x37a: {  	[sflag:s7] =	ssyncset.done $0x0  }
0x37b: {  	[sflag:s7] =	ssyncadd.s32 $0xFFFFE800  }
0x37c: {  	[tilespmem:s20], [sflag:$0x11] =	stream.linear.gather [spmem:s13], $0x1800, $0x38;
	[tilespmem:$0x1E080] =	vst v63  }
0x37d: {  	_ =	swait.ge [sflag:s7], $0x1800  }
0x37e: {  	s16 =	sld [smem:$0x7E6]  }
0x37f: {  	[sflag:s7] =	ssyncset.done $0x0  }
0x380: {  	[sflag:s7] =	ssyncadd.s32 $0xFFFFE800  }
0x381: {  	[hbm4b:s16+s3] =	stream.linear.scatter [tilespmem:s20], [sflag:$0x11], $0x1800, $0x38;
	[tilespmem:$0x1E080] =	vst v63  }
0x382: {  	_ =	swait.ge [sflag:s7], $0x1800  }
0x383: {  	s14 =	sld [smem:$0x7F7]  }
0x384: {  	[sflag:s7] =	ssyncset.done $0x0  }
0x385: {  	[sflag:s7] =	ssyncadd.s32 $0xFFFFE800  }
0x386: {  	[tilespmem:s20], [sflag:$0x11] =	stream.linear.gather [spmem:s14], $0x1800, $0x38;
	[tilespmem:$0x1E080] =	vst v63  }
0x387: {  	_ =	swait.ge [sflag:s7], $0x1800  }
0x388: {  	s18 =	sld [smem:$0x7E7]  }
0x389: {  	[sflag:s7] =	ssyncset.done $0x0  }
0x38a: {  	[sflag:s7] =	ssyncadd.s32 $0xFFFFE800  }
0x38b: {  	[hbm4b:s18+s3] =	stream.linear.scatter [tilespmem:s20], [sflag:$0x11], $0x1800, $0x38;
	[tilespmem:$0x1E080] =	vst v63  }
0x38c: {  	_ =	swait.ge [sflag:s7], $0x1800  }
0x38d: {  	s15 =	sld [smem:$0x7F8]  }
0x38e: {  	[sflag:s7] =	ssyncset.done $0x0  }
0x38f: {  	[sflag:s7] =	ssyncadd.s32 $0xFFFFE800  }
0x390: {  	[tilespmem:s20], [sflag:$0x11] =	stream.linear.gather [spmem:s15], $0x1800, $0x38;
	[tilespmem:$0x1E080] =	vst v63  }
0x391: {  	_ =	swait.ge [sflag:s7], $0x1800  }
0x392: {  	s21 =	sld [smem:$0x7E8]  }
0x393: {  	[sflag:s7] =	ssyncset.done $0x0  }
0x394: {  	[sflag:s7] =	ssyncadd.s32 $0xFFFFE800  }
0x395: {  	[hbm4b:s21+s3] =	stream.linear.scatter [tilespmem:s20], [sflag:$0x11], $0x1800, $0x38;
	[tilespmem:$0x1E080] =	vst v63  }
0x396: {  	_ =	swait.ge [sflag:s7], $0x1800  }
0x397: {  	s16 =	sld [smem:$0x7F9]  }
0x398: {  	[sflag:s7] =	ssyncset.done $0x0  }
0x399: {  	[sflag:s7] =	ssyncadd.s32 $0xFFFFE800  }
0x39a: {  	[tilespmem:s20], [sflag:$0x11] =	stream.linear.gather [spmem:s16], $0x1800, $0x38;
	[tilespmem:$0x1E080] =	vst v63  }
0x39b: {  	_ =	swait.ge [sflag:s7], $0x1800  }
0x39c: {  	s22 =	sld [smem:$0x7E9]  }
0x39d: {  	[sflag:s7] =	ssyncset.done $0x0  }
0x39e: {  	[sflag:s7] =	ssyncadd.s32 $0xFFFFE800  }
0x39f: {  	[hbm4b:s22+s3] =	stream.linear.scatter [tilespmem:s20], [sflag:$0x11], $0x1800, $0x38;
	[tilespmem:$0x1E080] =	vst v63  }
0x3a0: {  	_ =	swait.ge [sflag:s7], $0x1800  }
0x3a1: {  	s22 =	sld [smem:$0x7FA]  }
0x3a2: {  	[sflag:s7] =	ssyncset.done $0x0  }
0x3a3: {  	[sflag:s7] =	ssyncadd.s32 $0xFFFFE800  }
0x3a4: {  	[tilespmem:s20], [sflag:$0x11] =	stream.linear.gather [spmem:s22], $0x1800, $0x38;
	[tilespmem:$0x1E080] =	vst v63  }
0x3a5: {  	_ =	swait.ge [sflag:s7], $0x1800  }
0x3a6: {  	s23 =	sld [smem:$0x7EA]  }
0x3a7: {  	[sflag:s7] =	ssyncset.done $0x0  }
0x3a8: {  	[sflag:s7] =	ssyncadd.s32 $0xFFFFE800  }
0x3a9: {  	[hbm4b:s23+s3] =	stream.linear.scatter [tilespmem:s20], [sflag:$0x11], $0x1800, $0x38;
	[tilespmem:$0x1E080] =	vst v63  }
0x3aa: {  	_ =	swait.ge [sflag:s7], $0x1800  }
0x3ab: {  	s21 =	sld [smem:$0x7FB]  }
0x3ac: {  	[sflag:s7] =	ssyncset.done $0x0  }
0x3ad: {  	[sflag:s7] =	ssyncadd.s32 $0xFFFFE800  }
0x3ae: {  	[tilespmem:s20], [sflag:$0x11] =	stream.linear.gather [spmem:s21], $0x1800, $0x38;
	[tilespmem:$0x1E080] =	vst v63  }
0x3af: {  	_ =	swait.ge [sflag:s7], $0x1800  }
0x3b0: {  	s24 =	sld [smem:$0x7EB]  }
0x3b1: {  	[sflag:s7] =	ssyncset.done $0x0  }
0x3b2: {  	[sflag:s7] =	ssyncadd.s32 $0xFFFFE800  }
0x3b3: {  	[hbm4b:s24+s3] =	stream.linear.scatter [tilespmem:s20], [sflag:$0x11], $0x1800, $0x38;
	[tilespmem:$0x1E080] =	vst v63  }
0x3b4: {  	_ =	swait.ge [sflag:s7], $0x1800  }
0x3b5: {  	s10 =	sld [smem:$0x7FC]  }
0x3b6: {  	[sflag:s7] =	ssyncset.done $0x0  }
0x3b7: {  	[sflag:s7] =	ssyncadd.s32 $0xFFFFE800  }
0x3b8: {  	[tilespmem:s20], [sflag:$0x11] =	stream.linear.gather [spmem:s10], $0x1800, $0x38;
	[tilespmem:$0x1E080] =	vst v63  }
0x3b9: {  	_ =	swait.ge [sflag:s7], $0x1800  }
0x3ba: {  	s25 =	sld [smem:$0x7EC]  }
0x3bb: {  	[sflag:s7] =	ssyncset.done $0x0  }
0x3bc: {  	[sflag:s7] =	ssyncadd.s32 $0xFFFFE800  }
0x3bd: {  	[hbm4b:s25+s3] =	stream.linear.scatter [tilespmem:s20], [sflag:$0x11], $0x1800, $0x38;
	[tilespmem:$0x1E080] =	vst v63  }
0x3be: {  	_ =	swait.ge [sflag:s7], $0x1800  }
0x3bf: {  	s6 =	sld [smem:$0x7FD]  }
0x3c0: {  	[sflag:s7] =	ssyncset.done $0x0  }
0x3c1: {  	s0 =	simm.s32 @!p0 $0x3000;
	s31 =	simm.s32 @!p0 $0x11;
	[sflag:s7] =	ssyncadd.s32 $0xFFFFE800  }
0x3c2: {  	[tilespmem:s0], [sflag:$0x11] =	stream.linear.gather @!p0 [spmem:s6], $0x800, $0x38;
	[tilespmem:$0x1E080] =	vst v63  }
0x3c3: {  	_ =	swait.ge @!p0 [sflag:s31], $0x800  }
0x3c4: {  	s4 =	sld [smem:$0x7EE]  }
0x3c5: {  	[sflag:s31] =	ssyncset.done @!p0 $0x0  }
0x3c6: {  	s18 =	simm.s32 @!p0 $0x0;
	[sflag:s31] =	ssyncadd.s32 @!p0 $0xFFFFF800  }
0x3c7: {  	[hbm4b:s4+s18] =	stream.linear.scatter @!p0 [tilespmem:s0], [sflag:$0x11], $0x800, $0x38;
	[tilespmem:$0x1E080] =	vst v63  }
0x3c8: {  	_ =	swait.ge @!p0 [sflag:s31], $0x800  }
0x3c9: {  	s26 =	sld [smem:$0x7C1]  }
0x3ca: {  	s28 =	sld [smem:$0x7EF];
	_ =	sdelay $0x1  }
0x3cb: {  	s0 =	sadd.s32 $0x1, s26  }
0x3cc: {  	p1 =	sne.s32 s0, s28  }
.Ltmp1:
0x3cd: {  	_ = 	snop;
	(pc) =	sbr.rel @p1 .LBB2_1-.Ltmp1, $3  }
0x3ce: {  	_ =	sdelay $0x1  }
0x3cf: {  	[sflag:s31] =	ssyncset.done @!p0 $0x0  }
0x3d0: {  	s18 =	smov.u32 s19;
	[sflag:s31] =	ssyncadd.s32 @!p0 $0xFFFFF800  }
0x3d1: {  	_ =	sfence.sel $0x180000  }
0x3d2: {  	[bflag:$0x0] =	sbarrier.arrive $0xFFFF  }
0x3d3: {  	_ =	strace $0x9000004A  }
0x3d4: {  	[bflag:$0x2] =	sbarrier.arrive $0xFFFF  }
0x3d5: {  	s0 =	rddreg [dreg:$0x3]  }
0x3d6: {  	s0 =	sadd.s32 @!p0 $0x100000, s0  }
0x3d7: {  	[sflag:s0] =	ssyncadd.tile.s32 @!p0 $0x1;
	_ =	shalt  }
.Lfunc_end2:
_tile_overlayer_lowered:
.L_overlay_start_2:
0x3d8: {  	(tag) =	ssettag $0x2  }
0x3d9: {  	s0 =	rddreg [dreg:$0x0];
	s2 =	stileid.u32  }
0x3da: {  	s1 =	rddreg [dreg:$0x1];
	p0 =	sne.s32 s2, $0x0  }
0x3db: {  	s3 =	rddreg [dreg:$0x2];
	[bflag:$0x3] =	sbarrier.arrive $0xFFFF;
	s2 =	simm.s32 @!p0 $0x1C11  }
0x3dc: {  	[timem:s3], [sflag:s2] =	dma.local @!p0 [hbm:s0], s1  }
0x3dd: {  	s0 =	simm.s32 @!p0 $0x11  }
0x3de: {  	_ =	swait.ge @!p0 [sflag:s0], s1  }
0x3df: {  	s1 =	ssub.s32 @!p0 $0x0, s1;
	[sflag:s0] =	ssyncset.done @!p0 $0x0  }
0x3e0: {  	[sflag:s0] =	ssyncadd.s32 @!p0 s1  }
0x3e1: {  	[bflag:$0x3] =	sbarrier.arrive $0xFFFF  }
0x3e2: {  	_ =	shalt  }

</sc_bundles>
